<compile_context>
chip_gen: v7x
topology: tpu7x:2x2x1
jax: 0.10.2.dev20260603
libtpu: 0.0.44.dev20260713+nightly
codegen_flags: <defaults>
</compile_context>

<pallas_src>
import functools

import jax
import jax.numpy as jnp
from jax import lax
from jax.experimental import pallas as pl
from jax.experimental.pallas import tpu as pltpu
from jax.experimental.pallas import tpu_sc as plsc

N = 10000
D = 128
E = 320000
MAX_HOP = 3

NC = 2
NS = 16
NW = NC * NS

NP = 10240
RPS = NP // NS
EW = 10240
CB = 128
CH = EW // CB
G = 16
DP = NP // NW

_mesh = plsc.VectorSubcoreMesh(
    core_axis_name="c", subcore_axis_name="s", num_cores=NC, num_subcores=NS)


def _scatter_body(with_extras, *refs):
    if with_extras:
        (feat, row_h, col_h, dep_h, part_h, cnt_h, dmax_h,
         row_v, col_v, rows_a, rows_b, z1_v, ones_v, dm_v, dep_v,
         acc_s, cnt_s, gsem_a, gsem_b) = refs
    else:
        (feat, row_h, col_h, part_h,
         row_v, col_v, rows_a, rows_b, acc_s, gsem_a, gsem_b) = refs

    cid = lax.axis_index("c")
    sid = lax.axis_index("s")
    wid = sid * NC + cid
    base = sid * RPS

    zero16f = jnp.zeros((16,), jnp.float32)

    def _zbody(r, carry):
        for j in range(D // 16):
            rows_a[r, pl.ds(j * 16, 16)] = zero16f
        return carry
    lax.fori_loop(0, CB, _zbody, 0)
    for k in range(RPS // CB):
        pltpu.sync_copy(rows_a, acc_s.at[pl.ds(base + k * CB, CB)])


    if with_extras:
        def _z1body(r, carry):
            z1_v[pl.ds(r * 16, 16)] = zero16f
            return carry
        lax.fori_loop(0, RPS // 16, _z1body, 0)
        pltpu.sync_copy(z1_v, cnt_s.at[pl.ds(base, RPS)])

        one16f = jnp.ones((16,), jnp.float32)
        for j in range(CB // 16):
            ones_v[pl.ds(j * 16, 16)] = one16f

        pltpu.sync_copy(dep_h.at[wid], dep_v)
        m = dep_v[pl.ds(0, 16)]
        for t in range(1, DP // 16):
            m = jnp.maximum(m, dep_v[pl.ds(t * 16, 16)])
        dm_v[pl.ds(0, 16)] = m
        pltpu.sync_copy(dm_v, dmax_h.at[wid])

    plsc.subcore_barrier()

    for sci in range(CH // G):
        pltpu.sync_copy(row_h.at[wid, pl.ds(sci * G, G)], row_v)
        pltpu.sync_copy(col_h.at[wid, pl.ds(sci * G, G)], col_v)
        pltpu.async_copy(feat.at[row_v.at[0]], rows_a, gsem_a)
        pltpu.async_copy(feat.at[row_v.at[1]], rows_b, gsem_b)

        def _step(j, rows, gsem):
            pltpu.make_async_copy(feat.at[row_v.at[j]], rows, gsem).wait()
            pltpu.sync_copy(rows, acc_s.at[col_v.at[j]], add=True)
            if with_extras:
                pltpu.sync_copy(ones_v, cnt_s.at[col_v.at[j]], add=True)

            @pl.when(j < G - 2)
            def _():
                pltpu.async_copy(feat.at[row_v.at[j + 2]], rows, gsem)

        def _pair(g, carry):
            _step(2 * g, rows_a, gsem_a)
            _step(2 * g + 1, rows_b, gsem_b)
            return carry
        lax.fori_loop(0, G // 2, _pair, 0)

    plsc.subcore_barrier()
    pltpu.sync_copy(acc_s.at[pl.ds(base, RPS)],
                    part_h.at[cid, pl.ds(base, RPS)])
    if with_extras:
        pltpu.sync_copy(cnt_s.at[pl.ds(base, RPS)],
                        cnt_h.at[cid, pl.ds(base, RPS)])


def _build_scatter(with_extras):
    if with_extras:
        out_type = (jax.ShapeDtypeStruct((NC, NP, D), jnp.float32),
                    jax.ShapeDtypeStruct((NC, NP), jnp.float32),
                    jax.ShapeDtypeStruct((NW, 16), jnp.int32))
        scratch = [pltpu.VMEM((G, CB), jnp.int32),
                   pltpu.VMEM((G, CB), jnp.int32),
                   pltpu.VMEM((CB, D), jnp.float32),
                   pltpu.VMEM((CB, D), jnp.float32),
                   pltpu.VMEM((RPS,), jnp.float32),
                   pltpu.VMEM((CB,), jnp.float32),
                   pltpu.VMEM((16,), jnp.int32),
                   pltpu.VMEM((DP,), jnp.int32),
                   pltpu.VMEM_SHARED((NP, D), jnp.float32),
                   pltpu.VMEM_SHARED((NP,), jnp.float32),
                   pltpu.SemaphoreType.DMA,
                   pltpu.SemaphoreType.DMA]
    else:
        out_type = jax.ShapeDtypeStruct((NC, NP, D), jnp.float32)
        scratch = [pltpu.VMEM((G, CB), jnp.int32),
                   pltpu.VMEM((G, CB), jnp.int32),
                   pltpu.VMEM((CB, D), jnp.float32),
                   pltpu.VMEM((CB, D), jnp.float32),
                   pltpu.VMEM_SHARED((NP, D), jnp.float32),
                   pltpu.SemaphoreType.DMA,
                   pltpu.SemaphoreType.DMA]
    return pl.kernel(functools.partial(_scatter_body, with_extras),
                     out_type=out_type, mesh=_mesh, scratch_types=scratch)


_scatter_extras = _build_scatter(True)
_scatter_plain = _build_scatter(False)


BC = 1024


def _combine_body(p_ref, c0_ref, c1_ref, o_ref):
    r = 1.0 / jnp.maximum(c0_ref[...] + c1_ref[...], 1.0)
    o_ref[...] = (p_ref[0] + p_ref[1]) * r


def _combine(part, c0, c1):
    return pl.pallas_call(
        _combine_body,
        grid=(NP // BC,),
        in_specs=[pl.BlockSpec((NC, BC, D), lambda i: (0, i, 0)),
                  pl.BlockSpec((BC, 1), lambda i: (i, 0)),
                  pl.BlockSpec((BC, 1), lambda i: (i, 0))],
        out_specs=pl.BlockSpec((BC, D), lambda i: (i, 0)),
        out_shape=jax.ShapeDtypeStruct((NP, D), jnp.float32),
    )(part, c0, c1)


BF = 2000


GH = D // 4


def _fusion_body(x_ref, a1_ref, p2_ref, c0_ref, c1_ref, dmax_ref,
                 w0_ref, b0_ref, w1_ref, b1_ref, w2_ref, b2_ref,
                 wg1_ref, bg1_ref, wg2_ref, bg2_ref,
                 wa_ref, ba_ref, wf_ref, bf_ref, o_ref):
    f32 = jnp.float32
    dn = (((1,), (1,)), ((), ()))

    md = jnp.max(dmax_ref[...]).astype(f32)
    gv = jax.nn.relu(wg1_ref[0] * (N / 5000.0) + wg1_ref[1] * (md * 0.05)
                     + bg1_ref[0])
    s0 = jax.nn.sigmoid(jnp.sum(wg2_ref[0] * gv) + bg2_ref[0, 0])
    s1 = jax.nn.sigmoid(jnp.sum(wg2_ref[1] * gv) + bg2_ref[0, 1])
    s2 = jax.nn.sigmoid(jnp.sum(wg2_ref[2] * gv) + bg2_ref[0, 2])

    r = 1.0 / jnp.maximum(c0_ref[...] + c1_ref[...], 1.0)
    a2 = (p2_ref[0] + p2_ref[1]) * r
    h0 = (lax.dot_general(x_ref[...], w0_ref[...], dn,
                          preferred_element_type=f32) + b0_ref[...]) * s0
    h1 = (lax.dot_general(a1_ref[...], w1_ref[...], dn,
                          preferred_element_type=f32) + b1_ref[...]) * s1
    h2 = (lax.dot_general(a2, w2_ref[...], dn,
                          preferred_element_type=f32) + b2_ref[...]) * s2
    wa = wa_ref[...]
    logits = (jnp.dot(h0, wa[0:D], preferred_element_type=f32)
              + jnp.dot(h1, wa[D:2 * D], preferred_element_type=f32)
              + jnp.dot(h2, wa[2 * D:3 * D], preferred_element_type=f32)
              + ba_ref[...])
    m = jnp.max(logits, axis=-1, keepdims=True)
    e = jnp.exp(logits - m)
    att = e / jnp.sum(e, axis=-1, keepdims=True)
    wf = wf_ref[...]
    o_ref[...] = (lax.dot_general(h0 * att[:, 0:1], wf[:, 0:D], dn,
                                  preferred_element_type=f32)
                  + lax.dot_general(h1 * att[:, 1:2], wf[:, D:2 * D], dn,
                                    preferred_element_type=f32)
                  + lax.dot_general(h2 * att[:, 2:3], wf[:, 2 * D:3 * D], dn,
                                    preferred_element_type=f32)
                  + bf_ref[...])


def _fusion(x, a1, p2, c0, c1, dmax,
            w0, b0, w1, b1, w2, b2, wg1t, bg1, wg2, bg2, wa, ba, wf, bf):
    full = lambda shape: pl.BlockSpec(shape, lambda i: tuple(0 for _ in shape))
    return pl.pallas_call(
        _fusion_body,
        grid=(N // BF,),
        in_specs=[pl.BlockSpec((BF, D), lambda i: (i, 0)),
                  pl.BlockSpec((BF, D), lambda i: (i, 0)),
                  pl.BlockSpec((NC, BF, D), lambda i: (0, i, 0)),
                  pl.BlockSpec((BF, 1), lambda i: (i, 0)),
                  pl.BlockSpec((BF, 1), lambda i: (i, 0)),
                  full((NW, 16)),
                  full((D, D)), full((1, D)),
                  full((D, D)), full((1, D)),
                  full((D, D)), full((1, D)),
                  full((2, GH)), full((1, GH)),
                  full((MAX_HOP, GH)), full((1, MAX_HOP)),
                  full((3 * D, D)), full((1, D)),
                  full((D, 3 * D)), full((1, D))],
        out_specs=pl.BlockSpec((BF, D), lambda i: (i, 0)),
        out_shape=jax.ShapeDtypeStruct((N, D), jnp.float32),
    )(x, a1, p2, c0, c1, dmax,
      w0, b0, w1, b1, w2, b2, wg1t, bg1, wg2, bg2, wa, ba, wf, bf)


def kernel(node_embeddings, edge_index, node_depths, W0, b0, W1, b1, W2, b2,
           Wg1, bg1, Wg2, bg2, Wa, ba, Wf, bf):
    f32 = jnp.float32
    i32 = jnp.int32

    Xp = jnp.concatenate([node_embeddings, jnp.zeros((NP - N, D), f32)], axis=0)
    pad_e = NW * EW - E
    pad_idx = N + (jnp.arange(pad_e, dtype=i32) % (NP - N))
    rowp = jnp.concatenate([edge_index[0], pad_idx])
    colp = jnp.concatenate([edge_index[1], pad_idx])
    row_r = rowp.reshape(NW, CH, CB)
    col_r = colp.reshape(NW, CH, CB)
    dep_r = jnp.concatenate(
        [node_depths, jnp.zeros((NP - N,), i32)]).reshape(NW, DP)

    part1, cnt, dmax = _scatter_extras(Xp, row_r, col_r, dep_r)

    c0 = cnt[0][:, None]
    c1 = cnt[1][:, None]
    agg1 = _combine(part1, c0, c1)

    part2 = _scatter_plain(agg1, row_r, col_r)

    waP = jnp.zeros((3 * D, D), f32).at[:, :MAX_HOP].set(Wa.T)
    baP = jnp.full((1, D), -1e30, f32).at[0, :MAX_HOP].set(ba)
    return _fusion(node_embeddings, agg1, part2, c0, c1, dmax,
                   W0, b0[None, :], W1, b1[None, :], W2, b2[None, :],
                   Wg1.T, bg1[None, :], Wg2, bg2[None, :],
                   waP, baP, Wf, bf[None, :])

# --- scband reference (transcript-rebuilt; emitter-appended) ---
"""Pipeline reference for scband-multi-scale-feature-fusion-88278757802661 (READ-ONLY COPY).

The authoritative reference and input builder live on the scoring server;
editing this copy changes nothing except your own understanding.
"""

import jax, jax.numpy as jnp
import numpy as np

N = 10000
E = 320000
D = 128
MAX_HOP = 3
GATE_HID = D // 4


def setup_inputs(seed: int = 0) -> dict:
    key = jax.random.key(seed)
    ks = jax.random.split(key, 24)
    inp = {}
    inp['node_embeddings'] = jax.random.normal(ks[0], (N, D), dtype=jnp.float32)
    inp['edge_index'] = jax.random.randint(ks[1], (2, E), 0, N, dtype=jnp.int32)
    inp['node_depths'] = jax.random.randint(ks[2], (N,), 0, 20, dtype=jnp.int32)
    s = 1.0 / np.sqrt(D)
    inp['W0'] = jax.random.uniform(ks[3], (D, D), jnp.float32, -s, s)
    inp['b0'] = jax.random.uniform(ks[4], (D,), jnp.float32, -s, s)
    inp['W1'] = jax.random.uniform(ks[5], (D, D), jnp.float32, -s, s)
    inp['b1'] = jax.random.uniform(ks[6], (D,), jnp.float32, -s, s)
    inp['W2'] = jax.random.uniform(ks[7], (D, D), jnp.float32, -s, s)
    inp['b2'] = jax.random.uniform(ks[8], (D,), jnp.float32, -s, s)
    s2 = 1.0 / np.sqrt(2.0)
    inp['Wg1'] = jax.random.uniform(ks[9], (GATE_HID, 2), jnp.float32, -s2, s2)
    inp['bg1'] = jax.random.uniform(ks[10], (GATE_HID,), jnp.float32, -s2, s2)
    sg = 1.0 / np.sqrt(GATE_HID)
    inp['Wg2'] = jax.random.uniform(ks[11], (MAX_HOP, GATE_HID), jnp.float32, -sg, sg)
    inp['bg2'] = jax.random.uniform(ks[12], (MAX_HOP,), jnp.float32, -sg, sg)
    sc = 1.0 / np.sqrt(D * MAX_HOP)
    inp['Wa'] = jax.random.uniform(ks[13], (MAX_HOP, D * MAX_HOP), jnp.float32, -sc, sc)
    inp['ba'] = jax.random.uniform(ks[14], (MAX_HOP,), jnp.float32, -sc, sc)
    inp['Wf'] = jax.random.uniform(ks[15], (D, D * MAX_HOP), jnp.float32, -sc, sc)
    inp['bf'] = jax.random.uniform(ks[16], (D,), jnp.float32, -sc, sc)
    return inp


def reference(node_embeddings, edge_index, node_depths, W0, b0, W1, b1, W2, b2, Wg1, bg1, Wg2, bg2, Wa, ba, Wf, bf):
    num_nodes = node_embeddings.shape[0]
    row = edge_index[0]
    col = edge_index[1]
    max_depth = jnp.max(node_depths).astype(jnp.float32)
    scale_features = jnp.stack([jnp.asarray(num_nodes / 5000.0, dtype=jnp.float32), max_depth / 20.0])[None, :]
    g = jax.nn.relu(scale_features @ Wg1.T + bg1)
    scale_weights = jax.nn.sigmoid(g @ Wg2.T + bg2)  # [1, MAX_HOP]
    Ws = [(W0, b0), (W1, b1), (W2, b2)]
    hop_features = []
    current_feat = node_embeddings
    for hop in range(MAX_HOP):
        Wh, bh = Ws[hop]
        transformed = current_feat @ Wh.T + bh
        transformed = transformed * scale_weights[0, hop]
        hop_features.append(transformed)
        if hop < MAX_HOP - 1:
            gathered = current_feat[row]
            sums = jax.ops.segment_sum(gathered, col, num_segments=num_nodes)
            cnt = jax.ops.segment_sum(jnp.ones((gathered.shape[0],), dtype=jnp.float32), col, num_segments=num_nodes)
            current_feat = sums / jnp.maximum(cnt, 1.0)[:, None]
    concat_features = jnp.concatenate(hop_features, axis=-1)
    attention_weights = jax.nn.softmax(concat_features @ Wa.T + ba, axis=-1)
    weighted = [hop_features[i] * attention_weights[:, i:i + 1] for i in range(MAX_HOP)]
    fused = jnp.concatenate(weighted, axis=-1)
    return fused @ Wf.T + bf

if __name__ == "__main__":
    import jax
    _d = setup_inputs()
    print(jax.jit(kernel)(*tuple(_d.values())))

</pallas_src>

<mosaic_0001>
#map = affine_map<(d0, d1) -> (0, 0)>
#map1 = affine_map<(d0, d1) -> (0, 0, 0)>
module attributes {stable_mosaic.version = 14 : i64} {
  func.func @_scatter_body(%arg0: i32, %arg1: i32, %arg2: memref<10240x128xf32, #tpu.memory_space<hbm>>, %arg3: memref<32x80x128xi32, #tpu.memory_space<hbm>>, %arg4: memref<32x80x128xi32, #tpu.memory_space<hbm>>, %arg5: memref<32x320xi32, #tpu.memory_space<hbm>>, %arg6: memref<2x10240x128xf32, #tpu.memory_space<hbm>>, %arg7: memref<2x10240xf32, #tpu.memory_space<hbm>>, %arg8: memref<32x16xi32, #tpu.memory_space<hbm>>, %arg9: memref<16x128xi32, #tpu.memory_space<vmem>>, %arg10: memref<16x128xi32, #tpu.memory_space<vmem>>, %arg11: memref<128x128xf32, #tpu.memory_space<vmem>>, %arg12: memref<128x128xf32, #tpu.memory_space<vmem>>, %arg13: memref<640xf32, #tpu.memory_space<vmem>>, %arg14: memref<128xf32, #tpu.memory_space<vmem>>, %arg15: memref<16xi32, #tpu.memory_space<vmem>>, %arg16: memref<320xi32, #tpu.memory_space<vmem>>, %arg17: memref<10240x128xf32, #tpu.memory_space<vmem_shared>>, %arg18: memref<10240xf32, #tpu.memory_space<vmem_shared>>, %arg19: memref<!tpu.dma_semaphore, #tpu.memory_space<semaphore_mem>>, %arg20: memref<!tpu.dma_semaphore, #tpu.memory_space<semaphore_mem>>) attributes {dimension_semantics = [#tpu.dimension_semantics<core_parallel>, #tpu.dimension_semantics<subcore_parallel>], iteration_bounds = array<i64: 2, 16>, scalar_prefetch = 0 : i64, scratch_operands = 12 : i64, tpu.core_type = #tpu.core_type<sc_vector_subcore>, window_params = [{transform_indices = #map}, {transform_indices = #map1}, {transform_indices = #map1}, {transform_indices = #map}, {transform_indices = #map1}, {transform_indices = #map}, {transform_indices = #map}]} {
    %mul3A = arith.constant 2 : i32
    %mul3A_0 = arith.muli %arg1, %mul3A : i32
    %add3A = arith.addi %mul3A_0, %arg0 : i32
    %mul3A_1 = arith.constant 640 : i32
    %mul3A_2 = arith.muli %arg1, %mul3A_1 : i32
    %broadcast_in_dim3A = arith.constant 0.000000e+00 : f32
    %broadcast_in_dim3A_3 = vector.broadcast %broadcast_in_dim3A : f32 to vector<16xf32>
    %scan3A = arith.constant 0 : i32
    %scan3A_4 = arith.constant 0 : i32
    %scan3A_5 = arith.constant 128 : i32
    %scan3A_6 = arith.addi %scan3A_4, %scan3A_5 : i32
    %scan3A_7 = arith.constant 1 : i32
    scf.for %scan3A_239 = %scan3A_4 to %scan3A_6 step %scan3A_7  : i32 {
      %swap3A_240 = arith.index_cast %scan3A_239 : i32 to index
      %swap3A_241 = arith.constant 0 : index
      %swap3A_242 = tpu.vector_load %arg11[%swap3A_240, %swap3A_241] {strides = array<i32>} : memref<128x128xf32, #tpu.memory_space<vmem>>, vector<1x16xf32>,
      %swap3A_243 = vector.shape_cast %swap3A_242 : vector<1x16xf32> to vector<16xf32>
      %swap3A_244 = vector.shape_cast %broadcast_in_dim3A_3 : vector<16xf32> to vector<1x16xf32>
      tpu.vector_store %arg11[%swap3A_240, %swap3A_241], %swap3A_244 {strides = array<i32>} : memref<128x128xf32, #tpu.memory_space<vmem>>, vector<1x16xf32>,
      %swap3A_245 = arith.index_cast %scan3A_239 : i32 to index
      %swap3A_246 = arith.constant 16 : index
      %swap3A_247 = tpu.vector_load %arg11[%swap3A_245, %swap3A_246] {strides = array<i32>} : memref<128x128xf32, #tpu.memory_space<vmem>>, vector<1x16xf32>,
      %swap3A_248 = vector.shape_cast %swap3A_247 : vector<1x16xf32> to vector<16xf32>
      %swap3A_249 = vector.shape_cast %broadcast_in_dim3A_3 : vector<16xf32> to vector<1x16xf32>
      tpu.vector_store %arg11[%swap3A_245, %swap3A_246], %swap3A_249 {strides = array<i32>} : memref<128x128xf32, #tpu.memory_space<vmem>>, vector<1x16xf32>,
      %swap3A_250 = arith.index_cast %scan3A_239 : i32 to index
      %swap3A_251 = arith.constant 32 : index
      %swap3A_252 = tpu.vector_load %arg11[%swap3A_250, %swap3A_251] {strides = array<i32>} : memref<128x128xf32, #tpu.memory_space<vmem>>, vector<1x16xf32>,
      %swap3A_253 = vector.shape_cast %swap3A_252 : vector<1x16xf32> to vector<16xf32>
      %swap3A_254 = vector.shape_cast %broadcast_in_dim3A_3 : vector<16xf32> to vector<1x16xf32>
      tpu.vector_store %arg11[%swap3A_250, %swap3A_251], %swap3A_254 {strides = array<i32>} : memref<128x128xf32, #tpu.memory_space<vmem>>, vector<1x16xf32>,
      %swap3A_255 = arith.index_cast %scan3A_239 : i32 to index
      %swap3A_256 = arith.constant 48 : index
      %swap3A_257 = tpu.vector_load %arg11[%swap3A_255, %swap3A_256] {strides = array<i32>} : memref<128x128xf32, #tpu.memory_space<vmem>>, vector<1x16xf32>,
      %swap3A_258 = vector.shape_cast %swap3A_257 : vector<1x16xf32> to vector<16xf32>
      %swap3A_259 = vector.shape_cast %broadcast_in_dim3A_3 : vector<16xf32> to vector<1x16xf32>
      tpu.vector_store %arg11[%swap3A_255, %swap3A_256], %swap3A_259 {strides = array<i32>} : memref<128x128xf32, #tpu.memory_space<vmem>>, vector<1x16xf32>,
      %swap3A_260 = arith.index_cast %scan3A_239 : i32 to index
      %swap3A_261 = arith.constant 64 : index
      %swap3A_262 = tpu.vector_load %arg11[%swap3A_260, %swap3A_261] {strides = array<i32>} : memref<128x128xf32, #tpu.memory_space<vmem>>, vector<1x16xf32>,
      %swap3A_263 = vector.shape_cast %swap3A_262 : vector<1x16xf32> to vector<16xf32>
      %swap3A_264 = vector.shape_cast %broadcast_in_dim3A_3 : vector<16xf32> to vector<1x16xf32>
      tpu.vector_store %arg11[%swap3A_260, %swap3A_261], %swap3A_264 {strides = array<i32>} : memref<128x128xf32, #tpu.memory_space<vmem>>, vector<1x16xf32>,
      %swap3A_265 = arith.index_cast %scan3A_239 : i32 to index
      %swap3A_266 = arith.constant 80 : index
      %swap3A_267 = tpu.vector_load %arg11[%swap3A_265, %swap3A_266] {strides = array<i32>} : memref<128x128xf32, #tpu.memory_space<vmem>>, vector<1x16xf32>,
      %swap3A_268 = vector.shape_cast %swap3A_267 : vector<1x16xf32> to vector<16xf32>
      %swap3A_269 = vector.shape_cast %broadcast_in_dim3A_3 : vector<16xf32> to vector<1x16xf32>
      tpu.vector_store %arg11[%swap3A_265, %swap3A_266], %swap3A_269 {strides = array<i32>} : memref<128x128xf32, #tpu.memory_space<vmem>>, vector<1x16xf32>,
      %swap3A_270 = arith.index_cast %scan3A_239 : i32 to index
      %swap3A_271 = arith.constant 96 : index
      %swap3A_272 = tpu.vector_load %arg11[%swap3A_270, %swap3A_271] {strides = array<i32>} : memref<128x128xf32, #tpu.memory_space<vmem>>, vector<1x16xf32>,
      %swap3A_273 = vector.shape_cast %swap3A_272 : vector<1x16xf32> to vector<16xf32>
      %swap3A_274 = vector.shape_cast %broadcast_in_dim3A_3 : vector<16xf32> to vector<1x16xf32>
      tpu.vector_store %arg11[%swap3A_270, %swap3A_271], %swap3A_274 {strides = array<i32>} : memref<128x128xf32, #tpu.memory_space<vmem>>, vector<1x16xf32>,
      %swap3A_275 = arith.index_cast %scan3A_239 : i32 to index
      %swap3A_276 = arith.constant 112 : index
      %swap3A_277 = tpu.vector_load %arg11[%swap3A_275, %swap3A_276] {strides = array<i32>} : memref<128x128xf32, #tpu.memory_space<vmem>>, vector<1x16xf32>,
      %swap3A_278 = vector.shape_cast %swap3A_277 : vector<1x16xf32> to vector<16xf32>
      %swap3A_279 = vector.shape_cast %broadcast_in_dim3A_3 : vector<16xf32> to vector<1x16xf32>
      tpu.vector_store %arg11[%swap3A_275, %swap3A_276], %swap3A_279 {strides = array<i32>} : memref<128x128xf32, #tpu.memory_space<vmem>>, vector<1x16xf32>,
    }
    %scan3A_8 = arith.constant 128 : i32
    %add3A_9 = arith.constant 0 : i32
    %add3A_10 = arith.addi %mul3A_2, %add3A_9 : i32
    "tpu.region"() ({
      %run_scoped3A = tpu.sem_alloc : memref<!tpu.dma_semaphore, #tpu.memory_space<semaphore_mem>>
      %dma_start3A_239 = arith.constant 0 : i32
      %dma_start3A_240 = tpu.memref_slice %arg17[%add3A_10, %dma_start3A_239] : memref<10240x128xf32, #tpu.memory_space<vmem_shared>> -> memref<128x128xf32, #tpu.memory_space<vmem_shared>>
      %dma_start3A_241 = arith.constant 0 : i32
      %dma_start3A_242 = tpu.memref_slice %arg17[%add3A_10, %dma_start3A_241] : memref<10240x128xf32, #tpu.memory_space<vmem_shared>> -> memref<128x128xf32, #tpu.memory_space<vmem_shared>>
      tpu.enqueue_dma source(%arg11 : memref<128x128xf32, #tpu.memory_space<vmem>>) target(%dma_start3A_242 : memref<128x128xf32, #tpu.memory_space<vmem_shared>>) target_semaphore(%run_scoped3A : memref<!tpu.dma_semaphore, #tpu.memory_space<semaphore_mem>>)
      %dma_wait3A = arith.constant 0 : i32
      %dma_wait3A_243 = tpu.memref_slice %arg17[%add3A_10, %dma_wait3A] : memref<10240x128xf32, #tpu.memory_space<vmem_shared>> -> memref<128x128xf32, #tpu.memory_space<vmem_shared>>
      %dma_wait3A_244 = arith.constant 0 : i32
      %dma_wait3A_245 = tpu.memref_slice %arg17[%add3A_10, %dma_wait3A_244] : memref<10240x128xf32, #tpu.memory_space<vmem_shared>> -> memref<128x128xf32, #tpu.memory_space<vmem_shared>>
      tpu.wait_dma2 semaphore(%run_scoped3A : memref<!tpu.dma_semaphore, #tpu.memory_space<semaphore_mem>>) src(%arg11 : memref<128x128xf32, #tpu.memory_space<vmem>>) dst(%dma_wait3A_245 : memref<128x128xf32, #tpu.memory_space<vmem_shared>>)
      tpu.yield
    }) : () -> ()
    %add3A_11 = arith.constant 128 : i32
    %add3A_12 = arith.addi %mul3A_2, %add3A_11 : i32
    "tpu.region"() ({
      %run_scoped3A = tpu.sem_alloc : memref<!tpu.dma_semaphore, #tpu.memory_space<semaphore_mem>>
      %dma_start3A_239 = arith.constant 0 : i32
      %dma_start3A_240 = tpu.memref_slice %arg17[%add3A_12, %dma_start3A_239] : memref<10240x128xf32, #tpu.memory_space<vmem_shared>> -> memref<128x128xf32, #tpu.memory_space<vmem_shared>>
      %dma_start3A_241 = arith.constant 0 : i32
      %dma_start3A_242 = tpu.memref_slice %arg17[%add3A_12, %dma_start3A_241] : memref<10240x128xf32, #tpu.memory_space<vmem_shared>> -> memref<128x128xf32, #tpu.memory_space<vmem_shared>>
      tpu.enqueue_dma source(%arg11 : memref<128x128xf32, #tpu.memory_space<vmem>>) target(%dma_start3A_242 : memref<128x128xf32, #tpu.memory_space<vmem_shared>>) target_semaphore(%run_scoped3A : memref<!tpu.dma_semaphore, #tpu.memory_space<semaphore_mem>>)
      %dma_wait3A = arith.constant 0 : i32
      %dma_wait3A_243 = tpu.memref_slice %arg17[%add3A_12, %dma_wait3A] : memref<10240x128xf32, #tpu.memory_space<vmem_shared>> -> memref<128x128xf32, #tpu.memory_space<vmem_shared>>
      %dma_wait3A_244 = arith.constant 0 : i32
      %dma_wait3A_245 = tpu.memref_slice %arg17[%add3A_12, %dma_wait3A_244] : memref<10240x128xf32, #tpu.memory_space<vmem_shared>> -> memref<128x128xf32, #tpu.memory_space<vmem_shared>>
      tpu.wait_dma2 semaphore(%run_scoped3A : memref<!tpu.dma_semaphore, #tpu.memory_space<semaphore_mem>>) src(%arg11 : memref<128x128xf32, #tpu.memory_space<vmem>>) dst(%dma_wait3A_245 : memref<128x128xf32, #tpu.memory_space<vmem_shared>>)
      tpu.yield
    }) : () -> ()
    %add3A_13 = arith.constant 256 : i32
    %add3A_14 = arith.addi %mul3A_2, %add3A_13 : i32
    "tpu.region"() ({
      %run_scoped3A = tpu.sem_alloc : memref<!tpu.dma_semaphore, #tpu.memory_space<semaphore_mem>>
      %dma_start3A_239 = arith.constant 0 : i32
      %dma_start3A_240 = tpu.memref_slice %arg17[%add3A_14, %dma_start3A_239] : memref<10240x128xf32, #tpu.memory_space<vmem_shared>> -> memref<128x128xf32, #tpu.memory_space<vmem_shared>>
      %dma_start3A_241 = arith.constant 0 : i32
      %dma_start3A_242 = tpu.memref_slice %arg17[%add3A_14, %dma_start3A_241] : memref<10240x128xf32, #tpu.memory_space<vmem_shared>> -> memref<128x128xf32, #tpu.memory_space<vmem_shared>>
      tpu.enqueue_dma source(%arg11 : memref<128x128xf32, #tpu.memory_space<vmem>>) target(%dma_start3A_242 : memref<128x128xf32, #tpu.memory_space<vmem_shared>>) target_semaphore(%run_scoped3A : memref<!tpu.dma_semaphore, #tpu.memory_space<semaphore_mem>>)
      %dma_wait3A = arith.constant 0 : i32
      %dma_wait3A_243 = tpu.memref_slice %arg17[%add3A_14, %dma_wait3A] : memref<10240x128xf32, #tpu.memory_space<vmem_shared>> -> memref<128x128xf32, #tpu.memory_space<vmem_shared>>
      %dma_wait3A_244 = arith.constant 0 : i32
      %dma_wait3A_245 = tpu.memref_slice %arg17[%add3A_14, %dma_wait3A_244] : memref<10240x128xf32, #tpu.memory_space<vmem_shared>> -> memref<128x128xf32, #tpu.memory_space<vmem_shared>>
      tpu.wait_dma2 semaphore(%run_scoped3A : memref<!tpu.dma_semaphore, #tpu.memory_space<semaphore_mem>>) src(%arg11 : memref<128x128xf32, #tpu.memory_space<vmem>>) dst(%dma_wait3A_245 : memref<128x128xf32, #tpu.memory_space<vmem_shared>>)
      tpu.yield
    }) : () -> ()
    %add3A_15 = arith.constant 384 : i32
    %add3A_16 = arith.addi %mul3A_2, %add3A_15 : i32
    "tpu.region"() ({
      %run_scoped3A = tpu.sem_alloc : memref<!tpu.dma_semaphore, #tpu.memory_space<semaphore_mem>>
      %dma_start3A_239 = arith.constant 0 : i32
      %dma_start3A_240 = tpu.memref_slice %arg17[%add3A_16, %dma_start3A_239] : memref<10240x128xf32, #tpu.memory_space<vmem_shared>> -> memref<128x128xf32, #tpu.memory_space<vmem_shared>>
      %dma_start3A_241 = arith.constant 0 : i32
      %dma_start3A_242 = tpu.memref_slice %arg17[%add3A_16, %dma_start3A_241] : memref<10240x128xf32, #tpu.memory_space<vmem_shared>> -> memref<128x128xf32, #tpu.memory_space<vmem_shared>>
      tpu.enqueue_dma source(%arg11 : memref<128x128xf32, #tpu.memory_space<vmem>>) target(%dma_start3A_242 : memref<128x128xf32, #tpu.memory_space<vmem_shared>>) target_semaphore(%run_scoped3A : memref<!tpu.dma_semaphore, #tpu.memory_space<semaphore_mem>>)
      %dma_wait3A = arith.constant 0 : i32
      %dma_wait3A_243 = tpu.memref_slice %arg17[%add3A_16, %dma_wait3A] : memref<10240x128xf32, #tpu.memory_space<vmem_shared>> -> memref<128x128xf32, #tpu.memory_space<vmem_shared>>
      %dma_wait3A_244 = arith.constant 0 : i32
      %dma_wait3A_245 = tpu.memref_slice %arg17[%add3A_16, %dma_wait3A_244] : memref<10240x128xf32, #tpu.memory_space<vmem_shared>> -> memref<128x128xf32, #tpu.memory_space<vmem_shared>>
      tpu.wait_dma2 semaphore(%run_scoped3A : memref<!tpu.dma_semaphore, #tpu.memory_space<semaphore_mem>>) src(%arg11 : memref<128x128xf32, #tpu.memory_space<vmem>>) dst(%dma_wait3A_245 : memref<128x128xf32, #tpu.memory_space<vmem_shared>>)
      tpu.yield
    }) : () -> ()
    %add3A_17 = arith.constant 512 : i32
    %add3A_18 = arith.addi %mul3A_2, %add3A_17 : i32
    "tpu.region"() ({
      %run_scoped3A = tpu.sem_alloc : memref<!tpu.dma_semaphore, #tpu.memory_space<semaphore_mem>>
      %dma_start3A_239 = arith.constant 0 : i32
      %dma_start3A_240 = tpu.memref_slice %arg17[%add3A_18, %dma_start3A_239] : memref<10240x128xf32, #tpu.memory_space<vmem_shared>> -> memref<128x128xf32, #tpu.memory_space<vmem_shared>>
      %dma_start3A_241 = arith.constant 0 : i32
      %dma_start3A_242 = tpu.memref_slice %arg17[%add3A_18, %dma_start3A_241] : memref<10240x128xf32, #tpu.memory_space<vmem_shared>> -> memref<128x128xf32, #tpu.memory_space<vmem_shared>>
      tpu.enqueue_dma source(%arg11 : memref<128x128xf32, #tpu.memory_space<vmem>>) target(%dma_start3A_242 : memref<128x128xf32, #tpu.memory_space<vmem_shared>>) target_semaphore(%run_scoped3A : memref<!tpu.dma_semaphore, #tpu.memory_space<semaphore_mem>>)
      %dma_wait3A = arith.constant 0 : i32
      %dma_wait3A_243 = tpu.memref_slice %arg17[%add3A_18, %dma_wait3A] : memref<10240x128xf32, #tpu.memory_space<vmem_shared>> -> memref<128x128xf32, #tpu.memory_space<vmem_shared>>
      %dma_wait3A_244 = arith.constant 0 : i32
      %dma_wait3A_245 = tpu.memref_slice %arg17[%add3A_18, %dma_wait3A_244] : memref<10240x128xf32, #tpu.memory_space<vmem_shared>> -> memref<128x128xf32, #tpu.memory_space<vmem_shared>>
      tpu.wait_dma2 semaphore(%run_scoped3A : memref<!tpu.dma_semaphore, #tpu.memory_space<semaphore_mem>>) src(%arg11 : memref<128x128xf32, #tpu.memory_space<vmem>>) dst(%dma_wait3A_245 : memref<128x128xf32, #tpu.memory_space<vmem_shared>>)
      tpu.yield
    }) : () -> ()
    %scan3A_19 = arith.constant 0 : i32
    %scan3A_20 = arith.constant 0 : i32
    %scan3A_21 = arith.constant 40 : i32
    %scan3A_22 = arith.addi %scan3A_20, %scan3A_21 : i32
    %scan3A_23 = arith.constant 1 : i32
    scf.for %scan3A_239 = %scan3A_20 to %scan3A_22 step %scan3A_23  : i32 {
      %mul3A_240 = arith.constant 16 : i32
      %mul3A_241 = arith.muli %scan3A_239, %mul3A_240 : i32
      %swap3A_242 = arith.index_cast %mul3A_241 : i32 to index
      %swap3A_243 = tpu.vector_load %arg13[%swap3A_242] {strides = array<i32>} : memref<640xf32, #tpu.memory_space<vmem>>, vector<16xf32>,
      %swap3A_244 = vector.shape_cast %swap3A_243 : vector<16xf32> to vector<16xf32>
      %swap3A_245 = vector.shape_cast %broadcast_in_dim3A_3 : vector<16xf32> to vector<16xf32>
      tpu.vector_store %arg13[%swap3A_242], %swap3A_245 {strides = array<i32>} : memref<640xf32, #tpu.memory_space<vmem>>, vector<16xf32>,
    }
    %scan3A_24 = arith.constant 40 : i32
    "tpu.region"() ({
      %run_scoped3A = tpu.sem_alloc : memref<!tpu.dma_semaphore, #tpu.memory_space<semaphore_mem>>
      %dma_start3A_239 = tpu.memref_slice %arg18[%mul3A_2] : memref<10240xf32, #tpu.memory_space<vmem_shared>> -> memref<640xf32, #tpu.memory_space<vmem_shared>>
      %dma_start3A_240 = tpu.memref_slice %arg18[%mul3A_2] : memref<10240xf32, #tpu.memory_space<vmem_shared>> -> memref<640xf32, #tpu.memory_space<vmem_shared>>
      tpu.enqueue_dma source(%arg13 : memref<640xf32, #tpu.memory_space<vmem>>) target(%dma_start3A_240 : memref<640xf32, #tpu.memory_space<vmem_shared>>) target_semaphore(%run_scoped3A : memref<!tpu.dma_semaphore, #tpu.memory_space<semaphore_mem>>)
      %dma_wait3A = tpu.memref_slice %arg18[%mul3A_2] : memref<10240xf32, #tpu.memory_space<vmem_shared>> -> memref<640xf32, #tpu.memory_space<vmem_shared>>
      %dma_wait3A_241 = tpu.memref_slice %arg18[%mul3A_2] : memref<10240xf32, #tpu.memory_space<vmem_shared>> -> memref<640xf32, #tpu.memory_space<vmem_shared>>
      tpu.wait_dma2 semaphore(%run_scoped3A : memref<!tpu.dma_semaphore, #tpu.memory_space<semaphore_mem>>) src(%arg13 : memref<640xf32, #tpu.memory_space<vmem>>) dst(%dma_wait3A_241 : memref<640xf32, #tpu.memory_space<vmem_shared>>)
      tpu.yield
    }) : () -> ()
    %broadcast_in_dim3A_25 = arith.constant 1.000000e+00 : f32
    %broadcast_in_dim3A_26 = vector.broadcast %broadcast_in_dim3A_25 : f32 to vector<16xf32>
    %swap3A = arith.constant 0 : index
    %swap3A_27 = tpu.vector_load %arg14[%swap3A] {strides = array<i32>} : memref<128xf32, #tpu.memory_space<vmem>>, vector<16xf32>,
    %swap3A_28 = vector.shape_cast %swap3A_27 : vector<16xf32> to vector<16xf32>
    %swap3A_29 = vector.shape_cast %broadcast_in_dim3A_26 : vector<16xf32> to vector<16xf32>
    tpu.vector_store %arg14[%swap3A], %swap3A_29 {strides = array<i32>} : memref<128xf32, #tpu.memory_space<vmem>>, vector<16xf32>,
    %swap3A_30 = arith.constant 16 : index
    %swap3A_31 = tpu.vector_load %arg14[%swap3A_30] {strides = array<i32>} : memref<128xf32, #tpu.memory_space<vmem>>, vector<16xf32>,
    %swap3A_32 = vector.shape_cast %swap3A_31 : vector<16xf32> to vector<16xf32>
    %swap3A_33 = vector.shape_cast %broadcast_in_dim3A_26 : vector<16xf32> to vector<16xf32>
    tpu.vector_store %arg14[%swap3A_30], %swap3A_33 {strides = array<i32>} : memref<128xf32, #tpu.memory_space<vmem>>, vector<16xf32>,
    %swap3A_34 = arith.constant 32 : index
    %swap3A_35 = tpu.vector_load %arg14[%swap3A_34] {strides = array<i32>} : memref<128xf32, #tpu.memory_space<vmem>>, vector<16xf32>,
    %swap3A_36 = vector.shape_cast %swap3A_35 : vector<16xf32> to vector<16xf32>
    %swap3A_37 = vector.shape_cast %broadcast_in_dim3A_26 : vector<16xf32> to vector<16xf32>
    tpu.vector_store %arg14[%swap3A_34], %swap3A_37 {strides = array<i32>} : memref<128xf32, #tpu.memory_space<vmem>>, vector<16xf32>,
    %swap3A_38 = arith.constant 48 : index
    %swap3A_39 = tpu.vector_load %arg14[%swap3A_38] {strides = array<i32>} : memref<128xf32, #tpu.memory_space<vmem>>, vector<16xf32>,
    %swap3A_40 = vector.shape_cast %swap3A_39 : vector<16xf32> to vector<16xf32>
    %swap3A_41 = vector.shape_cast %broadcast_in_dim3A_26 : vector<16xf32> to vector<16xf32>
    tpu.vector_store %arg14[%swap3A_38], %swap3A_41 {strides = array<i32>} : memref<128xf32, #tpu.memory_space<vmem>>, vector<16xf32>,
    %swap3A_42 = arith.constant 64 : index
    %swap3A_43 = tpu.vector_load %arg14[%swap3A_42] {strides = array<i32>} : memref<128xf32, #tpu.memory_space<vmem>>, vector<16xf32>,
    %swap3A_44 = vector.shape_cast %swap3A_43 : vector<16xf32> to vector<16xf32>
    %swap3A_45 = vector.shape_cast %broadcast_in_dim3A_26 : vector<16xf32> to vector<16xf32>
    tpu.vector_store %arg14[%swap3A_42], %swap3A_45 {strides = array<i32>} : memref<128xf32, #tpu.memory_space<vmem>>, vector<16xf32>,
    %swap3A_46 = arith.constant 80 : index
    %swap3A_47 = tpu.vector_load %arg14[%swap3A_46] {strides = array<i32>} : memref<128xf32, #tpu.memory_space<vmem>>, vector<16xf32>,
    %swap3A_48 = vector.shape_cast %swap3A_47 : vector<16xf32> to vector<16xf32>
    %swap3A_49 = vector.shape_cast %broadcast_in_dim3A_26 : vector<16xf32> to vector<16xf32>
    tpu.vector_store %arg14[%swap3A_46], %swap3A_49 {strides = array<i32>} : memref<128xf32, #tpu.memory_space<vmem>>, vector<16xf32>,
    %swap3A_50 = arith.constant 96 : index
    %swap3A_51 = tpu.vector_load %arg14[%swap3A_50] {strides = array<i32>} : memref<128xf32, #tpu.memory_space<vmem>>, vector<16xf32>,
    %swap3A_52 = vector.shape_cast %swap3A_51 : vector<16xf32> to vector<16xf32>
    %swap3A_53 = vector.shape_cast %broadcast_in_dim3A_26 : vector<16xf32> to vector<16xf32>
    tpu.vector_store %arg14[%swap3A_50], %swap3A_53 {strides = array<i32>} : memref<128xf32, #tpu.memory_space<vmem>>, vector<16xf32>,
    %swap3A_54 = arith.constant 112 : index
    %swap3A_55 = tpu.vector_load %arg14[%swap3A_54] {strides = array<i32>} : memref<128xf32, #tpu.memory_space<vmem>>, vector<16xf32>,
    %swap3A_56 = vector.shape_cast %swap3A_55 : vector<16xf32> to vector<16xf32>
    %swap3A_57 = vector.shape_cast %broadcast_in_dim3A_26 : vector<16xf32> to vector<16xf32>
    tpu.vector_store %arg14[%swap3A_54], %swap3A_57 {strides = array<i32>} : memref<128xf32, #tpu.memory_space<vmem>>, vector<16xf32>,
    "tpu.region"() ({
      %run_scoped3A = tpu.sem_alloc : memref<!tpu.dma_semaphore, #tpu.memory_space<semaphore_mem>>
      %dma_start3A_239 = arith.constant 0 : i32
      %dma_start3A_240 = tpu.memref_slice %arg5[%add3A, %dma_start3A_239] : memref<32x320xi32, #tpu.memory_space<hbm>> -> memref<1x320xi32, #tpu.memory_space<hbm>>
      %dma_start3A_241 = tpu.memref_squeeze %dma_start3A_240 : memref<1x320xi32, #tpu.memory_space<hbm>> -> memref<320xi32, #tpu.memory_space<hbm>>
      %dma_start3A_242 = arith.constant 0 : i32
      %dma_start3A_243 = tpu.memref_slice %arg5[%add3A, %dma_start3A_242] : memref<32x320xi32, #tpu.memory_space<hbm>> -> memref<1x320xi32, #tpu.memory_space<hbm>>
      %dma_start3A_244 = tpu.memref_squeeze %dma_start3A_243 : memref<1x320xi32, #tpu.memory_space<hbm>> -> memref<320xi32, #tpu.memory_space<hbm>>
      tpu.enqueue_dma source(%dma_start3A_244 : memref<320xi32, #tpu.memory_space<hbm>>) target(%arg16 : memref<320xi32, #tpu.memory_space<vmem>>) target_semaphore(%run_scoped3A : memref<!tpu.dma_semaphore, #tpu.memory_space<semaphore_mem>>)
      %dma_wait3A = arith.constant 0 : i32
      %dma_wait3A_245 = tpu.memref_slice %arg5[%add3A, %dma_wait3A] : memref<32x320xi32, #tpu.memory_space<hbm>> -> memref<1x320xi32, #tpu.memory_space<hbm>>
      %dma_wait3A_246 = tpu.memref_squeeze %dma_wait3A_245 : memref<1x320xi32, #tpu.memory_space<hbm>> -> memref<320xi32, #tpu.memory_space<hbm>>
      %dma_wait3A_247 = arith.constant 0 : i32
      %dma_wait3A_248 = tpu.memref_slice %arg5[%add3A, %dma_wait3A_247] : memref<32x320xi32, #tpu.memory_space<hbm>> -> memref<1x320xi32, #tpu.memory_space<hbm>>
      %dma_wait3A_249 = tpu.memref_squeeze %dma_wait3A_248 : memref<1x320xi32, #tpu.memory_space<hbm>> -> memref<320xi32, #tpu.memory_space<hbm>>
      tpu.wait_dma2 semaphore(%run_scoped3A : memref<!tpu.dma_semaphore, #tpu.memory_space<semaphore_mem>>) src(%dma_wait3A_249 : memref<320xi32, #tpu.memory_space<hbm>>) dst(%arg16 : memref<320xi32, #tpu.memory_space<vmem>>)
      tpu.yield
    }) : () -> ()
    %get3A = arith.constant 0 : index
    %get3A_58 = tpu.vector_load %arg16[%get3A] {strides = array<i32>} : memref<320xi32, #tpu.memory_space<vmem>>, vector<16xi32>,
    %get3A_59 = vector.shape_cast %get3A_58 : vector<16xi32> to vector<16xi32>
    %get3A_60 = arith.constant 16 : index
    %get3A_61 = tpu.vector_load %arg16[%get3A_60] {strides = array<i32>} : memref<320xi32, #tpu.memory_space<vmem>>, vector<16xi32>,
    %get3A_62 = vector.shape_cast %get3A_61 : vector<16xi32> to vector<16xi32>
    %max3A = arith.maxsi %get3A_59, %get3A_62 : vector<16xi32>
    %get3A_63 = arith.constant 32 : index
    %get3A_64 = tpu.vector_load %arg16[%get3A_63] {strides = array<i32>} : memref<320xi32, #tpu.memory_space<vmem>>, vector<16xi32>,
    %get3A_65 = vector.shape_cast %get3A_64 : vector<16xi32> to vector<16xi32>
    %max3A_66 = arith.maxsi %max3A, %get3A_65 : vector<16xi32>
    %get3A_67 = arith.constant 48 : index
    %get3A_68 = tpu.vector_load %arg16[%get3A_67] {strides = array<i32>} : memref<320xi32, #tpu.memory_space<vmem>>, vector<16xi32>,
    %get3A_69 = vector.shape_cast %get3A_68 : vector<16xi32> to vector<16xi32>
    %max3A_70 = arith.maxsi %max3A_66, %get3A_69 : vector<16xi32>
    %get3A_71 = arith.constant 64 : index
    %get3A_72 = tpu.vector_load %arg16[%get3A_71] {strides = array<i32>} : memref<320xi32, #tpu.memory_space<vmem>>, vector<16xi32>,
    %get3A_73 = vector.shape_cast %get3A_72 : vector<16xi32> to vector<16xi32>
    %max3A_74 = arith.maxsi %max3A_70, %get3A_73 : vector<16xi32>
    %get3A_75 = arith.constant 80 : index
    %get3A_76 = tpu.vector_load %arg16[%get3A_75] {strides = array<i32>} : memref<320xi32, #tpu.memory_space<vmem>>, vector<16xi32>,
    %get3A_77 = vector.shape_cast %get3A_76 : vector<16xi32> to vector<16xi32>
    %max3A_78 = arith.maxsi %max3A_74, %get3A_77 : vector<16xi32>
    %get3A_79 = arith.constant 96 : index
    %get3A_80 = tpu.vector_load %arg16[%get3A_79] {strides = array<i32>} : memref<320xi32, #tpu.memory_space<vmem>>, vector<16xi32>,
    %get3A_81 = vector.shape_cast %get3A_80 : vector<16xi32> to vector<16xi32>
    %max3A_82 = arith.maxsi %max3A_78, %get3A_81 : vector<16xi32>
    %get3A_83 = arith.constant 112 : index
    %get3A_84 = tpu.vector_load %arg16[%get3A_83] {strides = array<i32>} : memref<320xi32, #tpu.memory_space<vmem>>, vector<16xi32>,
    %get3A_85 = vector.shape_cast %get3A_84 : vector<16xi32> to vector<16xi32>
    %max3A_86 = arith.maxsi %max3A_82, %get3A_85 : vector<16xi32>
    %get3A_87 = arith.constant 128 : index
    %get3A_88 = tpu.vector_load %arg16[%get3A_87] {strides = array<i32>} : memref<320xi32, #tpu.memory_space<vmem>>, vector<16xi32>,
    %get3A_89 = vector.shape_cast %get3A_88 : vector<16xi32> to vector<16xi32>
    %max3A_90 = arith.maxsi %max3A_86, %get3A_89 : vector<16xi32>
    %get3A_91 = arith.constant 144 : index
    %get3A_92 = tpu.vector_load %arg16[%get3A_91] {strides = array<i32>} : memref<320xi32, #tpu.memory_space<vmem>>, vector<16xi32>,
    %get3A_93 = vector.shape_cast %get3A_92 : vector<16xi32> to vector<16xi32>
    %max3A_94 = arith.maxsi %max3A_90, %get3A_93 : vector<16xi32>
    %get3A_95 = arith.constant 160 : index
    %get3A_96 = tpu.vector_load %arg16[%get3A_95] {strides = array<i32>} : memref<320xi32, #tpu.memory_space<vmem>>, vector<16xi32>,
    %get3A_97 = vector.shape_cast %get3A_96 : vector<16xi32> to vector<16xi32>
    %max3A_98 = arith.maxsi %max3A_94, %get3A_97 : vector<16xi32>
    %get3A_99 = arith.constant 176 : index
    %get3A_100 = tpu.vector_load %arg16[%get3A_99] {strides = array<i32>} : memref<320xi32, #tpu.memory_space<vmem>>, vector<16xi32>,
    %get3A_101 = vector.shape_cast %get3A_100 : vector<16xi32> to vector<16xi32>
    %max3A_102 = arith.maxsi %max3A_98, %get3A_101 : vector<16xi32>
    %get3A_103 = arith.constant 192 : index
    %get3A_104 = tpu.vector_load %arg16[%get3A_103] {strides = array<i32>} : memref<320xi32, #tpu.memory_space<vmem>>, vector<16xi32>,
    %get3A_105 = vector.shape_cast %get3A_104 : vector<16xi32> to vector<16xi32>
    %max3A_106 = arith.maxsi %max3A_102, %get3A_105 : vector<16xi32>
    %get3A_107 = arith.constant 208 : index
    %get3A_108 = tpu.vector_load %arg16[%get3A_107] {strides = array<i32>} : memref<320xi32, #tpu.memory_space<vmem>>, vector<16xi32>,
    %get3A_109 = vector.shape_cast %get3A_108 : vector<16xi32> to vector<16xi32>
    %max3A_110 = arith.maxsi %max3A_106, %get3A_109 : vector<16xi32>
    %get3A_111 = arith.constant 224 : index
    %get3A_112 = tpu.vector_load %arg16[%get3A_111] {strides = array<i32>} : memref<320xi32, #tpu.memory_space<vmem>>, vector<16xi32>,
    %get3A_113 = vector.shape_cast %get3A_112 : vector<16xi32> to vector<16xi32>
    %max3A_114 = arith.maxsi %max3A_110, %get3A_113 : vector<16xi32>
    %get3A_115 = arith.constant 240 : index
    %get3A_116 = tpu.vector_load %arg16[%get3A_115] {strides = array<i32>} : memref<320xi32, #tpu.memory_space<vmem>>, vector<16xi32>,
    %get3A_117 = vector.shape_cast %get3A_116 : vector<16xi32> to vector<16xi32>
    %max3A_118 = arith.maxsi %max3A_114, %get3A_117 : vector<16xi32>
    %get3A_119 = arith.constant 256 : index
    %get3A_120 = tpu.vector_load %arg16[%get3A_119] {strides = array<i32>} : memref<320xi32, #tpu.memory_space<vmem>>, vector<16xi32>,
    %get3A_121 = vector.shape_cast %get3A_120 : vector<16xi32> to vector<16xi32>
    %max3A_122 = arith.maxsi %max3A_118, %get3A_121 : vector<16xi32>
    %get3A_123 = arith.constant 272 : index
    %get3A_124 = tpu.vector_load %arg16[%get3A_123] {strides = array<i32>} : memref<320xi32, #tpu.memory_space<vmem>>, vector<16xi32>,
    %get3A_125 = vector.shape_cast %get3A_124 : vector<16xi32> to vector<16xi32>
    %max3A_126 = arith.maxsi %max3A_122, %get3A_125 : vector<16xi32>
    %get3A_127 = arith.constant 288 : index
    %get3A_128 = tpu.vector_load %arg16[%get3A_127] {strides = array<i32>} : memref<320xi32, #tpu.memory_space<vmem>>, vector<16xi32>,
    %get3A_129 = vector.shape_cast %get3A_128 : vector<16xi32> to vector<16xi32>
    %max3A_130 = arith.maxsi %max3A_126, %get3A_129 : vector<16xi32>
    %get3A_131 = arith.constant 304 : index
    %get3A_132 = tpu.vector_load %arg16[%get3A_131] {strides = array<i32>} : memref<320xi32, #tpu.memory_space<vmem>>, vector<16xi32>,
    %get3A_133 = vector.shape_cast %get3A_132 : vector<16xi32> to vector<16xi32>
    %max3A_134 = arith.maxsi %max3A_130, %get3A_133 : vector<16xi32>
    %swap3A_135 = arith.constant 0 : index
    %swap3A_136 = tpu.vector_load %arg15[%swap3A_135] {strides = array<i32>} : memref<16xi32, #tpu.memory_space<vmem>>, vector<16xi32>,
    %swap3A_137 = vector.shape_cast %swap3A_136 : vector<16xi32> to vector<16xi32>
    %swap3A_138 = vector.shape_cast %max3A_134 : vector<16xi32> to vector<16xi32>
    tpu.vector_store %arg15[%swap3A_135], %swap3A_138 {strides = array<i32>} : memref<16xi32, #tpu.memory_space<vmem>>, vector<16xi32>,
    "tpu.region"() ({
      %run_scoped3A = tpu.sem_alloc : memref<!tpu.dma_semaphore, #tpu.memory_space<semaphore_mem>>
      %dma_start3A_239 = arith.constant 0 : i32
      %dma_start3A_240 = tpu.memref_slice %arg8[%add3A, %dma_start3A_239] : memref<32x16xi32, #tpu.memory_space<hbm>> -> memref<1x16xi32, #tpu.memory_space<hbm>>
      %dma_start3A_241 = tpu.memref_squeeze %dma_start3A_240 : memref<1x16xi32, #tpu.memory_space<hbm>> -> memref<16xi32, #tpu.memory_space<hbm>>
      %dma_start3A_242 = arith.constant 0 : i32
      %dma_start3A_243 = tpu.memref_slice %arg8[%add3A, %dma_start3A_242] : memref<32x16xi32, #tpu.memory_space<hbm>> -> memref<1x16xi32, #tpu.memory_space<hbm>>
      %dma_start3A_244 = tpu.memref_squeeze %dma_start3A_243 : memref<1x16xi32, #tpu.memory_space<hbm>> -> memref<16xi32, #tpu.memory_space<hbm>>
      tpu.enqueue_dma source(%arg15 : memref<16xi32, #tpu.memory_space<vmem>>) target(%dma_start3A_244 : memref<16xi32, #tpu.memory_space<hbm>>) target_semaphore(%run_scoped3A : memref<!tpu.dma_semaphore, #tpu.memory_space<semaphore_mem>>)
      %dma_wait3A = arith.constant 0 : i32
      %dma_wait3A_245 = tpu.memref_slice %arg8[%add3A, %dma_wait3A] : memref<32x16xi32, #tpu.memory_space<hbm>> -> memref<1x16xi32, #tpu.memory_space<hbm>>
      %dma_wait3A_246 = tpu.memref_squeeze %dma_wait3A_245 : memref<1x16xi32, #tpu.memory_space<hbm>> -> memref<16xi32, #tpu.memory_space<hbm>>
      %dma_wait3A_247 = arith.constant 0 : i32
      %dma_wait3A_248 = tpu.memref_slice %arg8[%add3A, %dma_wait3A_247] : memref<32x16xi32, #tpu.memory_space<hbm>> -> memref<1x16xi32, #tpu.memory_space<hbm>>
      %dma_wait3A_249 = tpu.memref_squeeze %dma_wait3A_248 : memref<1x16xi32, #tpu.memory_space<hbm>> -> memref<16xi32, #tpu.memory_space<hbm>>
      tpu.wait_dma2 semaphore(%run_scoped3A : memref<!tpu.dma_semaphore, #tpu.memory_space<semaphore_mem>>) src(%arg15 : memref<16xi32, #tpu.memory_space<vmem>>) dst(%dma_wait3A_249 : memref<16xi32, #tpu.memory_space<hbm>>)
      tpu.yield
    }) : () -> ()
    %barrier3A = arith.constant 0 : index
    tpu.barrier barrier_id(%barrier3A)
    "tpu.region"() ({
      %run_scoped3A = tpu.sem_alloc : memref<!tpu.dma_semaphore, #tpu.memory_space<semaphore_mem>>
      %dma_start3A_239 = arith.constant 0 : i32
      %dma_start3A_240 = arith.constant 0 : i32
      %dma_start3A_241 = tpu.memref_slice %arg3[%add3A, %dma_start3A_239, %dma_start3A_240] : memref<32x80x128xi32, #tpu.memory_space<hbm>> -> memref<1x16x128xi32, #tpu.memory_space<hbm>>
      %dma_start3A_242 = tpu.memref_squeeze %dma_start3A_241 : memref<1x16x128xi32, #tpu.memory_space<hbm>> -> memref<16x128xi32, #tpu.memory_space<hbm>>
      %dma_start3A_243 = arith.constant 0 : i32
      %dma_start3A_244 = arith.constant 0 : i32
      %dma_start3A_245 = tpu.memref_slice %arg3[%add3A, %dma_start3A_243, %dma_start3A_244] : memref<32x80x128xi32, #tpu.memory_space<hbm>> -> memref<1x16x128xi32, #tpu.memory_space<hbm>>
      %dma_start3A_246 = tpu.memref_squeeze %dma_start3A_245 : memref<1x16x128xi32, #tpu.memory_space<hbm>> -> memref<16x128xi32, #tpu.memory_space<hbm>>
      tpu.enqueue_dma source(%dma_start3A_246 : memref<16x128xi32, #tpu.memory_space<hbm>>) target(%arg9 : memref<16x128xi32, #tpu.memory_space<vmem>>) target_semaphore(%run_scoped3A : memref<!tpu.dma_semaphore, #tpu.memory_space<semaphore_mem>>)
      %dma_wait3A = arith.constant 0 : i32
      %dma_wait3A_247 = arith.constant 0 : i32
      %dma_wait3A_248 = tpu.memref_slice %arg3[%add3A, %dma_wait3A, %dma_wait3A_247] : memref<32x80x128xi32, #tpu.memory_space<hbm>> -> memref<1x16x128xi32, #tpu.memory_space<hbm>>
      %dma_wait3A_249 = tpu.memref_squeeze %dma_wait3A_248 : memref<1x16x128xi32, #tpu.memory_space<hbm>> -> memref<16x128xi32, #tpu.memory_space<hbm>>
      %dma_wait3A_250 = arith.constant 0 : i32
      %dma_wait3A_251 = arith.constant 0 : i32
      %dma_wait3A_252 = tpu.memref_slice %arg3[%add3A, %dma_wait3A_250, %dma_wait3A_251] : memref<32x80x128xi32, #tpu.memory_space<hbm>> -> memref<1x16x128xi32, #tpu.memory_space<hbm>>
      %dma_wait3A_253 = tpu.memref_squeeze %dma_wait3A_252 : memref<1x16x128xi32, #tpu.memory_space<hbm>> -> memref<16x128xi32, #tpu.memory_space<hbm>>
      tpu.wait_dma2 semaphore(%run_scoped3A : memref<!tpu.dma_semaphore, #tpu.memory_space<semaphore_mem>>) src(%dma_wait3A_253 : memref<16x128xi32, #tpu.memory_space<hbm>>) dst(%arg9 : memref<16x128xi32, #tpu.memory_space<vmem>>)
      tpu.yield
    }) : () -> ()
    "tpu.region"() ({
      %run_scoped3A = tpu.sem_alloc : memref<!tpu.dma_semaphore, #tpu.memory_space<semaphore_mem>>
      %dma_start3A_239 = arith.constant 0 : i32
      %dma_start3A_240 = arith.constant 0 : i32
      %dma_start3A_241 = tpu.memref_slice %arg4[%add3A, %dma_start3A_239, %dma_start3A_240] : memref<32x80x128xi32, #tpu.memory_space<hbm>> -> memref<1x16x128xi32, #tpu.memory_space<hbm>>
      %dma_start3A_242 = tpu.memref_squeeze %dma_start3A_241 : memref<1x16x128xi32, #tpu.memory_space<hbm>> -> memref<16x128xi32, #tpu.memory_space<hbm>>
      %dma_start3A_243 = arith.constant 0 : i32
      %dma_start3A_244 = arith.constant 0 : i32
      %dma_start3A_245 = tpu.memref_slice %arg4[%add3A, %dma_start3A_243, %dma_start3A_244] : memref<32x80x128xi32, #tpu.memory_space<hbm>> -> memref<1x16x128xi32, #tpu.memory_space<hbm>>
      %dma_start3A_246 = tpu.memref_squeeze %dma_start3A_245 : memref<1x16x128xi32, #tpu.memory_space<hbm>> -> memref<16x128xi32, #tpu.memory_space<hbm>>
      tpu.enqueue_dma source(%dma_start3A_246 : memref<16x128xi32, #tpu.memory_space<hbm>>) target(%arg10 : memref<16x128xi32, #tpu.memory_space<vmem>>) target_semaphore(%run_scoped3A : memref<!tpu.dma_semaphore, #tpu.memory_space<semaphore_mem>>)
      %dma_wait3A = arith.constant 0 : i32
      %dma_wait3A_247 = arith.constant 0 : i32
      %dma_wait3A_248 = tpu.memref_slice %arg4[%add3A, %dma_wait3A, %dma_wait3A_247] : memref<32x80x128xi32, #tpu.memory_space<hbm>> -> memref<1x16x128xi32, #tpu.memory_space<hbm>>
      %dma_wait3A_249 = tpu.memref_squeeze %dma_wait3A_248 : memref<1x16x128xi32, #tpu.memory_space<hbm>> -> memref<16x128xi32, #tpu.memory_space<hbm>>
      %dma_wait3A_250 = arith.constant 0 : i32
      %dma_wait3A_251 = arith.constant 0 : i32
      %dma_wait3A_252 = tpu.memref_slice %arg4[%add3A, %dma_wait3A_250, %dma_wait3A_251] : memref<32x80x128xi32, #tpu.memory_space<hbm>> -> memref<1x16x128xi32, #tpu.memory_space<hbm>>
      %dma_wait3A_253 = tpu.memref_squeeze %dma_wait3A_252 : memref<1x16x128xi32, #tpu.memory_space<hbm>> -> memref<16x128xi32, #tpu.memory_space<hbm>>
      tpu.wait_dma2 semaphore(%run_scoped3A : memref<!tpu.dma_semaphore, #tpu.memory_space<semaphore_mem>>) src(%dma_wait3A_253 : memref<16x128xi32, #tpu.memory_space<hbm>>) dst(%arg10 : memref<16x128xi32, #tpu.memory_space<vmem>>)
      tpu.yield
    }) : () -> ()
    %dma_start3A = arith.constant 0 : i32
    %dma_start3A_139 = arith.constant 0 : i32
    %dma_start3A_140 = tpu.memref_slice %arg9[%dma_start3A, %dma_start3A_139] : memref<16x128xi32, #tpu.memory_space<vmem>> -> memref<1x128xi32, #tpu.memory_space<vmem>>
    %dma_start3A_141 = tpu.memref_squeeze %dma_start3A_140 : memref<1x128xi32, #tpu.memory_space<vmem>> -> memref<128xi32, #tpu.memory_space<vmem>>
    %dma_start3A_142 = arith.constant 0 : i32
    %dma_start3A_143 = arith.constant 0 : i32
    %dma_start3A_144 = tpu.memref_slice %arg2[%dma_start3A_142, %dma_start3A_143] : memref<10240x128xf32, #tpu.memory_space<hbm>> -> memref<10240x128xf32, #tpu.memory_space<hbm>>
    tpu.enqueue_indirect_dma source(%dma_start3A_144 : memref<10240x128xf32, #tpu.memory_space<hbm>>) target(%arg11 : memref<128x128xf32, #tpu.memory_space<vmem>>) offsets(%dma_start3A_141 : memref<128xi32, #tpu.memory_space<vmem>>) semaphore(%arg19 : memref<!tpu.dma_semaphore, #tpu.memory_space<semaphore_mem>>)
    %dma_start3A_145 = arith.constant 1 : i32
    %dma_start3A_146 = arith.constant 0 : i32
    %dma_start3A_147 = tpu.memref_slice %arg9[%dma_start3A_145, %dma_start3A_146] : memref<16x128xi32, #tpu.memory_space<vmem>> -> memref<1x128xi32, #tpu.memory_space<vmem>>
    %dma_start3A_148 = tpu.memref_squeeze %dma_start3A_147 : memref<1x128xi32, #tpu.memory_space<vmem>> -> memref<128xi32, #tpu.memory_space<vmem>>
    %dma_start3A_149 = arith.constant 0 : i32
    %dma_start3A_150 = arith.constant 0 : i32
    %dma_start3A_151 = tpu.memref_slice %arg2[%dma_start3A_149, %dma_start3A_150] : memref<10240x128xf32, #tpu.memory_space<hbm>> -> memref<10240x128xf32, #tpu.memory_space<hbm>>
    tpu.enqueue_indirect_dma source(%dma_start3A_151 : memref<10240x128xf32, #tpu.memory_space<hbm>>) target(%arg12 : memref<128x128xf32, #tpu.memory_space<vmem>>) offsets(%dma_start3A_148 : memref<128xi32, #tpu.memory_space<vmem>>) semaphore(%arg20 : memref<!tpu.dma_semaphore, #tpu.memory_space<semaphore_mem>>)
    %scan3A_152 = arith.constant 0 : i32
    %scan3A_153 = arith.constant 0 : i32
    %scan3A_154 = arith.constant 8 : i32
    %scan3A_155 = arith.addi %scan3A_153, %scan3A_154 : i32
    %scan3A_156 = arith.constant 1 : i32
    scf.for %scan3A_239 = %scan3A_153 to %scan3A_155 step %scan3A_156  : i32 {
      %mul3A_240 = arith.constant 2 : i32
      %mul3A_241 = arith.muli %mul3A_240, %scan3A_239 : i32
      %dma_wait3A = arith.constant 0 : i32
      %dma_wait3A_242 = tpu.memref_slice %arg9[%mul3A_241, %dma_wait3A] : memref<16x128xi32, #tpu.memory_space<vmem>> -> memref<1x128xi32, #tpu.memory_space<vmem>>
      %dma_wait3A_243 = tpu.memref_squeeze %dma_wait3A_242 : memref<1x128xi32, #tpu.memory_space<vmem>> -> memref<128xi32, #tpu.memory_space<vmem>>
      %dma_wait3A_244 = arith.constant 0 : i32
      %dma_wait3A_245 = arith.constant 0 : i32
      %dma_wait3A_246 = tpu.memref_slice %arg2[%dma_wait3A_244, %dma_wait3A_245] : memref<10240x128xf32, #tpu.memory_space<hbm>> -> memref<10240x128xf32, #tpu.memory_space<hbm>>
      tpu.wait_indirect_dma semaphore(%arg19 : memref<!tpu.dma_semaphore, #tpu.memory_space<semaphore_mem>>) src(%dma_wait3A_246 : memref<10240x128xf32, #tpu.memory_space<hbm>>) dst(%arg11 : memref<128x128xf32, #tpu.memory_space<vmem>>)
      "tpu.region"() ({
        %run_scoped3A = tpu.sem_alloc : memref<!tpu.dma_semaphore, #tpu.memory_space<semaphore_mem>>
        %dma_start3A_264 = arith.constant 0 : i32
        %dma_start3A_265 = tpu.memref_slice %arg10[%mul3A_241, %dma_start3A_264] : memref<16x128xi32, #tpu.memory_space<vmem>> -> memref<1x128xi32, #tpu.memory_space<vmem>>
        %dma_start3A_266 = tpu.memref_squeeze %dma_start3A_265 : memref<1x128xi32, #tpu.memory_space<vmem>> -> memref<128xi32, #tpu.memory_space<vmem>>
        %dma_start3A_267 = arith.constant 0 : i32
        %dma_start3A_268 = arith.constant 0 : i32
        %dma_start3A_269 = tpu.memref_slice %arg17[%dma_start3A_267, %dma_start3A_268] : memref<10240x128xf32, #tpu.memory_space<vmem_shared>> -> memref<10240x128xf32, #tpu.memory_space<vmem_shared>>
        tpu.enqueue_indirect_dma source(%arg11 : memref<128x128xf32, #tpu.memory_space<vmem>>) target(%dma_start3A_269 : memref<10240x128xf32, #tpu.memory_space<vmem_shared>>) offsets(%dma_start3A_266 : memref<128xi32, #tpu.memory_space<vmem>>) semaphore(%run_scoped3A : memref<!tpu.dma_semaphore, #tpu.memory_space<semaphore_mem>>) {add = true}
        %dma_wait3A_270 = arith.constant 0 : i32
        %dma_wait3A_271 = tpu.memref_slice %arg10[%mul3A_241, %dma_wait3A_270] : memref<16x128xi32, #tpu.memory_space<vmem>> -> memref<1x128xi32, #tpu.memory_space<vmem>>
        %dma_wait3A_272 = tpu.memref_squeeze %dma_wait3A_271 : memref<1x128xi32, #tpu.memory_space<vmem>> -> memref<128xi32, #tpu.memory_space<vmem>>
        %dma_wait3A_273 = arith.constant 0 : i32
        %dma_wait3A_274 = arith.constant 0 : i32
        %dma_wait3A_275 = tpu.memref_slice %arg17[%dma_wait3A_273, %dma_wait3A_274] : memref<10240x128xf32, #tpu.memory_space<vmem_shared>> -> memref<10240x128xf32, #tpu.memory_space<vmem_shared>>
        tpu.wait_indirect_dma semaphore(%run_scoped3A : memref<!tpu.dma_semaphore, #tpu.memory_space<semaphore_mem>>) src(%arg11 : memref<128x128xf32, #tpu.memory_space<vmem>>) dst(%dma_wait3A_275 : memref<10240x128xf32, #tpu.memory_space<vmem_shared>>)
        tpu.yield
      }) : () -> ()
      "tpu.region"() ({
        %run_scoped3A = tpu.sem_alloc : memref<!tpu.dma_semaphore, #tpu.memory_space<semaphore_mem>>
        %dma_start3A_264 = arith.constant 0 : i32
        %dma_start3A_265 = tpu.memref_slice %arg10[%mul3A_241, %dma_start3A_264] : memref<16x128xi32, #tpu.memory_space<vmem>> -> memref<1x128xi32, #tpu.memory_space<vmem>>
        %dma_start3A_266 = tpu.memref_squeeze %dma_start3A_265 : memref<1x128xi32, #tpu.memory_space<vmem>> -> memref<128xi32, #tpu.memory_space<vmem>>
        %dma_start3A_267 = arith.constant 0 : i32
        %dma_start3A_268 = tpu.memref_slice %arg18[%dma_start3A_267] : memref<10240xf32, #tpu.memory_space<vmem_shared>> -> memref<10240xf32, #tpu.memory_space<vmem_shared>>
        tpu.enqueue_indirect_dma source(%arg14 : memref<128xf32, #tpu.memory_space<vmem>>) target(%dma_start3A_268 : memref<10240xf32, #tpu.memory_space<vmem_shared>>) offsets(%dma_start3A_266 : memref<128xi32, #tpu.memory_space<vmem>>) semaphore(%run_scoped3A : memref<!tpu.dma_semaphore, #tpu.memory_space<semaphore_mem>>) {add = true}
        %dma_wait3A_269 = arith.constant 0 : i32
        %dma_wait3A_270 = tpu.memref_slice %arg10[%mul3A_241, %dma_wait3A_269] : memref<16x128xi32, #tpu.memory_space<vmem>> -> memref<1x128xi32, #tpu.memory_space<vmem>>
        %dma_wait3A_271 = tpu.memref_squeeze %dma_wait3A_270 : memref<1x128xi32, #tpu.memory_space<vmem>> -> memref<128xi32, #tpu.memory_space<vmem>>
        %dma_wait3A_272 = arith.constant 0 : i32
        %dma_wait3A_273 = tpu.memref_slice %arg18[%dma_wait3A_272] : memref<10240xf32, #tpu.memory_space<vmem_shared>> -> memref<10240xf32, #tpu.memory_space<vmem_shared>>
        tpu.wait_indirect_dma semaphore(%run_scoped3A : memref<!tpu.dma_semaphore, #tpu.memory_space<semaphore_mem>>) src(%arg14 : memref<128xf32, #tpu.memory_space<vmem>>) dst(%dma_wait3A_273 : memref<10240xf32, #tpu.memory_space<vmem_shared>>)
        tpu.yield
      }) : () -> ()
      %lt3A = arith.constant 14 : i32
      %lt3A_247 = arith.cmpi slt, %mul3A_241, %lt3A : i32
      %convert_element_type3A = arith.extui %lt3A_247 : i1 to i32
      %cond3A = arith.constant 0 : i32
      %cond3A_248 = arith.cmpi ne, %convert_element_type3A, %cond3A : i32
      scf.if %cond3A_248 {
        %add3A_264 = arith.constant 2 : i32
        %add3A_265 = arith.addi %mul3A_241, %add3A_264 : i32
        %dma_start3A_266 = arith.constant 0 : i32
        %dma_start3A_267 = tpu.memref_slice %arg9[%add3A_265, %dma_start3A_266] : memref<16x128xi32, #tpu.memory_space<vmem>> -> memref<1x128xi32, #tpu.memory_space<vmem>>
        %dma_start3A_268 = tpu.memref_squeeze %dma_start3A_267 : memref<1x128xi32, #tpu.memory_space<vmem>> -> memref<128xi32, #tpu.memory_space<vmem>>
        %dma_start3A_269 = arith.constant 0 : i32
        %dma_start3A_270 = arith.constant 0 : i32
        %dma_start3A_271 = tpu.memref_slice %arg2[%dma_start3A_269, %dma_start3A_270] : memref<10240x128xf32, #tpu.memory_space<hbm>> -> memref<10240x128xf32, #tpu.memory_space<hbm>>
        tpu.enqueue_indirect_dma source(%dma_start3A_271 : memref<10240x128xf32, #tpu.memory_space<hbm>>) target(%arg11 : memref<128x128xf32, #tpu.memory_space<vmem>>) offsets(%dma_start3A_268 : memref<128xi32, #tpu.memory_space<vmem>>) semaphore(%arg19 : memref<!tpu.dma_semaphore, #tpu.memory_space<semaphore_mem>>)
      } else {
      }
      %mul3A_249 = arith.constant 2 : i32
      %mul3A_250 = arith.muli %mul3A_249, %scan3A_239 : i32
      %add3A_251 = arith.constant 1 : i32
      %add3A_252 = arith.addi %mul3A_250, %add3A_251 : i32
      %dma_wait3A_253 = arith.constant 0 : i32
      %dma_wait3A_254 = tpu.memref_slice %arg9[%add3A_252, %dma_wait3A_253] : memref<16x128xi32, #tpu.memory_space<vmem>> -> memref<1x128xi32, #tpu.memory_space<vmem>>
      %dma_wait3A_255 = tpu.memref_squeeze %dma_wait3A_254 : memref<1x128xi32, #tpu.memory_space<vmem>> -> memref<128xi32, #tpu.memory_space<vmem>>
      %dma_wait3A_256 = arith.constant 0 : i32
      %dma_wait3A_257 = arith.constant 0 : i32
      %dma_wait3A_258 = tpu.memref_slice %arg2[%dma_wait3A_256, %dma_wait3A_257] : memref<10240x128xf32, #tpu.memory_space<hbm>> -> memref<10240x128xf32, #tpu.memory_space<hbm>>
      tpu.wait_indirect_dma semaphore(%arg20 : memref<!tpu.dma_semaphore, #tpu.memory_space<semaphore_mem>>) src(%dma_wait3A_258 : memref<10240x128xf32, #tpu.memory_space<hbm>>) dst(%arg12 : memref<128x128xf32, #tpu.memory_space<vmem>>)
      "tpu.region"() ({
        %run_scoped3A = tpu.sem_alloc : memref<!tpu.dma_semaphore, #tpu.memory_space<semaphore_mem>>
        %dma_start3A_264 = arith.constant 0 : i32
        %dma_start3A_265 = tpu.memref_slice %arg10[%add3A_252, %dma_start3A_264] : memref<16x128xi32, #tpu.memory_space<vmem>> -> memref<1x128xi32, #tpu.memory_space<vmem>>
        %dma_start3A_266 = tpu.memref_squeeze %dma_start3A_265 : memref<1x128xi32, #tpu.memory_space<vmem>> -> memref<128xi32, #tpu.memory_space<vmem>>
        %dma_start3A_267 = arith.constant 0 : i32
        %dma_start3A_268 = arith.constant 0 : i32
        %dma_start3A_269 = tpu.memref_slice %arg17[%dma_start3A_267, %dma_start3A_268] : memref<10240x128xf32, #tpu.memory_space<vmem_shared>> -> memref<10240x128xf32, #tpu.memory_space<vmem_shared>>
        tpu.enqueue_indirect_dma source(%arg12 : memref<128x128xf32, #tpu.memory_space<vmem>>) target(%dma_start3A_269 : memref<10240x128xf32, #tpu.memory_space<vmem_shared>>) offsets(%dma_start3A_266 : memref<128xi32, #tpu.memory_space<vmem>>) semaphore(%run_scoped3A : memref<!tpu.dma_semaphore, #tpu.memory_space<semaphore_mem>>) {add = true}
        %dma_wait3A_270 = arith.constant 0 : i32
        %dma_wait3A_271 = tpu.memref_slice %arg10[%add3A_252, %dma_wait3A_270] : memref<16x128xi32, #tpu.memory_space<vmem>> -> memref<1x128xi32, #tpu.memory_space<vmem>>
        %dma_wait3A_272 = tpu.memref_squeeze %dma_wait3A_271 : memref<1x128xi32, #tpu.memory_space<vmem>> -> memref<128xi32, #tpu.memory_space<vmem>>
        %dma_wait3A_273 = arith.constant 0 : i32
        %dma_wait3A_274 = arith.constant 0 : i32
        %dma_wait3A_275 = tpu.memref_slice %arg17[%dma_wait3A_273, %dma_wait3A_274] : memref<10240x128xf32, #tpu.memory_space<vmem_shared>> -> memref<10240x128xf32, #tpu.memory_space<vmem_shared>>
        tpu.wait_indirect_dma semaphore(%run_scoped3A : memref<!tpu.dma_semaphore, #tpu.memory_space<semaphore_mem>>) src(%arg12 : memref<128x128xf32, #tpu.memory_space<vmem>>) dst(%dma_wait3A_275 : memref<10240x128xf32, #tpu.memory_space<vmem_shared>>)
        tpu.yield
      }) : () -> ()
      "tpu.region"() ({
        %run_scoped3A = tpu.sem_alloc : memref<!tpu.dma_semaphore, #tpu.memory_space<semaphore_mem>>
        %dma_start3A_264 = arith.constant 0 : i32
        %dma_start3A_265 = tpu.memref_slice %arg10[%add3A_252, %dma_start3A_264] : memref<16x128xi32, #tpu.memory_space<vmem>> -> memref<1x128xi32, #tpu.memory_space<vmem>>
        %dma_start3A_266 = tpu.memref_squeeze %dma_start3A_265 : memref<1x128xi32, #tpu.memory_space<vmem>> -> memref<128xi32, #tpu.memory_space<vmem>>
        %dma_start3A_267 = arith.constant 0 : i32
        %dma_start3A_268 = tpu.memref_slice %arg18[%dma_start3A_267] : memref<10240xf32, #tpu.memory_space<vmem_shared>> -> memref<10240xf32, #tpu.memory_space<vmem_shared>>
        tpu.enqueue_indirect_dma source(%arg14 : memref<128xf32, #tpu.memory_space<vmem>>) target(%dma_start3A_268 : memref<10240xf32, #tpu.memory_space<vmem_shared>>) offsets(%dma_start3A_266 : memref<128xi32, #tpu.memory_space<vmem>>) semaphore(%run_scoped3A : memref<!tpu.dma_semaphore, #tpu.memory_space<semaphore_mem>>) {add = true}
        %dma_wait3A_269 = arith.constant 0 : i32
        %dma_wait3A_270 = tpu.memref_slice %arg10[%add3A_252, %dma_wait3A_269] : memref<16x128xi32, #tpu.memory_space<vmem>> -> memref<1x128xi32, #tpu.memory_space<vmem>>
        %dma_wait3A_271 = tpu.memref_squeeze %dma_wait3A_270 : memref<1x128xi32, #tpu.memory_space<vmem>> -> memref<128xi32, #tpu.memory_space<vmem>>
        %dma_wait3A_272 = arith.constant 0 : i32
        %dma_wait3A_273 = tpu.memref_slice %arg18[%dma_wait3A_272] : memref<10240xf32, #tpu.memory_space<vmem_shared>> -> memref<10240xf32, #tpu.memory_space<vmem_shared>>
        tpu.wait_indirect_dma semaphore(%run_scoped3A : memref<!tpu.dma_semaphore, #tpu.memory_space<semaphore_mem>>) src(%arg14 : memref<128xf32, #tpu.memory_space<vmem>>) dst(%dma_wait3A_273 : memref<10240xf32, #tpu.memory_space<vmem_shared>>)
        tpu.yield
      }) : () -> ()
      %lt3A_259 = arith.constant 14 : i32
      %lt3A_260 = arith.cmpi slt, %add3A_252, %lt3A_259 : i32
      %convert_element_type3A_261 = arith.extui %lt3A_260 : i1 to i32
      %cond3A_262 = arith.constant 0 : i32
      %cond3A_263 = arith.cmpi ne, %convert_element_type3A_261, %cond3A_262 : i32
      scf.if %cond3A_263 {
        %add3A_264 = arith.constant 2 : i32
        %add3A_265 = arith.addi %add3A_252, %add3A_264 : i32
        %dma_start3A_266 = arith.constant 0 : i32
        %dma_start3A_267 = tpu.memref_slice %arg9[%add3A_265, %dma_start3A_266] : memref<16x128xi32, #tpu.memory_space<vmem>> -> memref<1x128xi32, #tpu.memory_space<vmem>>
        %dma_start3A_268 = tpu.memref_squeeze %dma_start3A_267 : memref<1x128xi32, #tpu.memory_space<vmem>> -> memref<128xi32, #tpu.memory_space<vmem>>
        %dma_start3A_269 = arith.constant 0 : i32
        %dma_start3A_270 = arith.constant 0 : i32
        %dma_start3A_271 = tpu.memref_slice %arg2[%dma_start3A_269, %dma_start3A_270] : memref<10240x128xf32, #tpu.memory_space<hbm>> -> memref<10240x128xf32, #tpu.memory_space<hbm>>
        tpu.enqueue_indirect_dma source(%dma_start3A_271 : memref<10240x128xf32, #tpu.memory_space<hbm>>) target(%arg12 : memref<128x128xf32, #tpu.memory_space<vmem>>) offsets(%dma_start3A_268 : memref<128xi32, #tpu.memory_space<vmem>>) semaphore(%arg20 : memref<!tpu.dma_semaphore, #tpu.memory_space<semaphore_mem>>)
      } else {
      }
    }
    %scan3A_157 = arith.constant 8 : i32
    "tpu.region"() ({
      %run_scoped3A = tpu.sem_alloc : memref<!tpu.dma_semaphore, #tpu.memory_space<semaphore_mem>>
      %dma_start3A_239 = arith.constant 16 : i32
      %dma_start3A_240 = arith.constant 0 : i32
      %dma_start3A_241 = tpu.memref_slice %arg3[%add3A, %dma_start3A_239, %dma_start3A_240] : memref<32x80x128xi32, #tpu.memory_space<hbm>> -> memref<1x16x128xi32, #tpu.memory_space<hbm>>
      %dma_start3A_242 = tpu.memref_squeeze %dma_start3A_241 : memref<1x16x128xi32, #tpu.memory_space<hbm>> -> memref<16x128xi32, #tpu.memory_space<hbm>>
      %dma_start3A_243 = arith.constant 16 : i32
      %dma_start3A_244 = arith.constant 0 : i32
      %dma_start3A_245 = tpu.memref_slice %arg3[%add3A, %dma_start3A_243, %dma_start3A_244] : memref<32x80x128xi32, #tpu.memory_space<hbm>> -> memref<1x16x128xi32, #tpu.memory_space<hbm>>
      %dma_start3A_246 = tpu.memref_squeeze %dma_start3A_245 : memref<1x16x128xi32, #tpu.memory_space<hbm>> -> memref<16x128xi32, #tpu.memory_space<hbm>>
      tpu.enqueue_dma source(%dma_start3A_246 : memref<16x128xi32, #tpu.memory_space<hbm>>) target(%arg9 : memref<16x128xi32, #tpu.memory_space<vmem>>) target_semaphore(%run_scoped3A : memref<!tpu.dma_semaphore, #tpu.memory_space<semaphore_mem>>)
      %dma_wait3A = arith.constant 16 : i32
      %dma_wait3A_247 = arith.constant 0 : i32
      %dma_wait3A_248 = tpu.memref_slice %arg3[%add3A, %dma_wait3A, %dma_wait3A_247] : memref<32x80x128xi32, #tpu.memory_space<hbm>> -> memref<1x16x128xi32, #tpu.memory_space<hbm>>
      %dma_wait3A_249 = tpu.memref_squeeze %dma_wait3A_248 : memref<1x16x128xi32, #tpu.memory_space<hbm>> -> memref<16x128xi32, #tpu.memory_space<hbm>>
      %dma_wait3A_250 = arith.constant 16 : i32
      %dma_wait3A_251 = arith.constant 0 : i32
      %dma_wait3A_252 = tpu.memref_slice %arg3[%add3A, %dma_wait3A_250, %dma_wait3A_251] : memref<32x80x128xi32, #tpu.memory_space<hbm>> -> memref<1x16x128xi32, #tpu.memory_space<hbm>>
      %dma_wait3A_253 = tpu.memref_squeeze %dma_wait3A_252 : memref<1x16x128xi32, #tpu.memory_space<hbm>> -> memref<16x128xi32, #tpu.memory_space<hbm>>
      tpu.wait_dma2 semaphore(%run_scoped3A : memref<!tpu.dma_semaphore, #tpu.memory_space<semaphore_mem>>) src(%dma_wait3A_253 : memref<16x128xi32, #tpu.memory_space<hbm>>) dst(%arg9 : memref<16x128xi32, #tpu.memory_space<vmem>>)
      tpu.yield
    }) : () -> ()
    "tpu.region"() ({
      %run_scoped3A = tpu.sem_alloc : memref<!tpu.dma_semaphore, #tpu.memory_space<semaphore_mem>>
      %dma_start3A_239 = arith.constant 16 : i32
      %dma_start3A_240 = arith.constant 0 : i32
      %dma_start3A_241 = tpu.memref_slice %arg4[%add3A, %dma_start3A_239, %dma_start3A_240] : memref<32x80x128xi32, #tpu.memory_space<hbm>> -> memref<1x16x128xi32, #tpu.memory_space<hbm>>
      %dma_start3A_242 = tpu.memref_squeeze %dma_start3A_241 : memref<1x16x128xi32, #tpu.memory_space<hbm>> -> memref<16x128xi32, #tpu.memory_space<hbm>>
      %dma_start3A_243 = arith.constant 16 : i32
      %dma_start3A_244 = arith.constant 0 : i32
      %dma_start3A_245 = tpu.memref_slice %arg4[%add3A, %dma_start3A_243, %dma_start3A_244] : memref<32x80x128xi32, #tpu.memory_space<hbm>> -> memref<1x16x128xi32, #tpu.memory_space<hbm>>
      %dma_start3A_246 = tpu.memref_squeeze %dma_start3A_245 : memref<1x16x128xi32, #tpu.memory_space<hbm>> -> memref<16x128xi32, #tpu.memory_space<hbm>>
      tpu.enqueue_dma source(%dma_start3A_246 : memref<16x128xi32, #tpu.memory_space<hbm>>) target(%arg10 : memref<16x128xi32, #tpu.memory_space<vmem>>) target_semaphore(%run_scoped3A : memref<!tpu.dma_semaphore, #tpu.memory_space<semaphore_mem>>)
      %dma_wait3A = arith.constant 16 : i32
      %dma_wait3A_247 = arith.constant 0 : i32
      %dma_wait3A_248 = tpu.memref_slice %arg4[%add3A, %dma_wait3A, %dma_wait3A_247] : memref<32x80x128xi32, #tpu.memory_space<hbm>> -> memref<1x16x128xi32, #tpu.memory_space<hbm>>
      %dma_wait3A_249 = tpu.memref_squeeze %dma_wait3A_248 : memref<1x16x128xi32, #tpu.memory_space<hbm>> -> memref<16x128xi32, #tpu.memory_space<hbm>>
      %dma_wait3A_250 = arith.constant 16 : i32
      %dma_wait3A_251 = arith.constant 0 : i32
      %dma_wait3A_252 = tpu.memref_slice %arg4[%add3A, %dma_wait3A_250, %dma_wait3A_251] : memref<32x80x128xi32, #tpu.memory_space<hbm>> -> memref<1x16x128xi32, #tpu.memory_space<hbm>>
      %dma_wait3A_253 = tpu.memref_squeeze %dma_wait3A_252 : memref<1x16x128xi32, #tpu.memory_space<hbm>> -> memref<16x128xi32, #tpu.memory_space<hbm>>
      tpu.wait_dma2 semaphore(%run_scoped3A : memref<!tpu.dma_semaphore, #tpu.memory_space<semaphore_mem>>) src(%dma_wait3A_253 : memref<16x128xi32, #tpu.memory_space<hbm>>) dst(%arg10 : memref<16x128xi32, #tpu.memory_space<vmem>>)
      tpu.yield
    }) : () -> ()
    %dma_start3A_158 = arith.constant 0 : i32
    %dma_start3A_159 = arith.constant 0 : i32
    %dma_start3A_160 = tpu.memref_slice %arg9[%dma_start3A_158, %dma_start3A_159] : memref<16x128xi32, #tpu.memory_space<vmem>> -> memref<1x128xi32, #tpu.memory_space<vmem>>
    %dma_start3A_161 = tpu.memref_squeeze %dma_start3A_160 : memref<1x128xi32, #tpu.memory_space<vmem>> -> memref<128xi32, #tpu.memory_space<vmem>>
    %dma_start3A_162 = arith.constant 0 : i32
    %dma_start3A_163 = arith.constant 0 : i32
    %dma_start3A_164 = tpu.memref_slice %arg2[%dma_start3A_162, %dma_start3A_163] : memref<10240x128xf32, #tpu.memory_space<hbm>> -> memref<10240x128xf32, #tpu.memory_space<hbm>>
    tpu.enqueue_indirect_dma source(%dma_start3A_164 : memref<10240x128xf32, #tpu.memory_space<hbm>>) target(%arg11 : memref<128x128xf32, #tpu.memory_space<vmem>>) offsets(%dma_start3A_161 : memref<128xi32, #tpu.memory_space<vmem>>) semaphore(%arg19 : memref<!tpu.dma_semaphore, #tpu.memory_space<semaphore_mem>>)
    %dma_start3A_165 = arith.constant 1 : i32
    %dma_start3A_166 = arith.constant 0 : i32
    %dma_start3A_167 = tpu.memref_slice %arg9[%dma_start3A_165, %dma_start3A_166] : memref<16x128xi32, #tpu.memory_space<vmem>> -> memref<1x128xi32, #tpu.memory_space<vmem>>
    %dma_start3A_168 = tpu.memref_squeeze %dma_start3A_167 : memref<1x128xi32, #tpu.memory_space<vmem>> -> memref<128xi32, #tpu.memory_space<vmem>>
    %dma_start3A_169 = arith.constant 0 : i32
    %dma_start3A_170 = arith.constant 0 : i32
    %dma_start3A_171 = tpu.memref_slice %arg2[%dma_start3A_169, %dma_start3A_170] : memref<10240x128xf32, #tpu.memory_space<hbm>> -> memref<10240x128xf32, #tpu.memory_space<hbm>>
    tpu.enqueue_indirect_dma source(%dma_start3A_171 : memref<10240x128xf32, #tpu.memory_space<hbm>>) target(%arg12 : memref<128x128xf32, #tpu.memory_space<vmem>>) offsets(%dma_start3A_168 : memref<128xi32, #tpu.memory_space<vmem>>) semaphore(%arg20 : memref<!tpu.dma_semaphore, #tpu.memory_space<semaphore_mem>>)
    %scan3A_172 = arith.constant 0 : i32
    %scan3A_173 = arith.constant 0 : i32
    %scan3A_174 = arith.constant 8 : i32
    %scan3A_175 = arith.addi %scan3A_173, %scan3A_174 : i32
    %scan3A_176 = arith.constant 1 : i32
    scf.for %scan3A_239 = %scan3A_173 to %scan3A_175 step %scan3A_176  : i32 {
      %mul3A_240 = arith.constant 2 : i32
      %mul3A_241 = arith.muli %mul3A_240, %scan3A_239 : i32
      %dma_wait3A = arith.constant 0 : i32
      %dma_wait3A_242 = tpu.memref_slice %arg9[%mul3A_241, %dma_wait3A] : memref<16x128xi32, #tpu.memory_space<vmem>> -> memref<1x128xi32, #tpu.memory_space<vmem>>
      %dma_wait3A_243 = tpu.memref_squeeze %dma_wait3A_242 : memref<1x128xi32, #tpu.memory_space<vmem>> -> memref<128xi32, #tpu.memory_space<vmem>>
      %dma_wait3A_244 = arith.constant 0 : i32
      %dma_wait3A_245 = arith.constant 0 : i32
      %dma_wait3A_246 = tpu.memref_slice %arg2[%dma_wait3A_244, %dma_wait3A_245] : memref<10240x128xf32, #tpu.memory_space<hbm>> -> memref<10240x128xf32, #tpu.memory_space<hbm>>
      tpu.wait_indirect_dma semaphore(%arg19 : memref<!tpu.dma_semaphore, #tpu.memory_space<semaphore_mem>>) src(%dma_wait3A_246 : memref<10240x128xf32, #tpu.memory_space<hbm>>) dst(%arg11 : memref<128x128xf32, #tpu.memory_space<vmem>>)
      "tpu.region"() ({
        %run_scoped3A = tpu.sem_alloc : memref<!tpu.dma_semaphore, #tpu.memory_space<semaphore_mem>>
        %dma_start3A_264 = arith.constant 0 : i32
        %dma_start3A_265 = tpu.memref_slice %arg10[%mul3A_241, %dma_start3A_264] : memref<16x128xi32, #tpu.memory_space<vmem>> -> memref<1x128xi32, #tpu.memory_space<vmem>>
        %dma_start3A_266 = tpu.memref_squeeze %dma_start3A_265 : memref<1x128xi32, #tpu.memory_space<vmem>> -> memref<128xi32, #tpu.memory_space<vmem>>
        %dma_start3A_267 = arith.constant 0 : i32
        %dma_start3A_268 = arith.constant 0 : i32
        %dma_start3A_269 = tpu.memref_slice %arg17[%dma_start3A_267, %dma_start3A_268] : memref<10240x128xf32, #tpu.memory_space<vmem_shared>> -> memref<10240x128xf32, #tpu.memory_space<vmem_shared>>
        tpu.enqueue_indirect_dma source(%arg11 : memref<128x128xf32, #tpu.memory_space<vmem>>) target(%dma_start3A_269 : memref<10240x128xf32, #tpu.memory_space<vmem_shared>>) offsets(%dma_start3A_266 : memref<128xi32, #tpu.memory_space<vmem>>) semaphore(%run_scoped3A : memref<!tpu.dma_semaphore, #tpu.memory_space<semaphore_mem>>) {add = true}
        %dma_wait3A_270 = arith.constant 0 : i32
        %dma_wait3A_271 = tpu.memref_slice %arg10[%mul3A_241, %dma_wait3A_270] : memref<16x128xi32, #tpu.memory_space<vmem>> -> memref<1x128xi32, #tpu.memory_space<vmem>>
        %dma_wait3A_272 = tpu.memref_squeeze %dma_wait3A_271 : memref<1x128xi32, #tpu.memory_space<vmem>> -> memref<128xi32, #tpu.memory_space<vmem>>
        %dma_wait3A_273 = arith.constant 0 : i32
        %dma_wait3A_274 = arith.constant 0 : i32
        %dma_wait3A_275 = tpu.memref_slice %arg17[%dma_wait3A_273, %dma_wait3A_274] : memref<10240x128xf32, #tpu.memory_space<vmem_shared>> -> memref<10240x128xf32, #tpu.memory_space<vmem_shared>>
        tpu.wait_indirect_dma semaphore(%run_scoped3A : memref<!tpu.dma_semaphore, #tpu.memory_space<semaphore_mem>>) src(%arg11 : memref<128x128xf32, #tpu.memory_space<vmem>>) dst(%dma_wait3A_275 : memref<10240x128xf32, #tpu.memory_space<vmem_shared>>)
        tpu.yield
      }) : () -> ()
      "tpu.region"() ({
        %run_scoped3A = tpu.sem_alloc : memref<!tpu.dma_semaphore, #tpu.memory_space<semaphore_mem>>
        %dma_start3A_264 = arith.constant 0 : i32
        %dma_start3A_265 = tpu.memref_slice %arg10[%mul3A_241, %dma_start3A_264] : memref<16x128xi32, #tpu.memory_space<vmem>> -> memref<1x128xi32, #tpu.memory_space<vmem>>
        %dma_start3A_266 = tpu.memref_squeeze %dma_start3A_265 : memref<1x128xi32, #tpu.memory_space<vmem>> -> memref<128xi32, #tpu.memory_space<vmem>>
        %dma_start3A_267 = arith.constant 0 : i32
        %dma_start3A_268 = tpu.memref_slice %arg18[%dma_start3A_267] : memref<10240xf32, #tpu.memory_space<vmem_shared>> -> memref<10240xf32, #tpu.memory_space<vmem_shared>>
        tpu.enqueue_indirect_dma source(%arg14 : memref<128xf32, #tpu.memory_space<vmem>>) target(%dma_start3A_268 : memref<10240xf32, #tpu.memory_space<vmem_shared>>) offsets(%dma_start3A_266 : memref<128xi32, #tpu.memory_space<vmem>>) semaphore(%run_scoped3A : memref<!tpu.dma_semaphore, #tpu.memory_space<semaphore_mem>>) {add = true}
        %dma_wait3A_269 = arith.constant 0 : i32
        %dma_wait3A_270 = tpu.memref_slice %arg10[%mul3A_241, %dma_wait3A_269] : memref<16x128xi32, #tpu.memory_space<vmem>> -> memref<1x128xi32, #tpu.memory_space<vmem>>
        %dma_wait3A_271 = tpu.memref_squeeze %dma_wait3A_270 : memref<1x128xi32, #tpu.memory_space<vmem>> -> memref<128xi32, #tpu.memory_space<vmem>>
        %dma_wait3A_272 = arith.constant 0 : i32
        %dma_wait3A_273 = tpu.memref_slice %arg18[%dma_wait3A_272] : memref<10240xf32, #tpu.memory_space<vmem_shared>> -> memref<10240xf32, #tpu.memory_space<vmem_shared>>
        tpu.wait_indirect_dma semaphore(%run_scoped3A : memref<!tpu.dma_semaphore, #tpu.memory_space<semaphore_mem>>) src(%arg14 : memref<128xf32, #tpu.memory_space<vmem>>) dst(%dma_wait3A_273 : memref<10240xf32, #tpu.memory_space<vmem_shared>>)
        tpu.yield
      }) : () -> ()
      %lt3A = arith.constant 14 : i32
      %lt3A_247 = arith.cmpi slt, %mul3A_241, %lt3A : i32
      %convert_element_type3A = arith.extui %lt3A_247 : i1 to i32
      %cond3A = arith.constant 0 : i32
      %cond3A_248 = arith.cmpi ne, %convert_element_type3A, %cond3A : i32
      scf.if %cond3A_248 {
        %add3A_264 = arith.constant 2 : i32
        %add3A_265 = arith.addi %mul3A_241, %add3A_264 : i32
        %dma_start3A_266 = arith.constant 0 : i32
        %dma_start3A_267 = tpu.memref_slice %arg9[%add3A_265, %dma_start3A_266] : memref<16x128xi32, #tpu.memory_space<vmem>> -> memref<1x128xi32, #tpu.memory_space<vmem>>
        %dma_start3A_268 = tpu.memref_squeeze %dma_start3A_267 : memref<1x128xi32, #tpu.memory_space<vmem>> -> memref<128xi32, #tpu.memory_space<vmem>>
        %dma_start3A_269 = arith.constant 0 : i32
        %dma_start3A_270 = arith.constant 0 : i32
        %dma_start3A_271 = tpu.memref_slice %arg2[%dma_start3A_269, %dma_start3A_270] : memref<10240x128xf32, #tpu.memory_space<hbm>> -> memref<10240x128xf32, #tpu.memory_space<hbm>>
        tpu.enqueue_indirect_dma source(%dma_start3A_271 : memref<10240x128xf32, #tpu.memory_space<hbm>>) target(%arg11 : memref<128x128xf32, #tpu.memory_space<vmem>>) offsets(%dma_start3A_268 : memref<128xi32, #tpu.memory_space<vmem>>) semaphore(%arg19 : memref<!tpu.dma_semaphore, #tpu.memory_space<semaphore_mem>>)
      } else {
      }
      %mul3A_249 = arith.constant 2 : i32
      %mul3A_250 = arith.muli %mul3A_249, %scan3A_239 : i32
      %add3A_251 = arith.constant 1 : i32
      %add3A_252 = arith.addi %mul3A_250, %add3A_251 : i32
      %dma_wait3A_253 = arith.constant 0 : i32
      %dma_wait3A_254 = tpu.memref_slice %arg9[%add3A_252, %dma_wait3A_253] : memref<16x128xi32, #tpu.memory_space<vmem>> -> memref<1x128xi32, #tpu.memory_space<vmem>>
      %dma_wait3A_255 = tpu.memref_squeeze %dma_wait3A_254 : memref<1x128xi32, #tpu.memory_space<vmem>> -> memref<128xi32, #tpu.memory_space<vmem>>
      %dma_wait3A_256 = arith.constant 0 : i32
      %dma_wait3A_257 = arith.constant 0 : i32
      %dma_wait3A_258 = tpu.memref_slice %arg2[%dma_wait3A_256, %dma_wait3A_257] : memref<10240x128xf32, #tpu.memory_space<hbm>> -> memref<10240x128xf32, #tpu.memory_space<hbm>>
      tpu.wait_indirect_dma semaphore(%arg20 : memref<!tpu.dma_semaphore, #tpu.memory_space<semaphore_mem>>) src(%dma_wait3A_258 : memref<10240x128xf32, #tpu.memory_space<hbm>>) dst(%arg12 : memref<128x128xf32, #tpu.memory_space<vmem>>)
      "tpu.region"() ({
        %run_scoped3A = tpu.sem_alloc : memref<!tpu.dma_semaphore, #tpu.memory_space<semaphore_mem>>
        %dma_start3A_264 = arith.constant 0 : i32
        %dma_start3A_265 = tpu.memref_slice %arg10[%add3A_252, %dma_start3A_264] : memref<16x128xi32, #tpu.memory_space<vmem>> -> memref<1x128xi32, #tpu.memory_space<vmem>>
        %dma_start3A_266 = tpu.memref_squeeze %dma_start3A_265 : memref<1x128xi32, #tpu.memory_space<vmem>> -> memref<128xi32, #tpu.memory_space<vmem>>
        %dma_start3A_267 = arith.constant 0 : i32
        %dma_start3A_268 = arith.constant 0 : i32
        %dma_start3A_269 = tpu.memref_slice %arg17[%dma_start3A_267, %dma_start3A_268] : memref<10240x128xf32, #tpu.memory_space<vmem_shared>> -> memref<10240x128xf32, #tpu.memory_space<vmem_shared>>
        tpu.enqueue_indirect_dma source(%arg12 : memref<128x128xf32, #tpu.memory_space<vmem>>) target(%dma_start3A_269 : memref<10240x128xf32, #tpu.memory_space<vmem_shared>>) offsets(%dma_start3A_266 : memref<128xi32, #tpu.memory_space<vmem>>) semaphore(%run_scoped3A : memref<!tpu.dma_semaphore, #tpu.memory_space<semaphore_mem>>) {add = true}
        %dma_wait3A_270 = arith.constant 0 : i32
        %dma_wait3A_271 = tpu.memref_slice %arg10[%add3A_252, %dma_wait3A_270] : memref<16x128xi32, #tpu.memory_space<vmem>> -> memref<1x128xi32, #tpu.memory_space<vmem>>
        %dma_wait3A_272 = tpu.memref_squeeze %dma_wait3A_271 : memref<1x128xi32, #tpu.memory_space<vmem>> -> memref<128xi32, #tpu.memory_space<vmem>>
        %dma_wait3A_273 = arith.constant 0 : i32
        %dma_wait3A_274 = arith.constant 0 : i32
        %dma_wait3A_275 = tpu.memref_slice %arg17[%dma_wait3A_273, %dma_wait3A_274] : memref<10240x128xf32, #tpu.memory_space<vmem_shared>> -> memref<10240x128xf32, #tpu.memory_space<vmem_shared>>
        tpu.wait_indirect_dma semaphore(%run_scoped3A : memref<!tpu.dma_semaphore, #tpu.memory_space<semaphore_mem>>) src(%arg12 : memref<128x128xf32, #tpu.memory_space<vmem>>) dst(%dma_wait3A_275 : memref<10240x128xf32, #tpu.memory_space<vmem_shared>>)
        tpu.yield
      }) : () -> ()
      "tpu.region"() ({
        %run_scoped3A = tpu.sem_alloc : memref<!tpu.dma_semaphore, #tpu.memory_space<semaphore_mem>>
        %dma_start3A_264 = arith.constant 0 : i32
        %dma_start3A_265 = tpu.memref_slice %arg10[%add3A_252, %dma_start3A_264] : memref<16x128xi32, #tpu.memory_space<vmem>> -> memref<1x128xi32, #tpu.memory_space<vmem>>
        %dma_start3A_266 = tpu.memref_squeeze %dma_start3A_265 : memref<1x128xi32, #tpu.memory_space<vmem>> -> memref<128xi32, #tpu.memory_space<vmem>>
        %dma_start3A_267 = arith.constant 0 : i32
        %dma_start3A_268 = tpu.memref_slice %arg18[%dma_start3A_267] : memref<10240xf32, #tpu.memory_space<vmem_shared>> -> memref<10240xf32, #tpu.memory_space<vmem_shared>>
        tpu.enqueue_indirect_dma source(%arg14 : memref<128xf32, #tpu.memory_space<vmem>>) target(%dma_start3A_268 : memref<10240xf32, #tpu.memory_space<vmem_shared>>) offsets(%dma_start3A_266 : memref<128xi32, #tpu.memory_space<vmem>>) semaphore(%run_scoped3A : memref<!tpu.dma_semaphore, #tpu.memory_space<semaphore_mem>>) {add = true}
        %dma_wait3A_269 = arith.constant 0 : i32
        %dma_wait3A_270 = tpu.memref_slice %arg10[%add3A_252, %dma_wait3A_269] : memref<16x128xi32, #tpu.memory_space<vmem>> -> memref<1x128xi32, #tpu.memory_space<vmem>>
        %dma_wait3A_271 = tpu.memref_squeeze %dma_wait3A_270 : memref<1x128xi32, #tpu.memory_space<vmem>> -> memref<128xi32, #tpu.memory_space<vmem>>
        %dma_wait3A_272 = arith.constant 0 : i32
        %dma_wait3A_273 = tpu.memref_slice %arg18[%dma_wait3A_272] : memref<10240xf32, #tpu.memory_space<vmem_shared>> -> memref<10240xf32, #tpu.memory_space<vmem_shared>>
        tpu.wait_indirect_dma semaphore(%run_scoped3A : memref<!tpu.dma_semaphore, #tpu.memory_space<semaphore_mem>>) src(%arg14 : memref<128xf32, #tpu.memory_space<vmem>>) dst(%dma_wait3A_273 : memref<10240xf32, #tpu.memory_space<vmem_shared>>)
        tpu.yield
      }) : () -> ()
      %lt3A_259 = arith.constant 14 : i32
      %lt3A_260 = arith.cmpi slt, %add3A_252, %lt3A_259 : i32
      %convert_element_type3A_261 = arith.extui %lt3A_260 : i1 to i32
      %cond3A_262 = arith.constant 0 : i32
      %cond3A_263 = arith.cmpi ne, %convert_element_type3A_261, %cond3A_262 : i32
      scf.if %cond3A_263 {
        %add3A_264 = arith.constant 2 : i32
        %add3A_265 = arith.addi %add3A_252, %add3A_264 : i32
        %dma_start3A_266 = arith.constant 0 : i32
        %dma_start3A_267 = tpu.memref_slice %arg9[%add3A_265, %dma_start3A_266] : memref<16x128xi32, #tpu.memory_space<vmem>> -> memref<1x128xi32, #tpu.memory_space<vmem>>
        %dma_start3A_268 = tpu.memref_squeeze %dma_start3A_267 : memref<1x128xi32, #tpu.memory_space<vmem>> -> memref<128xi32, #tpu.memory_space<vmem>>
        %dma_start3A_269 = arith.constant 0 : i32
        %dma_start3A_270 = arith.constant 0 : i32
        %dma_start3A_271 = tpu.memref_slice %arg2[%dma_start3A_269, %dma_start3A_270] : memref<10240x128xf32, #tpu.memory_space<hbm>> -> memref<10240x128xf32, #tpu.memory_space<hbm>>
        tpu.enqueue_indirect_dma source(%dma_start3A_271 : memref<10240x128xf32, #tpu.memory_space<hbm>>) target(%arg12 : memref<128x128xf32, #tpu.memory_space<vmem>>) offsets(%dma_start3A_268 : memref<128xi32, #tpu.memory_space<vmem>>) semaphore(%arg20 : memref<!tpu.dma_semaphore, #tpu.memory_space<semaphore_mem>>)
      } else {
      }
    }
    %scan3A_177 = arith.constant 8 : i32
    "tpu.region"() ({
      %run_scoped3A = tpu.sem_alloc : memref<!tpu.dma_semaphore, #tpu.memory_space<semaphore_mem>>
      %dma_start3A_239 = arith.constant 32 : i32
      %dma_start3A_240 = arith.constant 0 : i32
      %dma_start3A_241 = tpu.memref_slice %arg3[%add3A, %dma_start3A_239, %dma_start3A_240] : memref<32x80x128xi32, #tpu.memory_space<hbm>> -> memref<1x16x128xi32, #tpu.memory_space<hbm>>
      %dma_start3A_242 = tpu.memref_squeeze %dma_start3A_241 : memref<1x16x128xi32, #tpu.memory_space<hbm>> -> memref<16x128xi32, #tpu.memory_space<hbm>>
      %dma_start3A_243 = arith.constant 32 : i32
      %dma_start3A_244 = arith.constant 0 : i32
      %dma_start3A_245 = tpu.memref_slice %arg3[%add3A, %dma_start3A_243, %dma_start3A_244] : memref<32x80x128xi32, #tpu.memory_space<hbm>> -> memref<1x16x128xi32, #tpu.memory_space<hbm>>
      %dma_start3A_246 = tpu.memref_squeeze %dma_start3A_245 : memref<1x16x128xi32, #tpu.memory_space<hbm>> -> memref<16x128xi32, #tpu.memory_space<hbm>>
      tpu.enqueue_dma source(%dma_start3A_246 : memref<16x128xi32, #tpu.memory_space<hbm>>) target(%arg9 : memref<16x128xi32, #tpu.memory_space<vmem>>) target_semaphore(%run_scoped3A : memref<!tpu.dma_semaphore, #tpu.memory_space<semaphore_mem>>)
      %dma_wait3A = arith.constant 32 : i32
      %dma_wait3A_247 = arith.constant 0 : i32
      %dma_wait3A_248 = tpu.memref_slice %arg3[%add3A, %dma_wait3A, %dma_wait3A_247] : memref<32x80x128xi32, #tpu.memory_space<hbm>> -> memref<1x16x128xi32, #tpu.memory_space<hbm>>
      %dma_wait3A_249 = tpu.memref_squeeze %dma_wait3A_248 : memref<1x16x128xi32, #tpu.memory_space<hbm>> -> memref<16x128xi32, #tpu.memory_space<hbm>>
      %dma_wait3A_250 = arith.constant 32 : i32
      %dma_wait3A_251 = arith.constant 0 : i32
      %dma_wait3A_252 = tpu.memref_slice %arg3[%add3A, %dma_wait3A_250, %dma_wait3A_251] : memref<32x80x128xi32, #tpu.memory_space<hbm>> -> memref<1x16x128xi32, #tpu.memory_space<hbm>>
      %dma_wait3A_253 = tpu.memref_squeeze %dma_wait3A_252 : memref<1x16x128xi32, #tpu.memory_space<hbm>> -> memref<16x128xi32, #tpu.memory_space<hbm>>
      tpu.wait_dma2 semaphore(%run_scoped3A : memref<!tpu.dma_semaphore, #tpu.memory_space<semaphore_mem>>) src(%dma_wait3A_253 : memref<16x128xi32, #tpu.memory_space<hbm>>) dst(%arg9 : memref<16x128xi32, #tpu.memory_space<vmem>>)
      tpu.yield
    }) : () -> ()
    "tpu.region"() ({
      %run_scoped3A = tpu.sem_alloc : memref<!tpu.dma_semaphore, #tpu.memory_space<semaphore_mem>>
      %dma_start3A_239 = arith.constant 32 : i32
      %dma_start3A_240 = arith.constant 0 : i32
      %dma_start3A_241 = tpu.memref_slice %arg4[%add3A, %dma_start3A_239, %dma_start3A_240] : memref<32x80x128xi32, #tpu.memory_space<hbm>> -> memref<1x16x128xi32, #tpu.memory_space<hbm>>
      %dma_start3A_242 = tpu.memref_squeeze %dma_start3A_241 : memref<1x16x128xi32, #tpu.memory_space<hbm>> -> memref<16x128xi32, #tpu.memory_space<hbm>>
      %dma_start3A_243 = arith.constant 32 : i32
      %dma_start3A_244 = arith.constant 0 : i32
      %dma_start3A_245 = tpu.memref_slice %arg4[%add3A, %dma_start3A_243, %dma_start3A_244] : memref<32x80x128xi32, #tpu.memory_space<hbm>> -> memref<1x16x128xi32, #tpu.memory_space<hbm>>
      %dma_start3A_246 = tpu.memref_squeeze %dma_start3A_245 : memref<1x16x128xi32, #tpu.memory_space<hbm>> -> memref<16x128xi32, #tpu.memory_space<hbm>>
      tpu.enqueue_dma source(%dma_start3A_246 : memref<16x128xi32, #tpu.memory_space<hbm>>) target(%arg10 : memref<16x128xi32, #tpu.memory_space<vmem>>) target_semaphore(%run_scoped3A : memref<!tpu.dma_semaphore, #tpu.memory_space<semaphore_mem>>)
      %dma_wait3A = arith.constant 32 : i32
      %dma_wait3A_247 = arith.constant 0 : i32
      %dma_wait3A_248 = tpu.memref_slice %arg4[%add3A, %dma_wait3A, %dma_wait3A_247] : memref<32x80x128xi32, #tpu.memory_space<hbm>> -> memref<1x16x128xi32, #tpu.memory_space<hbm>>
      %dma_wait3A_249 = tpu.memref_squeeze %dma_wait3A_248 : memref<1x16x128xi32, #tpu.memory_space<hbm>> -> memref<16x128xi32, #tpu.memory_space<hbm>>
      %dma_wait3A_250 = arith.constant 32 : i32
      %dma_wait3A_251 = arith.constant 0 : i32
      %dma_wait3A_252 = tpu.memref_slice %arg4[%add3A, %dma_wait3A_250, %dma_wait3A_251] : memref<32x80x128xi32, #tpu.memory_space<hbm>> -> memref<1x16x128xi32, #tpu.memory_space<hbm>>
      %dma_wait3A_253 = tpu.memref_squeeze %dma_wait3A_252 : memref<1x16x128xi32, #tpu.memory_space<hbm>> -> memref<16x128xi32, #tpu.memory_space<hbm>>
      tpu.wait_dma2 semaphore(%run_scoped3A : memref<!tpu.dma_semaphore, #tpu.memory_space<semaphore_mem>>) src(%dma_wait3A_253 : memref<16x128xi32, #tpu.memory_space<hbm>>) dst(%arg10 : memref<16x128xi32, #tpu.memory_space<vmem>>)
      tpu.yield
    }) : () -> ()
    %dma_start3A_178 = arith.constant 0 : i32
    %dma_start3A_179 = arith.constant 0 : i32
    %dma_start3A_180 = tpu.memref_slice %arg9[%dma_start3A_178, %dma_start3A_179] : memref<16x128xi32, #tpu.memory_space<vmem>> -> memref<1x128xi32, #tpu.memory_space<vmem>>
    %dma_start3A_181 = tpu.memref_squeeze %dma_start3A_180 : memref<1x128xi32, #tpu.memory_space<vmem>> -> memref<128xi32, #tpu.memory_space<vmem>>
    %dma_start3A_182 = arith.constant 0 : i32
    %dma_start3A_183 = arith.constant 0 : i32
    %dma_start3A_184 = tpu.memref_slice %arg2[%dma_start3A_182, %dma_start3A_183] : memref<10240x128xf32, #tpu.memory_space<hbm>> -> memref<10240x128xf32, #tpu.memory_space<hbm>>
    tpu.enqueue_indirect_dma source(%dma_start3A_184 : memref<10240x128xf32, #tpu.memory_space<hbm>>) target(%arg11 : memref<128x128xf32, #tpu.memory_space<vmem>>) offsets(%dma_start3A_181 : memref<128xi32, #tpu.memory_space<vmem>>) semaphore(%arg19 : memref<!tpu.dma_semaphore, #tpu.memory_space<semaphore_mem>>)
    %dma_start3A_185 = arith.constant 1 : i32
    %dma_start3A_186 = arith.constant 0 : i32
    %dma_start3A_187 = tpu.memref_slice %arg9[%dma_start3A_185, %dma_start3A_186] : memref<16x128xi32, #tpu.memory_space<vmem>> -> memref<1x128xi32, #tpu.memory_space<vmem>>
    %dma_start3A_188 = tpu.memref_squeeze %dma_start3A_187 : memref<1x128xi32, #tpu.memory_space<vmem>> -> memref<128xi32, #tpu.memory_space<vmem>>
    %dma_start3A_189 = arith.constant 0 : i32
    %dma_start3A_190 = arith.constant 0 : i32
    %dma_start3A_191 = tpu.memref_slice %arg2[%dma_start3A_189, %dma_start3A_190] : memref<10240x128xf32, #tpu.memory_space<hbm>> -> memref<10240x128xf32, #tpu.memory_space<hbm>>
    tpu.enqueue_indirect_dma source(%dma_start3A_191 : memref<10240x128xf32, #tpu.memory_space<hbm>>) target(%arg12 : memref<128x128xf32, #tpu.memory_space<vmem>>) offsets(%dma_start3A_188 : memref<128xi32, #tpu.memory_space<vmem>>) semaphore(%arg20 : memref<!tpu.dma_semaphore, #tpu.memory_space<semaphore_mem>>)
    %scan3A_192 = arith.constant 0 : i32
    %scan3A_193 = arith.constant 0 : i32
    %scan3A_194 = arith.constant 8 : i32
    %scan3A_195 = arith.addi %scan3A_193, %scan3A_194 : i32
    %scan3A_196 = arith.constant 1 : i32
    scf.for %scan3A_239 = %scan3A_193 to %scan3A_195 step %scan3A_196  : i32 {
      %mul3A_240 = arith.constant 2 : i32
      %mul3A_241 = arith.muli %mul3A_240, %scan3A_239 : i32
      %dma_wait3A = arith.constant 0 : i32
      %dma_wait3A_242 = tpu.memref_slice %arg9[%mul3A_241, %dma_wait3A] : memref<16x128xi32, #tpu.memory_space<vmem>> -> memref<1x128xi32, #tpu.memory_space<vmem>>
      %dma_wait3A_243 = tpu.memref_squeeze %dma_wait3A_242 : memref<1x128xi32, #tpu.memory_space<vmem>> -> memref<128xi32, #tpu.memory_space<vmem>>
      %dma_wait3A_244 = arith.constant 0 : i32
      %dma_wait3A_245 = arith.constant 0 : i32
      %dma_wait3A_246 = tpu.memref_slice %arg2[%dma_wait3A_244, %dma_wait3A_245] : memref<10240x128xf32, #tpu.memory_space<hbm>> -> memref<10240x128xf32, #tpu.memory_space<hbm>>
      tpu.wait_indirect_dma semaphore(%arg19 : memref<!tpu.dma_semaphore, #tpu.memory_space<semaphore_mem>>) src(%dma_wait3A_246 : memref<10240x128xf32, #tpu.memory_space<hbm>>) dst(%arg11 : memref<128x128xf32, #tpu.memory_space<vmem>>)
      "tpu.region"() ({
        %run_scoped3A = tpu.sem_alloc : memref<!tpu.dma_semaphore, #tpu.memory_space<semaphore_mem>>
        %dma_start3A_264 = arith.constant 0 : i32
        %dma_start3A_265 = tpu.memref_slice %arg10[%mul3A_241, %dma_start3A_264] : memref<16x128xi32, #tpu.memory_space<vmem>> -> memref<1x128xi32, #tpu.memory_space<vmem>>
        %dma_start3A_266 = tpu.memref_squeeze %dma_start3A_265 : memref<1x128xi32, #tpu.memory_space<vmem>> -> memref<128xi32, #tpu.memory_space<vmem>>
        %dma_start3A_267 = arith.constant 0 : i32
        %dma_start3A_268 = arith.constant 0 : i32
        %dma_start3A_269 = tpu.memref_slice %arg17[%dma_start3A_267, %dma_start3A_268] : memref<10240x128xf32, #tpu.memory_space<vmem_shared>> -> memref<10240x128xf32, #tpu.memory_space<vmem_shared>>
        tpu.enqueue_indirect_dma source(%arg11 : memref<128x128xf32, #tpu.memory_space<vmem>>) target(%dma_start3A_269 : memref<10240x128xf32, #tpu.memory_space<vmem_shared>>) offsets(%dma_start3A_266 : memref<128xi32, #tpu.memory_space<vmem>>) semaphore(%run_scoped3A : memref<!tpu.dma_semaphore, #tpu.memory_space<semaphore_mem>>) {add = true}
        %dma_wait3A_270 = arith.constant 0 : i32
        %dma_wait3A_271 = tpu.memref_slice %arg10[%mul3A_241, %dma_wait3A_270] : memref<16x128xi32, #tpu.memory_space<vmem>> -> memref<1x128xi32, #tpu.memory_space<vmem>>
        %dma_wait3A_272 = tpu.memref_squeeze %dma_wait3A_271 : memref<1x128xi32, #tpu.memory_space<vmem>> -> memref<128xi32, #tpu.memory_space<vmem>>
        %dma_wait3A_273 = arith.constant 0 : i32
        %dma_wait3A_274 = arith.constant 0 : i32
        %dma_wait3A_275 = tpu.memref_slice %arg17[%dma_wait3A_273, %dma_wait3A_274] : memref<10240x128xf32, #tpu.memory_space<vmem_shared>> -> memref<10240x128xf32, #tpu.memory_space<vmem_shared>>
        tpu.wait_indirect_dma semaphore(%run_scoped3A : memref<!tpu.dma_semaphore, #tpu.memory_space<semaphore_mem>>) src(%arg11 : memref<128x128xf32, #tpu.memory_space<vmem>>) dst(%dma_wait3A_275 : memref<10240x128xf32, #tpu.memory_space<vmem_shared>>)
        tpu.yield
      }) : () -> ()
      "tpu.region"() ({
        %run_scoped3A = tpu.sem_alloc : memref<!tpu.dma_semaphore, #tpu.memory_space<semaphore_mem>>
        %dma_start3A_264 = arith.constant 0 : i32
        %dma_start3A_265 = tpu.memref_slice %arg10[%mul3A_241, %dma_start3A_264] : memref<16x128xi32, #tpu.memory_space<vmem>> -> memref<1x128xi32, #tpu.memory_space<vmem>>
        %dma_start3A_266 = tpu.memref_squeeze %dma_start3A_265 : memref<1x128xi32, #tpu.memory_space<vmem>> -> memref<128xi32, #tpu.memory_space<vmem>>
        %dma_start3A_267 = arith.constant 0 : i32
        %dma_start3A_268 = tpu.memref_slice %arg18[%dma_start3A_267] : memref<10240xf32, #tpu.memory_space<vmem_shared>> -> memref<10240xf32, #tpu.memory_space<vmem_shared>>
        tpu.enqueue_indirect_dma source(%arg14 : memref<128xf32, #tpu.memory_space<vmem>>) target(%dma_start3A_268 : memref<10240xf32, #tpu.memory_space<vmem_shared>>) offsets(%dma_start3A_266 : memref<128xi32, #tpu.memory_space<vmem>>) semaphore(%run_scoped3A : memref<!tpu.dma_semaphore, #tpu.memory_space<semaphore_mem>>) {add = true}
        %dma_wait3A_269 = arith.constant 0 : i32
        %dma_wait3A_270 = tpu.memref_slice %arg10[%mul3A_241, %dma_wait3A_269] : memref<16x128xi32, #tpu.memory_space<vmem>> -> memref<1x128xi32, #tpu.memory_space<vmem>>
        %dma_wait3A_271 = tpu.memref_squeeze %dma_wait3A_270 : memref<1x128xi32, #tpu.memory_space<vmem>> -> memref<128xi32, #tpu.memory_space<vmem>>
        %dma_wait3A_272 = arith.constant 0 : i32
        %dma_wait3A_273 = tpu.memref_slice %arg18[%dma_wait3A_272] : memref<10240xf32, #tpu.memory_space<vmem_shared>> -> memref<10240xf32, #tpu.memory_space<vmem_shared>>
        tpu.wait_indirect_dma semaphore(%run_scoped3A : memref<!tpu.dma_semaphore, #tpu.memory_space<semaphore_mem>>) src(%arg14 : memref<128xf32, #tpu.memory_space<vmem>>) dst(%dma_wait3A_273 : memref<10240xf32, #tpu.memory_space<vmem_shared>>)
        tpu.yield
      }) : () -> ()
      %lt3A = arith.constant 14 : i32
      %lt3A_247 = arith.cmpi slt, %mul3A_241, %lt3A : i32
      %convert_element_type3A = arith.extui %lt3A_247 : i1 to i32
      %cond3A = arith.constant 0 : i32
      %cond3A_248 = arith.cmpi ne, %convert_element_type3A, %cond3A : i32
      scf.if %cond3A_248 {
        %add3A_264 = arith.constant 2 : i32
        %add3A_265 = arith.addi %mul3A_241, %add3A_264 : i32
        %dma_start3A_266 = arith.constant 0 : i32
        %dma_start3A_267 = tpu.memref_slice %arg9[%add3A_265, %dma_start3A_266] : memref<16x128xi32, #tpu.memory_space<vmem>> -> memref<1x128xi32, #tpu.memory_space<vmem>>
        %dma_start3A_268 = tpu.memref_squeeze %dma_start3A_267 : memref<1x128xi32, #tpu.memory_space<vmem>> -> memref<128xi32, #tpu.memory_space<vmem>>
        %dma_start3A_269 = arith.constant 0 : i32
        %dma_start3A_270 = arith.constant 0 : i32
        %dma_start3A_271 = tpu.memref_slice %arg2[%dma_start3A_269, %dma_start3A_270] : memref<10240x128xf32, #tpu.memory_space<hbm>> -> memref<10240x128xf32, #tpu.memory_space<hbm>>
        tpu.enqueue_indirect_dma source(%dma_start3A_271 : memref<10240x128xf32, #tpu.memory_space<hbm>>) target(%arg11 : memref<128x128xf32, #tpu.memory_space<vmem>>) offsets(%dma_start3A_268 : memref<128xi32, #tpu.memory_space<vmem>>) semaphore(%arg19 : memref<!tpu.dma_semaphore, #tpu.memory_space<semaphore_mem>>)
      } else {
      }
      %mul3A_249 = arith.constant 2 : i32
      %mul3A_250 = arith.muli %mul3A_249, %scan3A_239 : i32
      %add3A_251 = arith.constant 1 : i32
      %add3A_252 = arith.addi %mul3A_250, %add3A_251 : i32
      %dma_wait3A_253 = arith.constant 0 : i32
      %dma_wait3A_254 = tpu.memref_slice %arg9[%add3A_252, %dma_wait3A_253] : memref<16x128xi32, #tpu.memory_space<vmem>> -> memref<1x128xi32, #tpu.memory_space<vmem>>
      %dma_wait3A_255 = tpu.memref_squeeze %dma_wait3A_254 : memref<1x128xi32, #tpu.memory_space<vmem>> -> memref<128xi32, #tpu.memory_space<vmem>>
      %dma_wait3A_256 = arith.constant 0 : i32
      %dma_wait3A_257 = arith.constant 0 : i32
      %dma_wait3A_258 = tpu.memref_slice %arg2[%dma_wait3A_256, %dma_wait3A_257] : memref<10240x128xf32, #tpu.memory_space<hbm>> -> memref<10240x128xf32, #tpu.memory_space<hbm>>
      tpu.wait_indirect_dma semaphore(%arg20 : memref<!tpu.dma_semaphore, #tpu.memory_space<semaphore_mem>>) src(%dma_wait3A_258 : memref<10240x128xf32, #tpu.memory_space<hbm>>) dst(%arg12 : memref<128x128xf32, #tpu.memory_space<vmem>>)
      "tpu.region"() ({
        %run_scoped3A = tpu.sem_alloc : memref<!tpu.dma_semaphore, #tpu.memory_space<semaphore_mem>>
        %dma_start3A_264 = arith.constant 0 : i32
        %dma_start3A_265 = tpu.memref_slice %arg10[%add3A_252, %dma_start3A_264] : memref<16x128xi32, #tpu.memory_space<vmem>> -> memref<1x128xi32, #tpu.memory_space<vmem>>
        %dma_start3A_266 = tpu.memref_squeeze %dma_start3A_265 : memref<1x128xi32, #tpu.memory_space<vmem>> -> memref<128xi32, #tpu.memory_space<vmem>>
        %dma_start3A_267 = arith.constant 0 : i32
        %dma_start3A_268 = arith.constant 0 : i32
        %dma_start3A_269 = tpu.memref_slice %arg17[%dma_start3A_267, %dma_start3A_268] : memref<10240x128xf32, #tpu.memory_space<vmem_shared>> -> memref<10240x128xf32, #tpu.memory_space<vmem_shared>>
        tpu.enqueue_indirect_dma source(%arg12 : memref<128x128xf32, #tpu.memory_space<vmem>>) target(%dma_start3A_269 : memref<10240x128xf32, #tpu.memory_space<vmem_shared>>) offsets(%dma_start3A_266 : memref<128xi32, #tpu.memory_space<vmem>>) semaphore(%run_scoped3A : memref<!tpu.dma_semaphore, #tpu.memory_space<semaphore_mem>>) {add = true}
        %dma_wait3A_270 = arith.constant 0 : i32
        %dma_wait3A_271 = tpu.memref_slice %arg10[%add3A_252, %dma_wait3A_270] : memref<16x128xi32, #tpu.memory_space<vmem>> -> memref<1x128xi32, #tpu.memory_space<vmem>>
        %dma_wait3A_272 = tpu.memref_squeeze %dma_wait3A_271 : memref<1x128xi32, #tpu.memory_space<vmem>> -> memref<128xi32, #tpu.memory_space<vmem>>
        %dma_wait3A_273 = arith.constant 0 : i32
        %dma_wait3A_274 = arith.constant 0 : i32
        %dma_wait3A_275 = tpu.memref_slice %arg17[%dma_wait3A_273, %dma_wait3A_274] : memref<10240x128xf32, #tpu.memory_space<vmem_shared>> -> memref<10240x128xf32, #tpu.memory_space<vmem_shared>>
        tpu.wait_indirect_dma semaphore(%run_scoped3A : memref<!tpu.dma_semaphore, #tpu.memory_space<semaphore_mem>>) src(%arg12 : memref<128x128xf32, #tpu.memory_space<vmem>>) dst(%dma_wait3A_275 : memref<10240x128xf32, #tpu.memory_space<vmem_shared>>)
        tpu.yield
      }) : () -> ()
      "tpu.region"() ({
        %run_scoped3A = tpu.sem_alloc : memref<!tpu.dma_semaphore, #tpu.memory_space<semaphore_mem>>
        %dma_start3A_264 = arith.constant 0 : i32
        %dma_start3A_265 = tpu.memref_slice %arg10[%add3A_252, %dma_start3A_264] : memref<16x128xi32, #tpu.memory_space<vmem>> -> memref<1x128xi32, #tpu.memory_space<vmem>>
        %dma_start3A_266 = tpu.memref_squeeze %dma_start3A_265 : memref<1x128xi32, #tpu.memory_space<vmem>> -> memref<128xi32, #tpu.memory_space<vmem>>
        %dma_start3A_267 = arith.constant 0 : i32
        %dma_start3A_268 = tpu.memref_slice %arg18[%dma_start3A_267] : memref<10240xf32, #tpu.memory_space<vmem_shared>> -> memref<10240xf32, #tpu.memory_space<vmem_shared>>
        tpu.enqueue_indirect_dma source(%arg14 : memref<128xf32, #tpu.memory_space<vmem>>) target(%dma_start3A_268 : memref<10240xf32, #tpu.memory_space<vmem_shared>>) offsets(%dma_start3A_266 : memref<128xi32, #tpu.memory_space<vmem>>) semaphore(%run_scoped3A : memref<!tpu.dma_semaphore, #tpu.memory_space<semaphore_mem>>) {add = true}
        %dma_wait3A_269 = arith.constant 0 : i32
        %dma_wait3A_270 = tpu.memref_slice %arg10[%add3A_252, %dma_wait3A_269] : memref<16x128xi32, #tpu.memory_space<vmem>> -> memref<1x128xi32, #tpu.memory_space<vmem>>
        %dma_wait3A_271 = tpu.memref_squeeze %dma_wait3A_270 : memref<1x128xi32, #tpu.memory_space<vmem>> -> memref<128xi32, #tpu.memory_space<vmem>>
        %dma_wait3A_272 = arith.constant 0 : i32
        %dma_wait3A_273 = tpu.memref_slice %arg18[%dma_wait3A_272] : memref<10240xf32, #tpu.memory_space<vmem_shared>> -> memref<10240xf32, #tpu.memory_space<vmem_shared>>
        tpu.wait_indirect_dma semaphore(%run_scoped3A : memref<!tpu.dma_semaphore, #tpu.memory_space<semaphore_mem>>) src(%arg14 : memref<128xf32, #tpu.memory_space<vmem>>) dst(%dma_wait3A_273 : memref<10240xf32, #tpu.memory_space<vmem_shared>>)
        tpu.yield
      }) : () -> ()
      %lt3A_259 = arith.constant 14 : i32
      %lt3A_260 = arith.cmpi slt, %add3A_252, %lt3A_259 : i32
      %convert_element_type3A_261 = arith.extui %lt3A_260 : i1 to i32
      %cond3A_262 = arith.constant 0 : i32
      %cond3A_263 = arith.cmpi ne, %convert_element_type3A_261, %cond3A_262 : i32
      scf.if %cond3A_263 {
        %add3A_264 = arith.constant 2 : i32
        %add3A_265 = arith.addi %add3A_252, %add3A_264 : i32
        %dma_start3A_266 = arith.constant 0 : i32
        %dma_start3A_267 = tpu.memref_slice %arg9[%add3A_265, %dma_start3A_266] : memref<16x128xi32, #tpu.memory_space<vmem>> -> memref<1x128xi32, #tpu.memory_space<vmem>>
        %dma_start3A_268 = tpu.memref_squeeze %dma_start3A_267 : memref<1x128xi32, #tpu.memory_space<vmem>> -> memref<128xi32, #tpu.memory_space<vmem>>
        %dma_start3A_269 = arith.constant 0 : i32
        %dma_start3A_270 = arith.constant 0 : i32
        %dma_start3A_271 = tpu.memref_slice %arg2[%dma_start3A_269, %dma_start3A_270] : memref<10240x128xf32, #tpu.memory_space<hbm>> -> memref<10240x128xf32, #tpu.memory_space<hbm>>
        tpu.enqueue_indirect_dma source(%dma_start3A_271 : memref<10240x128xf32, #tpu.memory_space<hbm>>) target(%arg12 : memref<128x128xf32, #tpu.memory_space<vmem>>) offsets(%dma_start3A_268 : memref<128xi32, #tpu.memory_space<vmem>>) semaphore(%arg20 : memref<!tpu.dma_semaphore, #tpu.memory_space<semaphore_mem>>)
      } else {
      }
    }
    %scan3A_197 = arith.constant 8 : i32
    "tpu.region"() ({
      %run_scoped3A = tpu.sem_alloc : memref<!tpu.dma_semaphore, #tpu.memory_space<semaphore_mem>>
      %dma_start3A_239 = arith.constant 48 : i32
      %dma_start3A_240 = arith.constant 0 : i32
      %dma_start3A_241 = tpu.memref_slice %arg3[%add3A, %dma_start3A_239, %dma_start3A_240] : memref<32x80x128xi32, #tpu.memory_space<hbm>> -> memref<1x16x128xi32, #tpu.memory_space<hbm>>
      %dma_start3A_242 = tpu.memref_squeeze %dma_start3A_241 : memref<1x16x128xi32, #tpu.memory_space<hbm>> -> memref<16x128xi32, #tpu.memory_space<hbm>>
      %dma_start3A_243 = arith.constant 48 : i32
      %dma_start3A_244 = arith.constant 0 : i32
      %dma_start3A_245 = tpu.memref_slice %arg3[%add3A, %dma_start3A_243, %dma_start3A_244] : memref<32x80x128xi32, #tpu.memory_space<hbm>> -> memref<1x16x128xi32, #tpu.memory_space<hbm>>
      %dma_start3A_246 = tpu.memref_squeeze %dma_start3A_245 : memref<1x16x128xi32, #tpu.memory_space<hbm>> -> memref<16x128xi32, #tpu.memory_space<hbm>>
      tpu.enqueue_dma source(%dma_start3A_246 : memref<16x128xi32, #tpu.memory_space<hbm>>) target(%arg9 : memref<16x128xi32, #tpu.memory_space<vmem>>) target_semaphore(%run_scoped3A : memref<!tpu.dma_semaphore, #tpu.memory_space<semaphore_mem>>)
      %dma_wait3A = arith.constant 48 : i32
      %dma_wait3A_247 = arith.constant 0 : i32
      %dma_wait3A_248 = tpu.memref_slice %arg3[%add3A, %dma_wait3A, %dma_wait3A_247] : memref<32x80x128xi32, #tpu.memory_space<hbm>> -> memref<1x16x128xi32, #tpu.memory_space<hbm>>
      %dma_wait3A_249 = tpu.memref_squeeze %dma_wait3A_248 : memref<1x16x128xi32, #tpu.memory_space<hbm>> -> memref<16x128xi32, #tpu.memory_space<hbm>>
      %dma_wait3A_250 = arith.constant 48 : i32
      %dma_wait3A_251 = arith.constant 0 : i32
      %dma_wait3A_252 = tpu.memref_slice %arg3[%add3A, %dma_wait3A_250, %dma_wait3A_251] : memref<32x80x128xi32, #tpu.memory_space<hbm>> -> memref<1x16x128xi32, #tpu.memory_space<hbm>>
      %dma_wait3A_253 = tpu.memref_squeeze %dma_wait3A_252 : memref<1x16x128xi32, #tpu.memory_space<hbm>> -> memref<16x128xi32, #tpu.memory_space<hbm>>
      tpu.wait_dma2 semaphore(%run_scoped3A : memref<!tpu.dma_semaphore, #tpu.memory_space<semaphore_mem>>) src(%dma_wait3A_253 : memref<16x128xi32, #tpu.memory_space<hbm>>) dst(%arg9 : memref<16x128xi32, #tpu.memory_space<vmem>>)
      tpu.yield
    }) : () -> ()
    "tpu.region"() ({
      %run_scoped3A = tpu.sem_alloc : memref<!tpu.dma_semaphore, #tpu.memory_space<semaphore_mem>>
      %dma_start3A_239 = arith.constant 48 : i32
      %dma_start3A_240 = arith.constant 0 : i32
      %dma_start3A_241 = tpu.memref_slice %arg4[%add3A, %dma_start3A_239, %dma_start3A_240] : memref<32x80x128xi32, #tpu.memory_space<hbm>> -> memref<1x16x128xi32, #tpu.memory_space<hbm>>
      %dma_start3A_242 = tpu.memref_squeeze %dma_start3A_241 : memref<1x16x128xi32, #tpu.memory_space<hbm>> -> memref<16x128xi32, #tpu.memory_space<hbm>>
      %dma_start3A_243 = arith.constant 48 : i32
      %dma_start3A_244 = arith.constant 0 : i32
      %dma_start3A_245 = tpu.memref_slice %arg4[%add3A, %dma_start3A_243, %dma_start3A_244] : memref<32x80x128xi32, #tpu.memory_space<hbm>> -> memref<1x16x128xi32, #tpu.memory_space<hbm>>
      %dma_start3A_246 = tpu.memref_squeeze %dma_start3A_245 : memref<1x16x128xi32, #tpu.memory_space<hbm>> -> memref<16x128xi32, #tpu.memory_space<hbm>>
      tpu.enqueue_dma source(%dma_start3A_246 : memref<16x128xi32, #tpu.memory_space<hbm>>) target(%arg10 : memref<16x128xi32, #tpu.memory_space<vmem>>) target_semaphore(%run_scoped3A : memref<!tpu.dma_semaphore, #tpu.memory_space<semaphore_mem>>)
      %dma_wait3A = arith.constant 48 : i32
      %dma_wait3A_247 = arith.constant 0 : i32
      %dma_wait3A_248 = tpu.memref_slice %arg4[%add3A, %dma_wait3A, %dma_wait3A_247] : memref<32x80x128xi32, #tpu.memory_space<hbm>> -> memref<1x16x128xi32, #tpu.memory_space<hbm>>
      %dma_wait3A_249 = tpu.memref_squeeze %dma_wait3A_248 : memref<1x16x128xi32, #tpu.memory_space<hbm>> -> memref<16x128xi32, #tpu.memory_space<hbm>>
      %dma_wait3A_250 = arith.constant 48 : i32
      %dma_wait3A_251 = arith.constant 0 : i32
      %dma_wait3A_252 = tpu.memref_slice %arg4[%add3A, %dma_wait3A_250, %dma_wait3A_251] : memref<32x80x128xi32, #tpu.memory_space<hbm>> -> memref<1x16x128xi32, #tpu.memory_space<hbm>>
      %dma_wait3A_253 = tpu.memref_squeeze %dma_wait3A_252 : memref<1x16x128xi32, #tpu.memory_space<hbm>> -> memref<16x128xi32, #tpu.memory_space<hbm>>
      tpu.wait_dma2 semaphore(%run_scoped3A : memref<!tpu.dma_semaphore, #tpu.memory_space<semaphore_mem>>) src(%dma_wait3A_253 : memref<16x128xi32, #tpu.memory_space<hbm>>) dst(%arg10 : memref<16x128xi32, #tpu.memory_space<vmem>>)
      tpu.yield
    }) : () -> ()
    %dma_start3A_198 = arith.constant 0 : i32
    %dma_start3A_199 = arith.constant 0 : i32
    %dma_start3A_200 = tpu.memref_slice %arg9[%dma_start3A_198, %dma_start3A_199] : memref<16x128xi32, #tpu.memory_space<vmem>> -> memref<1x128xi32, #tpu.memory_space<vmem>>
    %dma_start3A_201 = tpu.memref_squeeze %dma_start3A_200 : memref<1x128xi32, #tpu.memory_space<vmem>> -> memref<128xi32, #tpu.memory_space<vmem>>
    %dma_start3A_202 = arith.constant 0 : i32
    %dma_start3A_203 = arith.constant 0 : i32
    %dma_start3A_204 = tpu.memref_slice %arg2[%dma_start3A_202, %dma_start3A_203] : memref<10240x128xf32, #tpu.memory_space<hbm>> -> memref<10240x128xf32, #tpu.memory_space<hbm>>
    tpu.enqueue_indirect_dma source(%dma_start3A_204 : memref<10240x128xf32, #tpu.memory_space<hbm>>) target(%arg11 : memref<128x128xf32, #tpu.memory_space<vmem>>) offsets(%dma_start3A_201 : memref<128xi32, #tpu.memory_space<vmem>>) semaphore(%arg19 : memref<!tpu.dma_semaphore, #tpu.memory_space<semaphore_mem>>)
    %dma_start3A_205 = arith.constant 1 : i32
    %dma_start3A_206 = arith.constant 0 : i32
    %dma_start3A_207 = tpu.memref_slice %arg9[%dma_start3A_205, %dma_start3A_206] : memref<16x128xi32, #tpu.memory_space<vmem>> -> memref<1x128xi32, #tpu.memory_space<vmem>>
    %dma_start3A_208 = tpu.memref_squeeze %dma_start3A_207 : memref<1x128xi32, #tpu.memory_space<vmem>> -> memref<128xi32, #tpu.memory_space<vmem>>
    %dma_start3A_209 = arith.constant 0 : i32
    %dma_start3A_210 = arith.constant 0 : i32
    %dma_start3A_211 = tpu.memref_slice %arg2[%dma_start3A_209, %dma_start3A_210] : memref<10240x128xf32, #tpu.memory_space<hbm>> -> memref<10240x128xf32, #tpu.memory_space<hbm>>
    tpu.enqueue_indirect_dma source(%dma_start3A_211 : memref<10240x128xf32, #tpu.memory_space<hbm>>) target(%arg12 : memref<128x128xf32, #tpu.memory_space<vmem>>) offsets(%dma_start3A_208 : memref<128xi32, #tpu.memory_space<vmem>>) semaphore(%arg20 : memref<!tpu.dma_semaphore, #tpu.memory_space<semaphore_mem>>)
    %scan3A_212 = arith.constant 0 : i32
    %scan3A_213 = arith.constant 0 : i32
    %scan3A_214 = arith.constant 8 : i32
    %scan3A_215 = arith.addi %scan3A_213, %scan3A_214 : i32
    %scan3A_216 = arith.constant 1 : i32
    scf.for %scan3A_239 = %scan3A_213 to %scan3A_215 step %scan3A_216  : i32 {
      %mul3A_240 = arith.constant 2 : i32
      %mul3A_241 = arith.muli %mul3A_240, %scan3A_239 : i32
      %dma_wait3A = arith.constant 0 : i32
      %dma_wait3A_242 = tpu.memref_slice %arg9[%mul3A_241, %dma_wait3A] : memref<16x128xi32, #tpu.memory_space<vmem>> -> memref<1x128xi32, #tpu.memory_space<vmem>>
      %dma_wait3A_243 = tpu.memref_squeeze %dma_wait3A_242 : memref<1x128xi32, #tpu.memory_space<vmem>> -> memref<128xi32, #tpu.memory_space<vmem>>
      %dma_wait3A_244 = arith.constant 0 : i32
      %dma_wait3A_245 = arith.constant 0 : i32
      %dma_wait3A_246 = tpu.memref_slice %arg2[%dma_wait3A_244, %dma_wait3A_245] : memref<10240x128xf32, #tpu.memory_space<hbm>> -> memref<10240x128xf32, #tpu.memory_space<hbm>>
      tpu.wait_indirect_dma semaphore(%arg19 : memref<!tpu.dma_semaphore, #tpu.memory_space<semaphore_mem>>) src(%dma_wait3A_246 : memref<10240x128xf32, #tpu.memory_space<hbm>>) dst(%arg11 : memref<128x128xf32, #tpu.memory_space<vmem>>)
      "tpu.region"() ({
        %run_scoped3A = tpu.sem_alloc : memref<!tpu.dma_semaphore, #tpu.memory_space<semaphore_mem>>
        %dma_start3A_264 = arith.constant 0 : i32
        %dma_start3A_265 = tpu.memref_slice %arg10[%mul3A_241, %dma_start3A_264] : memref<16x128xi32, #tpu.memory_space<vmem>> -> memref<1x128xi32, #tpu.memory_space<vmem>>
        %dma_start3A_266 = tpu.memref_squeeze %dma_start3A_265 : memref<1x128xi32, #tpu.memory_space<vmem>> -> memref<128xi32, #tpu.memory_space<vmem>>
        %dma_start3A_267 = arith.constant 0 : i32
        %dma_start3A_268 = arith.constant 0 : i32
        %dma_start3A_269 = tpu.memref_slice %arg17[%dma_start3A_267, %dma_start3A_268] : memref<10240x128xf32, #tpu.memory_space<vmem_shared>> -> memref<10240x128xf32, #tpu.memory_space<vmem_shared>>
        tpu.enqueue_indirect_dma source(%arg11 : memref<128x128xf32, #tpu.memory_space<vmem>>) target(%dma_start3A_269 : memref<10240x128xf32, #tpu.memory_space<vmem_shared>>) offsets(%dma_start3A_266 : memref<128xi32, #tpu.memory_space<vmem>>) semaphore(%run_scoped3A : memref<!tpu.dma_semaphore, #tpu.memory_space<semaphore_mem>>) {add = true}
        %dma_wait3A_270 = arith.constant 0 : i32
        %dma_wait3A_271 = tpu.memref_slice %arg10[%mul3A_241, %dma_wait3A_270] : memref<16x128xi32, #tpu.memory_space<vmem>> -> memref<1x128xi32, #tpu.memory_space<vmem>>
        %dma_wait3A_272 = tpu.memref_squeeze %dma_wait3A_271 : memref<1x128xi32, #tpu.memory_space<vmem>> -> memref<128xi32, #tpu.memory_space<vmem>>
        %dma_wait3A_273 = arith.constant 0 : i32
        %dma_wait3A_274 = arith.constant 0 : i32
        %dma_wait3A_275 = tpu.memref_slice %arg17[%dma_wait3A_273, %dma_wait3A_274] : memref<10240x128xf32, #tpu.memory_space<vmem_shared>> -> memref<10240x128xf32, #tpu.memory_space<vmem_shared>>
        tpu.wait_indirect_dma semaphore(%run_scoped3A : memref<!tpu.dma_semaphore, #tpu.memory_space<semaphore_mem>>) src(%arg11 : memref<128x128xf32, #tpu.memory_space<vmem>>) dst(%dma_wait3A_275 : memref<10240x128xf32, #tpu.memory_space<vmem_shared>>)
        tpu.yield
      }) : () -> ()
      "tpu.region"() ({
        %run_scoped3A = tpu.sem_alloc : memref<!tpu.dma_semaphore, #tpu.memory_space<semaphore_mem>>
        %dma_start3A_264 = arith.constant 0 : i32
        %dma_start3A_265 = tpu.memref_slice %arg10[%mul3A_241, %dma_start3A_264] : memref<16x128xi32, #tpu.memory_space<vmem>> -> memref<1x128xi32, #tpu.memory_space<vmem>>
        %dma_start3A_266 = tpu.memref_squeeze %dma_start3A_265 : memref<1x128xi32, #tpu.memory_space<vmem>> -> memref<128xi32, #tpu.memory_space<vmem>>
        %dma_start3A_267 = arith.constant 0 : i32
        %dma_start3A_268 = tpu.memref_slice %arg18[%dma_start3A_267] : memref<10240xf32, #tpu.memory_space<vmem_shared>> -> memref<10240xf32, #tpu.memory_space<vmem_shared>>
        tpu.enqueue_indirect_dma source(%arg14 : memref<128xf32, #tpu.memory_space<vmem>>) target(%dma_start3A_268 : memref<10240xf32, #tpu.memory_space<vmem_shared>>) offsets(%dma_start3A_266 : memref<128xi32, #tpu.memory_space<vmem>>) semaphore(%run_scoped3A : memref<!tpu.dma_semaphore, #tpu.memory_space<semaphore_mem>>) {add = true}
        %dma_wait3A_269 = arith.constant 0 : i32
        %dma_wait3A_270 = tpu.memref_slice %arg10[%mul3A_241, %dma_wait3A_269] : memref<16x128xi32, #tpu.memory_space<vmem>> -> memref<1x128xi32, #tpu.memory_space<vmem>>
        %dma_wait3A_271 = tpu.memref_squeeze %dma_wait3A_270 : memref<1x128xi32, #tpu.memory_space<vmem>> -> memref<128xi32, #tpu.memory_space<vmem>>
        %dma_wait3A_272 = arith.constant 0 : i32
        %dma_wait3A_273 = tpu.memref_slice %arg18[%dma_wait3A_272] : memref<10240xf32, #tpu.memory_space<vmem_shared>> -> memref<10240xf32, #tpu.memory_space<vmem_shared>>
        tpu.wait_indirect_dma semaphore(%run_scoped3A : memref<!tpu.dma_semaphore, #tpu.memory_space<semaphore_mem>>) src(%arg14 : memref<128xf32, #tpu.memory_space<vmem>>) dst(%dma_wait3A_273 : memref<10240xf32, #tpu.memory_space<vmem_shared>>)
        tpu.yield
      }) : () -> ()
      %lt3A = arith.constant 14 : i32
      %lt3A_247 = arith.cmpi slt, %mul3A_241, %lt3A : i32
      %convert_element_type3A = arith.extui %lt3A_247 : i1 to i32
      %cond3A = arith.constant 0 : i32
      %cond3A_248 = arith.cmpi ne, %convert_element_type3A, %cond3A : i32
      scf.if %cond3A_248 {
        %add3A_264 = arith.constant 2 : i32
        %add3A_265 = arith.addi %mul3A_241, %add3A_264 : i32
        %dma_start3A_266 = arith.constant 0 : i32
        %dma_start3A_267 = tpu.memref_slice %arg9[%add3A_265, %dma_start3A_266] : memref<16x128xi32, #tpu.memory_space<vmem>> -> memref<1x128xi32, #tpu.memory_space<vmem>>
        %dma_start3A_268 = tpu.memref_squeeze %dma_start3A_267 : memref<1x128xi32, #tpu.memory_space<vmem>> -> memref<128xi32, #tpu.memory_space<vmem>>
        %dma_start3A_269 = arith.constant 0 : i32
        %dma_start3A_270 = arith.constant 0 : i32
        %dma_start3A_271 = tpu.memref_slice %arg2[%dma_start3A_269, %dma_start3A_270] : memref<10240x128xf32, #tpu.memory_space<hbm>> -> memref<10240x128xf32, #tpu.memory_space<hbm>>
        tpu.enqueue_indirect_dma source(%dma_start3A_271 : memref<10240x128xf32, #tpu.memory_space<hbm>>) target(%arg11 : memref<128x128xf32, #tpu.memory_space<vmem>>) offsets(%dma_start3A_268 : memref<128xi32, #tpu.memory_space<vmem>>) semaphore(%arg19 : memref<!tpu.dma_semaphore, #tpu.memory_space<semaphore_mem>>)
      } else {
      }
      %mul3A_249 = arith.constant 2 : i32
      %mul3A_250 = arith.muli %mul3A_249, %scan3A_239 : i32
      %add3A_251 = arith.constant 1 : i32
      %add3A_252 = arith.addi %mul3A_250, %add3A_251 : i32
      %dma_wait3A_253 = arith.constant 0 : i32
      %dma_wait3A_254 = tpu.memref_slice %arg9[%add3A_252, %dma_wait3A_253] : memref<16x128xi32, #tpu.memory_space<vmem>> -> memref<1x128xi32, #tpu.memory_space<vmem>>
      %dma_wait3A_255 = tpu.memref_squeeze %dma_wait3A_254 : memref<1x128xi32, #tpu.memory_space<vmem>> -> memref<128xi32, #tpu.memory_space<vmem>>
      %dma_wait3A_256 = arith.constant 0 : i32
      %dma_wait3A_257 = arith.constant 0 : i32
      %dma_wait3A_258 = tpu.memref_slice %arg2[%dma_wait3A_256, %dma_wait3A_257] : memref<10240x128xf32, #tpu.memory_space<hbm>> -> memref<10240x128xf32, #tpu.memory_space<hbm>>
      tpu.wait_indirect_dma semaphore(%arg20 : memref<!tpu.dma_semaphore, #tpu.memory_space<semaphore_mem>>) src(%dma_wait3A_258 : memref<10240x128xf32, #tpu.memory_space<hbm>>) dst(%arg12 : memref<128x128xf32, #tpu.memory_space<vmem>>)
      "tpu.region"() ({
        %run_scoped3A = tpu.sem_alloc : memref<!tpu.dma_semaphore, #tpu.memory_space<semaphore_mem>>
        %dma_start3A_264 = arith.constant 0 : i32
        %dma_start3A_265 = tpu.memref_slice %arg10[%add3A_252, %dma_start3A_264] : memref<16x128xi32, #tpu.memory_space<vmem>> -> memref<1x128xi32, #tpu.memory_space<vmem>>
        %dma_start3A_266 = tpu.memref_squeeze %dma_start3A_265 : memref<1x128xi32, #tpu.memory_space<vmem>> -> memref<128xi32, #tpu.memory_space<vmem>>
        %dma_start3A_267 = arith.constant 0 : i32
        %dma_start3A_268 = arith.constant 0 : i32
        %dma_start3A_269 = tpu.memref_slice %arg17[%dma_start3A_267, %dma_start3A_268] : memref<10240x128xf32, #tpu.memory_space<vmem_shared>> -> memref<10240x128xf32, #tpu.memory_space<vmem_shared>>
        tpu.enqueue_indirect_dma source(%arg12 : memref<128x128xf32, #tpu.memory_space<vmem>>) target(%dma_start3A_269 : memref<10240x128xf32, #tpu.memory_space<vmem_shared>>) offsets(%dma_start3A_266 : memref<128xi32, #tpu.memory_space<vmem>>) semaphore(%run_scoped3A : memref<!tpu.dma_semaphore, #tpu.memory_space<semaphore_mem>>) {add = true}
        %dma_wait3A_270 = arith.constant 0 : i32
        %dma_wait3A_271 = tpu.memref_slice %arg10[%add3A_252, %dma_wait3A_270] : memref<16x128xi32, #tpu.memory_space<vmem>> -> memref<1x128xi32, #tpu.memory_space<vmem>>
        %dma_wait3A_272 = tpu.memref_squeeze %dma_wait3A_271 : memref<1x128xi32, #tpu.memory_space<vmem>> -> memref<128xi32, #tpu.memory_space<vmem>>
        %dma_wait3A_273 = arith.constant 0 : i32
        %dma_wait3A_274 = arith.constant 0 : i32
        %dma_wait3A_275 = tpu.memref_slice %arg17[%dma_wait3A_273, %dma_wait3A_274] : memref<10240x128xf32, #tpu.memory_space<vmem_shared>> -> memref<10240x128xf32, #tpu.memory_space<vmem_shared>>
        tpu.wait_indirect_dma semaphore(%run_scoped3A : memref<!tpu.dma_semaphore, #tpu.memory_space<semaphore_mem>>) src(%arg12 : memref<128x128xf32, #tpu.memory_space<vmem>>) dst(%dma_wait3A_275 : memref<10240x128xf32, #tpu.memory_space<vmem_shared>>)
        tpu.yield
      }) : () -> ()
      "tpu.region"() ({
        %run_scoped3A = tpu.sem_alloc : memref<!tpu.dma_semaphore, #tpu.memory_space<semaphore_mem>>
        %dma_start3A_264 = arith.constant 0 : i32
        %dma_start3A_265 = tpu.memref_slice %arg10[%add3A_252, %dma_start3A_264] : memref<16x128xi32, #tpu.memory_space<vmem>> -> memref<1x128xi32, #tpu.memory_space<vmem>>
        %dma_start3A_266 = tpu.memref_squeeze %dma_start3A_265 : memref<1x128xi32, #tpu.memory_space<vmem>> -> memref<128xi32, #tpu.memory_space<vmem>>
        %dma_start3A_267 = arith.constant 0 : i32
        %dma_start3A_268 = tpu.memref_slice %arg18[%dma_start3A_267] : memref<10240xf32, #tpu.memory_space<vmem_shared>> -> memref<10240xf32, #tpu.memory_space<vmem_shared>>
        tpu.enqueue_indirect_dma source(%arg14 : memref<128xf32, #tpu.memory_space<vmem>>) target(%dma_start3A_268 : memref<10240xf32, #tpu.memory_space<vmem_shared>>) offsets(%dma_start3A_266 : memref<128xi32, #tpu.memory_space<vmem>>) semaphore(%run_scoped3A : memref<!tpu.dma_semaphore, #tpu.memory_space<semaphore_mem>>) {add = true}
        %dma_wait3A_269 = arith.constant 0 : i32
        %dma_wait3A_270 = tpu.memref_slice %arg10[%add3A_252, %dma_wait3A_269] : memref<16x128xi32, #tpu.memory_space<vmem>> -> memref<1x128xi32, #tpu.memory_space<vmem>>
        %dma_wait3A_271 = tpu.memref_squeeze %dma_wait3A_270 : memref<1x128xi32, #tpu.memory_space<vmem>> -> memref<128xi32, #tpu.memory_space<vmem>>
        %dma_wait3A_272 = arith.constant 0 : i32
        %dma_wait3A_273 = tpu.memref_slice %arg18[%dma_wait3A_272] : memref<10240xf32, #tpu.memory_space<vmem_shared>> -> memref<10240xf32, #tpu.memory_space<vmem_shared>>
        tpu.wait_indirect_dma semaphore(%run_scoped3A : memref<!tpu.dma_semaphore, #tpu.memory_space<semaphore_mem>>) src(%arg14 : memref<128xf32, #tpu.memory_space<vmem>>) dst(%dma_wait3A_273 : memref<10240xf32, #tpu.memory_space<vmem_shared>>)
        tpu.yield
      }) : () -> ()
      %lt3A_259 = arith.constant 14 : i32
      %lt3A_260 = arith.cmpi slt, %add3A_252, %lt3A_259 : i32
      %convert_element_type3A_261 = arith.extui %lt3A_260 : i1 to i32
      %cond3A_262 = arith.constant 0 : i32
      %cond3A_263 = arith.cmpi ne, %convert_element_type3A_261, %cond3A_262 : i32
      scf.if %cond3A_263 {
        %add3A_264 = arith.constant 2 : i32
        %add3A_265 = arith.addi %add3A_252, %add3A_264 : i32
        %dma_start3A_266 = arith.constant 0 : i32
        %dma_start3A_267 = tpu.memref_slice %arg9[%add3A_265, %dma_start3A_266] : memref<16x128xi32, #tpu.memory_space<vmem>> -> memref<1x128xi32, #tpu.memory_space<vmem>>
        %dma_start3A_268 = tpu.memref_squeeze %dma_start3A_267 : memref<1x128xi32, #tpu.memory_space<vmem>> -> memref<128xi32, #tpu.memory_space<vmem>>
        %dma_start3A_269 = arith.constant 0 : i32
        %dma_start3A_270 = arith.constant 0 : i32
        %dma_start3A_271 = tpu.memref_slice %arg2[%dma_start3A_269, %dma_start3A_270] : memref<10240x128xf32, #tpu.memory_space<hbm>> -> memref<10240x128xf32, #tpu.memory_space<hbm>>
        tpu.enqueue_indirect_dma source(%dma_start3A_271 : memref<10240x128xf32, #tpu.memory_space<hbm>>) target(%arg12 : memref<128x128xf32, #tpu.memory_space<vmem>>) offsets(%dma_start3A_268 : memref<128xi32, #tpu.memory_space<vmem>>) semaphore(%arg20 : memref<!tpu.dma_semaphore, #tpu.memory_space<semaphore_mem>>)
      } else {
      }
    }
    %scan3A_217 = arith.constant 8 : i32
    "tpu.region"() ({
      %run_scoped3A = tpu.sem_alloc : memref<!tpu.dma_semaphore, #tpu.memory_space<semaphore_mem>>
      %dma_start3A_239 = arith.constant 64 : i32
      %dma_start3A_240 = arith.constant 0 : i32
      %dma_start3A_241 = tpu.memref_slice %arg3[%add3A, %dma_start3A_239, %dma_start3A_240] : memref<32x80x128xi32, #tpu.memory_space<hbm>> -> memref<1x16x128xi32, #tpu.memory_space<hbm>>
      %dma_start3A_242 = tpu.memref_squeeze %dma_start3A_241 : memref<1x16x128xi32, #tpu.memory_space<hbm>> -> memref<16x128xi32, #tpu.memory_space<hbm>>
      %dma_start3A_243 = arith.constant 64 : i32
      %dma_start3A_244 = arith.constant 0 : i32
      %dma_start3A_245 = tpu.memref_slice %arg3[%add3A, %dma_start3A_243, %dma_start3A_244] : memref<32x80x128xi32, #tpu.memory_space<hbm>> -> memref<1x16x128xi32, #tpu.memory_space<hbm>>
      %dma_start3A_246 = tpu.memref_squeeze %dma_start3A_245 : memref<1x16x128xi32, #tpu.memory_space<hbm>> -> memref<16x128xi32, #tpu.memory_space<hbm>>
      tpu.enqueue_dma source(%dma_start3A_246 : memref<16x128xi32, #tpu.memory_space<hbm>>) target(%arg9 : memref<16x128xi32, #tpu.memory_space<vmem>>) target_semaphore(%run_scoped3A : memref<!tpu.dma_semaphore, #tpu.memory_space<semaphore_mem>>)
      %dma_wait3A = arith.constant 64 : i32
      %dma_wait3A_247 = arith.constant 0 : i32
      %dma_wait3A_248 = tpu.memref_slice %arg3[%add3A, %dma_wait3A, %dma_wait3A_247] : memref<32x80x128xi32, #tpu.memory_space<hbm>> -> memref<1x16x128xi32, #tpu.memory_space<hbm>>
      %dma_wait3A_249 = tpu.memref_squeeze %dma_wait3A_248 : memref<1x16x128xi32, #tpu.memory_space<hbm>> -> memref<16x128xi32, #tpu.memory_space<hbm>>
      %dma_wait3A_250 = arith.constant 64 : i32
      %dma_wait3A_251 = arith.constant 0 : i32
      %dma_wait3A_252 = tpu.memref_slice %arg3[%add3A, %dma_wait3A_250, %dma_wait3A_251] : memref<32x80x128xi32, #tpu.memory_space<hbm>> -> memref<1x16x128xi32, #tpu.memory_space<hbm>>
      %dma_wait3A_253 = tpu.memref_squeeze %dma_wait3A_252 : memref<1x16x128xi32, #tpu.memory_space<hbm>> -> memref<16x128xi32, #tpu.memory_space<hbm>>
      tpu.wait_dma2 semaphore(%run_scoped3A : memref<!tpu.dma_semaphore, #tpu.memory_space<semaphore_mem>>) src(%dma_wait3A_253 : memref<16x128xi32, #tpu.memory_space<hbm>>) dst(%arg9 : memref<16x128xi32, #tpu.memory_space<vmem>>)
      tpu.yield
    }) : () -> ()
    "tpu.region"() ({
      %run_scoped3A = tpu.sem_alloc : memref<!tpu.dma_semaphore, #tpu.memory_space<semaphore_mem>>
      %dma_start3A_239 = arith.constant 64 : i32
      %dma_start3A_240 = arith.constant 0 : i32
      %dma_start3A_241 = tpu.memref_slice %arg4[%add3A, %dma_start3A_239, %dma_start3A_240] : memref<32x80x128xi32, #tpu.memory_space<hbm>> -> memref<1x16x128xi32, #tpu.memory_space<hbm>>
      %dma_start3A_242 = tpu.memref_squeeze %dma_start3A_241 : memref<1x16x128xi32, #tpu.memory_space<hbm>> -> memref<16x128xi32, #tpu.memory_space<hbm>>
      %dma_start3A_243 = arith.constant 64 : i32
      %dma_start3A_244 = arith.constant 0 : i32
      %dma_start3A_245 = tpu.memref_slice %arg4[%add3A, %dma_start3A_243, %dma_start3A_244] : memref<32x80x128xi32, #tpu.memory_space<hbm>> -> memref<1x16x128xi32, #tpu.memory_space<hbm>>
      %dma_start3A_246 = tpu.memref_squeeze %dma_start3A_245 : memref<1x16x128xi32, #tpu.memory_space<hbm>> -> memref<16x128xi32, #tpu.memory_space<hbm>>
      tpu.enqueue_dma source(%dma_start3A_246 : memref<16x128xi32, #tpu.memory_space<hbm>>) target(%arg10 : memref<16x128xi32, #tpu.memory_space<vmem>>) target_semaphore(%run_scoped3A : memref<!tpu.dma_semaphore, #tpu.memory_space<semaphore_mem>>)
      %dma_wait3A = arith.constant 64 : i32
      %dma_wait3A_247 = arith.constant 0 : i32
      %dma_wait3A_248 = tpu.memref_slice %arg4[%add3A, %dma_wait3A, %dma_wait3A_247] : memref<32x80x128xi32, #tpu.memory_space<hbm>> -> memref<1x16x128xi32, #tpu.memory_space<hbm>>
      %dma_wait3A_249 = tpu.memref_squeeze %dma_wait3A_248 : memref<1x16x128xi32, #tpu.memory_space<hbm>> -> memref<16x128xi32, #tpu.memory_space<hbm>>
      %dma_wait3A_250 = arith.constant 64 : i32
      %dma_wait3A_251 = arith.constant 0 : i32
      %dma_wait3A_252 = tpu.memref_slice %arg4[%add3A, %dma_wait3A_250, %dma_wait3A_251] : memref<32x80x128xi32, #tpu.memory_space<hbm>> -> memref<1x16x128xi32, #tpu.memory_space<hbm>>
      %dma_wait3A_253 = tpu.memref_squeeze %dma_wait3A_252 : memref<1x16x128xi32, #tpu.memory_space<hbm>> -> memref<16x128xi32, #tpu.memory_space<hbm>>
      tpu.wait_dma2 semaphore(%run_scoped3A : memref<!tpu.dma_semaphore, #tpu.memory_space<semaphore_mem>>) src(%dma_wait3A_253 : memref<16x128xi32, #tpu.memory_space<hbm>>) dst(%arg10 : memref<16x128xi32, #tpu.memory_space<vmem>>)
      tpu.yield
    }) : () -> ()
    %dma_start3A_218 = arith.constant 0 : i32
    %dma_start3A_219 = arith.constant 0 : i32
    %dma_start3A_220 = tpu.memref_slice %arg9[%dma_start3A_218, %dma_start3A_219] : memref<16x128xi32, #tpu.memory_space<vmem>> -> memref<1x128xi32, #tpu.memory_space<vmem>>
    %dma_start3A_221 = tpu.memref_squeeze %dma_start3A_220 : memref<1x128xi32, #tpu.memory_space<vmem>> -> memref<128xi32, #tpu.memory_space<vmem>>
    %dma_start3A_222 = arith.constant 0 : i32
    %dma_start3A_223 = arith.constant 0 : i32
    %dma_start3A_224 = tpu.memref_slice %arg2[%dma_start3A_222, %dma_start3A_223] : memref<10240x128xf32, #tpu.memory_space<hbm>> -> memref<10240x128xf32, #tpu.memory_space<hbm>>
    tpu.enqueue_indirect_dma source(%dma_start3A_224 : memref<10240x128xf32, #tpu.memory_space<hbm>>) target(%arg11 : memref<128x128xf32, #tpu.memory_space<vmem>>) offsets(%dma_start3A_221 : memref<128xi32, #tpu.memory_space<vmem>>) semaphore(%arg19 : memref<!tpu.dma_semaphore, #tpu.memory_space<semaphore_mem>>)
    %dma_start3A_225 = arith.constant 1 : i32
    %dma_start3A_226 = arith.constant 0 : i32
    %dma_start3A_227 = tpu.memref_slice %arg9[%dma_start3A_225, %dma_start3A_226] : memref<16x128xi32, #tpu.memory_space<vmem>> -> memref<1x128xi32, #tpu.memory_space<vmem>>
    %dma_start3A_228 = tpu.memref_squeeze %dma_start3A_227 : memref<1x128xi32, #tpu.memory_space<vmem>> -> memref<128xi32, #tpu.memory_space<vmem>>
    %dma_start3A_229 = arith.constant 0 : i32
    %dma_start3A_230 = arith.constant 0 : i32
    %dma_start3A_231 = tpu.memref_slice %arg2[%dma_start3A_229, %dma_start3A_230] : memref<10240x128xf32, #tpu.memory_space<hbm>> -> memref<10240x128xf32, #tpu.memory_space<hbm>>
    tpu.enqueue_indirect_dma source(%dma_start3A_231 : memref<10240x128xf32, #tpu.memory_space<hbm>>) target(%arg12 : memref<128x128xf32, #tpu.memory_space<vmem>>) offsets(%dma_start3A_228 : memref<128xi32, #tpu.memory_space<vmem>>) semaphore(%arg20 : memref<!tpu.dma_semaphore, #tpu.memory_space<semaphore_mem>>)
    %scan3A_232 = arith.constant 0 : i32
    %scan3A_233 = arith.constant 0 : i32
    %scan3A_234 = arith.constant 8 : i32
    %scan3A_235 = arith.addi %scan3A_233, %scan3A_234 : i32
    %scan3A_236 = arith.constant 1 : i32
    scf.for %scan3A_239 = %scan3A_233 to %scan3A_235 step %scan3A_236  : i32 {
      %mul3A_240 = arith.constant 2 : i32
      %mul3A_241 = arith.muli %mul3A_240, %scan3A_239 : i32
      %dma_wait3A = arith.constant 0 : i32
      %dma_wait3A_242 = tpu.memref_slice %arg9[%mul3A_241, %dma_wait3A] : memref<16x128xi32, #tpu.memory_space<vmem>> -> memref<1x128xi32, #tpu.memory_space<vmem>>
      %dma_wait3A_243 = tpu.memref_squeeze %dma_wait3A_242 : memref<1x128xi32, #tpu.memory_space<vmem>> -> memref<128xi32, #tpu.memory_space<vmem>>
      %dma_wait3A_244 = arith.constant 0 : i32
      %dma_wait3A_245 = arith.constant 0 : i32
      %dma_wait3A_246 = tpu.memref_slice %arg2[%dma_wait3A_244, %dma_wait3A_245] : memref<10240x128xf32, #tpu.memory_space<hbm>> -> memref<10240x128xf32, #tpu.memory_space<hbm>>
      tpu.wait_indirect_dma semaphore(%arg19 : memref<!tpu.dma_semaphore, #tpu.memory_space<semaphore_mem>>) src(%dma_wait3A_246 : memref<10240x128xf32, #tpu.memory_space<hbm>>) dst(%arg11 : memref<128x128xf32, #tpu.memory_space<vmem>>)
      "tpu.region"() ({
        %run_scoped3A = tpu.sem_alloc : memref<!tpu.dma_semaphore, #tpu.memory_space<semaphore_mem>>
        %dma_start3A_264 = arith.constant 0 : i32
        %dma_start3A_265 = tpu.memref_slice %arg10[%mul3A_241, %dma_start3A_264] : memref<16x128xi32, #tpu.memory_space<vmem>> -> memref<1x128xi32, #tpu.memory_space<vmem>>
        %dma_start3A_266 = tpu.memref_squeeze %dma_start3A_265 : memref<1x128xi32, #tpu.memory_space<vmem>> -> memref<128xi32, #tpu.memory_space<vmem>>
        %dma_start3A_267 = arith.constant 0 : i32
        %dma_start3A_268 = arith.constant 0 : i32
        %dma_start3A_269 = tpu.memref_slice %arg17[%dma_start3A_267, %dma_start3A_268] : memref<10240x128xf32, #tpu.memory_space<vmem_shared>> -> memref<10240x128xf32, #tpu.memory_space<vmem_shared>>
        tpu.enqueue_indirect_dma source(%arg11 : memref<128x128xf32, #tpu.memory_space<vmem>>) target(%dma_start3A_269 : memref<10240x128xf32, #tpu.memory_space<vmem_shared>>) offsets(%dma_start3A_266 : memref<128xi32, #tpu.memory_space<vmem>>) semaphore(%run_scoped3A : memref<!tpu.dma_semaphore, #tpu.memory_space<semaphore_mem>>) {add = true}
        %dma_wait3A_270 = arith.constant 0 : i32
        %dma_wait3A_271 = tpu.memref_slice %arg10[%mul3A_241, %dma_wait3A_270] : memref<16x128xi32, #tpu.memory_space<vmem>> -> memref<1x128xi32, #tpu.memory_space<vmem>>
        %dma_wait3A_272 = tpu.memref_squeeze %dma_wait3A_271 : memref<1x128xi32, #tpu.memory_space<vmem>> -> memref<128xi32, #tpu.memory_space<vmem>>
        %dma_wait3A_273 = arith.constant 0 : i32
        %dma_wait3A_274 = arith.constant 0 : i32
        %dma_wait3A_275 = tpu.memref_slice %arg17[%dma_wait3A_273, %dma_wait3A_274] : memref<10240x128xf32, #tpu.memory_space<vmem_shared>> -> memref<10240x128xf32, #tpu.memory_space<vmem_shared>>
        tpu.wait_indirect_dma semaphore(%run_scoped3A : memref<!tpu.dma_semaphore, #tpu.memory_space<semaphore_mem>>) src(%arg11 : memref<128x128xf32, #tpu.memory_space<vmem>>) dst(%dma_wait3A_275 : memref<10240x128xf32, #tpu.memory_space<vmem_shared>>)
        tpu.yield
      }) : () -> ()
      "tpu.region"() ({
        %run_scoped3A = tpu.sem_alloc : memref<!tpu.dma_semaphore, #tpu.memory_space<semaphore_mem>>
        %dma_start3A_264 = arith.constant 0 : i32
        %dma_start3A_265 = tpu.memref_slice %arg10[%mul3A_241, %dma_start3A_264] : memref<16x128xi32, #tpu.memory_space<vmem>> -> memref<1x128xi32, #tpu.memory_space<vmem>>
        %dma_start3A_266 = tpu.memref_squeeze %dma_start3A_265 : memref<1x128xi32, #tpu.memory_space<vmem>> -> memref<128xi32, #tpu.memory_space<vmem>>
        %dma_start3A_267 = arith.constant 0 : i32
        %dma_start3A_268 = tpu.memref_slice %arg18[%dma_start3A_267] : memref<10240xf32, #tpu.memory_space<vmem_shared>> -> memref<10240xf32, #tpu.memory_space<vmem_shared>>
        tpu.enqueue_indirect_dma source(%arg14 : memref<128xf32, #tpu.memory_space<vmem>>) target(%dma_start3A_268 : memref<10240xf32, #tpu.memory_space<vmem_shared>>) offsets(%dma_start3A_266 : memref<128xi32, #tpu.memory_space<vmem>>) semaphore(%run_scoped3A : memref<!tpu.dma_semaphore, #tpu.memory_space<semaphore_mem>>) {add = true}
        %dma_wait3A_269 = arith.constant 0 : i32
        %dma_wait3A_270 = tpu.memref_slice %arg10[%mul3A_241, %dma_wait3A_269] : memref<16x128xi32, #tpu.memory_space<vmem>> -> memref<1x128xi32, #tpu.memory_space<vmem>>
        %dma_wait3A_271 = tpu.memref_squeeze %dma_wait3A_270 : memref<1x128xi32, #tpu.memory_space<vmem>> -> memref<128xi32, #tpu.memory_space<vmem>>
        %dma_wait3A_272 = arith.constant 0 : i32
        %dma_wait3A_273 = tpu.memref_slice %arg18[%dma_wait3A_272] : memref<10240xf32, #tpu.memory_space<vmem_shared>> -> memref<10240xf32, #tpu.memory_space<vmem_shared>>
        tpu.wait_indirect_dma semaphore(%run_scoped3A : memref<!tpu.dma_semaphore, #tpu.memory_space<semaphore_mem>>) src(%arg14 : memref<128xf32, #tpu.memory_space<vmem>>) dst(%dma_wait3A_273 : memref<10240xf32, #tpu.memory_space<vmem_shared>>)
        tpu.yield
      }) : () -> ()
      %lt3A = arith.constant 14 : i32
      %lt3A_247 = arith.cmpi slt, %mul3A_241, %lt3A : i32
      %convert_element_type3A = arith.extui %lt3A_247 : i1 to i32
      %cond3A = arith.constant 0 : i32
      %cond3A_248 = arith.cmpi ne, %convert_element_type3A, %cond3A : i32
      scf.if %cond3A_248 {
        %add3A_264 = arith.constant 2 : i32
        %add3A_265 = arith.addi %mul3A_241, %add3A_264 : i32
        %dma_start3A_266 = arith.constant 0 : i32
        %dma_start3A_267 = tpu.memref_slice %arg9[%add3A_265, %dma_start3A_266] : memref<16x128xi32, #tpu.memory_space<vmem>> -> memref<1x128xi32, #tpu.memory_space<vmem>>
        %dma_start3A_268 = tpu.memref_squeeze %dma_start3A_267 : memref<1x128xi32, #tpu.memory_space<vmem>> -> memref<128xi32, #tpu.memory_space<vmem>>
        %dma_start3A_269 = arith.constant 0 : i32
        %dma_start3A_270 = arith.constant 0 : i32
        %dma_start3A_271 = tpu.memref_slice %arg2[%dma_start3A_269, %dma_start3A_270] : memref<10240x128xf32, #tpu.memory_space<hbm>> -> memref<10240x128xf32, #tpu.memory_space<hbm>>
        tpu.enqueue_indirect_dma source(%dma_start3A_271 : memref<10240x128xf32, #tpu.memory_space<hbm>>) target(%arg11 : memref<128x128xf32, #tpu.memory_space<vmem>>) offsets(%dma_start3A_268 : memref<128xi32, #tpu.memory_space<vmem>>) semaphore(%arg19 : memref<!tpu.dma_semaphore, #tpu.memory_space<semaphore_mem>>)
      } else {
      }
      %mul3A_249 = arith.constant 2 : i32
      %mul3A_250 = arith.muli %mul3A_249, %scan3A_239 : i32
      %add3A_251 = arith.constant 1 : i32
      %add3A_252 = arith.addi %mul3A_250, %add3A_251 : i32
      %dma_wait3A_253 = arith.constant 0 : i32
      %dma_wait3A_254 = tpu.memref_slice %arg9[%add3A_252, %dma_wait3A_253] : memref<16x128xi32, #tpu.memory_space<vmem>> -> memref<1x128xi32, #tpu.memory_space<vmem>>
      %dma_wait3A_255 = tpu.memref_squeeze %dma_wait3A_254 : memref<1x128xi32, #tpu.memory_space<vmem>> -> memref<128xi32, #tpu.memory_space<vmem>>
      %dma_wait3A_256 = arith.constant 0 : i32
      %dma_wait3A_257 = arith.constant 0 : i32
      %dma_wait3A_258 = tpu.memref_slice %arg2[%dma_wait3A_256, %dma_wait3A_257] : memref<10240x128xf32, #tpu.memory_space<hbm>> -> memref<10240x128xf32, #tpu.memory_space<hbm>>
      tpu.wait_indirect_dma semaphore(%arg20 : memref<!tpu.dma_semaphore, #tpu.memory_space<semaphore_mem>>) src(%dma_wait3A_258 : memref<10240x128xf32, #tpu.memory_space<hbm>>) dst(%arg12 : memref<128x128xf32, #tpu.memory_space<vmem>>)
      "tpu.region"() ({
        %run_scoped3A = tpu.sem_alloc : memref<!tpu.dma_semaphore, #tpu.memory_space<semaphore_mem>>
        %dma_start3A_264 = arith.constant 0 : i32
        %dma_start3A_265 = tpu.memref_slice %arg10[%add3A_252, %dma_start3A_264] : memref<16x128xi32, #tpu.memory_space<vmem>> -> memref<1x128xi32, #tpu.memory_space<vmem>>
        %dma_start3A_266 = tpu.memref_squeeze %dma_start3A_265 : memref<1x128xi32, #tpu.memory_space<vmem>> -> memref<128xi32, #tpu.memory_space<vmem>>
        %dma_start3A_267 = arith.constant 0 : i32
        %dma_start3A_268 = arith.constant 0 : i32
        %dma_start3A_269 = tpu.memref_slice %arg17[%dma_start3A_267, %dma_start3A_268] : memref<10240x128xf32, #tpu.memory_space<vmem_shared>> -> memref<10240x128xf32, #tpu.memory_space<vmem_shared>>
        tpu.enqueue_indirect_dma source(%arg12 : memref<128x128xf32, #tpu.memory_space<vmem>>) target(%dma_start3A_269 : memref<10240x128xf32, #tpu.memory_space<vmem_shared>>) offsets(%dma_start3A_266 : memref<128xi32, #tpu.memory_space<vmem>>) semaphore(%run_scoped3A : memref<!tpu.dma_semaphore, #tpu.memory_space<semaphore_mem>>) {add = true}
        %dma_wait3A_270 = arith.constant 0 : i32
        %dma_wait3A_271 = tpu.memref_slice %arg10[%add3A_252, %dma_wait3A_270] : memref<16x128xi32, #tpu.memory_space<vmem>> -> memref<1x128xi32, #tpu.memory_space<vmem>>
        %dma_wait3A_272 = tpu.memref_squeeze %dma_wait3A_271 : memref<1x128xi32, #tpu.memory_space<vmem>> -> memref<128xi32, #tpu.memory_space<vmem>>
        %dma_wait3A_273 = arith.constant 0 : i32
        %dma_wait3A_274 = arith.constant 0 : i32
        %dma_wait3A_275 = tpu.memref_slice %arg17[%dma_wait3A_273, %dma_wait3A_274] : memref<10240x128xf32, #tpu.memory_space<vmem_shared>> -> memref<10240x128xf32, #tpu.memory_space<vmem_shared>>
        tpu.wait_indirect_dma semaphore(%run_scoped3A : memref<!tpu.dma_semaphore, #tpu.memory_space<semaphore_mem>>) src(%arg12 : memref<128x128xf32, #tpu.memory_space<vmem>>) dst(%dma_wait3A_275 : memref<10240x128xf32, #tpu.memory_space<vmem_shared>>)
        tpu.yield
      }) : () -> ()
      "tpu.region"() ({
        %run_scoped3A = tpu.sem_alloc : memref<!tpu.dma_semaphore, #tpu.memory_space<semaphore_mem>>
        %dma_start3A_264 = arith.constant 0 : i32
        %dma_start3A_265 = tpu.memref_slice %arg10[%add3A_252, %dma_start3A_264] : memref<16x128xi32, #tpu.memory_space<vmem>> -> memref<1x128xi32, #tpu.memory_space<vmem>>
        %dma_start3A_266 = tpu.memref_squeeze %dma_start3A_265 : memref<1x128xi32, #tpu.memory_space<vmem>> -> memref<128xi32, #tpu.memory_space<vmem>>
        %dma_start3A_267 = arith.constant 0 : i32
        %dma_start3A_268 = tpu.memref_slice %arg18[%dma_start3A_267] : memref<10240xf32, #tpu.memory_space<vmem_shared>> -> memref<10240xf32, #tpu.memory_space<vmem_shared>>
        tpu.enqueue_indirect_dma source(%arg14 : memref<128xf32, #tpu.memory_space<vmem>>) target(%dma_start3A_268 : memref<10240xf32, #tpu.memory_space<vmem_shared>>) offsets(%dma_start3A_266 : memref<128xi32, #tpu.memory_space<vmem>>) semaphore(%run_scoped3A : memref<!tpu.dma_semaphore, #tpu.memory_space<semaphore_mem>>) {add = true}
        %dma_wait3A_269 = arith.constant 0 : i32
        %dma_wait3A_270 = tpu.memref_slice %arg10[%add3A_252, %dma_wait3A_269] : memref<16x128xi32, #tpu.memory_space<vmem>> -> memref<1x128xi32, #tpu.memory_space<vmem>>
        %dma_wait3A_271 = tpu.memref_squeeze %dma_wait3A_270 : memref<1x128xi32, #tpu.memory_space<vmem>> -> memref<128xi32, #tpu.memory_space<vmem>>
        %dma_wait3A_272 = arith.constant 0 : i32
        %dma_wait3A_273 = tpu.memref_slice %arg18[%dma_wait3A_272] : memref<10240xf32, #tpu.memory_space<vmem_shared>> -> memref<10240xf32, #tpu.memory_space<vmem_shared>>
        tpu.wait_indirect_dma semaphore(%run_scoped3A : memref<!tpu.dma_semaphore, #tpu.memory_space<semaphore_mem>>) src(%arg14 : memref<128xf32, #tpu.memory_space<vmem>>) dst(%dma_wait3A_273 : memref<10240xf32, #tpu.memory_space<vmem_shared>>)
        tpu.yield
      }) : () -> ()
      %lt3A_259 = arith.constant 14 : i32
      %lt3A_260 = arith.cmpi slt, %add3A_252, %lt3A_259 : i32
      %convert_element_type3A_261 = arith.extui %lt3A_260 : i1 to i32
      %cond3A_262 = arith.constant 0 : i32
      %cond3A_263 = arith.cmpi ne, %convert_element_type3A_261, %cond3A_262 : i32
      scf.if %cond3A_263 {
        %add3A_264 = arith.constant 2 : i32
        %add3A_265 = arith.addi %add3A_252, %add3A_264 : i32
        %dma_start3A_266 = arith.constant 0 : i32
        %dma_start3A_267 = tpu.memref_slice %arg9[%add3A_265, %dma_start3A_266] : memref<16x128xi32, #tpu.memory_space<vmem>> -> memref<1x128xi32, #tpu.memory_space<vmem>>
        %dma_start3A_268 = tpu.memref_squeeze %dma_start3A_267 : memref<1x128xi32, #tpu.memory_space<vmem>> -> memref<128xi32, #tpu.memory_space<vmem>>
        %dma_start3A_269 = arith.constant 0 : i32
        %dma_start3A_270 = arith.constant 0 : i32
        %dma_start3A_271 = tpu.memref_slice %arg2[%dma_start3A_269, %dma_start3A_270] : memref<10240x128xf32, #tpu.memory_space<hbm>> -> memref<10240x128xf32, #tpu.memory_space<hbm>>
        tpu.enqueue_indirect_dma source(%dma_start3A_271 : memref<10240x128xf32, #tpu.memory_space<hbm>>) target(%arg12 : memref<128x128xf32, #tpu.memory_space<vmem>>) offsets(%dma_start3A_268 : memref<128xi32, #tpu.memory_space<vmem>>) semaphore(%arg20 : memref<!tpu.dma_semaphore, #tpu.memory_space<semaphore_mem>>)
      } else {
      }
    }
    %scan3A_237 = arith.constant 8 : i32
    %barrier3A_238 = arith.constant 0 : index
    tpu.barrier barrier_id(%barrier3A_238)
    "tpu.region"() ({
      %run_scoped3A = tpu.sem_alloc : memref<!tpu.dma_semaphore, #tpu.memory_space<semaphore_mem>>
      %dma_start3A_239 = arith.constant 0 : i32
      %dma_start3A_240 = tpu.memref_slice %arg6[%arg0, %mul3A_2, %dma_start3A_239] : memref<2x10240x128xf32, #tpu.memory_space<hbm>> -> memref<1x640x128xf32, #tpu.memory_space<hbm>>
      %dma_start3A_241 = tpu.memref_squeeze %dma_start3A_240 : memref<1x640x128xf32, #tpu.memory_space<hbm>> -> memref<640x128xf32, #tpu.memory_space<hbm>>
      %dma_start3A_242 = arith.constant 0 : i32
      %dma_start3A_243 = tpu.memref_slice %arg17[%mul3A_2, %dma_start3A_242] : memref<10240x128xf32, #tpu.memory_space<vmem_shared>> -> memref<640x128xf32, #tpu.memory_space<vmem_shared>>
      tpu.enqueue_dma source(%dma_start3A_243 : memref<640x128xf32, #tpu.memory_space<vmem_shared>>) target(%dma_start3A_241 : memref<640x128xf32, #tpu.memory_space<hbm>>) target_semaphore(%run_scoped3A : memref<!tpu.dma_semaphore, #tpu.memory_space<semaphore_mem>>)
      %dma_wait3A = arith.constant 0 : i32
      %dma_wait3A_244 = tpu.memref_slice %arg6[%arg0, %mul3A_2, %dma_wait3A] : memref<2x10240x128xf32, #tpu.memory_space<hbm>> -> memref<1x640x128xf32, #tpu.memory_space<hbm>>
      %dma_wait3A_245 = tpu.memref_squeeze %dma_wait3A_244 : memref<1x640x128xf32, #tpu.memory_space<hbm>> -> memref<640x128xf32, #tpu.memory_space<hbm>>
      %dma_wait3A_246 = arith.constant 0 : i32
      %dma_wait3A_247 = tpu.memref_slice %arg17[%mul3A_2, %dma_wait3A_246] : memref<10240x128xf32, #tpu.memory_space<vmem_shared>> -> memref<640x128xf32, #tpu.memory_space<vmem_shared>>
      tpu.wait_dma2 semaphore(%run_scoped3A : memref<!tpu.dma_semaphore, #tpu.memory_space<semaphore_mem>>) src(%dma_wait3A_247 : memref<640x128xf32, #tpu.memory_space<vmem_shared>>) dst(%dma_wait3A_245 : memref<640x128xf32, #tpu.memory_space<hbm>>)
      tpu.yield
    }) : () -> ()
    "tpu.region"() ({
      %run_scoped3A = tpu.sem_alloc : memref<!tpu.dma_semaphore, #tpu.memory_space<semaphore_mem>>
      %dma_start3A_239 = tpu.memref_slice %arg7[%arg0, %mul3A_2] : memref<2x10240xf32, #tpu.memory_space<hbm>> -> memref<1x640xf32, #tpu.memory_space<hbm>>
      %dma_start3A_240 = tpu.memref_squeeze %dma_start3A_239 : memref<1x640xf32, #tpu.memory_space<hbm>> -> memref<640xf32, #tpu.memory_space<hbm>>
      %dma_start3A_241 = tpu.memref_slice %arg18[%mul3A_2] : memref<10240xf32, #tpu.memory_space<vmem_shared>> -> memref<640xf32, #tpu.memory_space<vmem_shared>>
      tpu.enqueue_dma source(%dma_start3A_241 : memref<640xf32, #tpu.memory_space<vmem_shared>>) target(%dma_start3A_240 : memref<640xf32, #tpu.memory_space<hbm>>) target_semaphore(%run_scoped3A : memref<!tpu.dma_semaphore, #tpu.memory_space<semaphore_mem>>)
      %dma_wait3A = tpu.memref_slice %arg7[%arg0, %mul3A_2] : memref<2x10240xf32, #tpu.memory_space<hbm>> -> memref<1x640xf32, #tpu.memory_space<hbm>>
      %dma_wait3A_242 = tpu.memref_squeeze %dma_wait3A : memref<1x640xf32, #tpu.memory_space<hbm>> -> memref<640xf32, #tpu.memory_space<hbm>>
      %dma_wait3A_243 = tpu.memref_slice %arg18[%mul3A_2] : memref<10240xf32, #tpu.memory_space<vmem_shared>> -> memref<640xf32, #tpu.memory_space<vmem_shared>>
      tpu.wait_dma2 semaphore(%run_scoped3A : memref<!tpu.dma_semaphore, #tpu.memory_space<semaphore_mem>>) src(%dma_wait3A_243 : memref<640xf32, #tpu.memory_space<vmem_shared>>) dst(%dma_wait3A_242 : memref<640xf32, #tpu.memory_space<hbm>>)
      tpu.yield
    }) : () -> ()
    return
  }
}

#map = affine_map<(d0, d1) -> (0, 0)>
#map1 = affine_map<(d0, d1) -> (0, 0, 0)>
module attributes {stable_mosaic.version = 14 : i64} {
  func.func @_scatter_body(%arg0: i32, %arg1: i32, %arg2: memref<10240x128xf32, #tpu.memory_space<hbm>>, %arg3: memref<32x80x128xi32, #tpu.memory_space<hbm>>, %arg4: memref<32x80x128xi32, #tpu.memory_space<hbm>>, %arg5: memref<2x10240x128xf32, #tpu.memory_space<hbm>>, %arg6: memref<16x128xi32, #tpu.memory_space<vmem>>, %arg7: memref<16x128xi32, #tpu.memory_space<vmem>>, %arg8: memref<128x128xf32, #tpu.memory_space<vmem>>, %arg9: memref<128x128xf32, #tpu.memory_space<vmem>>, %arg10: memref<10240x128xf32, #tpu.memory_space<vmem_shared>>, %arg11: memref<!tpu.dma_semaphore, #tpu.memory_space<semaphore_mem>>, %arg12: memref<!tpu.dma_semaphore, #tpu.memory_space<semaphore_mem>>) attributes {dimension_semantics = [#tpu.dimension_semantics<core_parallel>, #tpu.dimension_semantics<subcore_parallel>], iteration_bounds = array<i64: 2, 16>, scalar_prefetch = 0 : i64, scratch_operands = 7 : i64, tpu.core_type = #tpu.core_type<sc_vector_subcore>, window_params = [{transform_indices = #map}, {transform_indices = #map1}, {transform_indices = #map1}, {transform_indices = #map1}]} {
    %mul3A = arith.constant 2 : i32
    %mul3A_0 = arith.muli %arg1, %mul3A : i32
    %add3A = arith.addi %mul3A_0, %arg0 : i32
    %mul3A_1 = arith.constant 640 : i32
    %mul3A_2 = arith.muli %arg1, %mul3A_1 : i32
    %broadcast_in_dim3A = arith.constant 0.000000e+00 : f32
    %broadcast_in_dim3A_3 = vector.broadcast %broadcast_in_dim3A : f32 to vector<16xf32>
    %scan3A = arith.constant 0 : i32
    %scan3A_4 = arith.constant 0 : i32
    %scan3A_5 = arith.constant 128 : i32
    %scan3A_6 = arith.addi %scan3A_4, %scan3A_5 : i32
    %scan3A_7 = arith.constant 1 : i32
    scf.for %scan3A_119 = %scan3A_4 to %scan3A_6 step %scan3A_7  : i32 {
      %swap3A = arith.index_cast %scan3A_119 : i32 to index
      %swap3A_120 = arith.constant 0 : index
      %swap3A_121 = tpu.vector_load %arg8[%swap3A, %swap3A_120] {strides = array<i32>} : memref<128x128xf32, #tpu.memory_space<vmem>>, vector<1x16xf32>,
      %swap3A_122 = vector.shape_cast %swap3A_121 : vector<1x16xf32> to vector<16xf32>
      %swap3A_123 = vector.shape_cast %broadcast_in_dim3A_3 : vector<16xf32> to vector<1x16xf32>
      tpu.vector_store %arg8[%swap3A, %swap3A_120], %swap3A_123 {strides = array<i32>} : memref<128x128xf32, #tpu.memory_space<vmem>>, vector<1x16xf32>,
      %swap3A_124 = arith.index_cast %scan3A_119 : i32 to index
      %swap3A_125 = arith.constant 16 : index
      %swap3A_126 = tpu.vector_load %arg8[%swap3A_124, %swap3A_125] {strides = array<i32>} : memref<128x128xf32, #tpu.memory_space<vmem>>, vector<1x16xf32>,
      %swap3A_127 = vector.shape_cast %swap3A_126 : vector<1x16xf32> to vector<16xf32>
      %swap3A_128 = vector.shape_cast %broadcast_in_dim3A_3 : vector<16xf32> to vector<1x16xf32>
      tpu.vector_store %arg8[%swap3A_124, %swap3A_125], %swap3A_128 {strides = array<i32>} : memref<128x128xf32, #tpu.memory_space<vmem>>, vector<1x16xf32>,
      %swap3A_129 = arith.index_cast %scan3A_119 : i32 to index
      %swap3A_130 = arith.constant 32 : index
      %swap3A_131 = tpu.vector_load %arg8[%swap3A_129, %swap3A_130] {strides = array<i32>} : memref<128x128xf32, #tpu.memory_space<vmem>>, vector<1x16xf32>,
      %swap3A_132 = vector.shape_cast %swap3A_131 : vector<1x16xf32> to vector<16xf32>
      %swap3A_133 = vector.shape_cast %broadcast_in_dim3A_3 : vector<16xf32> to vector<1x16xf32>
      tpu.vector_store %arg8[%swap3A_129, %swap3A_130], %swap3A_133 {strides = array<i32>} : memref<128x128xf32, #tpu.memory_space<vmem>>, vector<1x16xf32>,
      %swap3A_134 = arith.index_cast %scan3A_119 : i32 to index
      %swap3A_135 = arith.constant 48 : index
      %swap3A_136 = tpu.vector_load %arg8[%swap3A_134, %swap3A_135] {strides = array<i32>} : memref<128x128xf32, #tpu.memory_space<vmem>>, vector<1x16xf32>,
      %swap3A_137 = vector.shape_cast %swap3A_136 : vector<1x16xf32> to vector<16xf32>
      %swap3A_138 = vector.shape_cast %broadcast_in_dim3A_3 : vector<16xf32> to vector<1x16xf32>
      tpu.vector_store %arg8[%swap3A_134, %swap3A_135], %swap3A_138 {strides = array<i32>} : memref<128x128xf32, #tpu.memory_space<vmem>>, vector<1x16xf32>,
      %swap3A_139 = arith.index_cast %scan3A_119 : i32 to index
      %swap3A_140 = arith.constant 64 : index
      %swap3A_141 = tpu.vector_load %arg8[%swap3A_139, %swap3A_140] {strides = array<i32>} : memref<128x128xf32, #tpu.memory_space<vmem>>, vector<1x16xf32>,
      %swap3A_142 = vector.shape_cast %swap3A_141 : vector<1x16xf32> to vector<16xf32>
      %swap3A_143 = vector.shape_cast %broadcast_in_dim3A_3 : vector<16xf32> to vector<1x16xf32>
      tpu.vector_store %arg8[%swap3A_139, %swap3A_140], %swap3A_143 {strides = array<i32>} : memref<128x128xf32, #tpu.memory_space<vmem>>, vector<1x16xf32>,
      %swap3A_144 = arith.index_cast %scan3A_119 : i32 to index
      %swap3A_145 = arith.constant 80 : index
      %swap3A_146 = tpu.vector_load %arg8[%swap3A_144, %swap3A_145] {strides = array<i32>} : memref<128x128xf32, #tpu.memory_space<vmem>>, vector<1x16xf32>,
      %swap3A_147 = vector.shape_cast %swap3A_146 : vector<1x16xf32> to vector<16xf32>
      %swap3A_148 = vector.shape_cast %broadcast_in_dim3A_3 : vector<16xf32> to vector<1x16xf32>
      tpu.vector_store %arg8[%swap3A_144, %swap3A_145], %swap3A_148 {strides = array<i32>} : memref<128x128xf32, #tpu.memory_space<vmem>>, vector<1x16xf32>,
      %swap3A_149 = arith.index_cast %scan3A_119 : i32 to index
      %swap3A_150 = arith.constant 96 : index
      %swap3A_151 = tpu.vector_load %arg8[%swap3A_149, %swap3A_150] {strides = array<i32>} : memref<128x128xf32, #tpu.memory_space<vmem>>, vector<1x16xf32>,
      %swap3A_152 = vector.shape_cast %swap3A_151 : vector<1x16xf32> to vector<16xf32>
      %swap3A_153 = vector.shape_cast %broadcast_in_dim3A_3 : vector<16xf32> to vector<1x16xf32>
      tpu.vector_store %arg8[%swap3A_149, %swap3A_150], %swap3A_153 {strides = array<i32>} : memref<128x128xf32, #tpu.memory_space<vmem>>, vector<1x16xf32>,
      %swap3A_154 = arith.index_cast %scan3A_119 : i32 to index
      %swap3A_155 = arith.constant 112 : index
      %swap3A_156 = tpu.vector_load %arg8[%swap3A_154, %swap3A_155] {strides = array<i32>} : memref<128x128xf32, #tpu.memory_space<vmem>>, vector<1x16xf32>,
      %swap3A_157 = vector.shape_cast %swap3A_156 : vector<1x16xf32> to vector<16xf32>
      %swap3A_158 = vector.shape_cast %broadcast_in_dim3A_3 : vector<16xf32> to vector<1x16xf32>
      tpu.vector_store %arg8[%swap3A_154, %swap3A_155], %swap3A_158 {strides = array<i32>} : memref<128x128xf32, #tpu.memory_space<vmem>>, vector<1x16xf32>,
    }
    %scan3A_8 = arith.constant 128 : i32
    %add3A_9 = arith.constant 0 : i32
    %add3A_10 = arith.addi %mul3A_2, %add3A_9 : i32
    "tpu.region"() ({
      %run_scoped3A = tpu.sem_alloc : memref<!tpu.dma_semaphore, #tpu.memory_space<semaphore_mem>>
      %dma_start3A_119 = arith.constant 0 : i32
      %dma_start3A_120 = tpu.memref_slice %arg10[%add3A_10, %dma_start3A_119] : memref<10240x128xf32, #tpu.memory_space<vmem_shared>> -> memref<128x128xf32, #tpu.memory_space<vmem_shared>>
      %dma_start3A_121 = arith.constant 0 : i32
      %dma_start3A_122 = tpu.memref_slice %arg10[%add3A_10, %dma_start3A_121] : memref<10240x128xf32, #tpu.memory_space<vmem_shared>> -> memref<128x128xf32, #tpu.memory_space<vmem_shared>>
      tpu.enqueue_dma source(%arg8 : memref<128x128xf32, #tpu.memory_space<vmem>>) target(%dma_start3A_122 : memref<128x128xf32, #tpu.memory_space<vmem_shared>>) target_semaphore(%run_scoped3A : memref<!tpu.dma_semaphore, #tpu.memory_space<semaphore_mem>>)
      %dma_wait3A = arith.constant 0 : i32
      %dma_wait3A_123 = tpu.memref_slice %arg10[%add3A_10, %dma_wait3A] : memref<10240x128xf32, #tpu.memory_space<vmem_shared>> -> memref<128x128xf32, #tpu.memory_space<vmem_shared>>
      %dma_wait3A_124 = arith.constant 0 : i32
      %dma_wait3A_125 = tpu.memref_slice %arg10[%add3A_10, %dma_wait3A_124] : memref<10240x128xf32, #tpu.memory_space<vmem_shared>> -> memref<128x128xf32, #tpu.memory_space<vmem_shared>>
      tpu.wait_dma2 semaphore(%run_scoped3A : memref<!tpu.dma_semaphore, #tpu.memory_space<semaphore_mem>>) src(%arg8 : memref<128x128xf32, #tpu.memory_space<vmem>>) dst(%dma_wait3A_125 : memref<128x128xf32, #tpu.memory_space<vmem_shared>>)
      tpu.yield
    }) : () -> ()
    %add3A_11 = arith.constant 128 : i32
    %add3A_12 = arith.addi %mul3A_2, %add3A_11 : i32
    "tpu.region"() ({
      %run_scoped3A = tpu.sem_alloc : memref<!tpu.dma_semaphore, #tpu.memory_space<semaphore_mem>>
      %dma_start3A_119 = arith.constant 0 : i32
      %dma_start3A_120 = tpu.memref_slice %arg10[%add3A_12, %dma_start3A_119] : memref<10240x128xf32, #tpu.memory_space<vmem_shared>> -> memref<128x128xf32, #tpu.memory_space<vmem_shared>>
      %dma_start3A_121 = arith.constant 0 : i32
      %dma_start3A_122 = tpu.memref_slice %arg10[%add3A_12, %dma_start3A_121] : memref<10240x128xf32, #tpu.memory_space<vmem_shared>> -> memref<128x128xf32, #tpu.memory_space<vmem_shared>>
      tpu.enqueue_dma source(%arg8 : memref<128x128xf32, #tpu.memory_space<vmem>>) target(%dma_start3A_122 : memref<128x128xf32, #tpu.memory_space<vmem_shared>>) target_semaphore(%run_scoped3A : memref<!tpu.dma_semaphore, #tpu.memory_space<semaphore_mem>>)
      %dma_wait3A = arith.constant 0 : i32
      %dma_wait3A_123 = tpu.memref_slice %arg10[%add3A_12, %dma_wait3A] : memref<10240x128xf32, #tpu.memory_space<vmem_shared>> -> memref<128x128xf32, #tpu.memory_space<vmem_shared>>
      %dma_wait3A_124 = arith.constant 0 : i32
      %dma_wait3A_125 = tpu.memref_slice %arg10[%add3A_12, %dma_wait3A_124] : memref<10240x128xf32, #tpu.memory_space<vmem_shared>> -> memref<128x128xf32, #tpu.memory_space<vmem_shared>>
      tpu.wait_dma2 semaphore(%run_scoped3A : memref<!tpu.dma_semaphore, #tpu.memory_space<semaphore_mem>>) src(%arg8 : memref<128x128xf32, #tpu.memory_space<vmem>>) dst(%dma_wait3A_125 : memref<128x128xf32, #tpu.memory_space<vmem_shared>>)
      tpu.yield
    }) : () -> ()
    %add3A_13 = arith.constant 256 : i32
    %add3A_14 = arith.addi %mul3A_2, %add3A_13 : i32
    "tpu.region"() ({
      %run_scoped3A = tpu.sem_alloc : memref<!tpu.dma_semaphore, #tpu.memory_space<semaphore_mem>>
      %dma_start3A_119 = arith.constant 0 : i32
      %dma_start3A_120 = tpu.memref_slice %arg10[%add3A_14, %dma_start3A_119] : memref<10240x128xf32, #tpu.memory_space<vmem_shared>> -> memref<128x128xf32, #tpu.memory_space<vmem_shared>>
      %dma_start3A_121 = arith.constant 0 : i32
      %dma_start3A_122 = tpu.memref_slice %arg10[%add3A_14, %dma_start3A_121] : memref<10240x128xf32, #tpu.memory_space<vmem_shared>> -> memref<128x128xf32, #tpu.memory_space<vmem_shared>>
      tpu.enqueue_dma source(%arg8 : memref<128x128xf32, #tpu.memory_space<vmem>>) target(%dma_start3A_122 : memref<128x128xf32, #tpu.memory_space<vmem_shared>>) target_semaphore(%run_scoped3A : memref<!tpu.dma_semaphore, #tpu.memory_space<semaphore_mem>>)
      %dma_wait3A = arith.constant 0 : i32
      %dma_wait3A_123 = tpu.memref_slice %arg10[%add3A_14, %dma_wait3A] : memref<10240x128xf32, #tpu.memory_space<vmem_shared>> -> memref<128x128xf32, #tpu.memory_space<vmem_shared>>
      %dma_wait3A_124 = arith.constant 0 : i32
      %dma_wait3A_125 = tpu.memref_slice %arg10[%add3A_14, %dma_wait3A_124] : memref<10240x128xf32, #tpu.memory_space<vmem_shared>> -> memref<128x128xf32, #tpu.memory_space<vmem_shared>>
      tpu.wait_dma2 semaphore(%run_scoped3A : memref<!tpu.dma_semaphore, #tpu.memory_space<semaphore_mem>>) src(%arg8 : memref<128x128xf32, #tpu.memory_space<vmem>>) dst(%dma_wait3A_125 : memref<128x128xf32, #tpu.memory_space<vmem_shared>>)
      tpu.yield
    }) : () -> ()
    %add3A_15 = arith.constant 384 : i32
    %add3A_16 = arith.addi %mul3A_2, %add3A_15 : i32
    "tpu.region"() ({
      %run_scoped3A = tpu.sem_alloc : memref<!tpu.dma_semaphore, #tpu.memory_space<semaphore_mem>>
      %dma_start3A_119 = arith.constant 0 : i32
      %dma_start3A_120 = tpu.memref_slice %arg10[%add3A_16, %dma_start3A_119] : memref<10240x128xf32, #tpu.memory_space<vmem_shared>> -> memref<128x128xf32, #tpu.memory_space<vmem_shared>>
      %dma_start3A_121 = arith.constant 0 : i32
      %dma_start3A_122 = tpu.memref_slice %arg10[%add3A_16, %dma_start3A_121] : memref<10240x128xf32, #tpu.memory_space<vmem_shared>> -> memref<128x128xf32, #tpu.memory_space<vmem_shared>>
      tpu.enqueue_dma source(%arg8 : memref<128x128xf32, #tpu.memory_space<vmem>>) target(%dma_start3A_122 : memref<128x128xf32, #tpu.memory_space<vmem_shared>>) target_semaphore(%run_scoped3A : memref<!tpu.dma_semaphore, #tpu.memory_space<semaphore_mem>>)
      %dma_wait3A = arith.constant 0 : i32
      %dma_wait3A_123 = tpu.memref_slice %arg10[%add3A_16, %dma_wait3A] : memref<10240x128xf32, #tpu.memory_space<vmem_shared>> -> memref<128x128xf32, #tpu.memory_space<vmem_shared>>
      %dma_wait3A_124 = arith.constant 0 : i32
      %dma_wait3A_125 = tpu.memref_slice %arg10[%add3A_16, %dma_wait3A_124] : memref<10240x128xf32, #tpu.memory_space<vmem_shared>> -> memref<128x128xf32, #tpu.memory_space<vmem_shared>>
      tpu.wait_dma2 semaphore(%run_scoped3A : memref<!tpu.dma_semaphore, #tpu.memory_space<semaphore_mem>>) src(%arg8 : memref<128x128xf32, #tpu.memory_space<vmem>>) dst(%dma_wait3A_125 : memref<128x128xf32, #tpu.memory_space<vmem_shared>>)
      tpu.yield
    }) : () -> ()
    %add3A_17 = arith.constant 512 : i32
    %add3A_18 = arith.addi %mul3A_2, %add3A_17 : i32
    "tpu.region"() ({
      %run_scoped3A = tpu.sem_alloc : memref<!tpu.dma_semaphore, #tpu.memory_space<semaphore_mem>>
      %dma_start3A_119 = arith.constant 0 : i32
      %dma_start3A_120 = tpu.memref_slice %arg10[%add3A_18, %dma_start3A_119] : memref<10240x128xf32, #tpu.memory_space<vmem_shared>> -> memref<128x128xf32, #tpu.memory_space<vmem_shared>>
      %dma_start3A_121 = arith.constant 0 : i32
      %dma_start3A_122 = tpu.memref_slice %arg10[%add3A_18, %dma_start3A_121] : memref<10240x128xf32, #tpu.memory_space<vmem_shared>> -> memref<128x128xf32, #tpu.memory_space<vmem_shared>>
      tpu.enqueue_dma source(%arg8 : memref<128x128xf32, #tpu.memory_space<vmem>>) target(%dma_start3A_122 : memref<128x128xf32, #tpu.memory_space<vmem_shared>>) target_semaphore(%run_scoped3A : memref<!tpu.dma_semaphore, #tpu.memory_space<semaphore_mem>>)
      %dma_wait3A = arith.constant 0 : i32
      %dma_wait3A_123 = tpu.memref_slice %arg10[%add3A_18, %dma_wait3A] : memref<10240x128xf32, #tpu.memory_space<vmem_shared>> -> memref<128x128xf32, #tpu.memory_space<vmem_shared>>
      %dma_wait3A_124 = arith.constant 0 : i32
      %dma_wait3A_125 = tpu.memref_slice %arg10[%add3A_18, %dma_wait3A_124] : memref<10240x128xf32, #tpu.memory_space<vmem_shared>> -> memref<128x128xf32, #tpu.memory_space<vmem_shared>>
      tpu.wait_dma2 semaphore(%run_scoped3A : memref<!tpu.dma_semaphore, #tpu.memory_space<semaphore_mem>>) src(%arg8 : memref<128x128xf32, #tpu.memory_space<vmem>>) dst(%dma_wait3A_125 : memref<128x128xf32, #tpu.memory_space<vmem_shared>>)
      tpu.yield
    }) : () -> ()
    %barrier3A = arith.constant 0 : index
    tpu.barrier barrier_id(%barrier3A)
    "tpu.region"() ({
      %run_scoped3A = tpu.sem_alloc : memref<!tpu.dma_semaphore, #tpu.memory_space<semaphore_mem>>
      %dma_start3A_119 = arith.constant 0 : i32
      %dma_start3A_120 = arith.constant 0 : i32
      %dma_start3A_121 = tpu.memref_slice %arg3[%add3A, %dma_start3A_119, %dma_start3A_120] : memref<32x80x128xi32, #tpu.memory_space<hbm>> -> memref<1x16x128xi32, #tpu.memory_space<hbm>>
      %dma_start3A_122 = tpu.memref_squeeze %dma_start3A_121 : memref<1x16x128xi32, #tpu.memory_space<hbm>> -> memref<16x128xi32, #tpu.memory_space<hbm>>
      %dma_start3A_123 = arith.constant 0 : i32
      %dma_start3A_124 = arith.constant 0 : i32
      %dma_start3A_125 = tpu.memref_slice %arg3[%add3A, %dma_start3A_123, %dma_start3A_124] : memref<32x80x128xi32, #tpu.memory_space<hbm>> -> memref<1x16x128xi32, #tpu.memory_space<hbm>>
      %dma_start3A_126 = tpu.memref_squeeze %dma_start3A_125 : memref<1x16x128xi32, #tpu.memory_space<hbm>> -> memref<16x128xi32, #tpu.memory_space<hbm>>
      tpu.enqueue_dma source(%dma_start3A_126 : memref<16x128xi32, #tpu.memory_space<hbm>>) target(%arg6 : memref<16x128xi32, #tpu.memory_space<vmem>>) target_semaphore(%run_scoped3A : memref<!tpu.dma_semaphore, #tpu.memory_space<semaphore_mem>>)
      %dma_wait3A = arith.constant 0 : i32
      %dma_wait3A_127 = arith.constant 0 : i32
      %dma_wait3A_128 = tpu.memref_slice %arg3[%add3A, %dma_wait3A, %dma_wait3A_127] : memref<32x80x128xi32, #tpu.memory_space<hbm>> -> memref<1x16x128xi32, #tpu.memory_space<hbm>>
      %dma_wait3A_129 = tpu.memref_squeeze %dma_wait3A_128 : memref<1x16x128xi32, #tpu.memory_space<hbm>> -> memref<16x128xi32, #tpu.memory_space<hbm>>
      %dma_wait3A_130 = arith.constant 0 : i32
      %dma_wait3A_131 = arith.constant 0 : i32
      %dma_wait3A_132 = tpu.memref_slice %arg3[%add3A, %dma_wait3A_130, %dma_wait3A_131] : memref<32x80x128xi32, #tpu.memory_space<hbm>> -> memref<1x16x128xi32, #tpu.memory_space<hbm>>
      %dma_wait3A_133 = tpu.memref_squeeze %dma_wait3A_132 : memref<1x16x128xi32, #tpu.memory_space<hbm>> -> memref<16x128xi32, #tpu.memory_space<hbm>>
      tpu.wait_dma2 semaphore(%run_scoped3A : memref<!tpu.dma_semaphore, #tpu.memory_space<semaphore_mem>>) src(%dma_wait3A_133 : memref<16x128xi32, #tpu.memory_space<hbm>>) dst(%arg6 : memref<16x128xi32, #tpu.memory_space<vmem>>)
      tpu.yield
    }) : () -> ()
    "tpu.region"() ({
      %run_scoped3A = tpu.sem_alloc : memref<!tpu.dma_semaphore, #tpu.memory_space<semaphore_mem>>
      %dma_start3A_119 = arith.constant 0 : i32
      %dma_start3A_120 = arith.constant 0 : i32
      %dma_start3A_121 = tpu.memref_slice %arg4[%add3A, %dma_start3A_119, %dma_start3A_120] : memref<32x80x128xi32, #tpu.memory_space<hbm>> -> memref<1x16x128xi32, #tpu.memory_space<hbm>>
      %dma_start3A_122 = tpu.memref_squeeze %dma_start3A_121 : memref<1x16x128xi32, #tpu.memory_space<hbm>> -> memref<16x128xi32, #tpu.memory_space<hbm>>
      %dma_start3A_123 = arith.constant 0 : i32
      %dma_start3A_124 = arith.constant 0 : i32
      %dma_start3A_125 = tpu.memref_slice %arg4[%add3A, %dma_start3A_123, %dma_start3A_124] : memref<32x80x128xi32, #tpu.memory_space<hbm>> -> memref<1x16x128xi32, #tpu.memory_space<hbm>>
      %dma_start3A_126 = tpu.memref_squeeze %dma_start3A_125 : memref<1x16x128xi32, #tpu.memory_space<hbm>> -> memref<16x128xi32, #tpu.memory_space<hbm>>
      tpu.enqueue_dma source(%dma_start3A_126 : memref<16x128xi32, #tpu.memory_space<hbm>>) target(%arg7 : memref<16x128xi32, #tpu.memory_space<vmem>>) target_semaphore(%run_scoped3A : memref<!tpu.dma_semaphore, #tpu.memory_space<semaphore_mem>>)
      %dma_wait3A = arith.constant 0 : i32
      %dma_wait3A_127 = arith.constant 0 : i32
      %dma_wait3A_128 = tpu.memref_slice %arg4[%add3A, %dma_wait3A, %dma_wait3A_127] : memref<32x80x128xi32, #tpu.memory_space<hbm>> -> memref<1x16x128xi32, #tpu.memory_space<hbm>>
      %dma_wait3A_129 = tpu.memref_squeeze %dma_wait3A_128 : memref<1x16x128xi32, #tpu.memory_space<hbm>> -> memref<16x128xi32, #tpu.memory_space<hbm>>
      %dma_wait3A_130 = arith.constant 0 : i32
      %dma_wait3A_131 = arith.constant 0 : i32
      %dma_wait3A_132 = tpu.memref_slice %arg4[%add3A, %dma_wait3A_130, %dma_wait3A_131] : memref<32x80x128xi32, #tpu.memory_space<hbm>> -> memref<1x16x128xi32, #tpu.memory_space<hbm>>
      %dma_wait3A_133 = tpu.memref_squeeze %dma_wait3A_132 : memref<1x16x128xi32, #tpu.memory_space<hbm>> -> memref<16x128xi32, #tpu.memory_space<hbm>>
      tpu.wait_dma2 semaphore(%run_scoped3A : memref<!tpu.dma_semaphore, #tpu.memory_space<semaphore_mem>>) src(%dma_wait3A_133 : memref<16x128xi32, #tpu.memory_space<hbm>>) dst(%arg7 : memref<16x128xi32, #tpu.memory_space<vmem>>)
      tpu.yield
    }) : () -> ()
    %dma_start3A = arith.constant 0 : i32
    %dma_start3A_19 = arith.constant 0 : i32
    %dma_start3A_20 = tpu.memref_slice %arg6[%dma_start3A, %dma_start3A_19] : memref<16x128xi32, #tpu.memory_space<vmem>> -> memref<1x128xi32, #tpu.memory_space<vmem>>
    %dma_start3A_21 = tpu.memref_squeeze %dma_start3A_20 : memref<1x128xi32, #tpu.memory_space<vmem>> -> memref<128xi32, #tpu.memory_space<vmem>>
    %dma_start3A_22 = arith.constant 0 : i32
    %dma_start3A_23 = arith.constant 0 : i32
    %dma_start3A_24 = tpu.memref_slice %arg2[%dma_start3A_22, %dma_start3A_23] : memref<10240x128xf32, #tpu.memory_space<hbm>> -> memref<10240x128xf32, #tpu.memory_space<hbm>>
    tpu.enqueue_indirect_dma source(%dma_start3A_24 : memref<10240x128xf32, #tpu.memory_space<hbm>>) target(%arg8 : memref<128x128xf32, #tpu.memory_space<vmem>>) offsets(%dma_start3A_21 : memref<128xi32, #tpu.memory_space<vmem>>) semaphore(%arg11 : memref<!tpu.dma_semaphore, #tpu.memory_space<semaphore_mem>>)
    %dma_start3A_25 = arith.constant 1 : i32
    %dma_start3A_26 = arith.constant 0 : i32
    %dma_start3A_27 = tpu.memref_slice %arg6[%dma_start3A_25, %dma_start3A_26] : memref<16x128xi32, #tpu.memory_space<vmem>> -> memref<1x128xi32, #tpu.memory_space<vmem>>
    %dma_start3A_28 = tpu.memref_squeeze %dma_start3A_27 : memref<1x128xi32, #tpu.memory_space<vmem>> -> memref<128xi32, #tpu.memory_space<vmem>>
    %dma_start3A_29 = arith.constant 0 : i32
    %dma_start3A_30 = arith.constant 0 : i32
    %dma_start3A_31 = tpu.memref_slice %arg2[%dma_start3A_29, %dma_start3A_30] : memref<10240x128xf32, #tpu.memory_space<hbm>> -> memref<10240x128xf32, #tpu.memory_space<hbm>>
    tpu.enqueue_indirect_dma source(%dma_start3A_31 : memref<10240x128xf32, #tpu.memory_space<hbm>>) target(%arg9 : memref<128x128xf32, #tpu.memory_space<vmem>>) offsets(%dma_start3A_28 : memref<128xi32, #tpu.memory_space<vmem>>) semaphore(%arg12 : memref<!tpu.dma_semaphore, #tpu.memory_space<semaphore_mem>>)
    %scan3A_32 = arith.constant 0 : i32
    %scan3A_33 = arith.constant 0 : i32
    %scan3A_34 = arith.constant 8 : i32
    %scan3A_35 = arith.addi %scan3A_33, %scan3A_34 : i32
    %scan3A_36 = arith.constant 1 : i32
    scf.for %scan3A_119 = %scan3A_33 to %scan3A_35 step %scan3A_36  : i32 {
      %mul3A_120 = arith.constant 2 : i32
      %mul3A_121 = arith.muli %mul3A_120, %scan3A_119 : i32
      %dma_wait3A = arith.constant 0 : i32
      %dma_wait3A_122 = tpu.memref_slice %arg6[%mul3A_121, %dma_wait3A] : memref<16x128xi32, #tpu.memory_space<vmem>> -> memref<1x128xi32, #tpu.memory_space<vmem>>
      %dma_wait3A_123 = tpu.memref_squeeze %dma_wait3A_122 : memref<1x128xi32, #tpu.memory_space<vmem>> -> memref<128xi32, #tpu.memory_space<vmem>>
      %dma_wait3A_124 = arith.constant 0 : i32
      %dma_wait3A_125 = arith.constant 0 : i32
      %dma_wait3A_126 = tpu.memref_slice %arg2[%dma_wait3A_124, %dma_wait3A_125] : memref<10240x128xf32, #tpu.memory_space<hbm>> -> memref<10240x128xf32, #tpu.memory_space<hbm>>
      tpu.wait_indirect_dma semaphore(%arg11 : memref<!tpu.dma_semaphore, #tpu.memory_space<semaphore_mem>>) src(%dma_wait3A_126 : memref<10240x128xf32, #tpu.memory_space<hbm>>) dst(%arg8 : memref<128x128xf32, #tpu.memory_space<vmem>>)
      "tpu.region"() ({
        %run_scoped3A = tpu.sem_alloc : memref<!tpu.dma_semaphore, #tpu.memory_space<semaphore_mem>>
        %dma_start3A_144 = arith.constant 0 : i32
        %dma_start3A_145 = tpu.memref_slice %arg7[%mul3A_121, %dma_start3A_144] : memref<16x128xi32, #tpu.memory_space<vmem>> -> memref<1x128xi32, #tpu.memory_space<vmem>>
        %dma_start3A_146 = tpu.memref_squeeze %dma_start3A_145 : memref<1x128xi32, #tpu.memory_space<vmem>> -> memref<128xi32, #tpu.memory_space<vmem>>
        %dma_start3A_147 = arith.constant 0 : i32
        %dma_start3A_148 = arith.constant 0 : i32
        %dma_start3A_149 = tpu.memref_slice %arg10[%dma_start3A_147, %dma_start3A_148] : memref<10240x128xf32, #tpu.memory_space<vmem_shared>> -> memref<10240x128xf32, #tpu.memory_space<vmem_shared>>
        tpu.enqueue_indirect_dma source(%arg8 : memref<128x128xf32, #tpu.memory_space<vmem>>) target(%dma_start3A_149 : memref<10240x128xf32, #tpu.memory_space<vmem_shared>>) offsets(%dma_start3A_146 : memref<128xi32, #tpu.memory_space<vmem>>) semaphore(%run_scoped3A : memref<!tpu.dma_semaphore, #tpu.memory_space<semaphore_mem>>) {add = true}
        %dma_wait3A_150 = arith.constant 0 : i32
        %dma_wait3A_151 = tpu.memref_slice %arg7[%mul3A_121, %dma_wait3A_150] : memref<16x128xi32, #tpu.memory_space<vmem>> -> memref<1x128xi32, #tpu.memory_space<vmem>>
        %dma_wait3A_152 = tpu.memref_squeeze %dma_wait3A_151 : memref<1x128xi32, #tpu.memory_space<vmem>> -> memref<128xi32, #tpu.memory_space<vmem>>
        %dma_wait3A_153 = arith.constant 0 : i32
        %dma_wait3A_154 = arith.constant 0 : i32
        %dma_wait3A_155 = tpu.memref_slice %arg10[%dma_wait3A_153, %dma_wait3A_154] : memref<10240x128xf32, #tpu.memory_space<vmem_shared>> -> memref<10240x128xf32, #tpu.memory_space<vmem_shared>>
        tpu.wait_indirect_dma semaphore(%run_scoped3A : memref<!tpu.dma_semaphore, #tpu.memory_space<semaphore_mem>>) src(%arg8 : memref<128x128xf32, #tpu.memory_space<vmem>>) dst(%dma_wait3A_155 : memref<10240x128xf32, #tpu.memory_space<vmem_shared>>)
        tpu.yield
      }) : () -> ()
      %lt3A = arith.constant 14 : i32
      %lt3A_127 = arith.cmpi slt, %mul3A_121, %lt3A : i32
      %convert_element_type3A = arith.extui %lt3A_127 : i1 to i32
      %cond3A = arith.constant 0 : i32
      %cond3A_128 = arith.cmpi ne, %convert_element_type3A, %cond3A : i32
      scf.if %cond3A_128 {
        %add3A_144 = arith.constant 2 : i32
        %add3A_145 = arith.addi %mul3A_121, %add3A_144 : i32
        %dma_start3A_146 = arith.constant 0 : i32
        %dma_start3A_147 = tpu.memref_slice %arg6[%add3A_145, %dma_start3A_146] : memref<16x128xi32, #tpu.memory_space<vmem>> -> memref<1x128xi32, #tpu.memory_space<vmem>>
        %dma_start3A_148 = tpu.memref_squeeze %dma_start3A_147 : memref<1x128xi32, #tpu.memory_space<vmem>> -> memref<128xi32, #tpu.memory_space<vmem>>
        %dma_start3A_149 = arith.constant 0 : i32
        %dma_start3A_150 = arith.constant 0 : i32
        %dma_start3A_151 = tpu.memref_slice %arg2[%dma_start3A_149, %dma_start3A_150] : memref<10240x128xf32, #tpu.memory_space<hbm>> -> memref<10240x128xf32, #tpu.memory_space<hbm>>
        tpu.enqueue_indirect_dma source(%dma_start3A_151 : memref<10240x128xf32, #tpu.memory_space<hbm>>) target(%arg8 : memref<128x128xf32, #tpu.memory_space<vmem>>) offsets(%dma_start3A_148 : memref<128xi32, #tpu.memory_space<vmem>>) semaphore(%arg11 : memref<!tpu.dma_semaphore, #tpu.memory_space<semaphore_mem>>)
      } else {
      }
      %mul3A_129 = arith.constant 2 : i32
      %mul3A_130 = arith.muli %mul3A_129, %scan3A_119 : i32
      %add3A_131 = arith.constant 1 : i32
      %add3A_132 = arith.addi %mul3A_130, %add3A_131 : i32
      %dma_wait3A_133 = arith.constant 0 : i32
      %dma_wait3A_134 = tpu.memref_slice %arg6[%add3A_132, %dma_wait3A_133] : memref<16x128xi32, #tpu.memory_space<vmem>> -> memref<1x128xi32, #tpu.memory_space<vmem>>
      %dma_wait3A_135 = tpu.memref_squeeze %dma_wait3A_134 : memref<1x128xi32, #tpu.memory_space<vmem>> -> memref<128xi32, #tpu.memory_space<vmem>>
      %dma_wait3A_136 = arith.constant 0 : i32
      %dma_wait3A_137 = arith.constant 0 : i32
      %dma_wait3A_138 = tpu.memref_slice %arg2[%dma_wait3A_136, %dma_wait3A_137] : memref<10240x128xf32, #tpu.memory_space<hbm>> -> memref<10240x128xf32, #tpu.memory_space<hbm>>
      tpu.wait_indirect_dma semaphore(%arg12 : memref<!tpu.dma_semaphore, #tpu.memory_space<semaphore_mem>>) src(%dma_wait3A_138 : memref<10240x128xf32, #tpu.memory_space<hbm>>) dst(%arg9 : memref<128x128xf32, #tpu.memory_space<vmem>>)
      "tpu.region"() ({
        %run_scoped3A = tpu.sem_alloc : memref<!tpu.dma_semaphore, #tpu.memory_space<semaphore_mem>>
        %dma_start3A_144 = arith.constant 0 : i32
        %dma_start3A_145 = tpu.memref_slice %arg7[%add3A_132, %dma_start3A_144] : memref<16x128xi32, #tpu.memory_space<vmem>> -> memref<1x128xi32, #tpu.memory_space<vmem>>
        %dma_start3A_146 = tpu.memref_squeeze %dma_start3A_145 : memref<1x128xi32, #tpu.memory_space<vmem>> -> memref<128xi32, #tpu.memory_space<vmem>>
        %dma_start3A_147 = arith.constant 0 : i32
        %dma_start3A_148 = arith.constant 0 : i32
        %dma_start3A_149 = tpu.memref_slice %arg10[%dma_start3A_147, %dma_start3A_148] : memref<10240x128xf32, #tpu.memory_space<vmem_shared>> -> memref<10240x128xf32, #tpu.memory_space<vmem_shared>>
        tpu.enqueue_indirect_dma source(%arg9 : memref<128x128xf32, #tpu.memory_space<vmem>>) target(%dma_start3A_149 : memref<10240x128xf32, #tpu.memory_space<vmem_shared>>) offsets(%dma_start3A_146 : memref<128xi32, #tpu.memory_space<vmem>>) semaphore(%run_scoped3A : memref<!tpu.dma_semaphore, #tpu.memory_space<semaphore_mem>>) {add = true}
        %dma_wait3A_150 = arith.constant 0 : i32
        %dma_wait3A_151 = tpu.memref_slice %arg7[%add3A_132, %dma_wait3A_150] : memref<16x128xi32, #tpu.memory_space<vmem>> -> memref<1x128xi32, #tpu.memory_space<vmem>>
        %dma_wait3A_152 = tpu.memref_squeeze %dma_wait3A_151 : memref<1x128xi32, #tpu.memory_space<vmem>> -> memref<128xi32, #tpu.memory_space<vmem>>
        %dma_wait3A_153 = arith.constant 0 : i32
        %dma_wait3A_154 = arith.constant 0 : i32
        %dma_wait3A_155 = tpu.memref_slice %arg10[%dma_wait3A_153, %dma_wait3A_154] : memref<10240x128xf32, #tpu.memory_space<vmem_shared>> -> memref<10240x128xf32, #tpu.memory_space<vmem_shared>>
        tpu.wait_indirect_dma semaphore(%run_scoped3A : memref<!tpu.dma_semaphore, #tpu.memory_space<semaphore_mem>>) src(%arg9 : memref<128x128xf32, #tpu.memory_space<vmem>>) dst(%dma_wait3A_155 : memref<10240x128xf32, #tpu.memory_space<vmem_shared>>)
        tpu.yield
      }) : () -> ()
      %lt3A_139 = arith.constant 14 : i32
      %lt3A_140 = arith.cmpi slt, %add3A_132, %lt3A_139 : i32
      %convert_element_type3A_141 = arith.extui %lt3A_140 : i1 to i32
      %cond3A_142 = arith.constant 0 : i32
      %cond3A_143 = arith.cmpi ne, %convert_element_type3A_141, %cond3A_142 : i32
      scf.if %cond3A_143 {
        %add3A_144 = arith.constant 2 : i32
        %add3A_145 = arith.addi %add3A_132, %add3A_144 : i32
        %dma_start3A_146 = arith.constant 0 : i32
        %dma_start3A_147 = tpu.memref_slice %arg6[%add3A_145, %dma_start3A_146] : memref<16x128xi32, #tpu.memory_space<vmem>> -> memref<1x128xi32, #tpu.memory_space<vmem>>
        %dma_start3A_148 = tpu.memref_squeeze %dma_start3A_147 : memref<1x128xi32, #tpu.memory_space<vmem>> -> memref<128xi32, #tpu.memory_space<vmem>>
        %dma_start3A_149 = arith.constant 0 : i32
        %dma_start3A_150 = arith.constant 0 : i32
        %dma_start3A_151 = tpu.memref_slice %arg2[%dma_start3A_149, %dma_start3A_150] : memref<10240x128xf32, #tpu.memory_space<hbm>> -> memref<10240x128xf32, #tpu.memory_space<hbm>>
        tpu.enqueue_indirect_dma source(%dma_start3A_151 : memref<10240x128xf32, #tpu.memory_space<hbm>>) target(%arg9 : memref<128x128xf32, #tpu.memory_space<vmem>>) offsets(%dma_start3A_148 : memref<128xi32, #tpu.memory_space<vmem>>) semaphore(%arg12 : memref<!tpu.dma_semaphore, #tpu.memory_space<semaphore_mem>>)
      } else {
      }
    }
    %scan3A_37 = arith.constant 8 : i32
    "tpu.region"() ({
      %run_scoped3A = tpu.sem_alloc : memref<!tpu.dma_semaphore, #tpu.memory_space<semaphore_mem>>
      %dma_start3A_119 = arith.constant 16 : i32
      %dma_start3A_120 = arith.constant 0 : i32
      %dma_start3A_121 = tpu.memref_slice %arg3[%add3A, %dma_start3A_119, %dma_start3A_120] : memref<32x80x128xi32, #tpu.memory_space<hbm>> -> memref<1x16x128xi32, #tpu.memory_space<hbm>>
      %dma_start3A_122 = tpu.memref_squeeze %dma_start3A_121 : memref<1x16x128xi32, #tpu.memory_space<hbm>> -> memref<16x128xi32, #tpu.memory_space<hbm>>
      %dma_start3A_123 = arith.constant 16 : i32
      %dma_start3A_124 = arith.constant 0 : i32
      %dma_start3A_125 = tpu.memref_slice %arg3[%add3A, %dma_start3A_123, %dma_start3A_124] : memref<32x80x128xi32, #tpu.memory_space<hbm>> -> memref<1x16x128xi32, #tpu.memory_space<hbm>>
      %dma_start3A_126 = tpu.memref_squeeze %dma_start3A_125 : memref<1x16x128xi32, #tpu.memory_space<hbm>> -> memref<16x128xi32, #tpu.memory_space<hbm>>
      tpu.enqueue_dma source(%dma_start3A_126 : memref<16x128xi32, #tpu.memory_space<hbm>>) target(%arg6 : memref<16x128xi32, #tpu.memory_space<vmem>>) target_semaphore(%run_scoped3A : memref<!tpu.dma_semaphore, #tpu.memory_space<semaphore_mem>>)
      %dma_wait3A = arith.constant 16 : i32
      %dma_wait3A_127 = arith.constant 0 : i32
      %dma_wait3A_128 = tpu.memref_slice %arg3[%add3A, %dma_wait3A, %dma_wait3A_127] : memref<32x80x128xi32, #tpu.memory_space<hbm>> -> memref<1x16x128xi32, #tpu.memory_space<hbm>>
      %dma_wait3A_129 = tpu.memref_squeeze %dma_wait3A_128 : memref<1x16x128xi32, #tpu.memory_space<hbm>> -> memref<16x128xi32, #tpu.memory_space<hbm>>
      %dma_wait3A_130 = arith.constant 16 : i32
      %dma_wait3A_131 = arith.constant 0 : i32
      %dma_wait3A_132 = tpu.memref_slice %arg3[%add3A, %dma_wait3A_130, %dma_wait3A_131] : memref<32x80x128xi32, #tpu.memory_space<hbm>> -> memref<1x16x128xi32, #tpu.memory_space<hbm>>
      %dma_wait3A_133 = tpu.memref_squeeze %dma_wait3A_132 : memref<1x16x128xi32, #tpu.memory_space<hbm>> -> memref<16x128xi32, #tpu.memory_space<hbm>>
      tpu.wait_dma2 semaphore(%run_scoped3A : memref<!tpu.dma_semaphore, #tpu.memory_space<semaphore_mem>>) src(%dma_wait3A_133 : memref<16x128xi32, #tpu.memory_space<hbm>>) dst(%arg6 : memref<16x128xi32, #tpu.memory_space<vmem>>)
      tpu.yield
    }) : () -> ()
    "tpu.region"() ({
      %run_scoped3A = tpu.sem_alloc : memref<!tpu.dma_semaphore, #tpu.memory_space<semaphore_mem>>
      %dma_start3A_119 = arith.constant 16 : i32
      %dma_start3A_120 = arith.constant 0 : i32
      %dma_start3A_121 = tpu.memref_slice %arg4[%add3A, %dma_start3A_119, %dma_start3A_120] : memref<32x80x128xi32, #tpu.memory_space<hbm>> -> memref<1x16x128xi32, #tpu.memory_space<hbm>>
      %dma_start3A_122 = tpu.memref_squeeze %dma_start3A_121 : memref<1x16x128xi32, #tpu.memory_space<hbm>> -> memref<16x128xi32, #tpu.memory_space<hbm>>
      %dma_start3A_123 = arith.constant 16 : i32
      %dma_start3A_124 = arith.constant 0 : i32
      %dma_start3A_125 = tpu.memref_slice %arg4[%add3A, %dma_start3A_123, %dma_start3A_124] : memref<32x80x128xi32, #tpu.memory_space<hbm>> -> memref<1x16x128xi32, #tpu.memory_space<hbm>>
      %dma_start3A_126 = tpu.memref_squeeze %dma_start3A_125 : memref<1x16x128xi32, #tpu.memory_space<hbm>> -> memref<16x128xi32, #tpu.memory_space<hbm>>
      tpu.enqueue_dma source(%dma_start3A_126 : memref<16x128xi32, #tpu.memory_space<hbm>>) target(%arg7 : memref<16x128xi32, #tpu.memory_space<vmem>>) target_semaphore(%run_scoped3A : memref<!tpu.dma_semaphore, #tpu.memory_space<semaphore_mem>>)
      %dma_wait3A = arith.constant 16 : i32
      %dma_wait3A_127 = arith.constant 0 : i32
      %dma_wait3A_128 = tpu.memref_slice %arg4[%add3A, %dma_wait3A, %dma_wait3A_127] : memref<32x80x128xi32, #tpu.memory_space<hbm>> -> memref<1x16x128xi32, #tpu.memory_space<hbm>>
      %dma_wait3A_129 = tpu.memref_squeeze %dma_wait3A_128 : memref<1x16x128xi32, #tpu.memory_space<hbm>> -> memref<16x128xi32, #tpu.memory_space<hbm>>
      %dma_wait3A_130 = arith.constant 16 : i32
      %dma_wait3A_131 = arith.constant 0 : i32
      %dma_wait3A_132 = tpu.memref_slice %arg4[%add3A, %dma_wait3A_130, %dma_wait3A_131] : memref<32x80x128xi32, #tpu.memory_space<hbm>> -> memref<1x16x128xi32, #tpu.memory_space<hbm>>
      %dma_wait3A_133 = tpu.memref_squeeze %dma_wait3A_132 : memref<1x16x128xi32, #tpu.memory_space<hbm>> -> memref<16x128xi32, #tpu.memory_space<hbm>>
      tpu.wait_dma2 semaphore(%run_scoped3A : memref<!tpu.dma_semaphore, #tpu.memory_space<semaphore_mem>>) src(%dma_wait3A_133 : memref<16x128xi32, #tpu.memory_space<hbm>>) dst(%arg7 : memref<16x128xi32, #tpu.memory_space<vmem>>)
      tpu.yield
    }) : () -> ()
    %dma_start3A_38 = arith.constant 0 : i32
    %dma_start3A_39 = arith.constant 0 : i32
    %dma_start3A_40 = tpu.memref_slice %arg6[%dma_start3A_38, %dma_start3A_39] : memref<16x128xi32, #tpu.memory_space<vmem>> -> memref<1x128xi32, #tpu.memory_space<vmem>>
    %dma_start3A_41 = tpu.memref_squeeze %dma_start3A_40 : memref<1x128xi32, #tpu.memory_space<vmem>> -> memref<128xi32, #tpu.memory_space<vmem>>
    %dma_start3A_42 = arith.constant 0 : i32
    %dma_start3A_43 = arith.constant 0 : i32
    %dma_start3A_44 = tpu.memref_slice %arg2[%dma_start3A_42, %dma_start3A_43] : memref<10240x128xf32, #tpu.memory_space<hbm>> -> memref<10240x128xf32, #tpu.memory_space<hbm>>
    tpu.enqueue_indirect_dma source(%dma_start3A_44 : memref<10240x128xf32, #tpu.memory_space<hbm>>) target(%arg8 : memref<128x128xf32, #tpu.memory_space<vmem>>) offsets(%dma_start3A_41 : memref<128xi32, #tpu.memory_space<vmem>>) semaphore(%arg11 : memref<!tpu.dma_semaphore, #tpu.memory_space<semaphore_mem>>)
    %dma_start3A_45 = arith.constant 1 : i32
    %dma_start3A_46 = arith.constant 0 : i32
    %dma_start3A_47 = tpu.memref_slice %arg6[%dma_start3A_45, %dma_start3A_46] : memref<16x128xi32, #tpu.memory_space<vmem>> -> memref<1x128xi32, #tpu.memory_space<vmem>>
    %dma_start3A_48 = tpu.memref_squeeze %dma_start3A_47 : memref<1x128xi32, #tpu.memory_space<vmem>> -> memref<128xi32, #tpu.memory_space<vmem>>
    %dma_start3A_49 = arith.constant 0 : i32
    %dma_start3A_50 = arith.constant 0 : i32
    %dma_start3A_51 = tpu.memref_slice %arg2[%dma_start3A_49, %dma_start3A_50] : memref<10240x128xf32, #tpu.memory_space<hbm>> -> memref<10240x128xf32, #tpu.memory_space<hbm>>
    tpu.enqueue_indirect_dma source(%dma_start3A_51 : memref<10240x128xf32, #tpu.memory_space<hbm>>) target(%arg9 : memref<128x128xf32, #tpu.memory_space<vmem>>) offsets(%dma_start3A_48 : memref<128xi32, #tpu.memory_space<vmem>>) semaphore(%arg12 : memref<!tpu.dma_semaphore, #tpu.memory_space<semaphore_mem>>)
    %scan3A_52 = arith.constant 0 : i32
    %scan3A_53 = arith.constant 0 : i32
    %scan3A_54 = arith.constant 8 : i32
    %scan3A_55 = arith.addi %scan3A_53, %scan3A_54 : i32
    %scan3A_56 = arith.constant 1 : i32
    scf.for %scan3A_119 = %scan3A_53 to %scan3A_55 step %scan3A_56  : i32 {
      %mul3A_120 = arith.constant 2 : i32
      %mul3A_121 = arith.muli %mul3A_120, %scan3A_119 : i32
      %dma_wait3A = arith.constant 0 : i32
      %dma_wait3A_122 = tpu.memref_slice %arg6[%mul3A_121, %dma_wait3A] : memref<16x128xi32, #tpu.memory_space<vmem>> -> memref<1x128xi32, #tpu.memory_space<vmem>>
      %dma_wait3A_123 = tpu.memref_squeeze %dma_wait3A_122 : memref<1x128xi32, #tpu.memory_space<vmem>> -> memref<128xi32, #tpu.memory_space<vmem>>
      %dma_wait3A_124 = arith.constant 0 : i32
      %dma_wait3A_125 = arith.constant 0 : i32
      %dma_wait3A_126 = tpu.memref_slice %arg2[%dma_wait3A_124, %dma_wait3A_125] : memref<10240x128xf32, #tpu.memory_space<hbm>> -> memref<10240x128xf32, #tpu.memory_space<hbm>>
      tpu.wait_indirect_dma semaphore(%arg11 : memref<!tpu.dma_semaphore, #tpu.memory_space<semaphore_mem>>) src(%dma_wait3A_126 : memref<10240x128xf32, #tpu.memory_space<hbm>>) dst(%arg8 : memref<128x128xf32, #tpu.memory_space<vmem>>)
      "tpu.region"() ({
        %run_scoped3A = tpu.sem_alloc : memref<!tpu.dma_semaphore, #tpu.memory_space<semaphore_mem>>
        %dma_start3A_144 = arith.constant 0 : i32
        %dma_start3A_145 = tpu.memref_slice %arg7[%mul3A_121, %dma_start3A_144] : memref<16x128xi32, #tpu.memory_space<vmem>> -> memref<1x128xi32, #tpu.memory_space<vmem>>
        %dma_start3A_146 = tpu.memref_squeeze %dma_start3A_145 : memref<1x128xi32, #tpu.memory_space<vmem>> -> memref<128xi32, #tpu.memory_space<vmem>>
        %dma_start3A_147 = arith.constant 0 : i32
        %dma_start3A_148 = arith.constant 0 : i32
        %dma_start3A_149 = tpu.memref_slice %arg10[%dma_start3A_147, %dma_start3A_148] : memref<10240x128xf32, #tpu.memory_space<vmem_shared>> -> memref<10240x128xf32, #tpu.memory_space<vmem_shared>>
        tpu.enqueue_indirect_dma source(%arg8 : memref<128x128xf32, #tpu.memory_space<vmem>>) target(%dma_start3A_149 : memref<10240x128xf32, #tpu.memory_space<vmem_shared>>) offsets(%dma_start3A_146 : memref<128xi32, #tpu.memory_space<vmem>>) semaphore(%run_scoped3A : memref<!tpu.dma_semaphore, #tpu.memory_space<semaphore_mem>>) {add = true}
        %dma_wait3A_150 = arith.constant 0 : i32
        %dma_wait3A_151 = tpu.memref_slice %arg7[%mul3A_121, %dma_wait3A_150] : memref<16x128xi32, #tpu.memory_space<vmem>> -> memref<1x128xi32, #tpu.memory_space<vmem>>
        %dma_wait3A_152 = tpu.memref_squeeze %dma_wait3A_151 : memref<1x128xi32, #tpu.memory_space<vmem>> -> memref<128xi32, #tpu.memory_space<vmem>>
        %dma_wait3A_153 = arith.constant 0 : i32
        %dma_wait3A_154 = arith.constant 0 : i32
        %dma_wait3A_155 = tpu.memref_slice %arg10[%dma_wait3A_153, %dma_wait3A_154] : memref<10240x128xf32, #tpu.memory_space<vmem_shared>> -> memref<10240x128xf32, #tpu.memory_space<vmem_shared>>
        tpu.wait_indirect_dma semaphore(%run_scoped3A : memref<!tpu.dma_semaphore, #tpu.memory_space<semaphore_mem>>) src(%arg8 : memref<128x128xf32, #tpu.memory_space<vmem>>) dst(%dma_wait3A_155 : memref<10240x128xf32, #tpu.memory_space<vmem_shared>>)
        tpu.yield
      }) : () -> ()
      %lt3A = arith.constant 14 : i32
      %lt3A_127 = arith.cmpi slt, %mul3A_121, %lt3A : i32
      %convert_element_type3A = arith.extui %lt3A_127 : i1 to i32
      %cond3A = arith.constant 0 : i32
      %cond3A_128 = arith.cmpi ne, %convert_element_type3A, %cond3A : i32
      scf.if %cond3A_128 {
        %add3A_144 = arith.constant 2 : i32
        %add3A_145 = arith.addi %mul3A_121, %add3A_144 : i32
        %dma_start3A_146 = arith.constant 0 : i32
        %dma_start3A_147 = tpu.memref_slice %arg6[%add3A_145, %dma_start3A_146] : memref<16x128xi32, #tpu.memory_space<vmem>> -> memref<1x128xi32, #tpu.memory_space<vmem>>
        %dma_start3A_148 = tpu.memref_squeeze %dma_start3A_147 : memref<1x128xi32, #tpu.memory_space<vmem>> -> memref<128xi32, #tpu.memory_space<vmem>>
        %dma_start3A_149 = arith.constant 0 : i32
        %dma_start3A_150 = arith.constant 0 : i32
        %dma_start3A_151 = tpu.memref_slice %arg2[%dma_start3A_149, %dma_start3A_150] : memref<10240x128xf32, #tpu.memory_space<hbm>> -> memref<10240x128xf32, #tpu.memory_space<hbm>>
        tpu.enqueue_indirect_dma source(%dma_start3A_151 : memref<10240x128xf32, #tpu.memory_space<hbm>>) target(%arg8 : memref<128x128xf32, #tpu.memory_space<vmem>>) offsets(%dma_start3A_148 : memref<128xi32, #tpu.memory_space<vmem>>) semaphore(%arg11 : memref<!tpu.dma_semaphore, #tpu.memory_space<semaphore_mem>>)
      } else {
      }
      %mul3A_129 = arith.constant 2 : i32
      %mul3A_130 = arith.muli %mul3A_129, %scan3A_119 : i32
      %add3A_131 = arith.constant 1 : i32
      %add3A_132 = arith.addi %mul3A_130, %add3A_131 : i32
      %dma_wait3A_133 = arith.constant 0 : i32
      %dma_wait3A_134 = tpu.memref_slice %arg6[%add3A_132, %dma_wait3A_133] : memref<16x128xi32, #tpu.memory_space<vmem>> -> memref<1x128xi32, #tpu.memory_space<vmem>>
      %dma_wait3A_135 = tpu.memref_squeeze %dma_wait3A_134 : memref<1x128xi32, #tpu.memory_space<vmem>> -> memref<128xi32, #tpu.memory_space<vmem>>
      %dma_wait3A_136 = arith.constant 0 : i32
      %dma_wait3A_137 = arith.constant 0 : i32
      %dma_wait3A_138 = tpu.memref_slice %arg2[%dma_wait3A_136, %dma_wait3A_137] : memref<10240x128xf32, #tpu.memory_space<hbm>> -> memref<10240x128xf32, #tpu.memory_space<hbm>>
      tpu.wait_indirect_dma semaphore(%arg12 : memref<!tpu.dma_semaphore, #tpu.memory_space<semaphore_mem>>) src(%dma_wait3A_138 : memref<10240x128xf32, #tpu.memory_space<hbm>>) dst(%arg9 : memref<128x128xf32, #tpu.memory_space<vmem>>)
      "tpu.region"() ({
        %run_scoped3A = tpu.sem_alloc : memref<!tpu.dma_semaphore, #tpu.memory_space<semaphore_mem>>
        %dma_start3A_144 = arith.constant 0 : i32
        %dma_start3A_145 = tpu.memref_slice %arg7[%add3A_132, %dma_start3A_144] : memref<16x128xi32, #tpu.memory_space<vmem>> -> memref<1x128xi32, #tpu.memory_space<vmem>>
        %dma_start3A_146 = tpu.memref_squeeze %dma_start3A_145 : memref<1x128xi32, #tpu.memory_space<vmem>> -> memref<128xi32, #tpu.memory_space<vmem>>
        %dma_start3A_147 = arith.constant 0 : i32
        %dma_start3A_148 = arith.constant 0 : i32
        %dma_start3A_149 = tpu.memref_slice %arg10[%dma_start3A_147, %dma_start3A_148] : memref<10240x128xf32, #tpu.memory_space<vmem_shared>> -> memref<10240x128xf32, #tpu.memory_space<vmem_shared>>
        tpu.enqueue_indirect_dma source(%arg9 : memref<128x128xf32, #tpu.memory_space<vmem>>) target(%dma_start3A_149 : memref<10240x128xf32, #tpu.memory_space<vmem_shared>>) offsets(%dma_start3A_146 : memref<128xi32, #tpu.memory_space<vmem>>) semaphore(%run_scoped3A : memref<!tpu.dma_semaphore, #tpu.memory_space<semaphore_mem>>) {add = true}
        %dma_wait3A_150 = arith.constant 0 : i32
        %dma_wait3A_151 = tpu.memref_slice %arg7[%add3A_132, %dma_wait3A_150] : memref<16x128xi32, #tpu.memory_space<vmem>> -> memref<1x128xi32, #tpu.memory_space<vmem>>
        %dma_wait3A_152 = tpu.memref_squeeze %dma_wait3A_151 : memref<1x128xi32, #tpu.memory_space<vmem>> -> memref<128xi32, #tpu.memory_space<vmem>>
        %dma_wait3A_153 = arith.constant 0 : i32
        %dma_wait3A_154 = arith.constant 0 : i32
        %dma_wait3A_155 = tpu.memref_slice %arg10[%dma_wait3A_153, %dma_wait3A_154] : memref<10240x128xf32, #tpu.memory_space<vmem_shared>> -> memref<10240x128xf32, #tpu.memory_space<vmem_shared>>
        tpu.wait_indirect_dma semaphore(%run_scoped3A : memref<!tpu.dma_semaphore, #tpu.memory_space<semaphore_mem>>) src(%arg9 : memref<128x128xf32, #tpu.memory_space<vmem>>) dst(%dma_wait3A_155 : memref<10240x128xf32, #tpu.memory_space<vmem_shared>>)
        tpu.yield
      }) : () -> ()
      %lt3A_139 = arith.constant 14 : i32
      %lt3A_140 = arith.cmpi slt, %add3A_132, %lt3A_139 : i32
      %convert_element_type3A_141 = arith.extui %lt3A_140 : i1 to i32
      %cond3A_142 = arith.constant 0 : i32
      %cond3A_143 = arith.cmpi ne, %convert_element_type3A_141, %cond3A_142 : i32
      scf.if %cond3A_143 {
        %add3A_144 = arith.constant 2 : i32
        %add3A_145 = arith.addi %add3A_132, %add3A_144 : i32
        %dma_start3A_146 = arith.constant 0 : i32
        %dma_start3A_147 = tpu.memref_slice %arg6[%add3A_145, %dma_start3A_146] : memref<16x128xi32, #tpu.memory_space<vmem>> -> memref<1x128xi32, #tpu.memory_space<vmem>>
        %dma_start3A_148 = tpu.memref_squeeze %dma_start3A_147 : memref<1x128xi32, #tpu.memory_space<vmem>> -> memref<128xi32, #tpu.memory_space<vmem>>
        %dma_start3A_149 = arith.constant 0 : i32
        %dma_start3A_150 = arith.constant 0 : i32
        %dma_start3A_151 = tpu.memref_slice %arg2[%dma_start3A_149, %dma_start3A_150] : memref<10240x128xf32, #tpu.memory_space<hbm>> -> memref<10240x128xf32, #tpu.memory_space<hbm>>
        tpu.enqueue_indirect_dma source(%dma_start3A_151 : memref<10240x128xf32, #tpu.memory_space<hbm>>) target(%arg9 : memref<128x128xf32, #tpu.memory_space<vmem>>) offsets(%dma_start3A_148 : memref<128xi32, #tpu.memory_space<vmem>>) semaphore(%arg12 : memref<!tpu.dma_semaphore, #tpu.memory_space<semaphore_mem>>)
      } else {
      }
    }
    %scan3A_57 = arith.constant 8 : i32
    "tpu.region"() ({
      %run_scoped3A = tpu.sem_alloc : memref<!tpu.dma_semaphore, #tpu.memory_space<semaphore_mem>>
      %dma_start3A_119 = arith.constant 32 : i32
      %dma_start3A_120 = arith.constant 0 : i32
      %dma_start3A_121 = tpu.memref_slice %arg3[%add3A, %dma_start3A_119, %dma_start3A_120] : memref<32x80x128xi32, #tpu.memory_space<hbm>> -> memref<1x16x128xi32, #tpu.memory_space<hbm>>
      %dma_start3A_122 = tpu.memref_squeeze %dma_start3A_121 : memref<1x16x128xi32, #tpu.memory_space<hbm>> -> memref<16x128xi32, #tpu.memory_space<hbm>>
      %dma_start3A_123 = arith.constant 32 : i32
      %dma_start3A_124 = arith.constant 0 : i32
      %dma_start3A_125 = tpu.memref_slice %arg3[%add3A, %dma_start3A_123, %dma_start3A_124] : memref<32x80x128xi32, #tpu.memory_space<hbm>> -> memref<1x16x128xi32, #tpu.memory_space<hbm>>
      %dma_start3A_126 = tpu.memref_squeeze %dma_start3A_125 : memref<1x16x128xi32, #tpu.memory_space<hbm>> -> memref<16x128xi32, #tpu.memory_space<hbm>>
      tpu.enqueue_dma source(%dma_start3A_126 : memref<16x128xi32, #tpu.memory_space<hbm>>) target(%arg6 : memref<16x128xi32, #tpu.memory_space<vmem>>) target_semaphore(%run_scoped3A : memref<!tpu.dma_semaphore, #tpu.memory_space<semaphore_mem>>)
      %dma_wait3A = arith.constant 32 : i32
      %dma_wait3A_127 = arith.constant 0 : i32
      %dma_wait3A_128 = tpu.memref_slice %arg3[%add3A, %dma_wait3A, %dma_wait3A_127] : memref<32x80x128xi32, #tpu.memory_space<hbm>> -> memref<1x16x128xi32, #tpu.memory_space<hbm>>
      %dma_wait3A_129 = tpu.memref_squeeze %dma_wait3A_128 : memref<1x16x128xi32, #tpu.memory_space<hbm>> -> memref<16x128xi32, #tpu.memory_space<hbm>>
      %dma_wait3A_130 = arith.constant 32 : i32
      %dma_wait3A_131 = arith.constant 0 : i32
      %dma_wait3A_132 = tpu.memref_slice %arg3[%add3A, %dma_wait3A_130, %dma_wait3A_131] : memref<32x80x128xi32, #tpu.memory_space<hbm>> -> memref<1x16x128xi32, #tpu.memory_space<hbm>>
      %dma_wait3A_133 = tpu.memref_squeeze %dma_wait3A_132 : memref<1x16x128xi32, #tpu.memory_space<hbm>> -> memref<16x128xi32, #tpu.memory_space<hbm>>
      tpu.wait_dma2 semaphore(%run_scoped3A : memref<!tpu.dma_semaphore, #tpu.memory_space<semaphore_mem>>) src(%dma_wait3A_133 : memref<16x128xi32, #tpu.memory_space<hbm>>) dst(%arg6 : memref<16x128xi32, #tpu.memory_space<vmem>>)
      tpu.yield
    }) : () -> ()
    "tpu.region"() ({
      %run_scoped3A = tpu.sem_alloc : memref<!tpu.dma_semaphore, #tpu.memory_space<semaphore_mem>>
      %dma_start3A_119 = arith.constant 32 : i32
      %dma_start3A_120 = arith.constant 0 : i32
      %dma_start3A_121 = tpu.memref_slice %arg4[%add3A, %dma_start3A_119, %dma_start3A_120] : memref<32x80x128xi32, #tpu.memory_space<hbm>> -> memref<1x16x128xi32, #tpu.memory_space<hbm>>
      %dma_start3A_122 = tpu.memref_squeeze %dma_start3A_121 : memref<1x16x128xi32, #tpu.memory_space<hbm>> -> memref<16x128xi32, #tpu.memory_space<hbm>>
      %dma_start3A_123 = arith.constant 32 : i32
      %dma_start3A_124 = arith.constant 0 : i32
      %dma_start3A_125 = tpu.memref_slice %arg4[%add3A, %dma_start3A_123, %dma_start3A_124] : memref<32x80x128xi32, #tpu.memory_space<hbm>> -> memref<1x16x128xi32, #tpu.memory_space<hbm>>
      %dma_start3A_126 = tpu.memref_squeeze %dma_start3A_125 : memref<1x16x128xi32, #tpu.memory_space<hbm>> -> memref<16x128xi32, #tpu.memory_space<hbm>>
      tpu.enqueue_dma source(%dma_start3A_126 : memref<16x128xi32, #tpu.memory_space<hbm>>) target(%arg7 : memref<16x128xi32, #tpu.memory_space<vmem>>) target_semaphore(%run_scoped3A : memref<!tpu.dma_semaphore, #tpu.memory_space<semaphore_mem>>)
      %dma_wait3A = arith.constant 32 : i32
      %dma_wait3A_127 = arith.constant 0 : i32
      %dma_wait3A_128 = tpu.memref_slice %arg4[%add3A, %dma_wait3A, %dma_wait3A_127] : memref<32x80x128xi32, #tpu.memory_space<hbm>> -> memref<1x16x128xi32, #tpu.memory_space<hbm>>
      %dma_wait3A_129 = tpu.memref_squeeze %dma_wait3A_128 : memref<1x16x128xi32, #tpu.memory_space<hbm>> -> memref<16x128xi32, #tpu.memory_space<hbm>>
      %dma_wait3A_130 = arith.constant 32 : i32
      %dma_wait3A_131 = arith.constant 0 : i32
      %dma_wait3A_132 = tpu.memref_slice %arg4[%add3A, %dma_wait3A_130, %dma_wait3A_131] : memref<32x80x128xi32, #tpu.memory_space<hbm>> -> memref<1x16x128xi32, #tpu.memory_space<hbm>>
      %dma_wait3A_133 = tpu.memref_squeeze %dma_wait3A_132 : memref<1x16x128xi32, #tpu.memory_space<hbm>> -> memref<16x128xi32, #tpu.memory_space<hbm>>
      tpu.wait_dma2 semaphore(%run_scoped3A : memref<!tpu.dma_semaphore, #tpu.memory_space<semaphore_mem>>) src(%dma_wait3A_133 : memref<16x128xi32, #tpu.memory_space<hbm>>) dst(%arg7 : memref<16x128xi32, #tpu.memory_space<vmem>>)
      tpu.yield
    }) : () -> ()
    %dma_start3A_58 = arith.constant 0 : i32
    %dma_start3A_59 = arith.constant 0 : i32
    %dma_start3A_60 = tpu.memref_slice %arg6[%dma_start3A_58, %dma_start3A_59] : memref<16x128xi32, #tpu.memory_space<vmem>> -> memref<1x128xi32, #tpu.memory_space<vmem>>
    %dma_start3A_61 = tpu.memref_squeeze %dma_start3A_60 : memref<1x128xi32, #tpu.memory_space<vmem>> -> memref<128xi32, #tpu.memory_space<vmem>>
    %dma_start3A_62 = arith.constant 0 : i32
    %dma_start3A_63 = arith.constant 0 : i32
    %dma_start3A_64 = tpu.memref_slice %arg2[%dma_start3A_62, %dma_start3A_63] : memref<10240x128xf32, #tpu.memory_space<hbm>> -> memref<10240x128xf32, #tpu.memory_space<hbm>>
    tpu.enqueue_indirect_dma source(%dma_start3A_64 : memref<10240x128xf32, #tpu.memory_space<hbm>>) target(%arg8 : memref<128x128xf32, #tpu.memory_space<vmem>>) offsets(%dma_start3A_61 : memref<128xi32, #tpu.memory_space<vmem>>) semaphore(%arg11 : memref<!tpu.dma_semaphore, #tpu.memory_space<semaphore_mem>>)
    %dma_start3A_65 = arith.constant 1 : i32
    %dma_start3A_66 = arith.constant 0 : i32
    %dma_start3A_67 = tpu.memref_slice %arg6[%dma_start3A_65, %dma_start3A_66] : memref<16x128xi32, #tpu.memory_space<vmem>> -> memref<1x128xi32, #tpu.memory_space<vmem>>
    %dma_start3A_68 = tpu.memref_squeeze %dma_start3A_67 : memref<1x128xi32, #tpu.memory_space<vmem>> -> memref<128xi32, #tpu.memory_space<vmem>>
    %dma_start3A_69 = arith.constant 0 : i32
    %dma_start3A_70 = arith.constant 0 : i32
    %dma_start3A_71 = tpu.memref_slice %arg2[%dma_start3A_69, %dma_start3A_70] : memref<10240x128xf32, #tpu.memory_space<hbm>> -> memref<10240x128xf32, #tpu.memory_space<hbm>>
    tpu.enqueue_indirect_dma source(%dma_start3A_71 : memref<10240x128xf32, #tpu.memory_space<hbm>>) target(%arg9 : memref<128x128xf32, #tpu.memory_space<vmem>>) offsets(%dma_start3A_68 : memref<128xi32, #tpu.memory_space<vmem>>) semaphore(%arg12 : memref<!tpu.dma_semaphore, #tpu.memory_space<semaphore_mem>>)
    %scan3A_72 = arith.constant 0 : i32
    %scan3A_73 = arith.constant 0 : i32
    %scan3A_74 = arith.constant 8 : i32
    %scan3A_75 = arith.addi %scan3A_73, %scan3A_74 : i32
    %scan3A_76 = arith.constant 1 : i32
    scf.for %scan3A_119 = %scan3A_73 to %scan3A_75 step %scan3A_76  : i32 {
      %mul3A_120 = arith.constant 2 : i32
      %mul3A_121 = arith.muli %mul3A_120, %scan3A_119 : i32
      %dma_wait3A = arith.constant 0 : i32
      %dma_wait3A_122 = tpu.memref_slice %arg6[%mul3A_121, %dma_wait3A] : memref<16x128xi32, #tpu.memory_space<vmem>> -> memref<1x128xi32, #tpu.memory_space<vmem>>
      %dma_wait3A_123 = tpu.memref_squeeze %dma_wait3A_122 : memref<1x128xi32, #tpu.memory_space<vmem>> -> memref<128xi32, #tpu.memory_space<vmem>>
      %dma_wait3A_124 = arith.constant 0 : i32
      %dma_wait3A_125 = arith.constant 0 : i32
      %dma_wait3A_126 = tpu.memref_slice %arg2[%dma_wait3A_124, %dma_wait3A_125] : memref<10240x128xf32, #tpu.memory_space<hbm>> -> memref<10240x128xf32, #tpu.memory_space<hbm>>
      tpu.wait_indirect_dma semaphore(%arg11 : memref<!tpu.dma_semaphore, #tpu.memory_space<semaphore_mem>>) src(%dma_wait3A_126 : memref<10240x128xf32, #tpu.memory_space<hbm>>) dst(%arg8 : memref<128x128xf32, #tpu.memory_space<vmem>>)
      "tpu.region"() ({
        %run_scoped3A = tpu.sem_alloc : memref<!tpu.dma_semaphore, #tpu.memory_space<semaphore_mem>>
        %dma_start3A_144 = arith.constant 0 : i32
        %dma_start3A_145 = tpu.memref_slice %arg7[%mul3A_121, %dma_start3A_144] : memref<16x128xi32, #tpu.memory_space<vmem>> -> memref<1x128xi32, #tpu.memory_space<vmem>>
        %dma_start3A_146 = tpu.memref_squeeze %dma_start3A_145 : memref<1x128xi32, #tpu.memory_space<vmem>> -> memref<128xi32, #tpu.memory_space<vmem>>
        %dma_start3A_147 = arith.constant 0 : i32
        %dma_start3A_148 = arith.constant 0 : i32
        %dma_start3A_149 = tpu.memref_slice %arg10[%dma_start3A_147, %dma_start3A_148] : memref<10240x128xf32, #tpu.memory_space<vmem_shared>> -> memref<10240x128xf32, #tpu.memory_space<vmem_shared>>
        tpu.enqueue_indirect_dma source(%arg8 : memref<128x128xf32, #tpu.memory_space<vmem>>) target(%dma_start3A_149 : memref<10240x128xf32, #tpu.memory_space<vmem_shared>>) offsets(%dma_start3A_146 : memref<128xi32, #tpu.memory_space<vmem>>) semaphore(%run_scoped3A : memref<!tpu.dma_semaphore, #tpu.memory_space<semaphore_mem>>) {add = true}
        %dma_wait3A_150 = arith.constant 0 : i32
        %dma_wait3A_151 = tpu.memref_slice %arg7[%mul3A_121, %dma_wait3A_150] : memref<16x128xi32, #tpu.memory_space<vmem>> -> memref<1x128xi32, #tpu.memory_space<vmem>>
        %dma_wait3A_152 = tpu.memref_squeeze %dma_wait3A_151 : memref<1x128xi32, #tpu.memory_space<vmem>> -> memref<128xi32, #tpu.memory_space<vmem>>
        %dma_wait3A_153 = arith.constant 0 : i32
        %dma_wait3A_154 = arith.constant 0 : i32
        %dma_wait3A_155 = tpu.memref_slice %arg10[%dma_wait3A_153, %dma_wait3A_154] : memref<10240x128xf32, #tpu.memory_space<vmem_shared>> -> memref<10240x128xf32, #tpu.memory_space<vmem_shared>>
        tpu.wait_indirect_dma semaphore(%run_scoped3A : memref<!tpu.dma_semaphore, #tpu.memory_space<semaphore_mem>>) src(%arg8 : memref<128x128xf32, #tpu.memory_space<vmem>>) dst(%dma_wait3A_155 : memref<10240x128xf32, #tpu.memory_space<vmem_shared>>)
        tpu.yield
      }) : () -> ()
      %lt3A = arith.constant 14 : i32
      %lt3A_127 = arith.cmpi slt, %mul3A_121, %lt3A : i32
      %convert_element_type3A = arith.extui %lt3A_127 : i1 to i32
      %cond3A = arith.constant 0 : i32
      %cond3A_128 = arith.cmpi ne, %convert_element_type3A, %cond3A : i32
      scf.if %cond3A_128 {
        %add3A_144 = arith.constant 2 : i32
        %add3A_145 = arith.addi %mul3A_121, %add3A_144 : i32
        %dma_start3A_146 = arith.constant 0 : i32
        %dma_start3A_147 = tpu.memref_slice %arg6[%add3A_145, %dma_start3A_146] : memref<16x128xi32, #tpu.memory_space<vmem>> -> memref<1x128xi32, #tpu.memory_space<vmem>>
        %dma_start3A_148 = tpu.memref_squeeze %dma_start3A_147 : memref<1x128xi32, #tpu.memory_space<vmem>> -> memref<128xi32, #tpu.memory_space<vmem>>
        %dma_start3A_149 = arith.constant 0 : i32
        %dma_start3A_150 = arith.constant 0 : i32
        %dma_start3A_151 = tpu.memref_slice %arg2[%dma_start3A_149, %dma_start3A_150] : memref<10240x128xf32, #tpu.memory_space<hbm>> -> memref<10240x128xf32, #tpu.memory_space<hbm>>
        tpu.enqueue_indirect_dma source(%dma_start3A_151 : memref<10240x128xf32, #tpu.memory_space<hbm>>) target(%arg8 : memref<128x128xf32, #tpu.memory_space<vmem>>) offsets(%dma_start3A_148 : memref<128xi32, #tpu.memory_space<vmem>>) semaphore(%arg11 : memref<!tpu.dma_semaphore, #tpu.memory_space<semaphore_mem>>)
      } else {
      }
      %mul3A_129 = arith.constant 2 : i32
      %mul3A_130 = arith.muli %mul3A_129, %scan3A_119 : i32
      %add3A_131 = arith.constant 1 : i32
      %add3A_132 = arith.addi %mul3A_130, %add3A_131 : i32
      %dma_wait3A_133 = arith.constant 0 : i32
      %dma_wait3A_134 = tpu.memref_slice %arg6[%add3A_132, %dma_wait3A_133] : memref<16x128xi32, #tpu.memory_space<vmem>> -> memref<1x128xi32, #tpu.memory_space<vmem>>
      %dma_wait3A_135 = tpu.memref_squeeze %dma_wait3A_134 : memref<1x128xi32, #tpu.memory_space<vmem>> -> memref<128xi32, #tpu.memory_space<vmem>>
      %dma_wait3A_136 = arith.constant 0 : i32
      %dma_wait3A_137 = arith.constant 0 : i32
      %dma_wait3A_138 = tpu.memref_slice %arg2[%dma_wait3A_136, %dma_wait3A_137] : memref<10240x128xf32, #tpu.memory_space<hbm>> -> memref<10240x128xf32, #tpu.memory_space<hbm>>
      tpu.wait_indirect_dma semaphore(%arg12 : memref<!tpu.dma_semaphore, #tpu.memory_space<semaphore_mem>>) src(%dma_wait3A_138 : memref<10240x128xf32, #tpu.memory_space<hbm>>) dst(%arg9 : memref<128x128xf32, #tpu.memory_space<vmem>>)
      "tpu.region"() ({
        %run_scoped3A = tpu.sem_alloc : memref<!tpu.dma_semaphore, #tpu.memory_space<semaphore_mem>>
        %dma_start3A_144 = arith.constant 0 : i32
        %dma_start3A_145 = tpu.memref_slice %arg7[%add3A_132, %dma_start3A_144] : memref<16x128xi32, #tpu.memory_space<vmem>> -> memref<1x128xi32, #tpu.memory_space<vmem>>
        %dma_start3A_146 = tpu.memref_squeeze %dma_start3A_145 : memref<1x128xi32, #tpu.memory_space<vmem>> -> memref<128xi32, #tpu.memory_space<vmem>>
        %dma_start3A_147 = arith.constant 0 : i32
        %dma_start3A_148 = arith.constant 0 : i32
        %dma_start3A_149 = tpu.memref_slice %arg10[%dma_start3A_147, %dma_start3A_148] : memref<10240x128xf32, #tpu.memory_space<vmem_shared>> -> memref<10240x128xf32, #tpu.memory_space<vmem_shared>>
        tpu.enqueue_indirect_dma source(%arg9 : memref<128x128xf32, #tpu.memory_space<vmem>>) target(%dma_start3A_149 : memref<10240x128xf32, #tpu.memory_space<vmem_shared>>) offsets(%dma_start3A_146 : memref<128xi32, #tpu.memory_space<vmem>>) semaphore(%run_scoped3A : memref<!tpu.dma_semaphore, #tpu.memory_space<semaphore_mem>>) {add = true}
        %dma_wait3A_150 = arith.constant 0 : i32
        %dma_wait3A_151 = tpu.memref_slice %arg7[%add3A_132, %dma_wait3A_150] : memref<16x128xi32, #tpu.memory_space<vmem>> -> memref<1x128xi32, #tpu.memory_space<vmem>>
        %dma_wait3A_152 = tpu.memref_squeeze %dma_wait3A_151 : memref<1x128xi32, #tpu.memory_space<vmem>> -> memref<128xi32, #tpu.memory_space<vmem>>
        %dma_wait3A_153 = arith.constant 0 : i32
        %dma_wait3A_154 = arith.constant 0 : i32
        %dma_wait3A_155 = tpu.memref_slice %arg10[%dma_wait3A_153, %dma_wait3A_154] : memref<10240x128xf32, #tpu.memory_space<vmem_shared>> -> memref<10240x128xf32, #tpu.memory_space<vmem_shared>>
        tpu.wait_indirect_dma semaphore(%run_scoped3A : memref<!tpu.dma_semaphore, #tpu.memory_space<semaphore_mem>>) src(%arg9 : memref<128x128xf32, #tpu.memory_space<vmem>>) dst(%dma_wait3A_155 : memref<10240x128xf32, #tpu.memory_space<vmem_shared>>)
        tpu.yield
      }) : () -> ()
      %lt3A_139 = arith.constant 14 : i32
      %lt3A_140 = arith.cmpi slt, %add3A_132, %lt3A_139 : i32
      %convert_element_type3A_141 = arith.extui %lt3A_140 : i1 to i32
      %cond3A_142 = arith.constant 0 : i32
      %cond3A_143 = arith.cmpi ne, %convert_element_type3A_141, %cond3A_142 : i32
      scf.if %cond3A_143 {
        %add3A_144 = arith.constant 2 : i32
        %add3A_145 = arith.addi %add3A_132, %add3A_144 : i32
        %dma_start3A_146 = arith.constant 0 : i32
        %dma_start3A_147 = tpu.memref_slice %arg6[%add3A_145, %dma_start3A_146] : memref<16x128xi32, #tpu.memory_space<vmem>> -> memref<1x128xi32, #tpu.memory_space<vmem>>
        %dma_start3A_148 = tpu.memref_squeeze %dma_start3A_147 : memref<1x128xi32, #tpu.memory_space<vmem>> -> memref<128xi32, #tpu.memory_space<vmem>>
        %dma_start3A_149 = arith.constant 0 : i32
        %dma_start3A_150 = arith.constant 0 : i32
        %dma_start3A_151 = tpu.memref_slice %arg2[%dma_start3A_149, %dma_start3A_150] : memref<10240x128xf32, #tpu.memory_space<hbm>> -> memref<10240x128xf32, #tpu.memory_space<hbm>>
        tpu.enqueue_indirect_dma source(%dma_start3A_151 : memref<10240x128xf32, #tpu.memory_space<hbm>>) target(%arg9 : memref<128x128xf32, #tpu.memory_space<vmem>>) offsets(%dma_start3A_148 : memref<128xi32, #tpu.memory_space<vmem>>) semaphore(%arg12 : memref<!tpu.dma_semaphore, #tpu.memory_space<semaphore_mem>>)
      } else {
      }
    }
    %scan3A_77 = arith.constant 8 : i32
    "tpu.region"() ({
      %run_scoped3A = tpu.sem_alloc : memref<!tpu.dma_semaphore, #tpu.memory_space<semaphore_mem>>
      %dma_start3A_119 = arith.constant 48 : i32
      %dma_start3A_120 = arith.constant 0 : i32
      %dma_start3A_121 = tpu.memref_slice %arg3[%add3A, %dma_start3A_119, %dma_start3A_120] : memref<32x80x128xi32, #tpu.memory_space<hbm>> -> memref<1x16x128xi32, #tpu.memory_space<hbm>>
      %dma_start3A_122 = tpu.memref_squeeze %dma_start3A_121 : memref<1x16x128xi32, #tpu.memory_space<hbm>> -> memref<16x128xi32, #tpu.memory_space<hbm>>
      %dma_start3A_123 = arith.constant 48 : i32
      %dma_start3A_124 = arith.constant 0 : i32
      %dma_start3A_125 = tpu.memref_slice %arg3[%add3A, %dma_start3A_123, %dma_start3A_124] : memref<32x80x128xi32, #tpu.memory_space<hbm>> -> memref<1x16x128xi32, #tpu.memory_space<hbm>>
      %dma_start3A_126 = tpu.memref_squeeze %dma_start3A_125 : memref<1x16x128xi32, #tpu.memory_space<hbm>> -> memref<16x128xi32, #tpu.memory_space<hbm>>
      tpu.enqueue_dma source(%dma_start3A_126 : memref<16x128xi32, #tpu.memory_space<hbm>>) target(%arg6 : memref<16x128xi32, #tpu.memory_space<vmem>>) target_semaphore(%run_scoped3A : memref<!tpu.dma_semaphore, #tpu.memory_space<semaphore_mem>>)
      %dma_wait3A = arith.constant 48 : i32
      %dma_wait3A_127 = arith.constant 0 : i32
      %dma_wait3A_128 = tpu.memref_slice %arg3[%add3A, %dma_wait3A, %dma_wait3A_127] : memref<32x80x128xi32, #tpu.memory_space<hbm>> -> memref<1x16x128xi32, #tpu.memory_space<hbm>>
      %dma_wait3A_129 = tpu.memref_squeeze %dma_wait3A_128 : memref<1x16x128xi32, #tpu.memory_space<hbm>> -> memref<16x128xi32, #tpu.memory_space<hbm>>
      %dma_wait3A_130 = arith.constant 48 : i32
      %dma_wait3A_131 = arith.constant 0 : i32
      %dma_wait3A_132 = tpu.memref_slice %arg3[%add3A, %dma_wait3A_130, %dma_wait3A_131] : memref<32x80x128xi32, #tpu.memory_space<hbm>> -> memref<1x16x128xi32, #tpu.memory_space<hbm>>
      %dma_wait3A_133 = tpu.memref_squeeze %dma_wait3A_132 : memref<1x16x128xi32, #tpu.memory_space<hbm>> -> memref<16x128xi32, #tpu.memory_space<hbm>>
      tpu.wait_dma2 semaphore(%run_scoped3A : memref<!tpu.dma_semaphore, #tpu.memory_space<semaphore_mem>>) src(%dma_wait3A_133 : memref<16x128xi32, #tpu.memory_space<hbm>>) dst(%arg6 : memref<16x128xi32, #tpu.memory_space<vmem>>)
      tpu.yield
    }) : () -> ()
    "tpu.region"() ({
      %run_scoped3A = tpu.sem_alloc : memref<!tpu.dma_semaphore, #tpu.memory_space<semaphore_mem>>
      %dma_start3A_119 = arith.constant 48 : i32
      %dma_start3A_120 = arith.constant 0 : i32
      %dma_start3A_121 = tpu.memref_slice %arg4[%add3A, %dma_start3A_119, %dma_start3A_120] : memref<32x80x128xi32, #tpu.memory_space<hbm>> -> memref<1x16x128xi32, #tpu.memory_space<hbm>>
      %dma_start3A_122 = tpu.memref_squeeze %dma_start3A_121 : memref<1x16x128xi32, #tpu.memory_space<hbm>> -> memref<16x128xi32, #tpu.memory_space<hbm>>
      %dma_start3A_123 = arith.constant 48 : i32
      %dma_start3A_124 = arith.constant 0 : i32
      %dma_start3A_125 = tpu.memref_slice %arg4[%add3A, %dma_start3A_123, %dma_start3A_124] : memref<32x80x128xi32, #tpu.memory_space<hbm>> -> memref<1x16x128xi32, #tpu.memory_space<hbm>>
      %dma_start3A_126 = tpu.memref_squeeze %dma_start3A_125 : memref<1x16x128xi32, #tpu.memory_space<hbm>> -> memref<16x128xi32, #tpu.memory_space<hbm>>
      tpu.enqueue_dma source(%dma_start3A_126 : memref<16x128xi32, #tpu.memory_space<hbm>>) target(%arg7 : memref<16x128xi32, #tpu.memory_space<vmem>>) target_semaphore(%run_scoped3A : memref<!tpu.dma_semaphore, #tpu.memory_space<semaphore_mem>>)
      %dma_wait3A = arith.constant 48 : i32
      %dma_wait3A_127 = arith.constant 0 : i32
      %dma_wait3A_128 = tpu.memref_slice %arg4[%add3A, %dma_wait3A, %dma_wait3A_127] : memref<32x80x128xi32, #tpu.memory_space<hbm>> -> memref<1x16x128xi32, #tpu.memory_space<hbm>>
      %dma_wait3A_129 = tpu.memref_squeeze %dma_wait3A_128 : memref<1x16x128xi32, #tpu.memory_space<hbm>> -> memref<16x128xi32, #tpu.memory_space<hbm>>
      %dma_wait3A_130 = arith.constant 48 : i32
      %dma_wait3A_131 = arith.constant 0 : i32
      %dma_wait3A_132 = tpu.memref_slice %arg4[%add3A, %dma_wait3A_130, %dma_wait3A_131] : memref<32x80x128xi32, #tpu.memory_space<hbm>> -> memref<1x16x128xi32, #tpu.memory_space<hbm>>
      %dma_wait3A_133 = tpu.memref_squeeze %dma_wait3A_132 : memref<1x16x128xi32, #tpu.memory_space<hbm>> -> memref<16x128xi32, #tpu.memory_space<hbm>>
      tpu.wait_dma2 semaphore(%run_scoped3A : memref<!tpu.dma_semaphore, #tpu.memory_space<semaphore_mem>>) src(%dma_wait3A_133 : memref<16x128xi32, #tpu.memory_space<hbm>>) dst(%arg7 : memref<16x128xi32, #tpu.memory_space<vmem>>)
      tpu.yield
    }) : () -> ()
    %dma_start3A_78 = arith.constant 0 : i32
    %dma_start3A_79 = arith.constant 0 : i32
    %dma_start3A_80 = tpu.memref_slice %arg6[%dma_start3A_78, %dma_start3A_79] : memref<16x128xi32, #tpu.memory_space<vmem>> -> memref<1x128xi32, #tpu.memory_space<vmem>>
    %dma_start3A_81 = tpu.memref_squeeze %dma_start3A_80 : memref<1x128xi32, #tpu.memory_space<vmem>> -> memref<128xi32, #tpu.memory_space<vmem>>
    %dma_start3A_82 = arith.constant 0 : i32
    %dma_start3A_83 = arith.constant 0 : i32
    %dma_start3A_84 = tpu.memref_slice %arg2[%dma_start3A_82, %dma_start3A_83] : memref<10240x128xf32, #tpu.memory_space<hbm>> -> memref<10240x128xf32, #tpu.memory_space<hbm>>
    tpu.enqueue_indirect_dma source(%dma_start3A_84 : memref<10240x128xf32, #tpu.memory_space<hbm>>) target(%arg8 : memref<128x128xf32, #tpu.memory_space<vmem>>) offsets(%dma_start3A_81 : memref<128xi32, #tpu.memory_space<vmem>>) semaphore(%arg11 : memref<!tpu.dma_semaphore, #tpu.memory_space<semaphore_mem>>)
    %dma_start3A_85 = arith.constant 1 : i32
    %dma_start3A_86 = arith.constant 0 : i32
    %dma_start3A_87 = tpu.memref_slice %arg6[%dma_start3A_85, %dma_start3A_86] : memref<16x128xi32, #tpu.memory_space<vmem>> -> memref<1x128xi32, #tpu.memory_space<vmem>>
    %dma_start3A_88 = tpu.memref_squeeze %dma_start3A_87 : memref<1x128xi32, #tpu.memory_space<vmem>> -> memref<128xi32, #tpu.memory_space<vmem>>
    %dma_start3A_89 = arith.constant 0 : i32
    %dma_start3A_90 = arith.constant 0 : i32
    %dma_start3A_91 = tpu.memref_slice %arg2[%dma_start3A_89, %dma_start3A_90] : memref<10240x128xf32, #tpu.memory_space<hbm>> -> memref<10240x128xf32, #tpu.memory_space<hbm>>
    tpu.enqueue_indirect_dma source(%dma_start3A_91 : memref<10240x128xf32, #tpu.memory_space<hbm>>) target(%arg9 : memref<128x128xf32, #tpu.memory_space<vmem>>) offsets(%dma_start3A_88 : memref<128xi32, #tpu.memory_space<vmem>>) semaphore(%arg12 : memref<!tpu.dma_semaphore, #tpu.memory_space<semaphore_mem>>)
    %scan3A_92 = arith.constant 0 : i32
    %scan3A_93 = arith.constant 0 : i32
    %scan3A_94 = arith.constant 8 : i32
    %scan3A_95 = arith.addi %scan3A_93, %scan3A_94 : i32
    %scan3A_96 = arith.constant 1 : i32
    scf.for %scan3A_119 = %scan3A_93 to %scan3A_95 step %scan3A_96  : i32 {
      %mul3A_120 = arith.constant 2 : i32
      %mul3A_121 = arith.muli %mul3A_120, %scan3A_119 : i32
      %dma_wait3A = arith.constant 0 : i32
      %dma_wait3A_122 = tpu.memref_slice %arg6[%mul3A_121, %dma_wait3A] : memref<16x128xi32, #tpu.memory_space<vmem>> -> memref<1x128xi32, #tpu.memory_space<vmem>>
      %dma_wait3A_123 = tpu.memref_squeeze %dma_wait3A_122 : memref<1x128xi32, #tpu.memory_space<vmem>> -> memref<128xi32, #tpu.memory_space<vmem>>
      %dma_wait3A_124 = arith.constant 0 : i32
      %dma_wait3A_125 = arith.constant 0 : i32
      %dma_wait3A_126 = tpu.memref_slice %arg2[%dma_wait3A_124, %dma_wait3A_125] : memref<10240x128xf32, #tpu.memory_space<hbm>> -> memref<10240x128xf32, #tpu.memory_space<hbm>>
      tpu.wait_indirect_dma semaphore(%arg11 : memref<!tpu.dma_semaphore, #tpu.memory_space<semaphore_mem>>) src(%dma_wait3A_126 : memref<10240x128xf32, #tpu.memory_space<hbm>>) dst(%arg8 : memref<128x128xf32, #tpu.memory_space<vmem>>)
      "tpu.region"() ({
        %run_scoped3A = tpu.sem_alloc : memref<!tpu.dma_semaphore, #tpu.memory_space<semaphore_mem>>
        %dma_start3A_144 = arith.constant 0 : i32
        %dma_start3A_145 = tpu.memref_slice %arg7[%mul3A_121, %dma_start3A_144] : memref<16x128xi32, #tpu.memory_space<vmem>> -> memref<1x128xi32, #tpu.memory_space<vmem>>
        %dma_start3A_146 = tpu.memref_squeeze %dma_start3A_145 : memref<1x128xi32, #tpu.memory_space<vmem>> -> memref<128xi32, #tpu.memory_space<vmem>>
        %dma_start3A_147 = arith.constant 0 : i32
        %dma_start3A_148 = arith.constant 0 : i32
        %dma_start3A_149 = tpu.memref_slice %arg10[%dma_start3A_147, %dma_start3A_148] : memref<10240x128xf32, #tpu.memory_space<vmem_shared>> -> memref<10240x128xf32, #tpu.memory_space<vmem_shared>>
        tpu.enqueue_indirect_dma source(%arg8 : memref<128x128xf32, #tpu.memory_space<vmem>>) target(%dma_start3A_149 : memref<10240x128xf32, #tpu.memory_space<vmem_shared>>) offsets(%dma_start3A_146 : memref<128xi32, #tpu.memory_space<vmem>>) semaphore(%run_scoped3A : memref<!tpu.dma_semaphore, #tpu.memory_space<semaphore_mem>>) {add = true}
        %dma_wait3A_150 = arith.constant 0 : i32
        %dma_wait3A_151 = tpu.memref_slice %arg7[%mul3A_121, %dma_wait3A_150] : memref<16x128xi32, #tpu.memory_space<vmem>> -> memref<1x128xi32, #tpu.memory_space<vmem>>
        %dma_wait3A_152 = tpu.memref_squeeze %dma_wait3A_151 : memref<1x128xi32, #tpu.memory_space<vmem>> -> memref<128xi32, #tpu.memory_space<vmem>>
        %dma_wait3A_153 = arith.constant 0 : i32
        %dma_wait3A_154 = arith.constant 0 : i32
        %dma_wait3A_155 = tpu.memref_slice %arg10[%dma_wait3A_153, %dma_wait3A_154] : memref<10240x128xf32, #tpu.memory_space<vmem_shared>> -> memref<10240x128xf32, #tpu.memory_space<vmem_shared>>
        tpu.wait_indirect_dma semaphore(%run_scoped3A : memref<!tpu.dma_semaphore, #tpu.memory_space<semaphore_mem>>) src(%arg8 : memref<128x128xf32, #tpu.memory_space<vmem>>) dst(%dma_wait3A_155 : memref<10240x128xf32, #tpu.memory_space<vmem_shared>>)
        tpu.yield
      }) : () -> ()
      %lt3A = arith.constant 14 : i32
      %lt3A_127 = arith.cmpi slt, %mul3A_121, %lt3A : i32
      %convert_element_type3A = arith.extui %lt3A_127 : i1 to i32
      %cond3A = arith.constant 0 : i32
      %cond3A_128 = arith.cmpi ne, %convert_element_type3A, %cond3A : i32
      scf.if %cond3A_128 {
        %add3A_144 = arith.constant 2 : i32
        %add3A_145 = arith.addi %mul3A_121, %add3A_144 : i32
        %dma_start3A_146 = arith.constant 0 : i32
        %dma_start3A_147 = tpu.memref_slice %arg6[%add3A_145, %dma_start3A_146] : memref<16x128xi32, #tpu.memory_space<vmem>> -> memref<1x128xi32, #tpu.memory_space<vmem>>
        %dma_start3A_148 = tpu.memref_squeeze %dma_start3A_147 : memref<1x128xi32, #tpu.memory_space<vmem>> -> memref<128xi32, #tpu.memory_space<vmem>>
        %dma_start3A_149 = arith.constant 0 : i32
        %dma_start3A_150 = arith.constant 0 : i32
        %dma_start3A_151 = tpu.memref_slice %arg2[%dma_start3A_149, %dma_start3A_150] : memref<10240x128xf32, #tpu.memory_space<hbm>> -> memref<10240x128xf32, #tpu.memory_space<hbm>>
        tpu.enqueue_indirect_dma source(%dma_start3A_151 : memref<10240x128xf32, #tpu.memory_space<hbm>>) target(%arg8 : memref<128x128xf32, #tpu.memory_space<vmem>>) offsets(%dma_start3A_148 : memref<128xi32, #tpu.memory_space<vmem>>) semaphore(%arg11 : memref<!tpu.dma_semaphore, #tpu.memory_space<semaphore_mem>>)
      } else {
      }
      %mul3A_129 = arith.constant 2 : i32
      %mul3A_130 = arith.muli %mul3A_129, %scan3A_119 : i32
      %add3A_131 = arith.constant 1 : i32
      %add3A_132 = arith.addi %mul3A_130, %add3A_131 : i32
      %dma_wait3A_133 = arith.constant 0 : i32
      %dma_wait3A_134 = tpu.memref_slice %arg6[%add3A_132, %dma_wait3A_133] : memref<16x128xi32, #tpu.memory_space<vmem>> -> memref<1x128xi32, #tpu.memory_space<vmem>>
      %dma_wait3A_135 = tpu.memref_squeeze %dma_wait3A_134 : memref<1x128xi32, #tpu.memory_space<vmem>> -> memref<128xi32, #tpu.memory_space<vmem>>
      %dma_wait3A_136 = arith.constant 0 : i32
      %dma_wait3A_137 = arith.constant 0 : i32
      %dma_wait3A_138 = tpu.memref_slice %arg2[%dma_wait3A_136, %dma_wait3A_137] : memref<10240x128xf32, #tpu.memory_space<hbm>> -> memref<10240x128xf32, #tpu.memory_space<hbm>>
      tpu.wait_indirect_dma semaphore(%arg12 : memref<!tpu.dma_semaphore, #tpu.memory_space<semaphore_mem>>) src(%dma_wait3A_138 : memref<10240x128xf32, #tpu.memory_space<hbm>>) dst(%arg9 : memref<128x128xf32, #tpu.memory_space<vmem>>)
      "tpu.region"() ({
        %run_scoped3A = tpu.sem_alloc : memref<!tpu.dma_semaphore, #tpu.memory_space<semaphore_mem>>
        %dma_start3A_144 = arith.constant 0 : i32
        %dma_start3A_145 = tpu.memref_slice %arg7[%add3A_132, %dma_start3A_144] : memref<16x128xi32, #tpu.memory_space<vmem>> -> memref<1x128xi32, #tpu.memory_space<vmem>>
        %dma_start3A_146 = tpu.memref_squeeze %dma_start3A_145 : memref<1x128xi32, #tpu.memory_space<vmem>> -> memref<128xi32, #tpu.memory_space<vmem>>
        %dma_start3A_147 = arith.constant 0 : i32
        %dma_start3A_148 = arith.constant 0 : i32
        %dma_start3A_149 = tpu.memref_slice %arg10[%dma_start3A_147, %dma_start3A_148] : memref<10240x128xf32, #tpu.memory_space<vmem_shared>> -> memref<10240x128xf32, #tpu.memory_space<vmem_shared>>
        tpu.enqueue_indirect_dma source(%arg9 : memref<128x128xf32, #tpu.memory_space<vmem>>) target(%dma_start3A_149 : memref<10240x128xf32, #tpu.memory_space<vmem_shared>>) offsets(%dma_start3A_146 : memref<128xi32, #tpu.memory_space<vmem>>) semaphore(%run_scoped3A : memref<!tpu.dma_semaphore, #tpu.memory_space<semaphore_mem>>) {add = true}
        %dma_wait3A_150 = arith.constant 0 : i32
        %dma_wait3A_151 = tpu.memref_slice %arg7[%add3A_132, %dma_wait3A_150] : memref<16x128xi32, #tpu.memory_space<vmem>> -> memref<1x128xi32, #tpu.memory_space<vmem>>
        %dma_wait3A_152 = tpu.memref_squeeze %dma_wait3A_151 : memref<1x128xi32, #tpu.memory_space<vmem>> -> memref<128xi32, #tpu.memory_space<vmem>>
        %dma_wait3A_153 = arith.constant 0 : i32
        %dma_wait3A_154 = arith.constant 0 : i32
        %dma_wait3A_155 = tpu.memref_slice %arg10[%dma_wait3A_153, %dma_wait3A_154] : memref<10240x128xf32, #tpu.memory_space<vmem_shared>> -> memref<10240x128xf32, #tpu.memory_space<vmem_shared>>
        tpu.wait_indirect_dma semaphore(%run_scoped3A : memref<!tpu.dma_semaphore, #tpu.memory_space<semaphore_mem>>) src(%arg9 : memref<128x128xf32, #tpu.memory_space<vmem>>) dst(%dma_wait3A_155 : memref<10240x128xf32, #tpu.memory_space<vmem_shared>>)
        tpu.yield
      }) : () -> ()
      %lt3A_139 = arith.constant 14 : i32
      %lt3A_140 = arith.cmpi slt, %add3A_132, %lt3A_139 : i32
      %convert_element_type3A_141 = arith.extui %lt3A_140 : i1 to i32
      %cond3A_142 = arith.constant 0 : i32
      %cond3A_143 = arith.cmpi ne, %convert_element_type3A_141, %cond3A_142 : i32
      scf.if %cond3A_143 {
        %add3A_144 = arith.constant 2 : i32
        %add3A_145 = arith.addi %add3A_132, %add3A_144 : i32
        %dma_start3A_146 = arith.constant 0 : i32
        %dma_start3A_147 = tpu.memref_slice %arg6[%add3A_145, %dma_start3A_146] : memref<16x128xi32, #tpu.memory_space<vmem>> -> memref<1x128xi32, #tpu.memory_space<vmem>>
        %dma_start3A_148 = tpu.memref_squeeze %dma_start3A_147 : memref<1x128xi32, #tpu.memory_space<vmem>> -> memref<128xi32, #tpu.memory_space<vmem>>
        %dma_start3A_149 = arith.constant 0 : i32
        %dma_start3A_150 = arith.constant 0 : i32
        %dma_start3A_151 = tpu.memref_slice %arg2[%dma_start3A_149, %dma_start3A_150] : memref<10240x128xf32, #tpu.memory_space<hbm>> -> memref<10240x128xf32, #tpu.memory_space<hbm>>
        tpu.enqueue_indirect_dma source(%dma_start3A_151 : memref<10240x128xf32, #tpu.memory_space<hbm>>) target(%arg9 : memref<128x128xf32, #tpu.memory_space<vmem>>) offsets(%dma_start3A_148 : memref<128xi32, #tpu.memory_space<vmem>>) semaphore(%arg12 : memref<!tpu.dma_semaphore, #tpu.memory_space<semaphore_mem>>)
      } else {
      }
    }
    %scan3A_97 = arith.constant 8 : i32
    "tpu.region"() ({
      %run_scoped3A = tpu.sem_alloc : memref<!tpu.dma_semaphore, #tpu.memory_space<semaphore_mem>>
      %dma_start3A_119 = arith.constant 64 : i32
      %dma_start3A_120 = arith.constant 0 : i32
      %dma_start3A_121 = tpu.memref_slice %arg3[%add3A, %dma_start3A_119, %dma_start3A_120] : memref<32x80x128xi32, #tpu.memory_space<hbm>> -> memref<1x16x128xi32, #tpu.memory_space<hbm>>
      %dma_start3A_122 = tpu.memref_squeeze %dma_start3A_121 : memref<1x16x128xi32, #tpu.memory_space<hbm>> -> memref<16x128xi32, #tpu.memory_space<hbm>>
      %dma_start3A_123 = arith.constant 64 : i32
      %dma_start3A_124 = arith.constant 0 : i32
      %dma_start3A_125 = tpu.memref_slice %arg3[%add3A, %dma_start3A_123, %dma_start3A_124] : memref<32x80x128xi32, #tpu.memory_space<hbm>> -> memref<1x16x128xi32, #tpu.memory_space<hbm>>
      %dma_start3A_126 = tpu.memref_squeeze %dma_start3A_125 : memref<1x16x128xi32, #tpu.memory_space<hbm>> -> memref<16x128xi32, #tpu.memory_space<hbm>>
      tpu.enqueue_dma source(%dma_start3A_126 : memref<16x128xi32, #tpu.memory_space<hbm>>) target(%arg6 : memref<16x128xi32, #tpu.memory_space<vmem>>) target_semaphore(%run_scoped3A : memref<!tpu.dma_semaphore, #tpu.memory_space<semaphore_mem>>)
      %dma_wait3A = arith.constant 64 : i32
      %dma_wait3A_127 = arith.constant 0 : i32
      %dma_wait3A_128 = tpu.memref_slice %arg3[%add3A, %dma_wait3A, %dma_wait3A_127] : memref<32x80x128xi32, #tpu.memory_space<hbm>> -> memref<1x16x128xi32, #tpu.memory_space<hbm>>
      %dma_wait3A_129 = tpu.memref_squeeze %dma_wait3A_128 : memref<1x16x128xi32, #tpu.memory_space<hbm>> -> memref<16x128xi32, #tpu.memory_space<hbm>>
      %dma_wait3A_130 = arith.constant 64 : i32
      %dma_wait3A_131 = arith.constant 0 : i32
      %dma_wait3A_132 = tpu.memref_slice %arg3[%add3A, %dma_wait3A_130, %dma_wait3A_131] : memref<32x80x128xi32, #tpu.memory_space<hbm>> -> memref<1x16x128xi32, #tpu.memory_space<hbm>>
      %dma_wait3A_133 = tpu.memref_squeeze %dma_wait3A_132 : memref<1x16x128xi32, #tpu.memory_space<hbm>> -> memref<16x128xi32, #tpu.memory_space<hbm>>
      tpu.wait_dma2 semaphore(%run_scoped3A : memref<!tpu.dma_semaphore, #tpu.memory_space<semaphore_mem>>) src(%dma_wait3A_133 : memref<16x128xi32, #tpu.memory_space<hbm>>) dst(%arg6 : memref<16x128xi32, #tpu.memory_space<vmem>>)
      tpu.yield
    }) : () -> ()
    "tpu.region"() ({
      %run_scoped3A = tpu.sem_alloc : memref<!tpu.dma_semaphore, #tpu.memory_space<semaphore_mem>>
      %dma_start3A_119 = arith.constant 64 : i32
      %dma_start3A_120 = arith.constant 0 : i32
      %dma_start3A_121 = tpu.memref_slice %arg4[%add3A, %dma_start3A_119, %dma_start3A_120] : memref<32x80x128xi32, #tpu.memory_space<hbm>> -> memref<1x16x128xi32, #tpu.memory_space<hbm>>
      %dma_start3A_122 = tpu.memref_squeeze %dma_start3A_121 : memref<1x16x128xi32, #tpu.memory_space<hbm>> -> memref<16x128xi32, #tpu.memory_space<hbm>>
      %dma_start3A_123 = arith.constant 64 : i32
      %dma_start3A_124 = arith.constant 0 : i32
      %dma_start3A_125 = tpu.memref_slice %arg4[%add3A, %dma_start3A_123, %dma_start3A_124] : memref<32x80x128xi32, #tpu.memory_space<hbm>> -> memref<1x16x128xi32, #tpu.memory_space<hbm>>
      %dma_start3A_126 = tpu.memref_squeeze %dma_start3A_125 : memref<1x16x128xi32, #tpu.memory_space<hbm>> -> memref<16x128xi32, #tpu.memory_space<hbm>>
      tpu.enqueue_dma source(%dma_start3A_126 : memref<16x128xi32, #tpu.memory_space<hbm>>) target(%arg7 : memref<16x128xi32, #tpu.memory_space<vmem>>) target_semaphore(%run_scoped3A : memref<!tpu.dma_semaphore, #tpu.memory_space<semaphore_mem>>)
      %dma_wait3A = arith.constant 64 : i32
      %dma_wait3A_127 = arith.constant 0 : i32
      %dma_wait3A_128 = tpu.memref_slice %arg4[%add3A, %dma_wait3A, %dma_wait3A_127] : memref<32x80x128xi32, #tpu.memory_space<hbm>> -> memref<1x16x128xi32, #tpu.memory_space<hbm>>
      %dma_wait3A_129 = tpu.memref_squeeze %dma_wait3A_128 : memref<1x16x128xi32, #tpu.memory_space<hbm>> -> memref<16x128xi32, #tpu.memory_space<hbm>>
      %dma_wait3A_130 = arith.constant 64 : i32
      %dma_wait3A_131 = arith.constant 0 : i32
      %dma_wait3A_132 = tpu.memref_slice %arg4[%add3A, %dma_wait3A_130, %dma_wait3A_131] : memref<32x80x128xi32, #tpu.memory_space<hbm>> -> memref<1x16x128xi32, #tpu.memory_space<hbm>>
      %dma_wait3A_133 = tpu.memref_squeeze %dma_wait3A_132 : memref<1x16x128xi32, #tpu.memory_space<hbm>> -> memref<16x128xi32, #tpu.memory_space<hbm>>
      tpu.wait_dma2 semaphore(%run_scoped3A : memref<!tpu.dma_semaphore, #tpu.memory_space<semaphore_mem>>) src(%dma_wait3A_133 : memref<16x128xi32, #tpu.memory_space<hbm>>) dst(%arg7 : memref<16x128xi32, #tpu.memory_space<vmem>>)
      tpu.yield
    }) : () -> ()
    %dma_start3A_98 = arith.constant 0 : i32
    %dma_start3A_99 = arith.constant 0 : i32
    %dma_start3A_100 = tpu.memref_slice %arg6[%dma_start3A_98, %dma_start3A_99] : memref<16x128xi32, #tpu.memory_space<vmem>> -> memref<1x128xi32, #tpu.memory_space<vmem>>
    %dma_start3A_101 = tpu.memref_squeeze %dma_start3A_100 : memref<1x128xi32, #tpu.memory_space<vmem>> -> memref<128xi32, #tpu.memory_space<vmem>>
    %dma_start3A_102 = arith.constant 0 : i32
    %dma_start3A_103 = arith.constant 0 : i32
    %dma_start3A_104 = tpu.memref_slice %arg2[%dma_start3A_102, %dma_start3A_103] : memref<10240x128xf32, #tpu.memory_space<hbm>> -> memref<10240x128xf32, #tpu.memory_space<hbm>>
    tpu.enqueue_indirect_dma source(%dma_start3A_104 : memref<10240x128xf32, #tpu.memory_space<hbm>>) target(%arg8 : memref<128x128xf32, #tpu.memory_space<vmem>>) offsets(%dma_start3A_101 : memref<128xi32, #tpu.memory_space<vmem>>) semaphore(%arg11 : memref<!tpu.dma_semaphore, #tpu.memory_space<semaphore_mem>>)
    %dma_start3A_105 = arith.constant 1 : i32
    %dma_start3A_106 = arith.constant 0 : i32
    %dma_start3A_107 = tpu.memref_slice %arg6[%dma_start3A_105, %dma_start3A_106] : memref<16x128xi32, #tpu.memory_space<vmem>> -> memref<1x128xi32, #tpu.memory_space<vmem>>
    %dma_start3A_108 = tpu.memref_squeeze %dma_start3A_107 : memref<1x128xi32, #tpu.memory_space<vmem>> -> memref<128xi32, #tpu.memory_space<vmem>>
    %dma_start3A_109 = arith.constant 0 : i32
    %dma_start3A_110 = arith.constant 0 : i32
    %dma_start3A_111 = tpu.memref_slice %arg2[%dma_start3A_109, %dma_start3A_110] : memref<10240x128xf32, #tpu.memory_space<hbm>> -> memref<10240x128xf32, #tpu.memory_space<hbm>>
    tpu.enqueue_indirect_dma source(%dma_start3A_111 : memref<10240x128xf32, #tpu.memory_space<hbm>>) target(%arg9 : memref<128x128xf32, #tpu.memory_space<vmem>>) offsets(%dma_start3A_108 : memref<128xi32, #tpu.memory_space<vmem>>) semaphore(%arg12 : memref<!tpu.dma_semaphore, #tpu.memory_space<semaphore_mem>>)
    %scan3A_112 = arith.constant 0 : i32
    %scan3A_113 = arith.constant 0 : i32
    %scan3A_114 = arith.constant 8 : i32
    %scan3A_115 = arith.addi %scan3A_113, %scan3A_114 : i32
    %scan3A_116 = arith.constant 1 : i32
    scf.for %scan3A_119 = %scan3A_113 to %scan3A_115 step %scan3A_116  : i32 {
      %mul3A_120 = arith.constant 2 : i32
      %mul3A_121 = arith.muli %mul3A_120, %scan3A_119 : i32
      %dma_wait3A = arith.constant 0 : i32
      %dma_wait3A_122 = tpu.memref_slice %arg6[%mul3A_121, %dma_wait3A] : memref<16x128xi32, #tpu.memory_space<vmem>> -> memref<1x128xi32, #tpu.memory_space<vmem>>
      %dma_wait3A_123 = tpu.memref_squeeze %dma_wait3A_122 : memref<1x128xi32, #tpu.memory_space<vmem>> -> memref<128xi32, #tpu.memory_space<vmem>>
      %dma_wait3A_124 = arith.constant 0 : i32
      %dma_wait3A_125 = arith.constant 0 : i32
      %dma_wait3A_126 = tpu.memref_slice %arg2[%dma_wait3A_124, %dma_wait3A_125] : memref<10240x128xf32, #tpu.memory_space<hbm>> -> memref<10240x128xf32, #tpu.memory_space<hbm>>
      tpu.wait_indirect_dma semaphore(%arg11 : memref<!tpu.dma_semaphore, #tpu.memory_space<semaphore_mem>>) src(%dma_wait3A_126 : memref<10240x128xf32, #tpu.memory_space<hbm>>) dst(%arg8 : memref<128x128xf32, #tpu.memory_space<vmem>>)
      "tpu.region"() ({
        %run_scoped3A = tpu.sem_alloc : memref<!tpu.dma_semaphore, #tpu.memory_space<semaphore_mem>>
        %dma_start3A_144 = arith.constant 0 : i32
        %dma_start3A_145 = tpu.memref_slice %arg7[%mul3A_121, %dma_start3A_144] : memref<16x128xi32, #tpu.memory_space<vmem>> -> memref<1x128xi32, #tpu.memory_space<vmem>>
        %dma_start3A_146 = tpu.memref_squeeze %dma_start3A_145 : memref<1x128xi32, #tpu.memory_space<vmem>> -> memref<128xi32, #tpu.memory_space<vmem>>
        %dma_start3A_147 = arith.constant 0 : i32
        %dma_start3A_148 = arith.constant 0 : i32
        %dma_start3A_149 = tpu.memref_slice %arg10[%dma_start3A_147, %dma_start3A_148] : memref<10240x128xf32, #tpu.memory_space<vmem_shared>> -> memref<10240x128xf32, #tpu.memory_space<vmem_shared>>
        tpu.enqueue_indirect_dma source(%arg8 : memref<128x128xf32, #tpu.memory_space<vmem>>) target(%dma_start3A_149 : memref<10240x128xf32, #tpu.memory_space<vmem_shared>>) offsets(%dma_start3A_146 : memref<128xi32, #tpu.memory_space<vmem>>) semaphore(%run_scoped3A : memref<!tpu.dma_semaphore, #tpu.memory_space<semaphore_mem>>) {add = true}
        %dma_wait3A_150 = arith.constant 0 : i32
        %dma_wait3A_151 = tpu.memref_slice %arg7[%mul3A_121, %dma_wait3A_150] : memref<16x128xi32, #tpu.memory_space<vmem>> -> memref<1x128xi32, #tpu.memory_space<vmem>>
        %dma_wait3A_152 = tpu.memref_squeeze %dma_wait3A_151 : memref<1x128xi32, #tpu.memory_space<vmem>> -> memref<128xi32, #tpu.memory_space<vmem>>
        %dma_wait3A_153 = arith.constant 0 : i32
        %dma_wait3A_154 = arith.constant 0 : i32
        %dma_wait3A_155 = tpu.memref_slice %arg10[%dma_wait3A_153, %dma_wait3A_154] : memref<10240x128xf32, #tpu.memory_space<vmem_shared>> -> memref<10240x128xf32, #tpu.memory_space<vmem_shared>>
        tpu.wait_indirect_dma semaphore(%run_scoped3A : memref<!tpu.dma_semaphore, #tpu.memory_space<semaphore_mem>>) src(%arg8 : memref<128x128xf32, #tpu.memory_space<vmem>>) dst(%dma_wait3A_155 : memref<10240x128xf32, #tpu.memory_space<vmem_shared>>)
        tpu.yield
      }) : () -> ()
      %lt3A = arith.constant 14 : i32
      %lt3A_127 = arith.cmpi slt, %mul3A_121, %lt3A : i32
      %convert_element_type3A = arith.extui %lt3A_127 : i1 to i32
      %cond3A = arith.constant 0 : i32
      %cond3A_128 = arith.cmpi ne, %convert_element_type3A, %cond3A : i32
      scf.if %cond3A_128 {
        %add3A_144 = arith.constant 2 : i32
        %add3A_145 = arith.addi %mul3A_121, %add3A_144 : i32
        %dma_start3A_146 = arith.constant 0 : i32
        %dma_start3A_147 = tpu.memref_slice %arg6[%add3A_145, %dma_start3A_146] : memref<16x128xi32, #tpu.memory_space<vmem>> -> memref<1x128xi32, #tpu.memory_space<vmem>>
        %dma_start3A_148 = tpu.memref_squeeze %dma_start3A_147 : memref<1x128xi32, #tpu.memory_space<vmem>> -> memref<128xi32, #tpu.memory_space<vmem>>
        %dma_start3A_149 = arith.constant 0 : i32
        %dma_start3A_150 = arith.constant 0 : i32
        %dma_start3A_151 = tpu.memref_slice %arg2[%dma_start3A_149, %dma_start3A_150] : memref<10240x128xf32, #tpu.memory_space<hbm>> -> memref<10240x128xf32, #tpu.memory_space<hbm>>
        tpu.enqueue_indirect_dma source(%dma_start3A_151 : memref<10240x128xf32, #tpu.memory_space<hbm>>) target(%arg8 : memref<128x128xf32, #tpu.memory_space<vmem>>) offsets(%dma_start3A_148 : memref<128xi32, #tpu.memory_space<vmem>>) semaphore(%arg11 : memref<!tpu.dma_semaphore, #tpu.memory_space<semaphore_mem>>)
      } else {
      }
      %mul3A_129 = arith.constant 2 : i32
      %mul3A_130 = arith.muli %mul3A_129, %scan3A_119 : i32
      %add3A_131 = arith.constant 1 : i32
      %add3A_132 = arith.addi %mul3A_130, %add3A_131 : i32
      %dma_wait3A_133 = arith.constant 0 : i32
      %dma_wait3A_134 = tpu.memref_slice %arg6[%add3A_132, %dma_wait3A_133] : memref<16x128xi32, #tpu.memory_space<vmem>> -> memref<1x128xi32, #tpu.memory_space<vmem>>
      %dma_wait3A_135 = tpu.memref_squeeze %dma_wait3A_134 : memref<1x128xi32, #tpu.memory_space<vmem>> -> memref<128xi32, #tpu.memory_space<vmem>>
      %dma_wait3A_136 = arith.constant 0 : i32
      %dma_wait3A_137 = arith.constant 0 : i32
      %dma_wait3A_138 = tpu.memref_slice %arg2[%dma_wait3A_136, %dma_wait3A_137] : memref<10240x128xf32, #tpu.memory_space<hbm>> -> memref<10240x128xf32, #tpu.memory_space<hbm>>
      tpu.wait_indirect_dma semaphore(%arg12 : memref<!tpu.dma_semaphore, #tpu.memory_space<semaphore_mem>>) src(%dma_wait3A_138 : memref<10240x128xf32, #tpu.memory_space<hbm>>) dst(%arg9 : memref<128x128xf32, #tpu.memory_space<vmem>>)
      "tpu.region"() ({
        %run_scoped3A = tpu.sem_alloc : memref<!tpu.dma_semaphore, #tpu.memory_space<semaphore_mem>>
        %dma_start3A_144 = arith.constant 0 : i32
        %dma_start3A_145 = tpu.memref_slice %arg7[%add3A_132, %dma_start3A_144] : memref<16x128xi32, #tpu.memory_space<vmem>> -> memref<1x128xi32, #tpu.memory_space<vmem>>
        %dma_start3A_146 = tpu.memref_squeeze %dma_start3A_145 : memref<1x128xi32, #tpu.memory_space<vmem>> -> memref<128xi32, #tpu.memory_space<vmem>>
        %dma_start3A_147 = arith.constant 0 : i32
        %dma_start3A_148 = arith.constant 0 : i32
        %dma_start3A_149 = tpu.memref_slice %arg10[%dma_start3A_147, %dma_start3A_148] : memref<10240x128xf32, #tpu.memory_space<vmem_shared>> -> memref<10240x128xf32, #tpu.memory_space<vmem_shared>>
        tpu.enqueue_indirect_dma source(%arg9 : memref<128x128xf32, #tpu.memory_space<vmem>>) target(%dma_start3A_149 : memref<10240x128xf32, #tpu.memory_space<vmem_shared>>) offsets(%dma_start3A_146 : memref<128xi32, #tpu.memory_space<vmem>>) semaphore(%run_scoped3A : memref<!tpu.dma_semaphore, #tpu.memory_space<semaphore_mem>>) {add = true}
        %dma_wait3A_150 = arith.constant 0 : i32
        %dma_wait3A_151 = tpu.memref_slice %arg7[%add3A_132, %dma_wait3A_150] : memref<16x128xi32, #tpu.memory_space<vmem>> -> memref<1x128xi32, #tpu.memory_space<vmem>>
        %dma_wait3A_152 = tpu.memref_squeeze %dma_wait3A_151 : memref<1x128xi32, #tpu.memory_space<vmem>> -> memref<128xi32, #tpu.memory_space<vmem>>
        %dma_wait3A_153 = arith.constant 0 : i32
        %dma_wait3A_154 = arith.constant 0 : i32
        %dma_wait3A_155 = tpu.memref_slice %arg10[%dma_wait3A_153, %dma_wait3A_154] : memref<10240x128xf32, #tpu.memory_space<vmem_shared>> -> memref<10240x128xf32, #tpu.memory_space<vmem_shared>>
        tpu.wait_indirect_dma semaphore(%run_scoped3A : memref<!tpu.dma_semaphore, #tpu.memory_space<semaphore_mem>>) src(%arg9 : memref<128x128xf32, #tpu.memory_space<vmem>>) dst(%dma_wait3A_155 : memref<10240x128xf32, #tpu.memory_space<vmem_shared>>)
        tpu.yield
      }) : () -> ()
      %lt3A_139 = arith.constant 14 : i32
      %lt3A_140 = arith.cmpi slt, %add3A_132, %lt3A_139 : i32
      %convert_element_type3A_141 = arith.extui %lt3A_140 : i1 to i32
      %cond3A_142 = arith.constant 0 : i32
      %cond3A_143 = arith.cmpi ne, %convert_element_type3A_141, %cond3A_142 : i32
      scf.if %cond3A_143 {
        %add3A_144 = arith.constant 2 : i32
        %add3A_145 = arith.addi %add3A_132, %add3A_144 : i32
        %dma_start3A_146 = arith.constant 0 : i32
        %dma_start3A_147 = tpu.memref_slice %arg6[%add3A_145, %dma_start3A_146] : memref<16x128xi32, #tpu.memory_space<vmem>> -> memref<1x128xi32, #tpu.memory_space<vmem>>
        %dma_start3A_148 = tpu.memref_squeeze %dma_start3A_147 : memref<1x128xi32, #tpu.memory_space<vmem>> -> memref<128xi32, #tpu.memory_space<vmem>>
        %dma_start3A_149 = arith.constant 0 : i32
        %dma_start3A_150 = arith.constant 0 : i32
        %dma_start3A_151 = tpu.memref_slice %arg2[%dma_start3A_149, %dma_start3A_150] : memref<10240x128xf32, #tpu.memory_space<hbm>> -> memref<10240x128xf32, #tpu.memory_space<hbm>>
        tpu.enqueue_indirect_dma source(%dma_start3A_151 : memref<10240x128xf32, #tpu.memory_space<hbm>>) target(%arg9 : memref<128x128xf32, #tpu.memory_space<vmem>>) offsets(%dma_start3A_148 : memref<128xi32, #tpu.memory_space<vmem>>) semaphore(%arg12 : memref<!tpu.dma_semaphore, #tpu.memory_space<semaphore_mem>>)
      } else {
      }
    }
    %scan3A_117 = arith.constant 8 : i32
    %barrier3A_118 = arith.constant 0 : index
    tpu.barrier barrier_id(%barrier3A_118)
    "tpu.region"() ({
      %run_scoped3A = tpu.sem_alloc : memref<!tpu.dma_semaphore, #tpu.memory_space<semaphore_mem>>
      %dma_start3A_119 = arith.constant 0 : i32
      %dma_start3A_120 = tpu.memref_slice %arg5[%arg0, %mul3A_2, %dma_start3A_119] : memref<2x10240x128xf32, #tpu.memory_space<hbm>> -> memref<1x640x128xf32, #tpu.memory_space<hbm>>
      %dma_start3A_121 = tpu.memref_squeeze %dma_start3A_120 : memref<1x640x128xf32, #tpu.memory_space<hbm>> -> memref<640x128xf32, #tpu.memory_space<hbm>>
      %dma_start3A_122 = arith.constant 0 : i32
      %dma_start3A_123 = tpu.memref_slice %arg10[%mul3A_2, %dma_start3A_122] : memref<10240x128xf32, #tpu.memory_space<vmem_shared>> -> memref<640x128xf32, #tpu.memory_space<vmem_shared>>
      tpu.enqueue_dma source(%dma_start3A_123 : memref<640x128xf32, #tpu.memory_space<vmem_shared>>) target(%dma_start3A_121 : memref<640x128xf32, #tpu.memory_space<hbm>>) target_semaphore(%run_scoped3A : memref<!tpu.dma_semaphore, #tpu.memory_space<semaphore_mem>>)
      %dma_wait3A = arith.constant 0 : i32
      %dma_wait3A_124 = tpu.memref_slice %arg5[%arg0, %mul3A_2, %dma_wait3A] : memref<2x10240x128xf32, #tpu.memory_space<hbm>> -> memref<1x640x128xf32, #tpu.memory_space<hbm>>
      %dma_wait3A_125 = tpu.memref_squeeze %dma_wait3A_124 : memref<1x640x128xf32, #tpu.memory_space<hbm>> -> memref<640x128xf32, #tpu.memory_space<hbm>>
      %dma_wait3A_126 = arith.constant 0 : i32
      %dma_wait3A_127 = tpu.memref_slice %arg10[%mul3A_2, %dma_wait3A_126] : memref<10240x128xf32, #tpu.memory_space<vmem_shared>> -> memref<640x128xf32, #tpu.memory_space<vmem_shared>>
      tpu.wait_dma2 semaphore(%run_scoped3A : memref<!tpu.dma_semaphore, #tpu.memory_space<semaphore_mem>>) src(%dma_wait3A_127 : memref<640x128xf32, #tpu.memory_space<vmem_shared>>) dst(%dma_wait3A_125 : memref<640x128xf32, #tpu.memory_space<hbm>>)
      tpu.yield
    }) : () -> ()
    return
  }
}

module attributes {stable_mosaic.version = 14 : i64} {
  func.func @_combine_body(%arg0: i32, %arg1: memref<2x1024x128xf32, #tpu.memory_space<vmem>>, %arg2: memref<1024x1xf32, #tpu.memory_space<vmem>>, %arg3: memref<1024x1xf32, #tpu.memory_space<vmem>>, %arg4: memref<1024x128xf32, #tpu.memory_space<vmem>>) attributes {dimension_semantics = [#tpu.dimension_semantics<arbitrary>], iteration_bounds = array<i64: 10>, scalar_prefetch = 0 : i64, scratch_operands = 0 : i64, tpu.core_type = #tpu.core_type<tc>, window_params = [{transform_indices = @transform_0, window_bounds = array<i64: 2, 1024, 128>}, {transform_indices = @transform_1, window_bounds = array<i64: 1024, 1>}, {transform_indices = @transform_2, window_bounds = array<i64: 1024, 1>}, {transform_indices = @transform_3, window_bounds = array<i64: 1024, 128>}]} {
    %get3A = arith.constant 0 : index
    %get3A_0 = arith.constant 0 : index
    %get3A_1 = vector.load %arg2[%get3A, %get3A_0] : memref<1024x1xf32, #tpu.memory_space<vmem>>, vector<1024x1xf32>
    %get3A_2 = arith.constant 0 : index
    %get3A_3 = arith.constant 0 : index
    %get3A_4 = vector.load %arg3[%get3A_2, %get3A_3] : memref<1024x1xf32, #tpu.memory_space<vmem>>, vector<1024x1xf32>
    %add3A = arith.addf %get3A_1, %get3A_4 : vector<1024x1xf32>
    %max3A = arith.constant 1.000000e+00 : f32
    %max3A_5 = vector.broadcast %max3A : f32 to vector<1024x1xf32>
    %max3A_6 = arith.maximumf %add3A, %max3A_5 : vector<1024x1xf32>
    %div3A = arith.constant 1.000000e+00 : f32
    %div3A_7 = vector.broadcast %div3A : f32 to vector<1024x1xf32>
    %div3A_8 = arith.divf %div3A_7, %max3A_6 : vector<1024x1xf32>
    %get3A_9 = arith.constant 0 : index
    %get3A_10 = arith.constant 0 : index
    %get3A_11 = arith.constant 0 : index
    %get3A_12 = vector.load %arg1[%get3A_9, %get3A_10, %get3A_11] : memref<2x1024x128xf32, #tpu.memory_space<vmem>>, vector<1x1024x128xf32>
    %get3A_13 = vector.shape_cast %get3A_12 : vector<1x1024x128xf32> to vector<1024x128xf32>
    %get3A_14 = arith.constant 1 : index
    %get3A_15 = arith.constant 0 : index
    %get3A_16 = arith.constant 0 : index
    %get3A_17 = vector.load %arg1[%get3A_14, %get3A_15, %get3A_16] : memref<2x1024x128xf32, #tpu.memory_space<vmem>>, vector<1x1024x128xf32>
    %get3A_18 = vector.shape_cast %get3A_17 : vector<1x1024x128xf32> to vector<1024x128xf32>
    %add3A_19 = arith.addf %get3A_13, %get3A_18 : vector<1024x128xf32>
    %mul3A = vector.broadcast %div3A_8 : vector<1024x1xf32> to vector<1024x128xf32>
    %mul3A_20 = arith.mulf %add3A_19, %mul3A : vector<1024x128xf32>
    %swap3A = arith.constant 0 : index
    %swap3A_21 = arith.constant 0 : index
    %swap3A_22 = vector.load %arg4[%swap3A, %swap3A_21] : memref<1024x128xf32, #tpu.memory_space<vmem>>, vector<1024x128xf32>
    tpu.vector_store %arg4[%swap3A, %swap3A_21], %mul3A_20 {strides = array<i32>} : memref<1024x128xf32, #tpu.memory_space<vmem>>, vector<1024x128xf32>,
    return
  }
  func.func @transform_0(%arg0: i32) -> (i32, i32, i32) {
    %c0_i32 = arith.constant 0 : i32
    %c0_i32_0 = arith.constant 0 : i32
    %c0_i32_1 = arith.constant 0 : i32
    return %c0_i32, %arg0, %c0_i32_0 : i32, i32, i32
  }
  func.func @transform_1(%arg0: i32) -> (i32, i32) {
    %c0_i32 = arith.constant 0 : i32
    %c0_i32_0 = arith.constant 0 : i32
    return %arg0, %c0_i32 : i32, i32
  }
  func.func @transform_2(%arg0: i32) -> (i32, i32) {
    %c0_i32 = arith.constant 0 : i32
    %c0_i32_0 = arith.constant 0 : i32
    return %arg0, %c0_i32 : i32, i32
  }
  func.func @transform_3(%arg0: i32) -> (i32, i32) {
    %c0_i32 = arith.constant 0 : i32
    %c0_i32_0 = arith.constant 0 : i32
    return %arg0, %c0_i32 : i32, i32
  }
}

module attributes {stable_mosaic.version = 14 : i64} {
  func.func @_fusion_body(%arg0: i32, %arg1: memref<2000x128xf32, #tpu.memory_space<vmem>>, %arg2: memref<2000x128xf32, #tpu.memory_space<vmem>>, %arg3: memref<2x2000x128xf32, #tpu.memory_space<vmem>>, %arg4: memref<2000x1xf32, #tpu.memory_space<vmem>>, %arg5: memref<2000x1xf32, #tpu.memory_space<vmem>>, %arg6: memref<32x16xi32, #tpu.memory_space<vmem>>, %arg7: memref<128x128xf32, #tpu.memory_space<vmem>>, %arg8: memref<1x128xf32, #tpu.memory_space<vmem>>, %arg9: memref<128x128xf32, #tpu.memory_space<vmem>>, %arg10: memref<1x128xf32, #tpu.memory_space<vmem>>, %arg11: memref<128x128xf32, #tpu.memory_space<vmem>>, %arg12: memref<1x128xf32, #tpu.memory_space<vmem>>, %arg13: memref<2x32xf32, #tpu.memory_space<vmem>>, %arg14: memref<1x32xf32, #tpu.memory_space<vmem>>, %arg15: memref<3x32xf32, #tpu.memory_space<vmem>>, %arg16: memref<1x3xf32, #tpu.memory_space<vmem>>, %arg17: memref<384x128xf32, #tpu.memory_space<vmem>>, %arg18: memref<1x128xf32, #tpu.memory_space<vmem>>, %arg19: memref<128x384xf32, #tpu.memory_space<vmem>>, %arg20: memref<1x128xf32, #tpu.memory_space<vmem>>, %arg21: memref<2000x128xf32, #tpu.memory_space<vmem>>) attributes {dimension_semantics = [#tpu.dimension_semantics<arbitrary>], iteration_bounds = array<i64: 5>, scalar_prefetch = 0 : i64, scratch_operands = 0 : i64, tpu.core_type = #tpu.core_type<tc>, window_params = [{transform_indices = @transform_0, window_bounds = array<i64: 2000, 128>}, {transform_indices = @transform_1, window_bounds = array<i64: 2000, 128>}, {transform_indices = @transform_2, window_bounds = array<i64: 2, 2000, 128>}, {transform_indices = @transform_3, window_bounds = array<i64: 2000, 1>}, {transform_indices = @transform_4, window_bounds = array<i64: 2000, 1>}, {pipeline_mode = #tpu.pipeline_mode<synchronous>, transform_indices = @transform_5, window_bounds = array<i64: 32, 16>}, {pipeline_mode = #tpu.pipeline_mode<synchronous>, transform_indices = @transform_6, window_bounds = array<i64: 128, 128>}, {pipeline_mode = #tpu.pipeline_mode<synchronous>, transform_indices = @transform_7, window_bounds = array<i64: 1, 128>}, {pipeline_mode = #tpu.pipeline_mode<synchronous>, transform_indices = @transform_8, window_bounds = array<i64: 128, 128>}, {pipeline_mode = #tpu.pipeline_mode<synchronous>, transform_indices = @transform_9, window_bounds = array<i64: 1, 128>}, {pipeline_mode = #tpu.pipeline_mode<synchronous>, transform_indices = @transform_10, window_bounds = array<i64: 128, 128>}, {pipeline_mode = #tpu.pipeline_mode<synchronous>, transform_indices = @transform_11, window_bounds = array<i64: 1, 128>}, {pipeline_mode = #tpu.pipeline_mode<synchronous>, transform_indices = @transform_12, window_bounds = array<i64: 2, 32>}, {pipeline_mode = #tpu.pipeline_mode<synchronous>, transform_indices = @transform_13, window_bounds = array<i64: 1, 32>}, {pipeline_mode = #tpu.pipeline_mode<synchronous>, transform_indices = @transform_14, window_bounds = array<i64: 3, 32>}, {pipeline_mode = #tpu.pipeline_mode<synchronous>, transform_indices = @transform_15, window_bounds = array<i64: 1, 3>}, {pipeline_mode = #tpu.pipeline_mode<synchronous>, transform_indices = @transform_16, window_bounds = array<i64: 384, 128>}, {pipeline_mode = #tpu.pipeline_mode<synchronous>, transform_indices = @transform_17, window_bounds = array<i64: 1, 128>}, {pipeline_mode = #tpu.pipeline_mode<synchronous>, transform_indices = @transform_18, window_bounds = array<i64: 128, 384>}, {pipeline_mode = #tpu.pipeline_mode<synchronous>, transform_indices = @transform_19, window_bounds = array<i64: 1, 128>}, {transform_indices = @transform_20, window_bounds = array<i64: 2000, 128>}]} {
    %get3A = arith.constant 0 : index
    %get3A_0 = arith.constant 0 : index
    %get3A_1 = vector.load %arg6[%get3A, %get3A_0] : memref<32x16xi32, #tpu.memory_space<vmem>>, vector<32x16xi32>
    %reduce_max3A = vector.shape_cast %get3A_1 : vector<32x16xi32> to vector<1x32x16xi32>
    %reduce_max3A_2 = arith.constant dense<-2147483648> : vector<1xi32>
    %reduce_max3A_3 = vector.multi_reduction <maxsi>, %reduce_max3A, %reduce_max3A_2 [1, 2] : vector<1x32x16xi32> to vector<1xi32>
    %reduce_max3A_4 = vector.shape_cast %reduce_max3A_3 : vector<1xi32> to vector<1x1x1xi32>
    %reduce_max3A_5 = vector.extract %reduce_max3A_4[0, 0, 0] : i32 from vector<1x1x1xi32>
    %convert_element_type3A = arith.sitofp %reduce_max3A_5 : i32 to f32
    %get3A_6 = arith.constant 0 : index
    %get3A_7 = arith.constant 0 : index
    %get3A_8 = vector.load %arg13[%get3A_6, %get3A_7] : memref<2x32xf32, #tpu.memory_space<vmem>>, vector<1x32xf32>
    %get3A_9 = vector.shape_cast %get3A_8 : vector<1x32xf32> to vector<32xf32>
    %mul3A = arith.constant 2.000000e+00 : f32
    %mul3A_10 = vector.broadcast %mul3A : f32 to vector<32xf32>
    %mul3A_11 = arith.mulf %get3A_9, %mul3A_10 : vector<32xf32>
    %get3A_12 = arith.constant 1 : index
    %get3A_13 = arith.constant 0 : index
    %get3A_14 = vector.load %arg13[%get3A_12, %get3A_13] : memref<2x32xf32, #tpu.memory_space<vmem>>, vector<1x32xf32>
    %get3A_15 = vector.shape_cast %get3A_14 : vector<1x32xf32> to vector<32xf32>
    %mul3A_16 = arith.constant 5.000000e-02 : f32
    %mul3A_17 = arith.mulf %convert_element_type3A, %mul3A_16 : f32
    %mul3A_18 = vector.broadcast %mul3A_17 : f32 to vector<32xf32>
    %mul3A_19 = arith.mulf %get3A_15, %mul3A_18 : vector<32xf32>
    %add3A = arith.addf %mul3A_11, %mul3A_19 : vector<32xf32>
    %get3A_20 = arith.constant 0 : index
    %get3A_21 = arith.constant 0 : index
    %get3A_22 = vector.load %arg14[%get3A_20, %get3A_21] : memref<1x32xf32, #tpu.memory_space<vmem>>, vector<1x32xf32>
    %get3A_23 = vector.shape_cast %get3A_22 : vector<1x32xf32> to vector<32xf32>
    %add3A_24 = arith.addf %add3A, %get3A_23 : vector<32xf32>
    %max3A = arith.constant 0.000000e+00 : f32
    %max3A_25 = vector.broadcast %max3A : f32 to vector<32xf32>
    %max3A_26 = arith.maximumf %add3A_24, %max3A_25 : vector<32xf32>
    %get3A_27 = arith.constant 0 : index
    %get3A_28 = arith.constant 0 : index
    %get3A_29 = vector.load %arg15[%get3A_27, %get3A_28] : memref<3x32xf32, #tpu.memory_space<vmem>>, vector<1x32xf32>
    %get3A_30 = vector.shape_cast %get3A_29 : vector<1x32xf32> to vector<32xf32>
    %mul3A_31 = arith.mulf %get3A_30, %max3A_26 : vector<32xf32>
    %reduce_sum3A = vector.shape_cast %mul3A_31 : vector<32xf32> to vector<1x32xf32>
    %reduce_sum3A_32 = arith.constant dense<0.000000e+00> : vector<1xf32>
    %reduce_sum3A_33 = vector.multi_reduction <add>, %reduce_sum3A, %reduce_sum3A_32 [1] : vector<1x32xf32> to vector<1xf32>
    %reduce_sum3A_34 = vector.shape_cast %reduce_sum3A_33 : vector<1xf32> to vector<1x1xf32>
    %reduce_sum3A_35 = vector.extract %reduce_sum3A_34[0, 0] : f32 from vector<1x1xf32>
    %get3A_36 = arith.constant 0 : index
    %get3A_37 = arith.constant 0 : index
    %get3A_38 = vector.load %arg16[%get3A_36, %get3A_37] : memref<1x3xf32, #tpu.memory_space<vmem>>, vector<1x1xf32>
    %get3A_39 = vector.extract %get3A_38[0, 0] : f32 from vector<1x1xf32>
    %add3A_40 = arith.addf %reduce_sum3A_35, %get3A_39 : f32
    %logistic3A = arith.negf %add3A_40 : f32
    %logistic3A_41 = math.exp %logistic3A : f32
    %logistic3A_42 = arith.constant 1.000000e+00 : f32
    %logistic3A_43 = arith.addf %logistic3A_42, %logistic3A_41 : f32
    %logistic3A_44 = arith.divf %logistic3A_42, %logistic3A_43 : f32
    %get3A_45 = arith.constant 1 : index
    %get3A_46 = arith.constant 0 : index
    %get3A_47 = vector.load %arg15[%get3A_45, %get3A_46] : memref<3x32xf32, #tpu.memory_space<vmem>>, vector<1x32xf32>
    %get3A_48 = vector.shape_cast %get3A_47 : vector<1x32xf32> to vector<32xf32>
    %mul3A_49 = arith.mulf %get3A_48, %max3A_26 : vector<32xf32>
    %reduce_sum3A_50 = vector.shape_cast %mul3A_49 : vector<32xf32> to vector<1x32xf32>
    %reduce_sum3A_51 = arith.constant dense<0.000000e+00> : vector<1xf32>
    %reduce_sum3A_52 = vector.multi_reduction <add>, %reduce_sum3A_50, %reduce_sum3A_51 [1] : vector<1x32xf32> to vector<1xf32>
    %reduce_sum3A_53 = vector.shape_cast %reduce_sum3A_52 : vector<1xf32> to vector<1x1xf32>
    %reduce_sum3A_54 = vector.extract %reduce_sum3A_53[0, 0] : f32 from vector<1x1xf32>
    %get3A_55 = arith.constant 0 : index
    %get3A_56 = arith.constant 1 : index
    %get3A_57 = vector.load %arg16[%get3A_55, %get3A_56] : memref<1x3xf32, #tpu.memory_space<vmem>>, vector<1x1xf32>
    %get3A_58 = vector.extract %get3A_57[0, 0] : f32 from vector<1x1xf32>
    %add3A_59 = arith.addf %reduce_sum3A_54, %get3A_58 : f32
    %logistic3A_60 = arith.negf %add3A_59 : f32
    %logistic3A_61 = math.exp %logistic3A_60 : f32
    %logistic3A_62 = arith.constant 1.000000e+00 : f32
    %logistic3A_63 = arith.addf %logistic3A_62, %logistic3A_61 : f32
    %logistic3A_64 = arith.divf %logistic3A_62, %logistic3A_63 : f32
    %get3A_65 = arith.constant 2 : index
    %get3A_66 = arith.constant 0 : index
    %get3A_67 = vector.load %arg15[%get3A_65, %get3A_66] : memref<3x32xf32, #tpu.memory_space<vmem>>, vector<1x32xf32>
    %get3A_68 = vector.shape_cast %get3A_67 : vector<1x32xf32> to vector<32xf32>
    %mul3A_69 = arith.mulf %get3A_68, %max3A_26 : vector<32xf32>
    %reduce_sum3A_70 = vector.shape_cast %mul3A_69 : vector<32xf32> to vector<1x32xf32>
    %reduce_sum3A_71 = arith.constant dense<0.000000e+00> : vector<1xf32>
    %reduce_sum3A_72 = vector.multi_reduction <add>, %reduce_sum3A_70, %reduce_sum3A_71 [1] : vector<1x32xf32> to vector<1xf32>
    %reduce_sum3A_73 = vector.shape_cast %reduce_sum3A_72 : vector<1xf32> to vector<1x1xf32>
    %reduce_sum3A_74 = vector.extract %reduce_sum3A_73[0, 0] : f32 from vector<1x1xf32>
    %get3A_75 = arith.constant 0 : index
    %get3A_76 = arith.constant 2 : index
    %get3A_77 = vector.load %arg16[%get3A_75, %get3A_76] : memref<1x3xf32, #tpu.memory_space<vmem>>, vector<1x1xf32>
    %get3A_78 = vector.extract %get3A_77[0, 0] : f32 from vector<1x1xf32>
    %add3A_79 = arith.addf %reduce_sum3A_74, %get3A_78 : f32
    %logistic3A_80 = arith.negf %add3A_79 : f32
    %logistic3A_81 = math.exp %logistic3A_80 : f32
    %logistic3A_82 = arith.constant 1.000000e+00 : f32
    %logistic3A_83 = arith.addf %logistic3A_82, %logistic3A_81 : f32
    %logistic3A_84 = arith.divf %logistic3A_82, %logistic3A_83 : f32
    %get3A_85 = arith.constant 0 : index
    %get3A_86 = arith.constant 0 : index
    %get3A_87 = vector.load %arg4[%get3A_85, %get3A_86] : memref<2000x1xf32, #tpu.memory_space<vmem>>, vector<2000x1xf32>
    %get3A_88 = arith.constant 0 : index
    %get3A_89 = arith.constant 0 : index
    %get3A_90 = vector.load %arg5[%get3A_88, %get3A_89] : memref<2000x1xf32, #tpu.memory_space<vmem>>, vector<2000x1xf32>
    %add3A_91 = arith.addf %get3A_87, %get3A_90 : vector<2000x1xf32>
    %max3A_92 = arith.constant 1.000000e+00 : f32
    %max3A_93 = vector.broadcast %max3A_92 : f32 to vector<2000x1xf32>
    %max3A_94 = arith.maximumf %add3A_91, %max3A_93 : vector<2000x1xf32>
    %div3A = arith.constant 1.000000e+00 : f32
    %div3A_95 = vector.broadcast %div3A : f32 to vector<2000x1xf32>
    %div3A_96 = arith.divf %div3A_95, %max3A_94 : vector<2000x1xf32>
    %get3A_97 = arith.constant 0 : index
    %get3A_98 = arith.constant 0 : index
    %get3A_99 = arith.constant 0 : index
    %get3A_100 = vector.load %arg3[%get3A_97, %get3A_98, %get3A_99] : memref<2x2000x128xf32, #tpu.memory_space<vmem>>, vector<1x2000x128xf32>
    %get3A_101 = vector.shape_cast %get3A_100 : vector<1x2000x128xf32> to vector<2000x128xf32>
    %get3A_102 = arith.constant 1 : index
    %get3A_103 = arith.constant 0 : index
    %get3A_104 = arith.constant 0 : index
    %get3A_105 = vector.load %arg3[%get3A_102, %get3A_103, %get3A_104] : memref<2x2000x128xf32, #tpu.memory_space<vmem>>, vector<1x2000x128xf32>
    %get3A_106 = vector.shape_cast %get3A_105 : vector<1x2000x128xf32> to vector<2000x128xf32>
    %add3A_107 = arith.addf %get3A_101, %get3A_106 : vector<2000x128xf32>
    %mul3A_108 = vector.broadcast %div3A_96 : vector<2000x1xf32> to vector<2000x128xf32>
    %mul3A_109 = arith.mulf %add3A_107, %mul3A_108 : vector<2000x128xf32>
    %get3A_110 = arith.constant 0 : index
    %get3A_111 = arith.constant 0 : index
    %get3A_112 = vector.load %arg1[%get3A_110, %get3A_111] : memref<2000x128xf32, #tpu.memory_space<vmem>>, vector<2000x128xf32>
    %get3A_113 = arith.constant 0 : index
    %get3A_114 = arith.constant 0 : index
    %get3A_115 = vector.load %arg7[%get3A_113, %get3A_114] : memref<128x128xf32, #tpu.memory_space<vmem>>, vector<128x128xf32>
    %dot_general3A = arith.constant dense<0.000000e+00> : vector<2000x128xf32>
    %dot_general3A_116 = tpu.matmul %get3A_112, %get3A_115, %dot_general3A {dimension_numbers = #tpu.dot_dimension_numbers<[1], [1], [0], [0], [0, 0, 1, 0], [], []>, transpose_lhs_hint = false} : vector<2000x128xf32>, vector<128x128xf32>, vector<2000x128xf32> -> vector<2000x128xf32>
    %get3A_117 = arith.constant 0 : index
    %get3A_118 = arith.constant 0 : index
    %get3A_119 = vector.load %arg8[%get3A_117, %get3A_118] : memref<1x128xf32, #tpu.memory_space<vmem>>, vector<1x128xf32>
    %add3A_120 = vector.broadcast %get3A_119 : vector<1x128xf32> to vector<2000x128xf32>
    %add3A_121 = arith.addf %dot_general3A_116, %add3A_120 : vector<2000x128xf32>
    %mul3A_122 = vector.broadcast %logistic3A_44 : f32 to vector<2000x128xf32>
    %mul3A_123 = arith.mulf %add3A_121, %mul3A_122 : vector<2000x128xf32>
    %get3A_124 = arith.constant 0 : index
    %get3A_125 = arith.constant 0 : index
    %get3A_126 = vector.load %arg2[%get3A_124, %get3A_125] : memref<2000x128xf32, #tpu.memory_space<vmem>>, vector<2000x128xf32>
    %get3A_127 = arith.constant 0 : index
    %get3A_128 = arith.constant 0 : index
    %get3A_129 = vector.load %arg9[%get3A_127, %get3A_128] : memref<128x128xf32, #tpu.memory_space<vmem>>, vector<128x128xf32>
    %dot_general3A_130 = arith.constant dense<0.000000e+00> : vector<2000x128xf32>
    %dot_general3A_131 = tpu.matmul %get3A_126, %get3A_129, %dot_general3A_130 {dimension_numbers = #tpu.dot_dimension_numbers<[1], [1], [0], [0], [0, 0, 1, 0], [], []>, transpose_lhs_hint = false} : vector<2000x128xf32>, vector<128x128xf32>, vector<2000x128xf32> -> vector<2000x128xf32>
    %get3A_132 = arith.constant 0 : index
    %get3A_133 = arith.constant 0 : index
    %get3A_134 = vector.load %arg10[%get3A_132, %get3A_133] : memref<1x128xf32, #tpu.memory_space<vmem>>, vector<1x128xf32>
    %add3A_135 = vector.broadcast %get3A_134 : vector<1x128xf32> to vector<2000x128xf32>
    %add3A_136 = arith.addf %dot_general3A_131, %add3A_135 : vector<2000x128xf32>
    %mul3A_137 = vector.broadcast %logistic3A_64 : f32 to vector<2000x128xf32>
    %mul3A_138 = arith.mulf %add3A_136, %mul3A_137 : vector<2000x128xf32>
    %get3A_139 = arith.constant 0 : index
    %get3A_140 = arith.constant 0 : index
    %get3A_141 = vector.load %arg11[%get3A_139, %get3A_140] : memref<128x128xf32, #tpu.memory_space<vmem>>, vector<128x128xf32>
    %dot_general3A_142 = arith.constant dense<0.000000e+00> : vector<2000x128xf32>
    %dot_general3A_143 = tpu.matmul %mul3A_109, %get3A_141, %dot_general3A_142 {dimension_numbers = #tpu.dot_dimension_numbers<[1], [1], [0], [0], [0, 0, 1, 0], [], []>, transpose_lhs_hint = false} : vector<2000x128xf32>, vector<128x128xf32>, vector<2000x128xf32> -> vector<2000x128xf32>
    %get3A_144 = arith.constant 0 : index
    %get3A_145 = arith.constant 0 : index
    %get3A_146 = vector.load %arg12[%get3A_144, %get3A_145] : memref<1x128xf32, #tpu.memory_space<vmem>>, vector<1x128xf32>
    %add3A_147 = vector.broadcast %get3A_146 : vector<1x128xf32> to vector<2000x128xf32>
    %add3A_148 = arith.addf %dot_general3A_143, %add3A_147 : vector<2000x128xf32>
    %mul3A_149 = vector.broadcast %logistic3A_84 : f32 to vector<2000x128xf32>
    %mul3A_150 = arith.mulf %add3A_148, %mul3A_149 : vector<2000x128xf32>
    %get3A_151 = arith.constant 0 : index
    %get3A_152 = arith.constant 0 : index
    %get3A_153 = vector.load %arg17[%get3A_151, %get3A_152] : memref<384x128xf32, #tpu.memory_space<vmem>>, vector<384x128xf32>
    %slice3A = vector.extract_strided_slice %get3A_153 {offsets = [0, 0], sizes = [128, 128], strides = [1, 1]} : vector<384x128xf32> to vector<128x128xf32>
    %dot_general3A_154 = arith.constant dense<0.000000e+00> : vector<2000x128xf32>
    %dot_general3A_155 = tpu.matmul %mul3A_123, %slice3A, %dot_general3A_154 {dimension_numbers = #tpu.dot_dimension_numbers<[1], [0], [0], [1], [0, 0, 1, 1], [], []>, transpose_lhs_hint = false} : vector<2000x128xf32>, vector<128x128xf32>, vector<2000x128xf32> -> vector<2000x128xf32>
    %slice3A_156 = vector.extract_strided_slice %get3A_153 {offsets = [128, 0], sizes = [128, 128], strides = [1, 1]} : vector<384x128xf32> to vector<128x128xf32>
    %dot_general3A_157 = arith.constant dense<0.000000e+00> : vector<2000x128xf32>
    %dot_general3A_158 = tpu.matmul %mul3A_138, %slice3A_156, %dot_general3A_157 {dimension_numbers = #tpu.dot_dimension_numbers<[1], [0], [0], [1], [0, 0, 1, 1], [], []>, transpose_lhs_hint = false} : vector<2000x128xf32>, vector<128x128xf32>, vector<2000x128xf32> -> vector<2000x128xf32>
    %add3A_159 = arith.addf %dot_general3A_155, %dot_general3A_158 : vector<2000x128xf32>
    %slice3A_160 = vector.extract_strided_slice %get3A_153 {offsets = [256, 0], sizes = [128, 128], strides = [1, 1]} : vector<384x128xf32> to vector<128x128xf32>
    %dot_general3A_161 = arith.constant dense<0.000000e+00> : vector<2000x128xf32>
    %dot_general3A_162 = tpu.matmul %mul3A_150, %slice3A_160, %dot_general3A_161 {dimension_numbers = #tpu.dot_dimension_numbers<[1], [0], [0], [1], [0, 0, 1, 1], [], []>, transpose_lhs_hint = false} : vector<2000x128xf32>, vector<128x128xf32>, vector<2000x128xf32> -> vector<2000x128xf32>
    %add3A_163 = arith.addf %add3A_159, %dot_general3A_162 : vector<2000x128xf32>
    %get3A_164 = arith.constant 0 : index
    %get3A_165 = arith.constant 0 : index
    %get3A_166 = vector.load %arg18[%get3A_164, %get3A_165] : memref<1x128xf32, #tpu.memory_space<vmem>>, vector<1x128xf32>
    %add3A_167 = vector.broadcast %get3A_166 : vector<1x128xf32> to vector<2000x128xf32>
    %add3A_168 = arith.addf %add3A_163, %add3A_167 : vector<2000x128xf32>
    %reduce_max3A_169 = arith.constant dense<0xFF800000> : vector<2000xf32>
    %reduce_max3A_170 = vector.multi_reduction <maximumf>, %add3A_168, %reduce_max3A_169 [1] : vector<2000x128xf32> to vector<2000xf32>
    %broadcast_in_dim3A = vector.shape_cast %reduce_max3A_170 : vector<2000xf32> to vector<2000x1xf32>
    %sub3A = vector.broadcast %broadcast_in_dim3A : vector<2000x1xf32> to vector<2000x128xf32>
    %sub3A_171 = arith.subf %add3A_168, %sub3A : vector<2000x128xf32>
    %exp3A = math.exp %sub3A_171 : vector<2000x128xf32>
    %reduce_sum3A_172 = arith.constant dense<0.000000e+00> : vector<2000xf32>
    %reduce_sum3A_173 = vector.multi_reduction <add>, %exp3A, %reduce_sum3A_172 [1] : vector<2000x128xf32> to vector<2000xf32>
    %broadcast_in_dim3A_174 = vector.shape_cast %reduce_sum3A_173 : vector<2000xf32> to vector<2000x1xf32>
    %div3A_175 = vector.broadcast %broadcast_in_dim3A_174 : vector<2000x1xf32> to vector<2000x128xf32>
    %div3A_176 = arith.divf %exp3A, %div3A_175 : vector<2000x128xf32>
    %get3A_177 = arith.constant 0 : index
    %get3A_178 = arith.constant 0 : index
    %get3A_179 = vector.load %arg19[%get3A_177, %get3A_178] : memref<128x384xf32, #tpu.memory_space<vmem>>, vector<128x384xf32>
    %slice3A_180 = vector.extract_strided_slice %div3A_176 {offsets = [0, 0], sizes = [2000, 1], strides = [1, 1]} : vector<2000x128xf32> to vector<2000x1xf32>
    %mul3A_181 = vector.broadcast %slice3A_180 : vector<2000x1xf32> to vector<2000x128xf32>
    %mul3A_182 = arith.mulf %mul3A_123, %mul3A_181 : vector<2000x128xf32>
    %slice3A_183 = vector.extract_strided_slice %get3A_179 {offsets = [0, 0], sizes = [128, 128], strides = [1, 1]} : vector<128x384xf32> to vector<128x128xf32>
    %dot_general3A_184 = arith.constant dense<0.000000e+00> : vector<2000x128xf32>
    %dot_general3A_185 = tpu.matmul %mul3A_182, %slice3A_183, %dot_general3A_184 {dimension_numbers = #tpu.dot_dimension_numbers<[1], [1], [0], [0], [0, 0, 1, 0], [], []>, transpose_lhs_hint = false} : vector<2000x128xf32>, vector<128x128xf32>, vector<2000x128xf32> -> vector<2000x128xf32>
    %slice3A_186 = vector.extract_strided_slice %div3A_176 {offsets = [0, 1], sizes = [2000, 1], strides = [1, 1]} : vector<2000x128xf32> to vector<2000x1xf32>
    %mul3A_187 = vector.broadcast %slice3A_186 : vector<2000x1xf32> to vector<2000x128xf32>
    %mul3A_188 = arith.mulf %mul3A_138, %mul3A_187 : vector<2000x128xf32>
    %slice3A_189 = vector.extract_strided_slice %get3A_179 {offsets = [0, 128], sizes = [128, 128], strides = [1, 1]} : vector<128x384xf32> to vector<128x128xf32>
    %dot_general3A_190 = arith.constant dense<0.000000e+00> : vector<2000x128xf32>
    %dot_general3A_191 = tpu.matmul %mul3A_188, %slice3A_189, %dot_general3A_190 {dimension_numbers = #tpu.dot_dimension_numbers<[1], [1], [0], [0], [0, 0, 1, 0], [], []>, transpose_lhs_hint = false} : vector<2000x128xf32>, vector<128x128xf32>, vector<2000x128xf32> -> vector<2000x128xf32>
    %add3A_192 = arith.addf %dot_general3A_185, %dot_general3A_191 : vector<2000x128xf32>
    %slice3A_193 = vector.extract_strided_slice %div3A_176 {offsets = [0, 2], sizes = [2000, 1], strides = [1, 1]} : vector<2000x128xf32> to vector<2000x1xf32>
    %mul3A_194 = vector.broadcast %slice3A_193 : vector<2000x1xf32> to vector<2000x128xf32>
    %mul3A_195 = arith.mulf %mul3A_150, %mul3A_194 : vector<2000x128xf32>
    %slice3A_196 = vector.extract_strided_slice %get3A_179 {offsets = [0, 256], sizes = [128, 128], strides = [1, 1]} : vector<128x384xf32> to vector<128x128xf32>
    %dot_general3A_197 = arith.constant dense<0.000000e+00> : vector<2000x128xf32>
    %dot_general3A_198 = tpu.matmul %mul3A_195, %slice3A_196, %dot_general3A_197 {dimension_numbers = #tpu.dot_dimension_numbers<[1], [1], [0], [0], [0, 0, 1, 0], [], []>, transpose_lhs_hint = false} : vector<2000x128xf32>, vector<128x128xf32>, vector<2000x128xf32> -> vector<2000x128xf32>
    %add3A_199 = arith.addf %add3A_192, %dot_general3A_198 : vector<2000x128xf32>
    %get3A_200 = arith.constant 0 : index
    %get3A_201 = arith.constant 0 : index
    %get3A_202 = vector.load %arg20[%get3A_200, %get3A_201] : memref<1x128xf32, #tpu.memory_space<vmem>>, vector<1x128xf32>
    %add3A_203 = vector.broadcast %get3A_202 : vector<1x128xf32> to vector<2000x128xf32>
    %add3A_204 = arith.addf %add3A_199, %add3A_203 : vector<2000x128xf32>
    %swap3A = arith.constant 0 : index
    %swap3A_205 = arith.constant 0 : index
    %swap3A_206 = vector.load %arg21[%swap3A, %swap3A_205] : memref<2000x128xf32, #tpu.memory_space<vmem>>, vector<2000x128xf32>
    tpu.vector_store %arg21[%swap3A, %swap3A_205], %add3A_204 {strides = array<i32>} : memref<2000x128xf32, #tpu.memory_space<vmem>>, vector<2000x128xf32>,
    return
  }
  func.func @transform_0(%arg0: i32) -> (i32, i32) {
    %c0_i32 = arith.constant 0 : i32
    %c0_i32_0 = arith.constant 0 : i32
    return %arg0, %c0_i32 : i32, i32
  }
  func.func @transform_1(%arg0: i32) -> (i32, i32) {
    %c0_i32 = arith.constant 0 : i32
    %c0_i32_0 = arith.constant 0 : i32
    return %arg0, %c0_i32 : i32, i32
  }
  func.func @transform_2(%arg0: i32) -> (i32, i32, i32) {
    %c0_i32 = arith.constant 0 : i32
    %c0_i32_0 = arith.constant 0 : i32
    %c0_i32_1 = arith.constant 0 : i32
    return %c0_i32, %arg0, %c0_i32_0 : i32, i32, i32
  }
  func.func @transform_3(%arg0: i32) -> (i32, i32) {
    %c0_i32 = arith.constant 0 : i32
    %c0_i32_0 = arith.constant 0 : i32
    return %arg0, %c0_i32 : i32, i32
  }
  func.func @transform_4(%arg0: i32) -> (i32, i32) {
    %c0_i32 = arith.constant 0 : i32
    %c0_i32_0 = arith.constant 0 : i32
    return %arg0, %c0_i32 : i32, i32
  }
  func.func @transform_5(%arg0: i32) -> (i32, i32) {
    %c0_i32 = arith.constant 0 : i32
    %c0_i32_0 = arith.constant 0 : i32
    %c0_i32_1 = arith.constant 0 : i32
    return %c0_i32, %c0_i32_0 : i32, i32
  }
  func.func @transform_6(%arg0: i32) -> (i32, i32) {
    %c0_i32 = arith.constant 0 : i32
    %c0_i32_0 = arith.constant 0 : i32
    %c0_i32_1 = arith.constant 0 : i32
    return %c0_i32, %c0_i32_0 : i32, i32
  }
  func.func @transform_7(%arg0: i32) -> (i32, i32) {
    %c0_i32 = arith.constant 0 : i32
    %c0_i32_0 = arith.constant 0 : i32
    %c0_i32_1 = arith.constant 0 : i32
    return %c0_i32, %c0_i32_0 : i32, i32
  }
  func.func @transform_8(%arg0: i32) -> (i32, i32) {
    %c0_i32 = arith.constant 0 : i32
    %c0_i32_0 = arith.constant 0 : i32
    %c0_i32_1 = arith.constant 0 : i32
    return %c0_i32, %c0_i32_0 : i32, i32
  }
  func.func @transform_9(%arg0: i32) -> (i32, i32) {
    %c0_i32 = arith.constant 0 : i32
    %c0_i32_0 = arith.constant 0 : i32
    %c0_i32_1 = arith.constant 0 : i32
    return %c0_i32, %c0_i32_0 : i32, i32
  }
  func.func @transform_10(%arg0: i32) -> (i32, i32) {
    %c0_i32 = arith.constant 0 : i32
    %c0_i32_0 = arith.constant 0 : i32
    %c0_i32_1 = arith.constant 0 : i32
    return %c0_i32, %c0_i32_0 : i32, i32
  }
  func.func @transform_11(%arg0: i32) -> (i32, i32) {
    %c0_i32 = arith.constant 0 : i32
    %c0_i32_0 = arith.constant 0 : i32
    %c0_i32_1 = arith.constant 0 : i32
    return %c0_i32, %c0_i32_0 : i32, i32
  }
  func.func @transform_12(%arg0: i32) -> (i32, i32) {
    %c0_i32 = arith.constant 0 : i32
    %c0_i32_0 = arith.constant 0 : i32
    %c0_i32_1 = arith.constant 0 : i32
    return %c0_i32, %c0_i32_0 : i32, i32
  }
  func.func @transform_13(%arg0: i32) -> (i32, i32) {
    %c0_i32 = arith.constant 0 : i32
    %c0_i32_0 = arith.constant 0 : i32
    %c0_i32_1 = arith.constant 0 : i32
    return %c0_i32, %c0_i32_0 : i32, i32
  }
  func.func @transform_14(%arg0: i32) -> (i32, i32) {
    %c0_i32 = arith.constant 0 : i32
    %c0_i32_0 = arith.constant 0 : i32
    %c0_i32_1 = arith.constant 0 : i32
    return %c0_i32, %c0_i32_0 : i32, i32
  }
  func.func @transform_15(%arg0: i32) -> (i32, i32) {
    %c0_i32 = arith.constant 0 : i32
    %c0_i32_0 = arith.constant 0 : i32
    %c0_i32_1 = arith.constant 0 : i32
    return %c0_i32, %c0_i32_0 : i32, i32
  }
  func.func @transform_16(%arg0: i32) -> (i32, i32) {
    %c0_i32 = arith.constant 0 : i32
    %c0_i32_0 = arith.constant 0 : i32
    %c0_i32_1 = arith.constant 0 : i32
    return %c0_i32, %c0_i32_0 : i32, i32
  }
  func.func @transform_17(%arg0: i32) -> (i32, i32) {
    %c0_i32 = arith.constant 0 : i32
    %c0_i32_0 = arith.constant 0 : i32
    %c0_i32_1 = arith.constant 0 : i32
    return %c0_i32, %c0_i32_0 : i32, i32
  }
  func.func @transform_18(%arg0: i32) -> (i32, i32) {
    %c0_i32 = arith.constant 0 : i32
    %c0_i32_0 = arith.constant 0 : i32
    %c0_i32_1 = arith.constant 0 : i32
    return %c0_i32, %c0_i32_0 : i32, i32
  }
  func.func @transform_19(%arg0: i32) -> (i32, i32) {
    %c0_i32 = arith.constant 0 : i32
    %c0_i32_0 = arith.constant 0 : i32
    %c0_i32_1 = arith.constant 0 : i32
    return %c0_i32, %c0_i32_0 : i32, i32
  }
  func.func @transform_20(%arg0: i32) -> (i32, i32) {
    %c0_i32 = arith.constant 0 : i32
    %c0_i32_0 = arith.constant 0 : i32
    return %arg0, %c0_i32 : i32, i32
  }
}

</mosaic_0001>

<sc_bundles>
// kernel: kernel.6.cloned.1.call-start
scs
__scs_entry_jumppad:
0x0: {  	(pc) =	sbr.rel $0x88, $3  }
0x1: {  	(tag) =	ssettag $0x0;
	lr =	simm.s32 $0x1  }
0x2: {  	[smem:$0x3F90] =	sst lr;
	_ =	strace $0xD0000000  }
0x3: {  	_ = 	snop  }
0x4: {  	_ = 	snop  }
0x5: {  	_ = 	snop  }
0x6: {  	_ = 	snop  }
0x7: {  	_ = 	snop  }
__scs_overlays_trampoline_lowered:
0x8: {  	[smem:$0x3F9F] =	sst s0  }
0x9: {  	[smem:$0x3FA0] =	sst s1  }
0xa: {  	[smem:$0x3FA1] =	sst s2  }
0xb: {  	[smem:$0x3FA2] =	sst s3  }
0xc: {  	[smem:$0x3FA3] =	sst s4  }
0xd: {  	[smem:$0x3FA4] =	sst s5  }
0xe: {  	[smem:$0x3FA5] =	sst s6  }
0xf: {  	[smem:$0x3FA6] =	sst s7  }
0x10: {  	[smem:$0x3FA7] =	sst s8  }
0x11: {  	[smem:$0x3FA8] =	sst s9;
	s0 =	simm.s32 @!p0 $0x0  }
0x12: {  	s1 =	sld [smem:$0x3F8E];
	s0 =	simm.s32 @p0 $0x1  }
0x13: {  	[smem:$0x3FA9] =	sst s0;
	s0 =	simm.s32 @!p1 $0x0  }
0x14: {  	s2 =	sld [smem:$0x3F8D];
	s0 =	simm.s32 @p1 $0x1  }
0x15: {  	[smem:$0x3FAA] =	sst s0;
	s0 =	simm.s32 @!p2 $0x0  }
0x16: {  	s3 =	sld [smem:$0x3FDB];
	s0 =	simm.s32 @p2 $0x1  }
0x17: {  	s4 =	simm.s32 $0x1BF5;
	[smem:$0x3FAC] =	sst s0  }
0x18: {  	s0 =	sld [smem:$0x3F8F];
	_ =	swait.ge [sflag:s4], $0x0  }
0x19: {  	s7 =	sld [smem:$0x3F90]  }
0x1a: {  	s8 =	sadd.s32 $0xFFFFE003, lr  }
0x1b: {  	s9 =	sadd.s32 $0xFFFFFEF7, lr;
	s5 =	simm.s32 $0xFFFFFFFF;
	p2 =	slt.u32 s8, $0xFFFFF086  }
0x1c: {  	p1 =	slt.u32 s9, $0xF7A;
	s5 =	simm.s32 @!p2 $0x0  }
0x1d: {  	s5 =	simm.s32 @p1 $0x1;
	p0 =	seq.s32 s7, s2  }
0x1e: {  	s7 =	smul.u32 @!p0 $0xF7A, s2;
	p2 =	seq.s32 @!p0 s5, $0x0  }
0x1f: {  	s9 =	smul.u32 $0xF7A, s1;
	s8 =	simm.s32 @!p0 $0x1BF5;
	p2 =	por !p2, p0  }
0x20: {  	[sflag:s8] =	ssyncset.s32 @!p0 $0xFFFFF086;
	s6 =	sadd.s32 @!p0 s3, s7;
	s7 =	simm.s32 @!p0 $0x108  }
0x21: {  	s3 =	sadd.s32 s3, s9;
	s6 =	sadd.s32 @!p0 $0x88, s6;
	s7 =	simm.s32 @p2 $0x1082  }
0x22: {  	[simem:s7], [sflag:s8] =	dma.local @!p0 [hbm:s6], $0xF7A  }
0x23: {  	s9 =	sor.u32 $0xD0000000, s2;
	s6 =	simm.s32 $0x108;
	_ =	swait.ge @!p0 [sflag:s8], $0x0  }
0x24: {  	s3 =	sadd.s32 $0x88, s3;
	s6 =	simm.s32 @!p1 $0x1082;
	[sflag:s4] =	ssyncset.s32 $0xFFFFF086  }
0x25: {  	[simem:s6], [sflag:s4] =	dma.local [hbm:s3], $0xF7A  }
0x26: {  	[smem:$0x3F90] =	sst s1;
	(tag) =	ssettag s2;
	_ =	strace s9  }
0x27: {  	s1 =	sld [smem:$0x3FA0]  }
0x28: {  	s2 =	sld [smem:$0x3FA1]  }
0x29: {  	s4 =	sld [smem:$0x3FA3]  }
0x2a: {  	p0 =	seq.s32 s5, $0x0;
	s5 =	sld [smem:$0x3FA4]  }
0x2b: {  	s6 =	sld [smem:$0x3FA5]  }
0x2c: {  	s7 =	sld [smem:$0x3FA6]  }
0x2d: {  	s3 =	simm.s32 $0x108;
	s8 =	sld [smem:$0x3FA7]  }
0x2e: {  	s3 =	simm.s32 @!p0 $0x1082;
	s9 =	sld [smem:$0x3FA8]  }
0x2f: {  	lr =	sadd.s32 s0, s3;
	s0 =	sld [smem:$0x3F9F]  }
0x30: {  	s3 =	sld [smem:$0x3FA2]  }
0x31: {  	[smem:$0x3FAB] =	sst s10  }
0x32: {  	s10 =	sld [smem:$0x3FA9];
	_ =	sdelay $0x3  }
0x33: {  	p0 =	seq.s32 s10, $0x1;
	s10 =	sld [smem:$0x3FAB];
	_ =	sdelay $0x3  }
0x34: {  	[smem:$0x3FAB] =	sst s10  }
0x35: {  	s10 =	sld [smem:$0x3FAA];
	_ =	sdelay $0x3  }
0x36: {  	p1 =	seq.s32 s10, $0x1;
	s10 =	sld [smem:$0x3FAB];
	_ =	sdelay $0x3  }
0x37: {  	[smem:$0x3FAB] =	sst s10  }
0x38: {  	s10 =	sld [smem:$0x3FAC]  }
0x39: {  	_ = 	snop;
	(pc) =	sbr.ind lr, $3  }
0x3a: {  	_ = 	snop  }
0x3b: {  	_ = 	snop  }
0x3c: {  	p2 =	seq.s32 s10, $0x1;
	s10 =	sld [smem:$0x3FAB]  }
0x3d: {  	_ =	shalt  }
0x3e: {  	_ =	shalt  }
0x3f: {  	_ =	shalt  }
0x40: {  	_ =	shalt  }
0x41: {  	_ =	shalt  }
0x42: {  	_ =	shalt  }
0x43: {  	_ =	shalt  }
0x44: {  	_ =	shalt  }
0x45: {  	_ =	shalt  }
0x46: {  	_ =	shalt  }
0x47: {  	_ =	shalt  }
0x48: {  	_ =	shalt  }
0x49: {  	_ =	shalt  }
0x4a: {  	_ =	shalt  }
0x4b: {  	_ =	shalt  }
0x4c: {  	_ =	shalt  }
0x4d: {  	_ =	shalt  }
0x4e: {  	_ =	shalt  }
0x4f: {  	_ =	shalt  }
0x50: {  	_ =	shalt  }
0x51: {  	_ =	shalt  }
0x52: {  	_ =	shalt  }
0x53: {  	_ =	shalt  }
0x54: {  	_ =	shalt  }
0x55: {  	_ =	shalt  }
0x56: {  	_ =	shalt  }
0x57: {  	_ =	shalt  }
0x58: {  	_ =	shalt  }
0x59: {  	_ =	shalt  }
0x5a: {  	_ =	shalt  }
0x5b: {  	_ =	shalt  }
0x5c: {  	_ =	shalt  }
0x5d: {  	_ =	shalt  }
0x5e: {  	_ =	shalt  }
0x5f: {  	_ =	shalt  }
0x60: {  	_ =	shalt  }
0x61: {  	_ =	shalt  }
0x62: {  	_ =	shalt  }
0x63: {  	_ =	shalt  }
0x64: {  	_ =	shalt  }
0x65: {  	_ =	shalt  }
0x66: {  	_ =	shalt  }
0x67: {  	_ =	shalt  }
0x68: {  	_ =	shalt  }
0x69: {  	_ =	shalt  }
0x6a: {  	_ =	shalt  }
0x6b: {  	_ =	shalt  }
0x6c: {  	_ =	shalt  }
0x6d: {  	_ =	shalt  }
0x6e: {  	_ =	shalt  }
0x6f: {  	_ =	shalt  }
0x70: {  	_ =	shalt  }
0x71: {  	_ =	shalt  }
0x72: {  	_ =	shalt  }
0x73: {  	_ =	shalt  }
0x74: {  	_ =	shalt  }
0x75: {  	_ =	shalt  }
0x76: {  	_ =	shalt  }
0x77: {  	_ =	shalt  }
0x78: {  	_ =	shalt  }
0x79: {  	_ =	shalt  }
0x7a: {  	_ =	shalt  }
0x7b: {  	_ =	shalt  }
0x7c: {  	_ =	shalt  }
0x7d: {  	_ =	shalt  }
0x7e: {  	_ =	shalt  }
0x7f: {  	_ =	shalt  }
0x80: {  	_ =	shalt  }
0x81: {  	_ =	shalt  }
0x82: {  	_ =	shalt  }
0x83: {  	_ =	shalt  }
0x84: {  	_ =	shalt  }
0x85: {  	_ =	shalt  }
0x86: {  	_ =	shalt  }
0x87: {  	_ =	shalt  }
.Lfunc_end0:
.L_simem_size_0:
called_computation_lowered:
.L_overlay_start_0:
0x88: {  	s2 =	sld [smem:$0x3FD9]  }
0x89: {  	s3 =	sld [smem:$0x3FFE];
	_ =	sdelay $0x1  }
0x8a: {  	s1 =	srdreg.scid  }
0x8b: {  	s0 =	sand.u32 $0x1, s1  }
0x8c: {  	s17 =	sshll.u32 s0, $0xA;
	s2 =	sadd.s32 s3, s2  }
0x8d: {  	s2 =	sadd.s32 s2, s17  }
0x8e: {  	[smem:$0x3FB7] =	sst s2  }
0x8f: {  	_ = 	snop  }
0x90: {  	s2 =	sld [smem:$0x3FD0];
	(tm) =	ssettm $0x1  }
0x91: {  	s18 =	sld [smem:$0x3FFB];
	_ =	sdelay $0x3  }
0x92: {  	_ =	strace s18  }
0x93: {  	s3 =	sld [smem:$0x3FFC];
	_ =	sdelay $0x3  }
0x94: {  	_ =	strace s3  }
0x95: {  	s3 =	sld [smem:$0x3FFD];
	_ =	sdelay $0x3  }
0x96: {  	_ =	strace s3  }
0x97: {  	_ =	strace $0x8FFFFFFF  }
0x98: {  	s19 =	sld [smem:$0x3FDB];
	_ =	sdelay $0x1  }
0x99: {  	s4 =	simm.s32 $_scs_section_size  }
0x9a: {  	s5 =	simm.s32 $_size__tile_overlayer_lowered;
	s6 =	simm.s32 $_tile_overlayer_lowered  }
0x9b: {  	s22 =	simm.s32 $0x1BFF;
	s21 =	sshll.u32 s6, $0x1;
	s3 =	sadd.s32 s4, s19  }
0x9c: {  	s7 =	simm.s32 $0x0;
	s20 =	sshll.u32 s5, $0x1;
	s5 =	sadd.s32 s21, s3  }
0x9d: {  	[timem:s7], [sflag:s22] =	dma.local [hbm:s5], s20  }
0x9e: {  	_ =	swait.ge [sflag:s22], s20  }
0x9f: {  	s4 =	ssub.s32 $0x0, s20;
	[sflag:s22] =	ssyncset.done $0x0  }
0xa0: {  	[sflag:s22] =	ssyncadd.s32 s4;
	_ =	sdelay $0x1  }
0xa1: {  	s23 =	simm.s32 $0x1B8B  }
0xa2: {  	_ =	swait.ge [sflag:s23], $0x1  }
0xa3: {  	[sflag:s23] =	ssyncset.done $0x0  }
0xa4: {  	s25 =	simm.s32 $0x1B8E;
	s24 =	sld [smem:$0x3FFE];
	[sflag:s23] =	ssyncadd.s32 $0xFFFFFFFF  }
0xa5: {  	s26 =	simm.s32 $execute0_lowered;
	[smem:$0x3FD2] =	sst s25  }
0xa6: {  	s5 =	sshll.u32 s26, $0x1;
	_ =	strace $0x80000046;
	[dreg:$0x1] =	wrdreg $0xFFFFFFFF  }
0xa7: {  	s28 =	simm.s32 $_size_execute0_lowered;
	s3 =	sadd.s32 s3, s5;
	[dreg:$0x0] =	wrdreg $0x0  }
0xa8: {  	s5 =	sshll.u32 s28, $0x1;
	[dreg:$0x2] =	wrdreg s3  }
0xa9: {  	[dreg:$0x3] =	wrdreg s5  }
0xaa: {  	[dreg:$0x4] =	wrdreg $0xC0  }
0xab: {  	_ =	task [dreg:s7], $0x5FFFF  }
0xac: {  	[dreg:$0x1] =	wrdreg $0xFFFFFFFF  }
0xad: {  	[dreg:$0x0] =	wrdreg $0x60  }
0xae: {  	[dreg:$0x2] =	wrdreg s24  }
0xaf: {  	[dreg:$0x3] =	wrdreg s2  }
0xb0: {  	[dreg:$0x4] =	wrdreg $0x95000  }
0xb1: {  	[dreg:$0x5] =	wrdreg $0x1D5000  }
0xb2: {  	[dreg:$0x6] =	wrdreg $0x9  }
0xb3: {  	_ =	task.clear_ibuf [dreg:s7], $0x7FFFF;
	_ =	strace $0x90000046  }
0xb4: {  	s29 =	simm.s32 $0x9;
	_ =	strace $0x80000048  }
0xb5: {  	_ =	swait.ge [sflag:s29], $0x1  }
0xb6: {  	[sflag:s29] =	ssyncadd.s32 $0xFFFFFFFF  }
0xb7: {  	_ =	strace $0x90000048  }
0xb8: {  	_ =	sfence  }
0xb9: {  	s30 =	sld [smem:$0x0];
	_ =	sdelay $0x2  }
0xba: {  	s31 =	sshll.u32 s1, $0xD;
	s1 =	sshrl.u32 s1, $0x2  }
0xbb: {  	s3 =	sand.u32 $0x4000, s31;
	s1 =	sadd.s32 s1, s30  }
0xbc: {  	s0 =	sor.u32 s3, s0;
	s1 =	sshll.u32 s1, $0x11  }
0xbd: {  	s0 =	sor.u32 s1, s0  }
0xbe: {  	s0 =	sadd.s32 $0x8F2B, s0  }
0xbf: {  	[sflag:s0] =	ssyncadd.remote.s32 $0x1  }
0xc0: {  	_ =	sfence.sel $0xFFFF  }
0xc1: {  	[dreg:$0x0] =	wrdreg $0xFFFFFFFF;
	(pc) =	sbr.abs _section_cstart, $3  }
0xc2: {  	[dreg:$0x1] =	wrdreg $0xFFFFFFFF  }
0xc3: {  	_ =	task.clear_ibuf [dreg:s7], $0x2FFFF;
	_ =	strace $0x9FFFFFFF  }
0xc4: {  	(tm) =	ssettm $0x7FFFFFFF  }
0xc5: {  	_ =	shalt  }
tec
execute0_lowered:
.L_overlay_start_1:
0x0: {  	(tag) =	ssettag $0x1  }
0x1: {  	s0 =	rddreg [dreg:$0x0]  }
0x2: {  	s1 =	rddreg [dreg:$0x1]  }
0x3: {  	s2 =	rddreg [dreg:$0x2];
	s15 =	stileid.u32  }
0x4: {  	s4 =	srdreg.scid;
	s12 =	smul.u32 $0x14000, s15  }
0x5: {  	s3 =	rddreg [dreg:$0x3];
	s18 =	simm.s32 $0x0;
	s19 =	smul.u32 $0x500, s15  }
0x6: {  	s28 =	simm.s32 $0x1000;
	s6 =	sand.u32 $0x1, s4;
	s21 =	smul.u32 $0x50000, s15  }
0x7: {  	s17 =	sshll.u32 s15, $0x1;
	s8 =	sshrl.u32 s15, $0x2;
	s23 =	smul.u32 $0xA00, s15  }
0x8: {  	[smem:$0x7FF] =	sst s18;
	s13 =	sadd.s32 $0x2AC00, s0;
	s5 =	smul.u32 $0xC00, s8  }
0x9: {  	s7 =	sor.u32 s6, s17;
	s10 =	smul.u32 $0x140000, s6;
	_ =	strace $0x80000047  }
0xa: {  	s14 =	sshll.u32 s6, $0x7;
	s8 =	sshll.u32 s8, $0xA;
	s6 =	ssub.s32 $0x2, s6  }
0xb: {  	s9 =	sshll.u32 s7, $0x7;
	s22 =	sshrl.u32 s6, $0x1;
	s7 =	smul.u32 $0x2800, s7  }
0xc: {  	s9 =	sand.u32 $0x380, s9;
	s10 =	sadd.s32 s12, s10;
	s12 =	sor.u32 s14, s19  }
0xd: {  	s11 =	sor.u32 s5, s9;
	s5 =	sadd.s32 $0x2C00, s0;
	s7 =	sshrl.u32 s7, $0x3  }
0xe: {  	s10 =	sshrl.u32 s10, $0x3;
	s20 =	sshrl.u32 s12, $0x3;
	s25 =	sadd.s32 s13, s7  }
0xf: {  	s12 =	sshrl.u32 s21, $0x2;
	s30 =	sadd.s32 s1, s7;
	[dreg:$0x8] =	wrdreg s25  }
0x10: {  	s8 =	sor.u32 s8, s9;
	s16 =	sadd.s32 s12, s2;
	[dreg:$0x9] =	wrdreg s30  }
0x11: {  	s11 =	sshrl.u32 s11, $0x3;
	s12 =	sadd.s32 $0x4000, s16;
	[dreg:$0x5] =	wrdreg s16  }
0x12: {  	s26 =	sadd.s32 $0x100, s7;
	s24 =	sadd.s32 $0x8000, s16;
	[dreg:$0x6] =	wrdreg s12  }
0x13: {  	s15 =	sadd.s32 $0x200, s7;
	s4 =	sadd.s32 s13, s26;
	[dreg:$0x7] =	wrdreg s24  }
0x14: {  	s10 =	sadd.s32 s10, s0;
	s17 =	sadd.s32 s13, s15;
	[dreg:$0xa] =	wrdreg s4  }
0x15: {  	s18 =	sadd.s32 $0x300, s7;
	s14 =	sadd.s32 s1, s15;
	[dreg:$0xc] =	wrdreg s17  }
0x16: {  	s7 =	sadd.s32 $0x400, s7;
	s19 =	sadd.s32 s13, s18;
	[dreg:$0xd] =	wrdreg s14  }
0x17: {  	s9 =	sadd.s32 s20, s0;
	s20 =	sadd.s32 s13, s7;
	[dreg:$0xe] =	wrdreg s19  }
0x18: {  	s8 =	sshrl.u32 s8, $0x3;
	s21 =	sadd.s32 $0xC000, s16;
	[dreg:$0x10] =	wrdreg s20  }
0x19: {  	s11 =	sadd.s32 s11, s0;
	s25 =	sadd.s32 $0x34C00, s9;
	[dreg:$0x12] =	wrdreg s21  }
0x1a: {  	s0 =	sadd.s32 s8, s0;
	s30 =	sadd.s32 $0x10000, s16;
	[dreg:$0x17] =	wrdreg s25  }
0x1b: {  	s8 =	sshrl.u32 s23, $0x2;
	s12 =	sadd.s32 s1, s26;
	[dreg:$0x19] =	wrdreg s30  }
0x1c: {  	s6 =	ssub.s32 s6, s22;
	s22 =	sadd.s32 s8, s3;
	[dreg:$0xb] =	wrdreg s12  }
0x1d: {  	s29 =	simm.s32 $0x3;
	s23 =	sadd.s32 $0x2600, s11;
	[dreg:$0x13] =	wrdreg s22  }
0x1e: {  	s31 =	simm.s32 $0x80;
	s0 =	sadd.s32 $0x85600, s0;
	[dreg:$0x14] =	wrdreg s23  }
0x1f: {  	s24 =	sadd.s32 $0x35600, s10;
	s26 =	smax.u32 s6, $0x1;
	[dreg:$0x15] =	wrdreg s0  }
0x20: {  	s8 =	simm.s32 $0x9280;
	s10 =	simm.s32 $0x2;
	[dreg:$0x16] =	wrdreg s24  }
0x21: {  	s6 =	simm.s32 $0x0;
	s12 =	sadd.s32 s1, s18;
	[dreg:$0x18] =	wrdreg s26  }
0x22: {  	s4 =	simm.s32 $0x0;
	s1 =	sadd.s32 s1, s7;
	[dreg:$0xf] =	wrdreg s12  }
0x23: {  	v0 =	vimm.f32 $0.0e+00;
	v1 =	vimm.f32 $1.000000000e+00;
	s0 =	simm.s32 $0x5000;
	s7 =	simm.s32 $0x1;
	[dreg:$0x11] =	wrdreg s1  }
.LBB2_1:
0x24: {  	[dreg:$0x1a] =	wrdreg s6;
	s21 =	simm.s32 $0x0;
	s26 =	simm.s32 $0x200  }
.LBB2_2:
0x25: {  	p0 =	sne.s32 s26, $0xFE00;
	[tilespmem:s21+$0x1070] =	vst v0  }
0x26: {  	[tilespmem:s21+$0x1000] =	vst v0  }
0x27: {  	[tilespmem:s21+$0x1010] =	vst v0  }
.Ltmp0:
0x28: {  	[tilespmem:s21+$0x1020] =	vst v0;
	(pc) =	sbr.rel @p0 .LBB2_2-.Ltmp0, $4  }
0x29: {  	[tilespmem:s21+$0x1030] =	vst v0  }
0x2a: {  	[tilespmem:s21+$0x1040] =	vst v0  }
0x2b: {  	[tilespmem:s21+$0x1050] =	vst v0  }
0x2c: {  	[tilespmem:s21+$0x1060] =	vst v0;
	s21 =	sshra.s32 s26, $0x2;
	s26 =	sadd.s32 $0x200, s26  }
0x2d: {  	[tilespmem:s21+$0x1070] =	vst v0  }
0x2e: {  	[tilespmem:s21+$0x1000] =	vst v0  }
0x2f: {  	[tilespmem:s21+$0x1010] =	vst v0  }
0x30: {  	[tilespmem:s21+$0x1020] =	vst v0  }
0x31: {  	[tilespmem:s21+$0x1030] =	vst v0  }
0x32: {  	[tilespmem:s21+$0x1040] =	vst v0  }
0x33: {  	[tilespmem:s21+$0x1050] =	vst v0  }
0x34: {  	[tilespmem:s21+$0x1060] =	vst v0;
	s1 =	rddreg [dreg:$0x5]  }
0x35: {  	[spmem:s1] =	stream.linear.scatter [tilespmem:s28], [sflag:$0x3], $0x4000, $0x38;
	[tilespmem:$0x1D780] =	vst v63  }
0x36: {  	_ =	swait.ge [sflag:s29], $0x4000  }
0x37: {  	[sflag:s29] =	ssyncset.done $0x0  }
0x38: {  	s13 =	rddreg [dreg:$0x6];
	[sflag:s29] =	ssyncadd.s32 $0xFFFFC000  }
0x39: {  	[spmem:s13] =	stream.linear.scatter [tilespmem:s28], [sflag:$0x3], $0x4000, $0x38;
	[tilespmem:$0x1D780] =	vst v63  }
0x3a: {  	_ =	swait.ge [sflag:s29], $0x4000  }
0x3b: {  	[sflag:s29] =	ssyncset.done $0x0  }
0x3c: {  	s14 =	rddreg [dreg:$0x7];
	[sflag:s29] =	ssyncadd.s32 $0xFFFFC000  }
0x3d: {  	[spmem:s14] =	stream.linear.scatter [tilespmem:s28], [sflag:$0x3], $0x4000, $0x38;
	[tilespmem:$0x1D780] =	vst v63  }
0x3e: {  	_ =	swait.ge [sflag:s29], $0x4000  }
0x3f: {  	[sflag:s29] =	ssyncset.done $0x0  }
0x40: {  	s15 =	rddreg [dreg:$0x12];
	[sflag:s29] =	ssyncadd.s32 $0xFFFFC000  }
0x41: {  	[spmem:s15] =	stream.linear.scatter [tilespmem:s28], [sflag:$0x3], $0x4000, $0x38;
	[tilespmem:$0x1D780] =	vst v63  }
0x42: {  	_ =	swait.ge [sflag:s29], $0x4000  }
0x43: {  	[sflag:s29] =	ssyncset.done $0x0  }
0x44: {  	s16 =	rddreg [dreg:$0x19];
	[sflag:s29] =	ssyncadd.s32 $0xFFFFC000  }
0x45: {  	[spmem:s16] =	stream.linear.scatter [tilespmem:s28], [sflag:$0x3], $0x4000, $0x38;
	[tilespmem:$0x1D780] =	vst v63  }
0x46: {  	_ =	swait.ge [sflag:s29], $0x4000  }
0x47: {  	[sflag:s29] =	ssyncset.done $0x0  }
0x48: {  	[sflag:s29] =	ssyncadd.s32 $0xFFFFC000  }
0x49: {  	[tilespmem:$0x9000] =	vst v0  }
0x4a: {  	[tilespmem:$0x9010] =	vst v0  }
0x4b: {  	[tilespmem:$0x9020] =	vst v0  }
0x4c: {  	[tilespmem:$0x9030] =	vst v0  }
0x4d: {  	[tilespmem:$0x9040] =	vst v0  }
0x4e: {  	[tilespmem:$0x9050] =	vst v0  }
0x4f: {  	[tilespmem:$0x9060] =	vst v0  }
0x50: {  	[tilespmem:$0x9070] =	vst v0  }
0x51: {  	[tilespmem:$0x9080] =	vst v0  }
0x52: {  	[tilespmem:$0x9090] =	vst v0  }
0x53: {  	[tilespmem:$0x90A0] =	vst v0  }
0x54: {  	[tilespmem:$0x90B0] =	vst v0  }
0x55: {  	[tilespmem:$0x90C0] =	vst v0  }
0x56: {  	[tilespmem:$0x90D0] =	vst v0  }
0x57: {  	[tilespmem:$0x90E0] =	vst v0  }
0x58: {  	[tilespmem:$0x90F0] =	vst v0  }
0x59: {  	[tilespmem:$0x9100] =	vst v0  }
0x5a: {  	[tilespmem:$0x9110] =	vst v0  }
0x5b: {  	[tilespmem:$0x9120] =	vst v0  }
0x5c: {  	[tilespmem:$0x9130] =	vst v0  }
0x5d: {  	[tilespmem:$0x9140] =	vst v0  }
0x5e: {  	[tilespmem:$0x9150] =	vst v0  }
0x5f: {  	[tilespmem:$0x9160] =	vst v0  }
0x60: {  	[tilespmem:$0x9170] =	vst v0  }
0x61: {  	[tilespmem:$0x9180] =	vst v0  }
0x62: {  	[tilespmem:$0x9190] =	vst v0  }
0x63: {  	[tilespmem:$0x91A0] =	vst v0  }
0x64: {  	[tilespmem:$0x91B0] =	vst v0  }
0x65: {  	[tilespmem:$0x91C0] =	vst v0  }
0x66: {  	[tilespmem:$0x91D0] =	vst v0  }
0x67: {  	[tilespmem:$0x91E0] =	vst v0  }
0x68: {  	[tilespmem:$0x91F0] =	vst v0  }
0x69: {  	[tilespmem:$0x9200] =	vst v0  }
0x6a: {  	[tilespmem:$0x9210] =	vst v0  }
0x6b: {  	[tilespmem:$0x9220] =	vst v0  }
0x6c: {  	[tilespmem:$0x9230] =	vst v0  }
0x6d: {  	[tilespmem:$0x9240] =	vst v0  }
0x6e: {  	[tilespmem:$0x9250] =	vst v0  }
0x6f: {  	[tilespmem:$0x9260] =	vst v0  }
0x70: {  	s17 =	simm.s32 $0x9000;
	s11 =	rddreg [dreg:$0x13];
	[tilespmem:$0x9270] =	vst v0  }
0x71: {  	[spmem:s11] =	stream.linear.scatter [tilespmem:s17], [sflag:$0x3], $0x280, $0x38;
	[tilespmem:$0x1D780] =	vst v63  }
0x72: {  	_ =	swait.ge [sflag:s29], $0x280  }
0x73: {  	[sflag:s29] =	ssyncset.done $0x0  }
0x74: {  	[sflag:s29] =	ssyncadd.s32 $0xFFFFFD80  }
0x75: {  	[tilespmem:$0x9280] =	vst v1  }
0x76: {  	[tilespmem:$0x9290] =	vst v1  }
0x77: {  	[tilespmem:$0x92A0] =	vst v1  }
0x78: {  	[tilespmem:$0x92B0] =	vst v1  }
0x79: {  	[tilespmem:$0x92C0] =	vst v1  }
0x7a: {  	[tilespmem:$0x92D0] =	vst v1  }
0x7b: {  	[tilespmem:$0x92E0] =	vst v1  }
0x7c: {  	s19 =	simm.s32 $0x400;
	s26 =	simm.s32 $0x9380;
	s18 =	rddreg [dreg:$0x14];
	[tilespmem:$0x92F0] =	vst v1  }
0x7d: {  	[tilespmem:s26], [sflag:$0x3] =	stream.strided.gather [hbm4b:s18+s31], $0x180, s19, s31, $0x38;
	[tilespmem:$0x1D780] =	vst v63  }
0x7e: {  	_ =	swait.ge [sflag:s29], $0x180  }
0x7f: {  	[sflag:s29] =	ssyncset.done $0x0  }
0x80: {  	[sflag:s29] =	ssyncadd.s32 $0xFFFFFE80  }
0x81: {  	v2 =	vld [tilespmem:$0x9380]  }
0x82: {  	v3 =	vld [tilespmem:$0x9390];
	_ =	sdelay $0x1  }
0x83: {  	v4 =	vld [tilespmem:$0x93A0];
	_ =	sdelay $0x1  }
0x84: {  	v5 =	vld [tilespmem:$0x93B0]  }
0x85: {  	vm0 =	vgt.s32 v2, v3  }
0x86: {  	v2 =	vsel vm0, v2, v3;
	v3 =	vld [tilespmem:$0x93C0]  }
0x87: {  	vm0 =	vgt.s32 v2, v4  }
0x88: {  	v54 =	vld [tilespmem:$0x93D0];
	v2 =	vsel vm0, v2, v4  }
0x89: {  	vm0 =	vgt.s32 v2, v5  }
0x8a: {  	v55 =	vld [tilespmem:$0x93E0];
	v2 =	vsel vm0, v2, v5  }
0x8b: {  	vm0 =	vgt.s32 v2, v3  }
0x8c: {  	v2 =	vsel vm0, v2, v3;
	v3 =	vld [tilespmem:$0x93F0]  }
0x8d: {  	vm0 =	vgt.s32 v2, v54  }
0x8e: {  	v56 =	vld [tilespmem:$0x9400];
	v2 =	vsel vm0, v2, v54  }
0x8f: {  	vm0 =	vgt.s32 v2, v55  }
0x90: {  	v57 =	vld [tilespmem:$0x9410];
	v2 =	vsel vm0, v2, v55  }
0x91: {  	vm0 =	vgt.s32 v2, v3  }
0x92: {  	v2 =	vsel vm0, v2, v3;
	v3 =	vld [tilespmem:$0x9420]  }
0x93: {  	vm0 =	vgt.s32 v2, v56  }
0x94: {  	v58 =	vld [tilespmem:$0x9430];
	v2 =	vsel vm0, v2, v56  }
0x95: {  	vm0 =	vgt.s32 v2, v57  }
0x96: {  	v59 =	vld [tilespmem:$0x9440];
	v2 =	vsel vm0, v2, v57  }
0x97: {  	vm0 =	vgt.s32 v2, v3  }
0x98: {  	v2 =	vsel vm0, v2, v3;
	v3 =	vld [tilespmem:$0x9450]  }
0x99: {  	vm0 =	vgt.s32 v2, v58  }
0x9a: {  	v60 =	vld [tilespmem:$0x9460];
	v2 =	vsel vm0, v2, v58  }
0x9b: {  	vm0 =	vgt.s32 v2, v59  }
0x9c: {  	v61 =	vld [tilespmem:$0x9470];
	v2 =	vsel vm0, v2, v59  }
0x9d: {  	vm0 =	vgt.s32 v2, v3  }
0x9e: {  	v2 =	vsel vm0, v2, v3;
	v3 =	vld [tilespmem:$0x9480]  }
0x9f: {  	vm0 =	vgt.s32 v2, v60  }
0xa0: {  	v62 =	vld [tilespmem:$0x9490];
	v2 =	vsel vm0, v2, v60  }
0xa1: {  	vm0 =	vgt.s32 v2, v61  }
0xa2: {  	v63 =	vld [tilespmem:$0x94A0];
	v2 =	vsel vm0, v2, v61  }
0xa3: {  	vm0 =	vgt.s32 v2, v3  }
0xa4: {  	v2 =	vsel vm0, v2, v3;
	v3 =	vld [tilespmem:$0x94B0]  }
0xa5: {  	vm0 =	vgt.s32 v2, v62  }
0xa6: {  	v2 =	vsel vm0, v2, v62  }
0xa7: {  	vm0 =	vgt.s32 v2, v63  }
0xa8: {  	v2 =	vsel vm0, v2, v63  }
0xa9: {  	vm0 =	vgt.s32 v2, v3  }
0xaa: {  	v2 =	vsel vm0, v2, v3  }
0xab: {  	s22 =	simm.s32 $0x9300;
	s20 =	rddreg [dreg:$0x15];
	[tilespmem:$0x9300] =	vst v2  }
0xac: {  	[hbm4b:s20+s4] =	stream.linear.scatter [tilespmem:s22], [sflag:$0x3], $0x80, $0x38;
	[tilespmem:$0x1D780] =	vst v63  }
0xad: {  	_ =	swait.ge [sflag:s29], $0x80  }
0xae: {  	[sflag:s29] =	ssyncset.done $0x0  }
0xaf: {  	[sflag:s29] =	ssyncadd.s32 $0xFFFFFF80  }
0xb0: {  	[bflag:$0x0] =	sbarrier.arrive $0xFFFF  }
0xb1: {  	s23 =	rddreg [dreg:$0x8]  }
0xb2: {  	[tilespmem:s4], [sflag:$0x3] =	stream.linear.gather [hbm4b:s23+s4], $0x800, $0x38;
	[tilespmem:$0x1D780] =	vst v63  }
0xb3: {  	_ =	swait.ge [sflag:s29], $0x800  }
0xb4: {  	[sflag:s29] =	ssyncset.done $0x0  }
0xb5: {  	s6 =	simm.s32 $0x800;
	s24 =	rddreg [dreg:$0x9];
	[sflag:s29] =	ssyncadd.s32 $0xFFFFF800  }
0xb6: {  	[tilespmem:s6], [sflag:$0x3] =	stream.linear.gather [hbm4b:s24+s4], $0x800, $0x38;
	[tilespmem:$0x1D780] =	vst v63  }
0xb7: {  	_ =	swait.ge [sflag:s29], $0x800  }
0xb8: {  	[sflag:s29] =	ssyncset.done $0x0  }
0xb9: {  	[sflag:s29] =	ssyncadd.s32 $0xFFFFF800  }
0xba: {  	[tilespmem:s28], [sflag:$0x1] =	stream.indirect.gather [hbm4b:s5+s31], $0x80, s4, s31, $0xb8;
	[tilespmem:$0x1D780] =	vst v63  }
0xbb: {  	_ = 	snop  }
0xbc: {  	[tilespmem:s0], [sflag:$0x2] =	stream.indirect.gather [hbm4b:s5+s31], $0x80, s31, s31, $0xb8;
	[tilespmem:$0x1D780] =	vst v63  }
0xbd: {  	_ =	swait.ge [sflag:s7], $0x4000  }
0xbe: {  	[sflag:s7] =	ssyncset.done $0x0  }
0xbf: {  	[sflag:s7] =	ssyncadd.s32 $0xFFFFC000  }
0xc0: {  	[spmem:s2] =	stream.indirect.scatter.add.f32 [tilespmem:s28], [sflag:$0x3], $0x80, s6, s31, $0xb8;
	[tilespmem:$0x1D780] =	vst v63  }
0xc1: {  	_ =	swait.ge [sflag:s29], $0x4000  }
0xc2: {  	[sflag:s29] =	ssyncset.done $0x0  }
0xc3: {  	[sflag:s29] =	ssyncadd.s32 $0xFFFFC000  }
0xc4: {  	[spmem:s3] =	stream.indirect.scatter.add.f32 [tilespmem:s8], [sflag:$0x3], $0x1, s6, s31, $0xb8;
	[tilespmem:$0x1D780] =	vst v63  }
0xc5: {  	_ =	swait.ge [sflag:s29], $0x80  }
0xc6: {  	[sflag:s29] =	ssyncset.done $0x0  }
0xc7: {  	s25 =	simm.s32 $0x100;
	[sflag:s29] =	ssyncadd.s32 $0xFFFFFF80  }
0xc8: {  	[tilespmem:s28], [sflag:$0x1] =	stream.indirect.gather [hbm4b:s5+s31], $0x80, s25, s31, $0xb8;
	[tilespmem:$0x1D780] =	vst v63  }
0xc9: {  	_ =	swait.ge [sflag:s10], $0x4000  }
0xca: {  	[sflag:s10] =	ssyncset.done $0x0  }
0xcb: {  	s26 =	simm.s32 $0x880;
	[sflag:s10] =	ssyncadd.s32 $0xFFFFC000  }
0xcc: {  	[spmem:s2] =	stream.indirect.scatter.add.f32 [tilespmem:s0], [sflag:$0x3], $0x80, s26, s31, $0xb8;
	[tilespmem:$0x1D780] =	vst v63  }
0xcd: {  	_ =	swait.ge [sflag:s29], $0x4000  }
0xce: {  	[sflag:s29] =	ssyncset.done $0x0  }
0xcf: {  	[sflag:s29] =	ssyncadd.s32 $0xFFFFC000  }
0xd0: {  	[spmem:s3] =	stream.indirect.scatter.add.f32 [tilespmem:s8], [sflag:$0x3], $0x1, s26, s31, $0xb8;
	[tilespmem:$0x1D780] =	vst v63  }
0xd1: {  	_ =	swait.ge [sflag:s29], $0x80  }
0xd2: {  	[sflag:s29] =	ssyncset.done $0x0  }
0xd3: {  	s30 =	simm.s32 $0x180;
	[sflag:s29] =	ssyncadd.s32 $0xFFFFFF80  }
0xd4: {  	[tilespmem:s0], [sflag:$0x2] =	stream.indirect.gather [hbm4b:s5+s31], $0x80, s30, s31, $0xb8;
	[tilespmem:$0x1D780] =	vst v63  }
0xd5: {  	_ =	swait.ge [sflag:s7], $0x4000  }
0xd6: {  	[sflag:s7] =	ssyncset.done $0x0  }
0xd7: {  	s9 =	simm.s32 $0x900;
	[sflag:s7] =	ssyncadd.s32 $0xFFFFC000  }
0xd8: {  	[spmem:s2] =	stream.indirect.scatter.add.f32 [tilespmem:s28], [sflag:$0x3], $0x80, s9, s31, $0xb8;
	[tilespmem:$0x1D780] =	vst v63  }
0xd9: {  	_ =	swait.ge [sflag:s29], $0x4000  }
0xda: {  	[sflag:s29] =	ssyncset.done $0x0  }
0xdb: {  	[sflag:s29] =	ssyncadd.s32 $0xFFFFC000  }
0xdc: {  	[spmem:s3] =	stream.indirect.scatter.add.f32 [tilespmem:s8], [sflag:$0x3], $0x1, s9, s31, $0xb8;
	[tilespmem:$0x1D780] =	vst v63  }
0xdd: {  	_ =	swait.ge [sflag:s29], $0x80  }
0xde: {  	[sflag:s29] =	ssyncset.done $0x0  }
0xdf: {  	s12 =	simm.s32 $0x200;
	[sflag:s29] =	ssyncadd.s32 $0xFFFFFF80  }
0xe0: {  	[tilespmem:s28], [sflag:$0x1] =	stream.indirect.gather [hbm4b:s5+s31], $0x80, s12, s31, $0xb8;
	[tilespmem:$0x1D780] =	vst v63  }
0xe1: {  	_ =	swait.ge [sflag:s10], $0x4000  }
0xe2: {  	[sflag:s10] =	ssyncset.done $0x0  }
0xe3: {  	s13 =	simm.s32 $0x980;
	[sflag:s10] =	ssyncadd.s32 $0xFFFFC000  }
0xe4: {  	[spmem:s2] =	stream.indirect.scatter.add.f32 [tilespmem:s0], [sflag:$0x3], $0x80, s13, s31, $0xb8;
	[tilespmem:$0x1D780] =	vst v63  }
0xe5: {  	_ =	swait.ge [sflag:s29], $0x4000  }
0xe6: {  	[sflag:s29] =	ssyncset.done $0x0  }
0xe7: {  	[sflag:s29] =	ssyncadd.s32 $0xFFFFC000  }
0xe8: {  	[spmem:s3] =	stream.indirect.scatter.add.f32 [tilespmem:s8], [sflag:$0x3], $0x1, s13, s31, $0xb8;
	[tilespmem:$0x1D780] =	vst v63  }
0xe9: {  	_ =	swait.ge [sflag:s29], $0x80  }
0xea: {  	[sflag:s29] =	ssyncset.done $0x0  }
0xeb: {  	s14 =	simm.s32 $0x280;
	[sflag:s29] =	ssyncadd.s32 $0xFFFFFF80  }
0xec: {  	[tilespmem:s0], [sflag:$0x2] =	stream.indirect.gather [hbm4b:s5+s31], $0x80, s14, s31, $0xb8;
	[tilespmem:$0x1D780] =	vst v63  }
0xed: {  	_ =	swait.ge [sflag:s7], $0x4000  }
0xee: {  	[sflag:s7] =	ssyncset.done $0x0  }
0xef: {  	s15 =	simm.s32 $0xA00;
	[sflag:s7] =	ssyncadd.s32 $0xFFFFC000  }
0xf0: {  	[spmem:s2] =	stream.indirect.scatter.add.f32 [tilespmem:s28], [sflag:$0x3], $0x80, s15, s31, $0xb8;
	[tilespmem:$0x1D780] =	vst v63  }
0xf1: {  	_ =	swait.ge [sflag:s29], $0x4000  }
0xf2: {  	[sflag:s29] =	ssyncset.done $0x0  }
0xf3: {  	[sflag:s29] =	ssyncadd.s32 $0xFFFFC000  }
0xf4: {  	[spmem:s3] =	stream.indirect.scatter.add.f32 [tilespmem:s8], [sflag:$0x3], $0x1, s15, s31, $0xb8;
	[tilespmem:$0x1D780] =	vst v63  }
0xf5: {  	_ =	swait.ge [sflag:s29], $0x80  }
0xf6: {  	[sflag:s29] =	ssyncset.done $0x0  }
0xf7: {  	s16 =	simm.s32 $0x300;
	[sflag:s29] =	ssyncadd.s32 $0xFFFFFF80  }
0xf8: {  	[tilespmem:s28], [sflag:$0x1] =	stream.indirect.gather [hbm4b:s5+s31], $0x80, s16, s31, $0xb8;
	[tilespmem:$0x1D780] =	vst v63  }
0xf9: {  	_ =	swait.ge [sflag:s10], $0x4000  }
0xfa: {  	[sflag:s10] =	ssyncset.done $0x0  }
0xfb: {  	s17 =	simm.s32 $0xA80;
	[sflag:s10] =	ssyncadd.s32 $0xFFFFC000  }
0xfc: {  	[spmem:s2] =	stream.indirect.scatter.add.f32 [tilespmem:s0], [sflag:$0x3], $0x80, s17, s31, $0xb8;
	[tilespmem:$0x1D780] =	vst v63  }
0xfd: {  	_ =	swait.ge [sflag:s29], $0x4000  }
0xfe: {  	[sflag:s29] =	ssyncset.done $0x0  }
0xff: {  	[sflag:s29] =	ssyncadd.s32 $0xFFFFC000  }
0x100: {  	[spmem:s3] =	stream.indirect.scatter.add.f32 [tilespmem:s8], [sflag:$0x3], $0x1, s17, s31, $0xb8;
	[tilespmem:$0x1D780] =	vst v63  }
0x101: {  	_ =	swait.ge [sflag:s29], $0x80  }
0x102: {  	[sflag:s29] =	ssyncset.done $0x0  }
0x103: {  	s18 =	simm.s32 $0x380;
	[sflag:s29] =	ssyncadd.s32 $0xFFFFFF80  }
0x104: {  	[tilespmem:s0], [sflag:$0x2] =	stream.indirect.gather [hbm4b:s5+s31], $0x80, s18, s31, $0xb8;
	[tilespmem:$0x1D780] =	vst v63  }
0x105: {  	_ =	swait.ge [sflag:s7], $0x4000  }
0x106: {  	[sflag:s7] =	ssyncset.done $0x0  }
0x107: {  	s19 =	simm.s32 $0xB00;
	[sflag:s7] =	ssyncadd.s32 $0xFFFFC000  }
0x108: {  	[spmem:s2] =	stream.indirect.scatter.add.f32 [tilespmem:s28], [sflag:$0x3], $0x80, s19, s31, $0xb8;
	[tilespmem:$0x1D780] =	vst v63  }
0x109: {  	_ =	swait.ge [sflag:s29], $0x4000  }
0x10a: {  	[sflag:s29] =	ssyncset.done $0x0  }
0x10b: {  	[sflag:s29] =	ssyncadd.s32 $0xFFFFC000  }
0x10c: {  	[spmem:s3] =	stream.indirect.scatter.add.f32 [tilespmem:s8], [sflag:$0x3], $0x1, s19, s31, $0xb8;
	[tilespmem:$0x1D780] =	vst v63  }
0x10d: {  	_ =	swait.ge [sflag:s29], $0x80  }
0x10e: {  	[sflag:s29] =	ssyncset.done $0x0  }
0x10f: {  	s1 =	simm.s32 $0x400;
	[sflag:s29] =	ssyncadd.s32 $0xFFFFFF80  }
0x110: {  	[tilespmem:s28], [sflag:$0x1] =	stream.indirect.gather [hbm4b:s5+s31], $0x80, s1, s31, $0xb8;
	[tilespmem:$0x1D780] =	vst v63  }
0x111: {  	_ =	swait.ge [sflag:s10], $0x4000  }
0x112: {  	[sflag:s10] =	ssyncset.done $0x0  }
0x113: {  	s9 =	simm.s32 $0xB80;
	[sflag:s10] =	ssyncadd.s32 $0xFFFFC000  }
0x114: {  	[spmem:s2] =	stream.indirect.scatter.add.f32 [tilespmem:s0], [sflag:$0x3], $0x80, s9, s31, $0xb8;
	[tilespmem:$0x1D780] =	vst v63  }
0x115: {  	_ =	swait.ge [sflag:s29], $0x4000  }
0x116: {  	[sflag:s29] =	ssyncset.done $0x0  }
0x117: {  	[sflag:s29] =	ssyncadd.s32 $0xFFFFC000  }
0x118: {  	[spmem:s3] =	stream.indirect.scatter.add.f32 [tilespmem:s8], [sflag:$0x3], $0x1, s9, s31, $0xb8;
	[tilespmem:$0x1D780] =	vst v63  }
0x119: {  	_ =	swait.ge [sflag:s29], $0x80  }
0x11a: {  	[sflag:s29] =	ssyncset.done $0x0  }
0x11b: {  	s20 =	simm.s32 $0x480;
	[sflag:s29] =	ssyncadd.s32 $0xFFFFFF80  }
0x11c: {  	[tilespmem:s0], [sflag:$0x2] =	stream.indirect.gather [hbm4b:s5+s31], $0x80, s20, s31, $0xb8;
	[tilespmem:$0x1D780] =	vst v63  }
0x11d: {  	_ =	swait.ge [sflag:s7], $0x4000  }
0x11e: {  	[sflag:s7] =	ssyncset.done $0x0  }
0x11f: {  	s21 =	simm.s32 $0xC00;
	[sflag:s7] =	ssyncadd.s32 $0xFFFFC000  }
0x120: {  	[spmem:s2] =	stream.indirect.scatter.add.f32 [tilespmem:s28], [sflag:$0x3], $0x80, s21, s31, $0xb8;
	[tilespmem:$0x1D780] =	vst v63  }
0x121: {  	_ =	swait.ge [sflag:s29], $0x4000  }
0x122: {  	[sflag:s29] =	ssyncset.done $0x0  }
0x123: {  	[sflag:s29] =	ssyncadd.s32 $0xFFFFC000  }
0x124: {  	[spmem:s3] =	stream.indirect.scatter.add.f32 [tilespmem:s8], [sflag:$0x3], $0x1, s21, s31, $0xb8;
	[tilespmem:$0x1D780] =	vst v63  }
0x125: {  	_ =	swait.ge [sflag:s29], $0x80  }
0x126: {  	[sflag:s29] =	ssyncset.done $0x0  }
0x127: {  	s22 =	simm.s32 $0x500;
	[sflag:s29] =	ssyncadd.s32 $0xFFFFFF80  }
0x128: {  	[tilespmem:s28], [sflag:$0x1] =	stream.indirect.gather [hbm4b:s5+s31], $0x80, s22, s31, $0xb8;
	[tilespmem:$0x1D780] =	vst v63  }
0x129: {  	_ =	swait.ge [sflag:s10], $0x4000  }
0x12a: {  	[sflag:s10] =	ssyncset.done $0x0  }
0x12b: {  	s23 =	simm.s32 $0xC80;
	[sflag:s10] =	ssyncadd.s32 $0xFFFFC000  }
0x12c: {  	[spmem:s2] =	stream.indirect.scatter.add.f32 [tilespmem:s0], [sflag:$0x3], $0x80, s23, s31, $0xb8;
	[tilespmem:$0x1D780] =	vst v63  }
0x12d: {  	_ =	swait.ge [sflag:s29], $0x4000  }
0x12e: {  	[sflag:s29] =	ssyncset.done $0x0  }
0x12f: {  	[sflag:s29] =	ssyncadd.s32 $0xFFFFC000  }
0x130: {  	[spmem:s3] =	stream.indirect.scatter.add.f32 [tilespmem:s8], [sflag:$0x3], $0x1, s23, s31, $0xb8;
	[tilespmem:$0x1D780] =	vst v63  }
0x131: {  	_ =	swait.ge [sflag:s29], $0x80  }
0x132: {  	[sflag:s29] =	ssyncset.done $0x0  }
0x133: {  	s24 =	simm.s32 $0x580;
	[sflag:s29] =	ssyncadd.s32 $0xFFFFFF80  }
0x134: {  	[tilespmem:s0], [sflag:$0x2] =	stream.indirect.gather [hbm4b:s5+s31], $0x80, s24, s31, $0xb8;
	[tilespmem:$0x1D780] =	vst v63  }
0x135: {  	_ =	swait.ge [sflag:s7], $0x4000  }
0x136: {  	[sflag:s7] =	ssyncset.done $0x0  }
0x137: {  	s25 =	simm.s32 $0xD00;
	[sflag:s7] =	ssyncadd.s32 $0xFFFFC000  }
0x138: {  	[spmem:s2] =	stream.indirect.scatter.add.f32 [tilespmem:s28], [sflag:$0x3], $0x80, s25, s31, $0xb8;
	[tilespmem:$0x1D780] =	vst v63  }
0x139: {  	_ =	swait.ge [sflag:s29], $0x4000  }
0x13a: {  	[sflag:s29] =	ssyncset.done $0x0  }
0x13b: {  	[sflag:s29] =	ssyncadd.s32 $0xFFFFC000  }
0x13c: {  	[spmem:s3] =	stream.indirect.scatter.add.f32 [tilespmem:s8], [sflag:$0x3], $0x1, s25, s31, $0xb8;
	[tilespmem:$0x1D780] =	vst v63  }
0x13d: {  	_ =	swait.ge [sflag:s29], $0x80  }
0x13e: {  	[sflag:s29] =	ssyncset.done $0x0  }
0x13f: {  	s26 =	simm.s32 $0x600;
	[sflag:s29] =	ssyncadd.s32 $0xFFFFFF80  }
0x140: {  	[tilespmem:s28], [sflag:$0x1] =	stream.indirect.gather [hbm4b:s5+s31], $0x80, s26, s31, $0xb8;
	[tilespmem:$0x1D780] =	vst v63  }
0x141: {  	_ =	swait.ge [sflag:s10], $0x4000  }
0x142: {  	[sflag:s10] =	ssyncset.done $0x0  }
0x143: {  	s30 =	simm.s32 $0xD80;
	[sflag:s10] =	ssyncadd.s32 $0xFFFFC000  }
0x144: {  	[spmem:s2] =	stream.indirect.scatter.add.f32 [tilespmem:s0], [sflag:$0x3], $0x80, s30, s31, $0xb8;
	[tilespmem:$0x1D780] =	vst v63  }
0x145: {  	_ =	swait.ge [sflag:s29], $0x4000  }
0x146: {  	[sflag:s29] =	ssyncset.done $0x0  }
0x147: {  	[sflag:s29] =	ssyncadd.s32 $0xFFFFC000  }
0x148: {  	[spmem:s3] =	stream.indirect.scatter.add.f32 [tilespmem:s8], [sflag:$0x3], $0x1, s30, s31, $0xb8;
	[tilespmem:$0x1D780] =	vst v63  }
0x149: {  	_ =	swait.ge [sflag:s29], $0x80  }
0x14a: {  	[sflag:s29] =	ssyncset.done $0x0  }
0x14b: {  	s9 =	simm.s32 $0x680;
	[sflag:s29] =	ssyncadd.s32 $0xFFFFFF80  }
0x14c: {  	[tilespmem:s0], [sflag:$0x2] =	stream.indirect.gather [hbm4b:s5+s31], $0x80, s9, s31, $0xb8;
	[tilespmem:$0x1D780] =	vst v63  }
0x14d: {  	_ =	swait.ge [sflag:s7], $0x4000  }
0x14e: {  	[sflag:s7] =	ssyncset.done $0x0  }
0x14f: {  	s12 =	simm.s32 $0xE00;
	[sflag:s7] =	ssyncadd.s32 $0xFFFFC000  }
0x150: {  	[spmem:s2] =	stream.indirect.scatter.add.f32 [tilespmem:s28], [sflag:$0x3], $0x80, s12, s31, $0xb8;
	[tilespmem:$0x1D780] =	vst v63  }
0x151: {  	_ =	swait.ge [sflag:s29], $0x4000  }
0x152: {  	[sflag:s29] =	ssyncset.done $0x0  }
0x153: {  	[sflag:s29] =	ssyncadd.s32 $0xFFFFC000  }
0x154: {  	[spmem:s3] =	stream.indirect.scatter.add.f32 [tilespmem:s8], [sflag:$0x3], $0x1, s12, s31, $0xb8;
	[tilespmem:$0x1D780] =	vst v63  }
0x155: {  	_ =	swait.ge [sflag:s29], $0x80  }
0x156: {  	[sflag:s29] =	ssyncset.done $0x0  }
0x157: {  	s13 =	simm.s32 $0x700;
	[sflag:s29] =	ssyncadd.s32 $0xFFFFFF80  }
0x158: {  	[tilespmem:s28], [sflag:$0x1] =	stream.indirect.gather [hbm4b:s5+s31], $0x80, s13, s31, $0xb8;
	[tilespmem:$0x1D780] =	vst v63  }
0x159: {  	_ =	swait.ge [sflag:s10], $0x4000  }
0x15a: {  	[sflag:s10] =	ssyncset.done $0x0  }
0x15b: {  	s14 =	simm.s32 $0xE80;
	[sflag:s10] =	ssyncadd.s32 $0xFFFFC000  }
0x15c: {  	[spmem:s2] =	stream.indirect.scatter.add.f32 [tilespmem:s0], [sflag:$0x3], $0x80, s14, s31, $0xb8;
	[tilespmem:$0x1D780] =	vst v63  }
0x15d: {  	_ =	swait.ge [sflag:s29], $0x4000  }
0x15e: {  	[sflag:s29] =	ssyncset.done $0x0  }
0x15f: {  	[sflag:s29] =	ssyncadd.s32 $0xFFFFC000  }
0x160: {  	[spmem:s3] =	stream.indirect.scatter.add.f32 [tilespmem:s8], [sflag:$0x3], $0x1, s14, s31, $0xb8;
	[tilespmem:$0x1D780] =	vst v63  }
0x161: {  	_ =	swait.ge [sflag:s29], $0x80  }
0x162: {  	[sflag:s29] =	ssyncset.done $0x0  }
0x163: {  	s15 =	simm.s32 $0x780;
	[sflag:s29] =	ssyncadd.s32 $0xFFFFFF80  }
0x164: {  	[tilespmem:s0], [sflag:$0x2] =	stream.indirect.gather [hbm4b:s5+s31], $0x80, s15, s31, $0xb8;
	[tilespmem:$0x1D780] =	vst v63  }
0x165: {  	_ =	swait.ge [sflag:s7], $0x4000  }
0x166: {  	[sflag:s7] =	ssyncset.done $0x0  }
0x167: {  	s16 =	simm.s32 $0xF00;
	[sflag:s7] =	ssyncadd.s32 $0xFFFFC000  }
0x168: {  	[spmem:s2] =	stream.indirect.scatter.add.f32 [tilespmem:s28], [sflag:$0x3], $0x80, s16, s31, $0xb8;
	[tilespmem:$0x1D780] =	vst v63  }
0x169: {  	_ =	swait.ge [sflag:s29], $0x4000  }
0x16a: {  	[sflag:s29] =	ssyncset.done $0x0  }
0x16b: {  	[sflag:s29] =	ssyncadd.s32 $0xFFFFC000  }
0x16c: {  	[spmem:s3] =	stream.indirect.scatter.add.f32 [tilespmem:s8], [sflag:$0x3], $0x1, s16, s31, $0xb8;
	[tilespmem:$0x1D780] =	vst v63  }
0x16d: {  	_ =	swait.ge [sflag:s29], $0x80  }
0x16e: {  	[sflag:s29] =	ssyncset.done $0x0  }
0x16f: {  	[sflag:s29] =	ssyncadd.s32 $0xFFFFFF80  }
0x170: {  	_ =	swait.ge [sflag:s10], $0x4000  }
0x171: {  	[sflag:s10] =	ssyncset.done $0x0  }
0x172: {  	s17 =	simm.s32 $0xF80;
	[sflag:s10] =	ssyncadd.s32 $0xFFFFC000  }
0x173: {  	[spmem:s2] =	stream.indirect.scatter.add.f32 [tilespmem:s0], [sflag:$0x3], $0x80, s17, s31, $0xb8;
	[tilespmem:$0x1D780] =	vst v63  }
0x174: {  	_ =	swait.ge [sflag:s29], $0x4000  }
0x175: {  	[sflag:s29] =	ssyncset.done $0x0  }
0x176: {  	[sflag:s29] =	ssyncadd.s32 $0xFFFFC000  }
0x177: {  	[spmem:s3] =	stream.indirect.scatter.add.f32 [tilespmem:s8], [sflag:$0x3], $0x1, s17, s31, $0xb8;
	[tilespmem:$0x1D780] =	vst v63  }
0x178: {  	_ =	swait.ge [sflag:s29], $0x80  }
0x179: {  	[sflag:s29] =	ssyncset.done $0x0  }
0x17a: {  	s18 =	rddreg [dreg:$0xa];
	[sflag:s29] =	ssyncadd.s32 $0xFFFFFF80  }
0x17b: {  	[tilespmem:s4], [sflag:$0x3] =	stream.linear.gather [hbm4b:s18+s4], $0x800, $0x38;
	[tilespmem:$0x1D780] =	vst v63  }
0x17c: {  	_ =	swait.ge [sflag:s29], $0x800  }
0x17d: {  	[sflag:s29] =	ssyncset.done $0x0  }
0x17e: {  	s19 =	rddreg [dreg:$0xb];
	[sflag:s29] =	ssyncadd.s32 $0xFFFFF800  }
0x17f: {  	[tilespmem:s6], [sflag:$0x3] =	stream.linear.gather [hbm4b:s19+s4], $0x800, $0x38;
	[tilespmem:$0x1D780] =	vst v63  }
0x180: {  	_ =	swait.ge [sflag:s29], $0x800  }
0x181: {  	[sflag:s29] =	ssyncset.done $0x0  }
0x182: {  	[sflag:s29] =	ssyncadd.s32 $0xFFFFF800  }
0x183: {  	[tilespmem:s28], [sflag:$0x1] =	stream.indirect.gather [hbm4b:s5+s31], $0x80, s4, s31, $0xb8;
	[tilespmem:$0x1D780] =	vst v63  }
0x184: {  	_ = 	snop  }
0x185: {  	[tilespmem:s0], [sflag:$0x2] =	stream.indirect.gather [hbm4b:s5+s31], $0x80, s31, s31, $0xb8;
	[tilespmem:$0x1D780] =	vst v63  }
0x186: {  	_ =	swait.ge [sflag:s7], $0x4000  }
0x187: {  	[sflag:s7] =	ssyncset.done $0x0  }
0x188: {  	[sflag:s7] =	ssyncadd.s32 $0xFFFFC000  }
0x189: {  	[spmem:s2] =	stream.indirect.scatter.add.f32 [tilespmem:s28], [sflag:$0x3], $0x80, s6, s31, $0xb8;
	[tilespmem:$0x1D780] =	vst v63  }
0x18a: {  	_ =	swait.ge [sflag:s29], $0x4000  }
0x18b: {  	[sflag:s29] =	ssyncset.done $0x0  }
0x18c: {  	[sflag:s29] =	ssyncadd.s32 $0xFFFFC000  }
0x18d: {  	[spmem:s3] =	stream.indirect.scatter.add.f32 [tilespmem:s8], [sflag:$0x3], $0x1, s6, s31, $0xb8;
	[tilespmem:$0x1D780] =	vst v63  }
0x18e: {  	_ =	swait.ge [sflag:s29], $0x80  }
0x18f: {  	[sflag:s29] =	ssyncset.done $0x0  }
0x190: {  	s11 =	simm.s32 $0x100;
	[sflag:s29] =	ssyncadd.s32 $0xFFFFFF80  }
0x191: {  	[tilespmem:s28], [sflag:$0x1] =	stream.indirect.gather [hbm4b:s5+s31], $0x80, s11, s31, $0xb8;
	[tilespmem:$0x1D780] =	vst v63  }
0x192: {  	_ =	swait.ge [sflag:s10], $0x4000  }
0x193: {  	[sflag:s10] =	ssyncset.done $0x0  }
0x194: {  	s20 =	simm.s32 $0x880;
	[sflag:s10] =	ssyncadd.s32 $0xFFFFC000  }
0x195: {  	[spmem:s2] =	stream.indirect.scatter.add.f32 [tilespmem:s0], [sflag:$0x3], $0x80, s20, s31, $0xb8;
	[tilespmem:$0x1D780] =	vst v63  }
0x196: {  	_ =	swait.ge [sflag:s29], $0x4000  }
0x197: {  	[sflag:s29] =	ssyncset.done $0x0  }
0x198: {  	[sflag:s29] =	ssyncadd.s32 $0xFFFFC000  }
0x199: {  	[spmem:s3] =	stream.indirect.scatter.add.f32 [tilespmem:s8], [sflag:$0x3], $0x1, s20, s31, $0xb8;
	[tilespmem:$0x1D780] =	vst v63  }
0x19a: {  	_ =	swait.ge [sflag:s29], $0x80  }
0x19b: {  	[sflag:s29] =	ssyncset.done $0x0  }
0x19c: {  	s21 =	simm.s32 $0x180;
	[sflag:s29] =	ssyncadd.s32 $0xFFFFFF80  }
0x19d: {  	[tilespmem:s0], [sflag:$0x2] =	stream.indirect.gather [hbm4b:s5+s31], $0x80, s21, s31, $0xb8;
	[tilespmem:$0x1D780] =	vst v63  }
0x19e: {  	_ =	swait.ge [sflag:s7], $0x4000  }
0x19f: {  	[sflag:s7] =	ssyncset.done $0x0  }
0x1a0: {  	s22 =	simm.s32 $0x900;
	[sflag:s7] =	ssyncadd.s32 $0xFFFFC000  }
0x1a1: {  	[spmem:s2] =	stream.indirect.scatter.add.f32 [tilespmem:s28], [sflag:$0x3], $0x80, s22, s31, $0xb8;
	[tilespmem:$0x1D780] =	vst v63  }
0x1a2: {  	_ =	swait.ge [sflag:s29], $0x4000  }
0x1a3: {  	[sflag:s29] =	ssyncset.done $0x0  }
0x1a4: {  	[sflag:s29] =	ssyncadd.s32 $0xFFFFC000  }
0x1a5: {  	[spmem:s3] =	stream.indirect.scatter.add.f32 [tilespmem:s8], [sflag:$0x3], $0x1, s22, s31, $0xb8;
	[tilespmem:$0x1D780] =	vst v63  }
0x1a6: {  	_ =	swait.ge [sflag:s29], $0x80  }
0x1a7: {  	[sflag:s29] =	ssyncset.done $0x0  }
0x1a8: {  	s30 =	simm.s32 $0x200;
	[sflag:s29] =	ssyncadd.s32 $0xFFFFFF80  }
0x1a9: {  	[tilespmem:s28], [sflag:$0x1] =	stream.indirect.gather [hbm4b:s5+s31], $0x80, s30, s31, $0xb8;
	[tilespmem:$0x1D780] =	vst v63  }
0x1aa: {  	_ =	swait.ge [sflag:s10], $0x4000  }
0x1ab: {  	[sflag:s10] =	ssyncset.done $0x0  }
0x1ac: {  	s23 =	simm.s32 $0x980;
	[sflag:s10] =	ssyncadd.s32 $0xFFFFC000  }
0x1ad: {  	[spmem:s2] =	stream.indirect.scatter.add.f32 [tilespmem:s0], [sflag:$0x3], $0x80, s23, s31, $0xb8;
	[tilespmem:$0x1D780] =	vst v63  }
0x1ae: {  	_ =	swait.ge [sflag:s29], $0x4000  }
0x1af: {  	[sflag:s29] =	ssyncset.done $0x0  }
0x1b0: {  	[sflag:s29] =	ssyncadd.s32 $0xFFFFC000  }
0x1b1: {  	[spmem:s3] =	stream.indirect.scatter.add.f32 [tilespmem:s8], [sflag:$0x3], $0x1, s23, s31, $0xb8;
	[tilespmem:$0x1D780] =	vst v63  }
0x1b2: {  	_ =	swait.ge [sflag:s29], $0x80  }
0x1b3: {  	[sflag:s29] =	ssyncset.done $0x0  }
0x1b4: {  	s24 =	simm.s32 $0x280;
	[sflag:s29] =	ssyncadd.s32 $0xFFFFFF80  }
0x1b5: {  	[tilespmem:s0], [sflag:$0x2] =	stream.indirect.gather [hbm4b:s5+s31], $0x80, s24, s31, $0xb8;
	[tilespmem:$0x1D780] =	vst v63  }
0x1b6: {  	_ =	swait.ge [sflag:s7], $0x4000  }
0x1b7: {  	[sflag:s7] =	ssyncset.done $0x0  }
0x1b8: {  	s25 =	simm.s32 $0xA00;
	[sflag:s7] =	ssyncadd.s32 $0xFFFFC000  }
0x1b9: {  	[spmem:s2] =	stream.indirect.scatter.add.f32 [tilespmem:s28], [sflag:$0x3], $0x80, s25, s31, $0xb8;
	[tilespmem:$0x1D780] =	vst v63  }
0x1ba: {  	_ =	swait.ge [sflag:s29], $0x4000  }
0x1bb: {  	[sflag:s29] =	ssyncset.done $0x0  }
0x1bc: {  	[sflag:s29] =	ssyncadd.s32 $0xFFFFC000  }
0x1bd: {  	[spmem:s3] =	stream.indirect.scatter.add.f32 [tilespmem:s8], [sflag:$0x3], $0x1, s25, s31, $0xb8;
	[tilespmem:$0x1D780] =	vst v63  }
0x1be: {  	_ =	swait.ge [sflag:s29], $0x80  }
0x1bf: {  	[sflag:s29] =	ssyncset.done $0x0  }
0x1c0: {  	s26 =	simm.s32 $0x300;
	[sflag:s29] =	ssyncadd.s32 $0xFFFFFF80  }
0x1c1: {  	[tilespmem:s28], [sflag:$0x1] =	stream.indirect.gather [hbm4b:s5+s31], $0x80, s26, s31, $0xb8;
	[tilespmem:$0x1D780] =	vst v63  }
0x1c2: {  	_ =	swait.ge [sflag:s10], $0x4000  }
0x1c3: {  	[sflag:s10] =	ssyncset.done $0x0  }
0x1c4: {  	s13 =	simm.s32 $0xA80;
	[sflag:s10] =	ssyncadd.s32 $0xFFFFC000  }
0x1c5: {  	[spmem:s2] =	stream.indirect.scatter.add.f32 [tilespmem:s0], [sflag:$0x3], $0x80, s13, s31, $0xb8;
	[tilespmem:$0x1D780] =	vst v63  }
0x1c6: {  	_ =	swait.ge [sflag:s29], $0x4000  }
0x1c7: {  	[sflag:s29] =	ssyncset.done $0x0  }
0x1c8: {  	[sflag:s29] =	ssyncadd.s32 $0xFFFFC000  }
0x1c9: {  	[spmem:s3] =	stream.indirect.scatter.add.f32 [tilespmem:s8], [sflag:$0x3], $0x1, s13, s31, $0xb8;
	[tilespmem:$0x1D780] =	vst v63  }
0x1ca: {  	_ =	swait.ge [sflag:s29], $0x80  }
0x1cb: {  	[sflag:s29] =	ssyncset.done $0x0  }
0x1cc: {  	s25 =	simm.s32 $0x380;
	[sflag:s29] =	ssyncadd.s32 $0xFFFFFF80  }
0x1cd: {  	[tilespmem:s0], [sflag:$0x2] =	stream.indirect.gather [hbm4b:s5+s31], $0x80, s25, s31, $0xb8;
	[tilespmem:$0x1D780] =	vst v63  }
0x1ce: {  	_ =	swait.ge [sflag:s7], $0x4000  }
0x1cf: {  	[sflag:s7] =	ssyncset.done $0x0  }
0x1d0: {  	s14 =	simm.s32 $0xB00;
	[sflag:s7] =	ssyncadd.s32 $0xFFFFC000  }
0x1d1: {  	[spmem:s2] =	stream.indirect.scatter.add.f32 [tilespmem:s28], [sflag:$0x3], $0x80, s14, s31, $0xb8;
	[tilespmem:$0x1D780] =	vst v63  }
0x1d2: {  	_ =	swait.ge [sflag:s29], $0x4000  }
0x1d3: {  	[sflag:s29] =	ssyncset.done $0x0  }
0x1d4: {  	[sflag:s29] =	ssyncadd.s32 $0xFFFFC000  }
0x1d5: {  	[spmem:s3] =	stream.indirect.scatter.add.f32 [tilespmem:s8], [sflag:$0x3], $0x1, s14, s31, $0xb8;
	[tilespmem:$0x1D780] =	vst v63  }
0x1d6: {  	_ =	swait.ge [sflag:s29], $0x80  }
0x1d7: {  	[sflag:s29] =	ssyncset.done $0x0  }
0x1d8: {  	[sflag:s29] =	ssyncadd.s32 $0xFFFFFF80  }
0x1d9: {  	[tilespmem:s28], [sflag:$0x1] =	stream.indirect.gather [hbm4b:s5+s31], $0x80, s1, s31, $0xb8;
	[tilespmem:$0x1D780] =	vst v63  }
0x1da: {  	_ =	swait.ge [sflag:s10], $0x4000  }
0x1db: {  	[sflag:s10] =	ssyncset.done $0x0  }
0x1dc: {  	s16 =	simm.s32 $0xB80;
	[sflag:s10] =	ssyncadd.s32 $0xFFFFC000  }
0x1dd: {  	[spmem:s2] =	stream.indirect.scatter.add.f32 [tilespmem:s0], [sflag:$0x3], $0x80, s16, s31, $0xb8;
	[tilespmem:$0x1D780] =	vst v63  }
0x1de: {  	_ =	swait.ge [sflag:s29], $0x4000  }
0x1df: {  	[sflag:s29] =	ssyncset.done $0x0  }
0x1e0: {  	[sflag:s29] =	ssyncadd.s32 $0xFFFFC000  }
0x1e1: {  	[spmem:s3] =	stream.indirect.scatter.add.f32 [tilespmem:s8], [sflag:$0x3], $0x1, s16, s31, $0xb8;
	[tilespmem:$0x1D780] =	vst v63  }
0x1e2: {  	_ =	swait.ge [sflag:s29], $0x80  }
0x1e3: {  	[sflag:s29] =	ssyncset.done $0x0  }
0x1e4: {  	s18 =	simm.s32 $0x480;
	[sflag:s29] =	ssyncadd.s32 $0xFFFFFF80  }
0x1e5: {  	[tilespmem:s0], [sflag:$0x2] =	stream.indirect.gather [hbm4b:s5+s31], $0x80, s18, s31, $0xb8;
	[tilespmem:$0x1D780] =	vst v63  }
0x1e6: {  	_ =	swait.ge [sflag:s7], $0x4000  }
0x1e7: {  	[sflag:s7] =	ssyncset.done $0x0  }
0x1e8: {  	s21 =	simm.s32 $0xC00;
	[sflag:s7] =	ssyncadd.s32 $0xFFFFC000  }
0x1e9: {  	[spmem:s2] =	stream.indirect.scatter.add.f32 [tilespmem:s28], [sflag:$0x3], $0x80, s21, s31, $0xb8;
	[tilespmem:$0x1D780] =	vst v63  }
0x1ea: {  	_ =	swait.ge [sflag:s29], $0x4000  }
0x1eb: {  	[sflag:s29] =	ssyncset.done $0x0  }
0x1ec: {  	[sflag:s29] =	ssyncadd.s32 $0xFFFFC000  }
0x1ed: {  	[spmem:s3] =	stream.indirect.scatter.add.f32 [tilespmem:s8], [sflag:$0x3], $0x1, s21, s31, $0xb8;
	[tilespmem:$0x1D780] =	vst v63  }
0x1ee: {  	_ =	swait.ge [sflag:s29], $0x80  }
0x1ef: {  	[sflag:s29] =	ssyncset.done $0x0  }
0x1f0: {  	s26 =	simm.s32 $0x500;
	[sflag:s29] =	ssyncadd.s32 $0xFFFFFF80  }
0x1f1: {  	[tilespmem:s28], [sflag:$0x1] =	stream.indirect.gather [hbm4b:s5+s31], $0x80, s26, s31, $0xb8;
	[tilespmem:$0x1D780] =	vst v63  }
0x1f2: {  	_ =	swait.ge [sflag:s10], $0x4000  }
0x1f3: {  	[sflag:s10] =	ssyncset.done $0x0  }
0x1f4: {  	s22 =	simm.s32 $0xC80;
	[sflag:s10] =	ssyncadd.s32 $0xFFFFC000  }
0x1f5: {  	[spmem:s2] =	stream.indirect.scatter.add.f32 [tilespmem:s0], [sflag:$0x3], $0x80, s22, s31, $0xb8;
	[tilespmem:$0x1D780] =	vst v63  }
0x1f6: {  	_ =	swait.ge [sflag:s29], $0x4000  }
0x1f7: {  	[sflag:s29] =	ssyncset.done $0x0  }
0x1f8: {  	[sflag:s29] =	ssyncadd.s32 $0xFFFFC000  }
0x1f9: {  	[spmem:s3] =	stream.indirect.scatter.add.f32 [tilespmem:s8], [sflag:$0x3], $0x1, s22, s31, $0xb8;
	[tilespmem:$0x1D780] =	vst v63  }
0x1fa: {  	_ =	swait.ge [sflag:s29], $0x80  }
0x1fb: {  	[sflag:s29] =	ssyncset.done $0x0  }
0x1fc: {  	s24 =	simm.s32 $0x580;
	[sflag:s29] =	ssyncadd.s32 $0xFFFFFF80  }
0x1fd: {  	[tilespmem:s0], [sflag:$0x2] =	stream.indirect.gather [hbm4b:s5+s31], $0x80, s24, s31, $0xb8;
	[tilespmem:$0x1D780] =	vst v63  }
0x1fe: {  	_ =	swait.ge [sflag:s7], $0x4000  }
0x1ff: {  	[sflag:s7] =	ssyncset.done $0x0  }
0x200: {  	s13 =	simm.s32 $0xD00;
	[sflag:s7] =	ssyncadd.s32 $0xFFFFC000  }
0x201: {  	[spmem:s2] =	stream.indirect.scatter.add.f32 [tilespmem:s28], [sflag:$0x3], $0x80, s13, s31, $0xb8;
	[tilespmem:$0x1D780] =	vst v63  }
0x202: {  	_ =	swait.ge [sflag:s29], $0x4000  }
0x203: {  	[sflag:s29] =	ssyncset.done $0x0  }
0x204: {  	[sflag:s29] =	ssyncadd.s32 $0xFFFFC000  }
0x205: {  	[spmem:s3] =	stream.indirect.scatter.add.f32 [tilespmem:s8], [sflag:$0x3], $0x1, s13, s31, $0xb8;
	[tilespmem:$0x1D780] =	vst v63  }
0x206: {  	_ =	swait.ge [sflag:s29], $0x80  }
0x207: {  	[sflag:s29] =	ssyncset.done $0x0  }
0x208: {  	s14 =	simm.s32 $0x600;
	[sflag:s29] =	ssyncadd.s32 $0xFFFFFF80  }
0x209: {  	[tilespmem:s28], [sflag:$0x1] =	stream.indirect.gather [hbm4b:s5+s31], $0x80, s14, s31, $0xb8;
	[tilespmem:$0x1D780] =	vst v63  }
0x20a: {  	_ =	swait.ge [sflag:s10], $0x4000  }
0x20b: {  	[sflag:s10] =	ssyncset.done $0x0  }
0x20c: {  	s16 =	simm.s32 $0xD80;
	[sflag:s10] =	ssyncadd.s32 $0xFFFFC000  }
0x20d: {  	[spmem:s2] =	stream.indirect.scatter.add.f32 [tilespmem:s0], [sflag:$0x3], $0x80, s16, s31, $0xb8;
	[tilespmem:$0x1D780] =	vst v63  }
0x20e: {  	_ =	swait.ge [sflag:s29], $0x4000  }
0x20f: {  	[sflag:s29] =	ssyncset.done $0x0  }
0x210: {  	[sflag:s29] =	ssyncadd.s32 $0xFFFFC000  }
0x211: {  	[spmem:s3] =	stream.indirect.scatter.add.f32 [tilespmem:s8], [sflag:$0x3], $0x1, s16, s31, $0xb8;
	[tilespmem:$0x1D780] =	vst v63  }
0x212: {  	_ =	swait.ge [sflag:s29], $0x80  }
0x213: {  	[sflag:s29] =	ssyncset.done $0x0  }
0x214: {  	s21 =	simm.s32 $0x680;
	[sflag:s29] =	ssyncadd.s32 $0xFFFFFF80  }
0x215: {  	[tilespmem:s0], [sflag:$0x2] =	stream.indirect.gather [hbm4b:s5+s31], $0x80, s21, s31, $0xb8;
	[tilespmem:$0x1D780] =	vst v63  }
0x216: {  	_ =	swait.ge [sflag:s7], $0x4000  }
0x217: {  	[sflag:s7] =	ssyncset.done $0x0  }
0x218: {  	s22 =	simm.s32 $0xE00;
	[sflag:s7] =	ssyncadd.s32 $0xFFFFC000  }
0x219: {  	[spmem:s2] =	stream.indirect.scatter.add.f32 [tilespmem:s28], [sflag:$0x3], $0x80, s22, s31, $0xb8;
	[tilespmem:$0x1D780] =	vst v63  }
0x21a: {  	_ =	swait.ge [sflag:s29], $0x4000  }
0x21b: {  	[sflag:s29] =	ssyncset.done $0x0  }
0x21c: {  	[sflag:s29] =	ssyncadd.s32 $0xFFFFC000  }
0x21d: {  	[spmem:s3] =	stream.indirect.scatter.add.f32 [tilespmem:s8], [sflag:$0x3], $0x1, s22, s31, $0xb8;
	[tilespmem:$0x1D780] =	vst v63  }
0x21e: {  	_ =	swait.ge [sflag:s29], $0x80  }
0x21f: {  	[sflag:s29] =	ssyncset.done $0x0  }
0x220: {  	s24 =	simm.s32 $0x700;
	[sflag:s29] =	ssyncadd.s32 $0xFFFFFF80  }
0x221: {  	[tilespmem:s28], [sflag:$0x1] =	stream.indirect.gather [hbm4b:s5+s31], $0x80, s24, s31, $0xb8;
	[tilespmem:$0x1D780] =	vst v63  }
0x222: {  	_ =	swait.ge [sflag:s10], $0x4000  }
0x223: {  	[sflag:s10] =	ssyncset.done $0x0  }
0x224: {  	s14 =	simm.s32 $0xE80;
	[sflag:s10] =	ssyncadd.s32 $0xFFFFC000  }
0x225: {  	[spmem:s2] =	stream.indirect.scatter.add.f32 [tilespmem:s0], [sflag:$0x3], $0x80, s14, s31, $0xb8;
	[tilespmem:$0x1D780] =	vst v63  }
0x226: {  	_ =	swait.ge [sflag:s29], $0x4000  }
0x227: {  	[sflag:s29] =	ssyncset.done $0x0  }
0x228: {  	[sflag:s29] =	ssyncadd.s32 $0xFFFFC000  }
0x229: {  	[spmem:s3] =	stream.indirect.scatter.add.f32 [tilespmem:s8], [sflag:$0x3], $0x1, s14, s31, $0xb8;
	[tilespmem:$0x1D780] =	vst v63  }
0x22a: {  	_ =	swait.ge [sflag:s29], $0x80  }
0x22b: {  	[sflag:s29] =	ssyncset.done $0x0  }
0x22c: {  	s21 =	simm.s32 $0x780;
	[sflag:s29] =	ssyncadd.s32 $0xFFFFFF80  }
0x22d: {  	[tilespmem:s0], [sflag:$0x2] =	stream.indirect.gather [hbm4b:s5+s31], $0x80, s21, s31, $0xb8;
	[tilespmem:$0x1D780] =	vst v63  }
0x22e: {  	_ =	swait.ge [sflag:s7], $0x4000  }
0x22f: {  	[sflag:s7] =	ssyncset.done $0x0  }
0x230: {  	s14 =	simm.s32 $0xF00;
	[sflag:s7] =	ssyncadd.s32 $0xFFFFC000  }
0x231: {  	[spmem:s2] =	stream.indirect.scatter.add.f32 [tilespmem:s28], [sflag:$0x3], $0x80, s14, s31, $0xb8;
	[tilespmem:$0x1D780] =	vst v63  }
0x232: {  	_ =	swait.ge [sflag:s29], $0x4000  }
0x233: {  	[sflag:s29] =	ssyncset.done $0x0  }
0x234: {  	[sflag:s29] =	ssyncadd.s32 $0xFFFFC000  }
0x235: {  	[spmem:s3] =	stream.indirect.scatter.add.f32 [tilespmem:s8], [sflag:$0x3], $0x1, s14, s31, $0xb8;
	[tilespmem:$0x1D780] =	vst v63  }
0x236: {  	_ =	swait.ge [sflag:s29], $0x80  }
0x237: {  	[sflag:s29] =	ssyncset.done $0x0  }
0x238: {  	[sflag:s29] =	ssyncadd.s32 $0xFFFFFF80  }
0x239: {  	_ =	swait.ge [sflag:s10], $0x4000  }
0x23a: {  	[sflag:s10] =	ssyncset.done $0x0  }
0x23b: {  	s14 =	simm.s32 $0xF80;
	[sflag:s10] =	ssyncadd.s32 $0xFFFFC000  }
0x23c: {  	[spmem:s2] =	stream.indirect.scatter.add.f32 [tilespmem:s0], [sflag:$0x3], $0x80, s14, s31, $0xb8;
	[tilespmem:$0x1D780] =	vst v63  }
0x23d: {  	_ =	swait.ge [sflag:s29], $0x4000  }
0x23e: {  	[sflag:s29] =	ssyncset.done $0x0  }
0x23f: {  	[sflag:s29] =	ssyncadd.s32 $0xFFFFC000  }
0x240: {  	[spmem:s3] =	stream.indirect.scatter.add.f32 [tilespmem:s8], [sflag:$0x3], $0x1, s14, s31, $0xb8;
	[tilespmem:$0x1D780] =	vst v63  }
0x241: {  	_ =	swait.ge [sflag:s29], $0x80  }
0x242: {  	[sflag:s29] =	ssyncset.done $0x0  }
0x243: {  	s21 =	rddreg [dreg:$0xc];
	[sflag:s29] =	ssyncadd.s32 $0xFFFFFF80  }
0x244: {  	[tilespmem:s4], [sflag:$0x3] =	stream.linear.gather [hbm4b:s21+s4], $0x800, $0x38;
	[tilespmem:$0x1D780] =	vst v63  }
0x245: {  	_ =	swait.ge [sflag:s29], $0x800  }
0x246: {  	[sflag:s29] =	ssyncset.done $0x0  }
0x247: {  	s21 =	rddreg [dreg:$0xd];
	[sflag:s29] =	ssyncadd.s32 $0xFFFFF800  }
0x248: {  	[tilespmem:s6], [sflag:$0x3] =	stream.linear.gather [hbm4b:s21+s4], $0x800, $0x38;
	[tilespmem:$0x1D780] =	vst v63  }
0x249: {  	_ =	swait.ge [sflag:s29], $0x800  }
0x24a: {  	[sflag:s29] =	ssyncset.done $0x0  }
0x24b: {  	[sflag:s29] =	ssyncadd.s32 $0xFFFFF800  }
0x24c: {  	[tilespmem:s28], [sflag:$0x1] =	stream.indirect.gather [hbm4b:s5+s31], $0x80, s4, s31, $0xb8;
	[tilespmem:$0x1D780] =	vst v63  }
0x24d: {  	_ = 	snop  }
0x24e: {  	[tilespmem:s0], [sflag:$0x2] =	stream.indirect.gather [hbm4b:s5+s31], $0x80, s31, s31, $0xb8;
	[tilespmem:$0x1D780] =	vst v63  }
0x24f: {  	_ =	swait.ge [sflag:s7], $0x4000  }
0x250: {  	[sflag:s7] =	ssyncset.done $0x0  }
0x251: {  	[sflag:s7] =	ssyncadd.s32 $0xFFFFC000  }
0x252: {  	[spmem:s2] =	stream.indirect.scatter.add.f32 [tilespmem:s28], [sflag:$0x3], $0x80, s6, s31, $0xb8;
	[tilespmem:$0x1D780] =	vst v63  }
0x253: {  	_ =	swait.ge [sflag:s29], $0x4000  }
0x254: {  	[sflag:s29] =	ssyncset.done $0x0  }
0x255: {  	[sflag:s29] =	ssyncadd.s32 $0xFFFFC000  }
0x256: {  	[spmem:s3] =	stream.indirect.scatter.add.f32 [tilespmem:s8], [sflag:$0x3], $0x1, s6, s31, $0xb8;
	[tilespmem:$0x1D780] =	vst v63  }
0x257: {  	_ =	swait.ge [sflag:s29], $0x80  }
0x258: {  	[sflag:s29] =	ssyncset.done $0x0  }
0x259: {  	s21 =	simm.s32 $0x100;
	[sflag:s29] =	ssyncadd.s32 $0xFFFFFF80  }
0x25a: {  	[tilespmem:s28], [sflag:$0x1] =	stream.indirect.gather [hbm4b:s5+s31], $0x80, s21, s31, $0xb8;
	[tilespmem:$0x1D780] =	vst v63  }
0x25b: {  	_ =	swait.ge [sflag:s10], $0x4000  }
0x25c: {  	[sflag:s10] =	ssyncset.done $0x0  }
0x25d: {  	s9 =	simm.s32 $0x880;
	[sflag:s10] =	ssyncadd.s32 $0xFFFFC000  }
0x25e: {  	[spmem:s2] =	stream.indirect.scatter.add.f32 [tilespmem:s0], [sflag:$0x3], $0x80, s9, s31, $0xb8;
	[tilespmem:$0x1D780] =	vst v63  }
0x25f: {  	_ =	swait.ge [sflag:s29], $0x4000  }
0x260: {  	[sflag:s29] =	ssyncset.done $0x0  }
0x261: {  	[sflag:s29] =	ssyncadd.s32 $0xFFFFC000  }
0x262: {  	[spmem:s3] =	stream.indirect.scatter.add.f32 [tilespmem:s8], [sflag:$0x3], $0x1, s9, s31, $0xb8;
	[tilespmem:$0x1D780] =	vst v63  }
0x263: {  	_ =	swait.ge [sflag:s29], $0x80  }
0x264: {  	[sflag:s29] =	ssyncset.done $0x0  }
0x265: {  	s21 =	simm.s32 $0x180;
	[sflag:s29] =	ssyncadd.s32 $0xFFFFFF80  }
0x266: {  	[tilespmem:s0], [sflag:$0x2] =	stream.indirect.gather [hbm4b:s5+s31], $0x80, s21, s31, $0xb8;
	[tilespmem:$0x1D780] =	vst v63  }
0x267: {  	_ =	swait.ge [sflag:s7], $0x4000  }
0x268: {  	[sflag:s7] =	ssyncset.done $0x0  }
0x269: {  	s12 =	simm.s32 $0x900;
	[sflag:s7] =	ssyncadd.s32 $0xFFFFC000  }
0x26a: {  	[spmem:s2] =	stream.indirect.scatter.add.f32 [tilespmem:s28], [sflag:$0x3], $0x80, s12, s31, $0xb8;
	[tilespmem:$0x1D780] =	vst v63  }
0x26b: {  	_ =	swait.ge [sflag:s29], $0x4000  }
0x26c: {  	[sflag:s29] =	ssyncset.done $0x0  }
0x26d: {  	[sflag:s29] =	ssyncadd.s32 $0xFFFFC000  }
0x26e: {  	[spmem:s3] =	stream.indirect.scatter.add.f32 [tilespmem:s8], [sflag:$0x3], $0x1, s12, s31, $0xb8;
	[tilespmem:$0x1D780] =	vst v63  }
0x26f: {  	_ =	swait.ge [sflag:s29], $0x80  }
0x270: {  	[sflag:s29] =	ssyncset.done $0x0  }
0x271: {  	[sflag:s29] =	ssyncadd.s32 $0xFFFFFF80  }
0x272: {  	[tilespmem:s28], [sflag:$0x1] =	stream.indirect.gather [hbm4b:s5+s31], $0x80, s30, s31, $0xb8;
	[tilespmem:$0x1D780] =	vst v63  }
0x273: {  	_ =	swait.ge [sflag:s10], $0x4000  }
0x274: {  	[sflag:s10] =	ssyncset.done $0x0  }
0x275: {  	s15 =	simm.s32 $0x980;
	[sflag:s10] =	ssyncadd.s32 $0xFFFFC000  }
0x276: {  	[spmem:s2] =	stream.indirect.scatter.add.f32 [tilespmem:s0], [sflag:$0x3], $0x80, s15, s31, $0xb8;
	[tilespmem:$0x1D780] =	vst v63  }
0x277: {  	_ =	swait.ge [sflag:s29], $0x4000  }
0x278: {  	[sflag:s29] =	ssyncset.done $0x0  }
0x279: {  	[sflag:s29] =	ssyncadd.s32 $0xFFFFC000  }
0x27a: {  	[spmem:s3] =	stream.indirect.scatter.add.f32 [tilespmem:s8], [sflag:$0x3], $0x1, s15, s31, $0xb8;
	[tilespmem:$0x1D780] =	vst v63  }
0x27b: {  	_ =	swait.ge [sflag:s29], $0x80  }
0x27c: {  	[sflag:s29] =	ssyncset.done $0x0  }
0x27d: {  	s15 =	simm.s32 $0x280;
	[sflag:s29] =	ssyncadd.s32 $0xFFFFFF80  }
0x27e: {  	[tilespmem:s0], [sflag:$0x2] =	stream.indirect.gather [hbm4b:s5+s31], $0x80, s15, s31, $0xb8;
	[tilespmem:$0x1D780] =	vst v63  }
0x27f: {  	_ =	swait.ge [sflag:s7], $0x4000  }
0x280: {  	[sflag:s7] =	ssyncset.done $0x0  }
0x281: {  	s17 =	simm.s32 $0xA00;
	[sflag:s7] =	ssyncadd.s32 $0xFFFFC000  }
0x282: {  	[spmem:s2] =	stream.indirect.scatter.add.f32 [tilespmem:s28], [sflag:$0x3], $0x80, s17, s31, $0xb8;
	[tilespmem:$0x1D780] =	vst v63  }
0x283: {  	_ =	swait.ge [sflag:s29], $0x4000  }
0x284: {  	[sflag:s29] =	ssyncset.done $0x0  }
0x285: {  	[sflag:s29] =	ssyncadd.s32 $0xFFFFC000  }
0x286: {  	[spmem:s3] =	stream.indirect.scatter.add.f32 [tilespmem:s8], [sflag:$0x3], $0x1, s17, s31, $0xb8;
	[tilespmem:$0x1D780] =	vst v63  }
0x287: {  	_ =	swait.ge [sflag:s29], $0x80  }
0x288: {  	[sflag:s29] =	ssyncset.done $0x0  }
0x289: {  	s17 =	simm.s32 $0x300;
	[sflag:s29] =	ssyncadd.s32 $0xFFFFFF80  }
0x28a: {  	[tilespmem:s28], [sflag:$0x1] =	stream.indirect.gather [hbm4b:s5+s31], $0x80, s17, s31, $0xb8;
	[tilespmem:$0x1D780] =	vst v63  }
0x28b: {  	_ =	swait.ge [sflag:s10], $0x4000  }
0x28c: {  	[sflag:s10] =	ssyncset.done $0x0  }
0x28d: {  	s19 =	simm.s32 $0xA80;
	[sflag:s10] =	ssyncadd.s32 $0xFFFFC000  }
0x28e: {  	[spmem:s2] =	stream.indirect.scatter.add.f32 [tilespmem:s0], [sflag:$0x3], $0x80, s19, s31, $0xb8;
	[tilespmem:$0x1D780] =	vst v63  }
0x28f: {  	_ =	swait.ge [sflag:s29], $0x4000  }
0x290: {  	[sflag:s29] =	ssyncset.done $0x0  }
0x291: {  	[sflag:s29] =	ssyncadd.s32 $0xFFFFC000  }
0x292: {  	[spmem:s3] =	stream.indirect.scatter.add.f32 [tilespmem:s8], [sflag:$0x3], $0x1, s19, s31, $0xb8;
	[tilespmem:$0x1D780] =	vst v63  }
0x293: {  	_ =	swait.ge [sflag:s29], $0x80  }
0x294: {  	[sflag:s29] =	ssyncset.done $0x0  }
0x295: {  	[sflag:s29] =	ssyncadd.s32 $0xFFFFFF80  }
0x296: {  	[tilespmem:s0], [sflag:$0x2] =	stream.indirect.gather [hbm4b:s5+s31], $0x80, s25, s31, $0xb8;
	[tilespmem:$0x1D780] =	vst v63  }
0x297: {  	_ =	swait.ge [sflag:s7], $0x4000  }
0x298: {  	[sflag:s7] =	ssyncset.done $0x0  }
0x299: {  	s20 =	simm.s32 $0xB00;
	[sflag:s7] =	ssyncadd.s32 $0xFFFFC000  }
0x29a: {  	[spmem:s2] =	stream.indirect.scatter.add.f32 [tilespmem:s28], [sflag:$0x3], $0x80, s20, s31, $0xb8;
	[tilespmem:$0x1D780] =	vst v63  }
0x29b: {  	_ =	swait.ge [sflag:s29], $0x4000  }
0x29c: {  	[sflag:s29] =	ssyncset.done $0x0  }
0x29d: {  	[sflag:s29] =	ssyncadd.s32 $0xFFFFC000  }
0x29e: {  	[spmem:s3] =	stream.indirect.scatter.add.f32 [tilespmem:s8], [sflag:$0x3], $0x1, s20, s31, $0xb8;
	[tilespmem:$0x1D780] =	vst v63  }
0x29f: {  	_ =	swait.ge [sflag:s29], $0x80  }
0x2a0: {  	[sflag:s29] =	ssyncset.done $0x0  }
0x2a1: {  	s12 =	simm.s32 $0x400;
	[sflag:s29] =	ssyncadd.s32 $0xFFFFFF80  }
0x2a2: {  	[tilespmem:s28], [sflag:$0x1] =	stream.indirect.gather [hbm4b:s5+s31], $0x80, s12, s31, $0xb8;
	[tilespmem:$0x1D780] =	vst v63  }
0x2a3: {  	_ =	swait.ge [sflag:s10], $0x4000  }
0x2a4: {  	[sflag:s10] =	ssyncset.done $0x0  }
0x2a5: {  	s23 =	simm.s32 $0xB80;
	[sflag:s10] =	ssyncadd.s32 $0xFFFFC000  }
0x2a6: {  	[spmem:s2] =	stream.indirect.scatter.add.f32 [tilespmem:s0], [sflag:$0x3], $0x80, s23, s31, $0xb8;
	[tilespmem:$0x1D780] =	vst v63  }
0x2a7: {  	_ =	swait.ge [sflag:s29], $0x4000  }
0x2a8: {  	[sflag:s29] =	ssyncset.done $0x0  }
0x2a9: {  	[sflag:s29] =	ssyncadd.s32 $0xFFFFC000  }
0x2aa: {  	[spmem:s3] =	stream.indirect.scatter.add.f32 [tilespmem:s8], [sflag:$0x3], $0x1, s23, s31, $0xb8;
	[tilespmem:$0x1D780] =	vst v63  }
0x2ab: {  	_ =	swait.ge [sflag:s29], $0x80  }
0x2ac: {  	[sflag:s29] =	ssyncset.done $0x0  }
0x2ad: {  	s20 =	simm.s32 $0x480;
	[sflag:s29] =	ssyncadd.s32 $0xFFFFFF80  }
0x2ae: {  	[tilespmem:s0], [sflag:$0x2] =	stream.indirect.gather [hbm4b:s5+s31], $0x80, s20, s31, $0xb8;
	[tilespmem:$0x1D780] =	vst v63  }
0x2af: {  	_ =	swait.ge [sflag:s7], $0x4000  }
0x2b0: {  	[sflag:s7] =	ssyncset.done $0x0  }
0x2b1: {  	s18 =	simm.s32 $0xC00;
	[sflag:s7] =	ssyncadd.s32 $0xFFFFC000  }
0x2b2: {  	[spmem:s2] =	stream.indirect.scatter.add.f32 [tilespmem:s28], [sflag:$0x3], $0x80, s18, s31, $0xb8;
	[tilespmem:$0x1D780] =	vst v63  }
0x2b3: {  	_ =	swait.ge [sflag:s29], $0x4000  }
0x2b4: {  	[sflag:s29] =	ssyncset.done $0x0  }
0x2b5: {  	[sflag:s29] =	ssyncadd.s32 $0xFFFFC000  }
0x2b6: {  	[spmem:s3] =	stream.indirect.scatter.add.f32 [tilespmem:s8], [sflag:$0x3], $0x1, s18, s31, $0xb8;
	[tilespmem:$0x1D780] =	vst v63  }
0x2b7: {  	_ =	swait.ge [sflag:s29], $0x80  }
0x2b8: {  	[sflag:s29] =	ssyncset.done $0x0  }
0x2b9: {  	[sflag:s29] =	ssyncadd.s32 $0xFFFFFF80  }
0x2ba: {  	[tilespmem:s28], [sflag:$0x1] =	stream.indirect.gather [hbm4b:s5+s31], $0x80, s26, s31, $0xb8;
	[tilespmem:$0x1D780] =	vst v63  }
0x2bb: {  	_ =	swait.ge [sflag:s10], $0x4000  }
0x2bc: {  	[sflag:s10] =	ssyncset.done $0x0  }
0x2bd: {  	s1 =	simm.s32 $0xC80;
	[sflag:s10] =	ssyncadd.s32 $0xFFFFC000  }
0x2be: {  	[spmem:s2] =	stream.indirect.scatter.add.f32 [tilespmem:s0], [sflag:$0x3], $0x80, s1, s31, $0xb8;
	[tilespmem:$0x1D780] =	vst v63  }
0x2bf: {  	_ =	swait.ge [sflag:s29], $0x4000  }
0x2c0: {  	[sflag:s29] =	ssyncset.done $0x0  }
0x2c1: {  	[sflag:s29] =	ssyncadd.s32 $0xFFFFC000  }
0x2c2: {  	[spmem:s3] =	stream.indirect.scatter.add.f32 [tilespmem:s8], [sflag:$0x3], $0x1, s1, s31, $0xb8;
	[tilespmem:$0x1D780] =	vst v63  }
0x2c3: {  	_ =	swait.ge [sflag:s29], $0x80  }
0x2c4: {  	[sflag:s29] =	ssyncset.done $0x0  }
0x2c5: {  	s21 =	simm.s32 $0x580;
	[sflag:s29] =	ssyncadd.s32 $0xFFFFFF80  }
0x2c6: {  	[tilespmem:s0], [sflag:$0x2] =	stream.indirect.gather [hbm4b:s5+s31], $0x80, s21, s31, $0xb8;
	[tilespmem:$0x1D780] =	vst v63  }
0x2c7: {  	_ =	swait.ge [sflag:s7], $0x4000  }
0x2c8: {  	[sflag:s7] =	ssyncset.done $0x0  }
0x2c9: {  	s13 =	simm.s32 $0xD00;
	[sflag:s7] =	ssyncadd.s32 $0xFFFFC000  }
0x2ca: {  	[spmem:s2] =	stream.indirect.scatter.add.f32 [tilespmem:s28], [sflag:$0x3], $0x80, s13, s31, $0xb8;
	[tilespmem:$0x1D780] =	vst v63  }
0x2cb: {  	_ =	swait.ge [sflag:s29], $0x4000  }
0x2cc: {  	[sflag:s29] =	ssyncset.done $0x0  }
0x2cd: {  	[sflag:s29] =	ssyncadd.s32 $0xFFFFC000  }
0x2ce: {  	[spmem:s3] =	stream.indirect.scatter.add.f32 [tilespmem:s8], [sflag:$0x3], $0x1, s13, s31, $0xb8;
	[tilespmem:$0x1D780] =	vst v63  }
0x2cf: {  	_ =	swait.ge [sflag:s29], $0x80  }
0x2d0: {  	[sflag:s29] =	ssyncset.done $0x0  }
0x2d1: {  	s23 =	simm.s32 $0x600;
	[sflag:s29] =	ssyncadd.s32 $0xFFFFFF80  }
0x2d2: {  	[tilespmem:s28], [sflag:$0x1] =	stream.indirect.gather [hbm4b:s5+s31], $0x80, s23, s31, $0xb8;
	[tilespmem:$0x1D780] =	vst v63  }
0x2d3: {  	_ =	swait.ge [sflag:s10], $0x4000  }
0x2d4: {  	[sflag:s10] =	ssyncset.done $0x0  }
0x2d5: {  	s16 =	simm.s32 $0xD80;
	[sflag:s10] =	ssyncadd.s32 $0xFFFFC000  }
0x2d6: {  	[spmem:s2] =	stream.indirect.scatter.add.f32 [tilespmem:s0], [sflag:$0x3], $0x80, s16, s31, $0xb8;
	[tilespmem:$0x1D780] =	vst v63  }
0x2d7: {  	_ =	swait.ge [sflag:s29], $0x4000  }
0x2d8: {  	[sflag:s29] =	ssyncset.done $0x0  }
0x2d9: {  	[sflag:s29] =	ssyncadd.s32 $0xFFFFC000  }
0x2da: {  	[spmem:s3] =	stream.indirect.scatter.add.f32 [tilespmem:s8], [sflag:$0x3], $0x1, s16, s31, $0xb8;
	[tilespmem:$0x1D780] =	vst v63  }
0x2db: {  	_ =	swait.ge [sflag:s29], $0x80  }
0x2dc: {  	[sflag:s29] =	ssyncset.done $0x0  }
0x2dd: {  	s25 =	simm.s32 $0x680;
	[sflag:s29] =	ssyncadd.s32 $0xFFFFFF80  }
0x2de: {  	[tilespmem:s0], [sflag:$0x2] =	stream.indirect.gather [hbm4b:s5+s31], $0x80, s25, s31, $0xb8;
	[tilespmem:$0x1D780] =	vst v63  }
0x2df: {  	_ =	swait.ge [sflag:s7], $0x4000  }
0x2e0: {  	[sflag:s7] =	ssyncset.done $0x0  }
0x2e1: {  	s22 =	simm.s32 $0xE00;
	[sflag:s7] =	ssyncadd.s32 $0xFFFFC000  }
0x2e2: {  	[spmem:s2] =	stream.indirect.scatter.add.f32 [tilespmem:s28], [sflag:$0x3], $0x80, s22, s31, $0xb8;
	[tilespmem:$0x1D780] =	vst v63  }
0x2e3: {  	_ =	swait.ge [sflag:s29], $0x4000  }
0x2e4: {  	[sflag:s29] =	ssyncset.done $0x0  }
0x2e5: {  	[sflag:s29] =	ssyncadd.s32 $0xFFFFC000  }
0x2e6: {  	[spmem:s3] =	stream.indirect.scatter.add.f32 [tilespmem:s8], [sflag:$0x3], $0x1, s22, s31, $0xb8;
	[tilespmem:$0x1D780] =	vst v63  }
0x2e7: {  	_ =	swait.ge [sflag:s29], $0x80  }
0x2e8: {  	[sflag:s29] =	ssyncset.done $0x0  }
0x2e9: {  	s26 =	simm.s32 $0x700;
	[sflag:s29] =	ssyncadd.s32 $0xFFFFFF80  }
0x2ea: {  	[tilespmem:s28], [sflag:$0x1] =	stream.indirect.gather [hbm4b:s5+s31], $0x80, s26, s31, $0xb8;
	[tilespmem:$0x1D780] =	vst v63  }
0x2eb: {  	_ =	swait.ge [sflag:s10], $0x4000  }
0x2ec: {  	[sflag:s10] =	ssyncset.done $0x0  }
0x2ed: {  	s24 =	simm.s32 $0xE80;
	[sflag:s10] =	ssyncadd.s32 $0xFFFFC000  }
0x2ee: {  	[spmem:s2] =	stream.indirect.scatter.add.f32 [tilespmem:s0], [sflag:$0x3], $0x80, s24, s31, $0xb8;
	[tilespmem:$0x1D780] =	vst v63  }
0x2ef: {  	_ =	swait.ge [sflag:s29], $0x4000  }
0x2f0: {  	[sflag:s29] =	ssyncset.done $0x0  }
0x2f1: {  	[sflag:s29] =	ssyncadd.s32 $0xFFFFC000  }
0x2f2: {  	[spmem:s3] =	stream.indirect.scatter.add.f32 [tilespmem:s8], [sflag:$0x3], $0x1, s24, s31, $0xb8;
	[tilespmem:$0x1D780] =	vst v63  }
0x2f3: {  	_ =	swait.ge [sflag:s29], $0x80  }
0x2f4: {  	[sflag:s29] =	ssyncset.done $0x0  }
0x2f5: {  	s30 =	simm.s32 $0x780;
	[sflag:s29] =	ssyncadd.s32 $0xFFFFFF80  }
0x2f6: {  	[tilespmem:s0], [sflag:$0x2] =	stream.indirect.gather [hbm4b:s5+s31], $0x80, s30, s31, $0xb8;
	[tilespmem:$0x1D780] =	vst v63  }
0x2f7: {  	_ =	swait.ge [sflag:s7], $0x4000  }
0x2f8: {  	[sflag:s7] =	ssyncset.done $0x0  }
0x2f9: {  	s11 =	simm.s32 $0xF00;
	[sflag:s7] =	ssyncadd.s32 $0xFFFFC000  }
0x2fa: {  	[spmem:s2] =	stream.indirect.scatter.add.f32 [tilespmem:s28], [sflag:$0x3], $0x80, s11, s31, $0xb8;
	[tilespmem:$0x1D780] =	vst v63  }
0x2fb: {  	_ =	swait.ge [sflag:s29], $0x4000  }
0x2fc: {  	[sflag:s29] =	ssyncset.done $0x0  }
0x2fd: {  	[sflag:s29] =	ssyncadd.s32 $0xFFFFC000  }
0x2fe: {  	[spmem:s3] =	stream.indirect.scatter.add.f32 [tilespmem:s8], [sflag:$0x3], $0x1, s11, s31, $0xb8;
	[tilespmem:$0x1D780] =	vst v63  }
0x2ff: {  	_ =	swait.ge [sflag:s29], $0x80  }
0x300: {  	[sflag:s29] =	ssyncset.done $0x0  }
0x301: {  	[sflag:s29] =	ssyncadd.s32 $0xFFFFFF80  }
0x302: {  	_ =	swait.ge [sflag:s10], $0x4000  }
0x303: {  	[sflag:s10] =	ssyncset.done $0x0  }
0x304: {  	s14 =	simm.s32 $0xF80;
	[sflag:s10] =	ssyncadd.s32 $0xFFFFC000  }
0x305: {  	[spmem:s2] =	stream.indirect.scatter.add.f32 [tilespmem:s0], [sflag:$0x3], $0x80, s14, s31, $0xb8;
	[tilespmem:$0x1D780] =	vst v63  }
0x306: {  	_ =	swait.ge [sflag:s29], $0x4000  }
0x307: {  	[sflag:s29] =	ssyncset.done $0x0  }
0x308: {  	[sflag:s29] =	ssyncadd.s32 $0xFFFFC000  }
0x309: {  	[spmem:s3] =	stream.indirect.scatter.add.f32 [tilespmem:s8], [sflag:$0x3], $0x1, s14, s31, $0xb8;
	[tilespmem:$0x1D780] =	vst v63  }
0x30a: {  	_ =	swait.ge [sflag:s29], $0x80  }
0x30b: {  	[sflag:s29] =	ssyncset.done $0x0  }
0x30c: {  	s13 =	rddreg [dreg:$0xe];
	[sflag:s29] =	ssyncadd.s32 $0xFFFFFF80  }
0x30d: {  	[tilespmem:s4], [sflag:$0x3] =	stream.linear.gather [hbm4b:s13+s4], $0x800, $0x38;
	[tilespmem:$0x1D780] =	vst v63  }
0x30e: {  	_ =	swait.ge [sflag:s29], $0x800  }
0x30f: {  	[sflag:s29] =	ssyncset.done $0x0  }
0x310: {  	s14 =	rddreg [dreg:$0xf];
	[sflag:s29] =	ssyncadd.s32 $0xFFFFF800  }
0x311: {  	[tilespmem:s6], [sflag:$0x3] =	stream.linear.gather [hbm4b:s14+s4], $0x800, $0x38;
	[tilespmem:$0x1D780] =	vst v63  }
0x312: {  	_ =	swait.ge [sflag:s29], $0x800  }
0x313: {  	[sflag:s29] =	ssyncset.done $0x0  }
0x314: {  	[sflag:s29] =	ssyncadd.s32 $0xFFFFF800  }
0x315: {  	[tilespmem:s28], [sflag:$0x1] =	stream.indirect.gather [hbm4b:s5+s31], $0x80, s4, s31, $0xb8;
	[tilespmem:$0x1D780] =	vst v63  }
0x316: {  	_ = 	snop  }
0x317: {  	[tilespmem:s0], [sflag:$0x2] =	stream.indirect.gather [hbm4b:s5+s31], $0x80, s31, s31, $0xb8;
	[tilespmem:$0x1D780] =	vst v63  }
0x318: {  	_ =	swait.ge [sflag:s7], $0x4000  }
0x319: {  	[sflag:s7] =	ssyncset.done $0x0  }
0x31a: {  	[sflag:s7] =	ssyncadd.s32 $0xFFFFC000  }
0x31b: {  	[spmem:s2] =	stream.indirect.scatter.add.f32 [tilespmem:s28], [sflag:$0x3], $0x80, s6, s31, $0xb8;
	[tilespmem:$0x1D780] =	vst v63  }
0x31c: {  	_ =	swait.ge [sflag:s29], $0x4000  }
0x31d: {  	[sflag:s29] =	ssyncset.done $0x0  }
0x31e: {  	[sflag:s29] =	ssyncadd.s32 $0xFFFFC000  }
0x31f: {  	[spmem:s3] =	stream.indirect.scatter.add.f32 [tilespmem:s8], [sflag:$0x3], $0x1, s6, s31, $0xb8;
	[tilespmem:$0x1D780] =	vst v63  }
0x320: {  	_ =	swait.ge [sflag:s29], $0x80  }
0x321: {  	[sflag:s29] =	ssyncset.done $0x0  }
0x322: {  	s16 =	simm.s32 $0x100;
	[sflag:s29] =	ssyncadd.s32 $0xFFFFFF80  }
0x323: {  	[tilespmem:s28], [sflag:$0x1] =	stream.indirect.gather [hbm4b:s5+s31], $0x80, s16, s31, $0xb8;
	[tilespmem:$0x1D780] =	vst v63  }
0x324: {  	_ =	swait.ge [sflag:s10], $0x4000  }
0x325: {  	[sflag:s10] =	ssyncset.done $0x0  }
0x326: {  	s17 =	simm.s32 $0x880;
	[sflag:s10] =	ssyncadd.s32 $0xFFFFC000  }
0x327: {  	[spmem:s2] =	stream.indirect.scatter.add.f32 [tilespmem:s0], [sflag:$0x3], $0x80, s17, s31, $0xb8;
	[tilespmem:$0x1D780] =	vst v63  }
0x328: {  	_ =	swait.ge [sflag:s29], $0x4000  }
0x329: {  	[sflag:s29] =	ssyncset.done $0x0  }
0x32a: {  	[sflag:s29] =	ssyncadd.s32 $0xFFFFC000  }
0x32b: {  	[spmem:s3] =	stream.indirect.scatter.add.f32 [tilespmem:s8], [sflag:$0x3], $0x1, s17, s31, $0xb8;
	[tilespmem:$0x1D780] =	vst v63  }
0x32c: {  	_ =	swait.ge [sflag:s29], $0x80  }
0x32d: {  	[sflag:s29] =	ssyncset.done $0x0  }
0x32e: {  	s9 =	simm.s32 $0x180;
	[sflag:s29] =	ssyncadd.s32 $0xFFFFFF80  }
0x32f: {  	[tilespmem:s0], [sflag:$0x2] =	stream.indirect.gather [hbm4b:s5+s31], $0x80, s9, s31, $0xb8;
	[tilespmem:$0x1D780] =	vst v63  }
0x330: {  	_ =	swait.ge [sflag:s7], $0x4000  }
0x331: {  	[sflag:s7] =	ssyncset.done $0x0  }
0x332: {  	s18 =	simm.s32 $0x900;
	[sflag:s7] =	ssyncadd.s32 $0xFFFFC000  }
0x333: {  	[spmem:s2] =	stream.indirect.scatter.add.f32 [tilespmem:s28], [sflag:$0x3], $0x80, s18, s31, $0xb8;
	[tilespmem:$0x1D780] =	vst v63  }
0x334: {  	_ =	swait.ge [sflag:s29], $0x4000  }
0x335: {  	[sflag:s29] =	ssyncset.done $0x0  }
0x336: {  	[sflag:s29] =	ssyncadd.s32 $0xFFFFC000  }
0x337: {  	[spmem:s3] =	stream.indirect.scatter.add.f32 [tilespmem:s8], [sflag:$0x3], $0x1, s18, s31, $0xb8;
	[tilespmem:$0x1D780] =	vst v63  }
0x338: {  	_ =	swait.ge [sflag:s29], $0x80  }
0x339: {  	[sflag:s29] =	ssyncset.done $0x0  }
0x33a: {  	s19 =	simm.s32 $0x200;
	[sflag:s29] =	ssyncadd.s32 $0xFFFFFF80  }
0x33b: {  	[tilespmem:s28], [sflag:$0x1] =	stream.indirect.gather [hbm4b:s5+s31], $0x80, s19, s31, $0xb8;
	[tilespmem:$0x1D780] =	vst v63  }
0x33c: {  	_ =	swait.ge [sflag:s10], $0x4000  }
0x33d: {  	[sflag:s10] =	ssyncset.done $0x0  }
0x33e: {  	s21 =	simm.s32 $0x980;
	[sflag:s10] =	ssyncadd.s32 $0xFFFFC000  }
0x33f: {  	[spmem:s2] =	stream.indirect.scatter.add.f32 [tilespmem:s0], [sflag:$0x3], $0x80, s21, s31, $0xb8;
	[tilespmem:$0x1D780] =	vst v63  }
0x340: {  	_ =	swait.ge [sflag:s29], $0x4000  }
0x341: {  	[sflag:s29] =	ssyncset.done $0x0  }
0x342: {  	[sflag:s29] =	ssyncadd.s32 $0xFFFFC000  }
0x343: {  	[spmem:s3] =	stream.indirect.scatter.add.f32 [tilespmem:s8], [sflag:$0x3], $0x1, s21, s31, $0xb8;
	[tilespmem:$0x1D780] =	vst v63  }
0x344: {  	_ =	swait.ge [sflag:s29], $0x80  }
0x345: {  	[sflag:s29] =	ssyncset.done $0x0  }
0x346: {  	s22 =	simm.s32 $0x280;
	[sflag:s29] =	ssyncadd.s32 $0xFFFFFF80  }
0x347: {  	[tilespmem:s0], [sflag:$0x2] =	stream.indirect.gather [hbm4b:s5+s31], $0x80, s22, s31, $0xb8;
	[tilespmem:$0x1D780] =	vst v63  }
0x348: {  	_ =	swait.ge [sflag:s7], $0x4000  }
0x349: {  	[sflag:s7] =	ssyncset.done $0x0  }
0x34a: {  	s23 =	simm.s32 $0xA00;
	[sflag:s7] =	ssyncadd.s32 $0xFFFFC000  }
0x34b: {  	[spmem:s2] =	stream.indirect.scatter.add.f32 [tilespmem:s28], [sflag:$0x3], $0x80, s23, s31, $0xb8;
	[tilespmem:$0x1D780] =	vst v63  }
0x34c: {  	_ =	swait.ge [sflag:s29], $0x4000  }
0x34d: {  	[sflag:s29] =	ssyncset.done $0x0  }
0x34e: {  	[sflag:s29] =	ssyncadd.s32 $0xFFFFC000  }
0x34f: {  	[spmem:s3] =	stream.indirect.scatter.add.f32 [tilespmem:s8], [sflag:$0x3], $0x1, s23, s31, $0xb8;
	[tilespmem:$0x1D780] =	vst v63  }
0x350: {  	_ =	swait.ge [sflag:s29], $0x80  }
0x351: {  	[sflag:s29] =	ssyncset.done $0x0  }
0x352: {  	s24 =	simm.s32 $0x300;
	[sflag:s29] =	ssyncadd.s32 $0xFFFFFF80  }
0x353: {  	[tilespmem:s28], [sflag:$0x1] =	stream.indirect.gather [hbm4b:s5+s31], $0x80, s24, s31, $0xb8;
	[tilespmem:$0x1D780] =	vst v63  }
0x354: {  	_ =	swait.ge [sflag:s10], $0x4000  }
0x355: {  	[sflag:s10] =	ssyncset.done $0x0  }
0x356: {  	s25 =	simm.s32 $0xA80;
	[sflag:s10] =	ssyncadd.s32 $0xFFFFC000  }
0x357: {  	[spmem:s2] =	stream.indirect.scatter.add.f32 [tilespmem:s0], [sflag:$0x3], $0x80, s25, s31, $0xb8;
	[tilespmem:$0x1D780] =	vst v63  }
0x358: {  	_ =	swait.ge [sflag:s29], $0x4000  }
0x359: {  	[sflag:s29] =	ssyncset.done $0x0  }
0x35a: {  	[sflag:s29] =	ssyncadd.s32 $0xFFFFC000  }
0x35b: {  	[spmem:s3] =	stream.indirect.scatter.add.f32 [tilespmem:s8], [sflag:$0x3], $0x1, s25, s31, $0xb8;
	[tilespmem:$0x1D780] =	vst v63  }
0x35c: {  	_ =	swait.ge [sflag:s29], $0x80  }
0x35d: {  	[sflag:s29] =	ssyncset.done $0x0  }
0x35e: {  	s26 =	simm.s32 $0x380;
	[sflag:s29] =	ssyncadd.s32 $0xFFFFFF80  }
0x35f: {  	[tilespmem:s0], [sflag:$0x2] =	stream.indirect.gather [hbm4b:s5+s31], $0x80, s26, s31, $0xb8;
	[tilespmem:$0x1D780] =	vst v63  }
0x360: {  	_ =	swait.ge [sflag:s7], $0x4000  }
0x361: {  	[sflag:s7] =	ssyncset.done $0x0  }
0x362: {  	s13 =	simm.s32 $0xB00;
	[sflag:s7] =	ssyncadd.s32 $0xFFFFC000  }
0x363: {  	[spmem:s2] =	stream.indirect.scatter.add.f32 [tilespmem:s28], [sflag:$0x3], $0x80, s13, s31, $0xb8;
	[tilespmem:$0x1D780] =	vst v63  }
0x364: {  	_ =	swait.ge [sflag:s29], $0x4000  }
0x365: {  	[sflag:s29] =	ssyncset.done $0x0  }
0x366: {  	[sflag:s29] =	ssyncadd.s32 $0xFFFFC000  }
0x367: {  	[spmem:s3] =	stream.indirect.scatter.add.f32 [tilespmem:s8], [sflag:$0x3], $0x1, s13, s31, $0xb8;
	[tilespmem:$0x1D780] =	vst v63  }
0x368: {  	_ =	swait.ge [sflag:s29], $0x80  }
0x369: {  	[sflag:s29] =	ssyncset.done $0x0  }
0x36a: {  	[sflag:s29] =	ssyncadd.s32 $0xFFFFFF80  }
0x36b: {  	[tilespmem:s28], [sflag:$0x1] =	stream.indirect.gather [hbm4b:s5+s31], $0x80, s12, s31, $0xb8;
	[tilespmem:$0x1D780] =	vst v63  }
0x36c: {  	_ =	swait.ge [sflag:s10], $0x4000  }
0x36d: {  	[sflag:s10] =	ssyncset.done $0x0  }
0x36e: {  	s17 =	simm.s32 $0xB80;
	[sflag:s10] =	ssyncadd.s32 $0xFFFFC000  }
0x36f: {  	[spmem:s2] =	stream.indirect.scatter.add.f32 [tilespmem:s0], [sflag:$0x3], $0x80, s17, s31, $0xb8;
	[tilespmem:$0x1D780] =	vst v63  }
0x370: {  	_ =	swait.ge [sflag:s29], $0x4000  }
0x371: {  	[sflag:s29] =	ssyncset.done $0x0  }
0x372: {  	[sflag:s29] =	ssyncadd.s32 $0xFFFFC000  }
0x373: {  	[spmem:s3] =	stream.indirect.scatter.add.f32 [tilespmem:s8], [sflag:$0x3], $0x1, s17, s31, $0xb8;
	[tilespmem:$0x1D780] =	vst v63  }
0x374: {  	_ =	swait.ge [sflag:s29], $0x80  }
0x375: {  	[sflag:s29] =	ssyncset.done $0x0  }
0x376: {  	s19 =	simm.s32 $0x480;
	[sflag:s29] =	ssyncadd.s32 $0xFFFFFF80  }
0x377: {  	[tilespmem:s0], [sflag:$0x2] =	stream.indirect.gather [hbm4b:s5+s31], $0x80, s19, s31, $0xb8;
	[tilespmem:$0x1D780] =	vst v63  }
0x378: {  	_ =	swait.ge [sflag:s7], $0x4000  }
0x379: {  	[sflag:s7] =	ssyncset.done $0x0  }
0x37a: {  	s21 =	simm.s32 $0xC00;
	[sflag:s7] =	ssyncadd.s32 $0xFFFFC000  }
0x37b: {  	[spmem:s2] =	stream.indirect.scatter.add.f32 [tilespmem:s28], [sflag:$0x3], $0x80, s21, s31, $0xb8;
	[tilespmem:$0x1D780] =	vst v63  }
0x37c: {  	_ =	swait.ge [sflag:s29], $0x4000  }
0x37d: {  	[sflag:s29] =	ssyncset.done $0x0  }
0x37e: {  	[sflag:s29] =	ssyncadd.s32 $0xFFFFC000  }
0x37f: {  	[spmem:s3] =	stream.indirect.scatter.add.f32 [tilespmem:s8], [sflag:$0x3], $0x1, s21, s31, $0xb8;
	[tilespmem:$0x1D780] =	vst v63  }
0x380: {  	_ =	swait.ge [sflag:s29], $0x80  }
0x381: {  	[sflag:s29] =	ssyncset.done $0x0  }
0x382: {  	s15 =	simm.s32 $0x500;
	[sflag:s29] =	ssyncadd.s32 $0xFFFFFF80  }
0x383: {  	[tilespmem:s28], [sflag:$0x1] =	stream.indirect.gather [hbm4b:s5+s31], $0x80, s15, s31, $0xb8;
	[tilespmem:$0x1D780] =	vst v63  }
0x384: {  	_ =	swait.ge [sflag:s10], $0x4000  }
0x385: {  	[sflag:s10] =	ssyncset.done $0x0  }
0x386: {  	s24 =	simm.s32 $0xC80;
	[sflag:s10] =	ssyncadd.s32 $0xFFFFC000  }
0x387: {  	[spmem:s2] =	stream.indirect.scatter.add.f32 [tilespmem:s0], [sflag:$0x3], $0x80, s24, s31, $0xb8;
	[tilespmem:$0x1D780] =	vst v63  }
0x388: {  	_ =	swait.ge [sflag:s29], $0x4000  }
0x389: {  	[sflag:s29] =	ssyncset.done $0x0  }
0x38a: {  	[sflag:s29] =	ssyncadd.s32 $0xFFFFC000  }
0x38b: {  	[spmem:s3] =	stream.indirect.scatter.add.f32 [tilespmem:s8], [sflag:$0x3], $0x1, s24, s31, $0xb8;
	[tilespmem:$0x1D780] =	vst v63  }
0x38c: {  	_ =	swait.ge [sflag:s29], $0x80  }
0x38d: {  	[sflag:s29] =	ssyncset.done $0x0  }
0x38e: {  	s26 =	simm.s32 $0x580;
	[sflag:s29] =	ssyncadd.s32 $0xFFFFFF80  }
0x38f: {  	[tilespmem:s0], [sflag:$0x2] =	stream.indirect.gather [hbm4b:s5+s31], $0x80, s26, s31, $0xb8;
	[tilespmem:$0x1D780] =	vst v63  }
0x390: {  	_ =	swait.ge [sflag:s7], $0x4000  }
0x391: {  	[sflag:s7] =	ssyncset.done $0x0  }
0x392: {  	s12 =	simm.s32 $0xD00;
	[sflag:s7] =	ssyncadd.s32 $0xFFFFC000  }
0x393: {  	[spmem:s2] =	stream.indirect.scatter.add.f32 [tilespmem:s28], [sflag:$0x3], $0x80, s12, s31, $0xb8;
	[tilespmem:$0x1D780] =	vst v63  }
0x394: {  	_ =	swait.ge [sflag:s29], $0x4000  }
0x395: {  	[sflag:s29] =	ssyncset.done $0x0  }
0x396: {  	[sflag:s29] =	ssyncadd.s32 $0xFFFFC000  }
0x397: {  	[spmem:s3] =	stream.indirect.scatter.add.f32 [tilespmem:s8], [sflag:$0x3], $0x1, s12, s31, $0xb8;
	[tilespmem:$0x1D780] =	vst v63  }
0x398: {  	_ =	swait.ge [sflag:s29], $0x80  }
0x399: {  	[sflag:s29] =	ssyncset.done $0x0  }
0x39a: {  	s13 =	simm.s32 $0x600;
	[sflag:s29] =	ssyncadd.s32 $0xFFFFFF80  }
0x39b: {  	[tilespmem:s28], [sflag:$0x1] =	stream.indirect.gather [hbm4b:s5+s31], $0x80, s13, s31, $0xb8;
	[tilespmem:$0x1D780] =	vst v63  }
0x39c: {  	_ =	swait.ge [sflag:s10], $0x4000  }
0x39d: {  	[sflag:s10] =	ssyncset.done $0x0  }
0x39e: {  	s15 =	simm.s32 $0xD80;
	[sflag:s10] =	ssyncadd.s32 $0xFFFFC000  }
0x39f: {  	[spmem:s2] =	stream.indirect.scatter.add.f32 [tilespmem:s0], [sflag:$0x3], $0x80, s15, s31, $0xb8;
	[tilespmem:$0x1D780] =	vst v63  }
0x3a0: {  	_ =	swait.ge [sflag:s29], $0x4000  }
0x3a1: {  	[sflag:s29] =	ssyncset.done $0x0  }
0x3a2: {  	[sflag:s29] =	ssyncadd.s32 $0xFFFFC000  }
0x3a3: {  	[spmem:s3] =	stream.indirect.scatter.add.f32 [tilespmem:s8], [sflag:$0x3], $0x1, s15, s31, $0xb8;
	[tilespmem:$0x1D780] =	vst v63  }
0x3a4: {  	_ =	swait.ge [sflag:s29], $0x80  }
0x3a5: {  	[sflag:s29] =	ssyncset.done $0x0  }
0x3a6: {  	s21 =	simm.s32 $0x680;
	[sflag:s29] =	ssyncadd.s32 $0xFFFFFF80  }
0x3a7: {  	[tilespmem:s0], [sflag:$0x2] =	stream.indirect.gather [hbm4b:s5+s31], $0x80, s21, s31, $0xb8;
	[tilespmem:$0x1D780] =	vst v63  }
0x3a8: {  	_ =	swait.ge [sflag:s7], $0x4000  }
0x3a9: {  	[sflag:s7] =	ssyncset.done $0x0  }
0x3aa: {  	s24 =	simm.s32 $0xE00;
	[sflag:s7] =	ssyncadd.s32 $0xFFFFC000  }
0x3ab: {  	[spmem:s2] =	stream.indirect.scatter.add.f32 [tilespmem:s28], [sflag:$0x3], $0x80, s24, s31, $0xb8;
	[tilespmem:$0x1D780] =	vst v63  }
0x3ac: {  	_ =	swait.ge [sflag:s29], $0x4000  }
0x3ad: {  	[sflag:s29] =	ssyncset.done $0x0  }
0x3ae: {  	[sflag:s29] =	ssyncadd.s32 $0xFFFFC000  }
0x3af: {  	[spmem:s3] =	stream.indirect.scatter.add.f32 [tilespmem:s8], [sflag:$0x3], $0x1, s24, s31, $0xb8;
	[tilespmem:$0x1D780] =	vst v63  }
0x3b0: {  	_ =	swait.ge [sflag:s29], $0x80  }
0x3b1: {  	[sflag:s29] =	ssyncset.done $0x0  }
0x3b2: {  	s26 =	simm.s32 $0x700;
	[sflag:s29] =	ssyncadd.s32 $0xFFFFFF80  }
0x3b3: {  	[tilespmem:s28], [sflag:$0x1] =	stream.indirect.gather [hbm4b:s5+s31], $0x80, s26, s31, $0xb8;
	[tilespmem:$0x1D780] =	vst v63  }
0x3b4: {  	_ =	swait.ge [sflag:s10], $0x4000  }
0x3b5: {  	[sflag:s10] =	ssyncset.done $0x0  }
0x3b6: {  	s13 =	simm.s32 $0xE80;
	[sflag:s10] =	ssyncadd.s32 $0xFFFFC000  }
0x3b7: {  	[spmem:s2] =	stream.indirect.scatter.add.f32 [tilespmem:s0], [sflag:$0x3], $0x80, s13, s31, $0xb8;
	[tilespmem:$0x1D780] =	vst v63  }
0x3b8: {  	_ =	swait.ge [sflag:s29], $0x4000  }
0x3b9: {  	[sflag:s29] =	ssyncset.done $0x0  }
0x3ba: {  	[sflag:s29] =	ssyncadd.s32 $0xFFFFC000  }
0x3bb: {  	[spmem:s3] =	stream.indirect.scatter.add.f32 [tilespmem:s8], [sflag:$0x3], $0x1, s13, s31, $0xb8;
	[tilespmem:$0x1D780] =	vst v63  }
0x3bc: {  	_ =	swait.ge [sflag:s29], $0x80  }
0x3bd: {  	[sflag:s29] =	ssyncset.done $0x0  }
0x3be: {  	s21 =	simm.s32 $0x780;
	[sflag:s29] =	ssyncadd.s32 $0xFFFFFF80  }
0x3bf: {  	[tilespmem:s0], [sflag:$0x2] =	stream.indirect.gather [hbm4b:s5+s31], $0x80, s21, s31, $0xb8;
	[tilespmem:$0x1D780] =	vst v63  }
0x3c0: {  	_ =	swait.ge [sflag:s7], $0x4000  }
0x3c1: {  	[sflag:s7] =	ssyncset.done $0x0  }
0x3c2: {  	s13 =	simm.s32 $0xF00;
	[sflag:s7] =	ssyncadd.s32 $0xFFFFC000  }
0x3c3: {  	[spmem:s2] =	stream.indirect.scatter.add.f32 [tilespmem:s28], [sflag:$0x3], $0x80, s13, s31, $0xb8;
	[tilespmem:$0x1D780] =	vst v63  }
0x3c4: {  	_ =	swait.ge [sflag:s29], $0x4000  }
0x3c5: {  	[sflag:s29] =	ssyncset.done $0x0  }
0x3c6: {  	[sflag:s29] =	ssyncadd.s32 $0xFFFFC000  }
0x3c7: {  	[spmem:s3] =	stream.indirect.scatter.add.f32 [tilespmem:s8], [sflag:$0x3], $0x1, s13, s31, $0xb8;
	[tilespmem:$0x1D780] =	vst v63  }
0x3c8: {  	_ =	swait.ge [sflag:s29], $0x80  }
0x3c9: {  	[sflag:s29] =	ssyncset.done $0x0  }
0x3ca: {  	[sflag:s29] =	ssyncadd.s32 $0xFFFFFF80  }
0x3cb: {  	_ =	swait.ge [sflag:s10], $0x4000  }
0x3cc: {  	[sflag:s10] =	ssyncset.done $0x0  }
0x3cd: {  	s21 =	simm.s32 $0xF80;
	[sflag:s10] =	ssyncadd.s32 $0xFFFFC000  }
0x3ce: {  	[spmem:s2] =	stream.indirect.scatter.add.f32 [tilespmem:s0], [sflag:$0x3], $0x80, s21, s31, $0xb8;
	[tilespmem:$0x1D780] =	vst v63  }
0x3cf: {  	_ =	swait.ge [sflag:s29], $0x4000  }
0x3d0: {  	[sflag:s29] =	ssyncset.done $0x0  }
0x3d1: {  	[sflag:s29] =	ssyncadd.s32 $0xFFFFC000  }
0x3d2: {  	[spmem:s3] =	stream.indirect.scatter.add.f32 [tilespmem:s8], [sflag:$0x3], $0x1, s21, s31, $0xb8;
	[tilespmem:$0x1D780] =	vst v63  }
0x3d3: {  	_ =	swait.ge [sflag:s29], $0x80  }
0x3d4: {  	[sflag:s29] =	ssyncset.done $0x0  }
0x3d5: {  	s21 =	rddreg [dreg:$0x10];
	[sflag:s29] =	ssyncadd.s32 $0xFFFFFF80  }
0x3d6: {  	[tilespmem:s4], [sflag:$0x3] =	stream.linear.gather [hbm4b:s21+s4], $0x800, $0x38;
	[tilespmem:$0x1D780] =	vst v63  }
0x3d7: {  	_ =	swait.ge [sflag:s29], $0x800  }
0x3d8: {  	[sflag:s29] =	ssyncset.done $0x0  }
0x3d9: {  	s21 =	rddreg [dreg:$0x11];
	[sflag:s29] =	ssyncadd.s32 $0xFFFFF800  }
0x3da: {  	[tilespmem:s6], [sflag:$0x3] =	stream.linear.gather [hbm4b:s21+s4], $0x800, $0x38;
	[tilespmem:$0x1D780] =	vst v63  }
0x3db: {  	_ =	swait.ge [sflag:s29], $0x800  }
0x3dc: {  	[sflag:s29] =	ssyncset.done $0x0  }
0x3dd: {  	[sflag:s29] =	ssyncadd.s32 $0xFFFFF800  }
0x3de: {  	[tilespmem:s28], [sflag:$0x1] =	stream.indirect.gather [hbm4b:s5+s31], $0x80, s4, s31, $0xb8;
	[tilespmem:$0x1D780] =	vst v63  }
0x3df: {  	_ = 	snop  }
0x3e0: {  	[tilespmem:s0], [sflag:$0x2] =	stream.indirect.gather [hbm4b:s5+s31], $0x80, s31, s31, $0xb8;
	[tilespmem:$0x1D780] =	vst v63  }
0x3e1: {  	_ =	swait.ge [sflag:s7], $0x4000  }
0x3e2: {  	[sflag:s7] =	ssyncset.done $0x0  }
0x3e3: {  	[sflag:s7] =	ssyncadd.s32 $0xFFFFC000  }
0x3e4: {  	[spmem:s2] =	stream.indirect.scatter.add.f32 [tilespmem:s28], [sflag:$0x3], $0x80, s6, s31, $0xb8;
	[tilespmem:$0x1D780] =	vst v63  }
0x3e5: {  	_ =	swait.ge [sflag:s29], $0x4000  }
0x3e6: {  	[sflag:s29] =	ssyncset.done $0x0  }
0x3e7: {  	[sflag:s29] =	ssyncadd.s32 $0xFFFFC000  }
0x3e8: {  	[spmem:s3] =	stream.indirect.scatter.add.f32 [tilespmem:s8], [sflag:$0x3], $0x1, s6, s31, $0xb8;
	[tilespmem:$0x1D780] =	vst v63  }
0x3e9: {  	_ =	swait.ge [sflag:s29], $0x80  }
0x3ea: {  	[sflag:s29] =	ssyncset.done $0x0  }
0x3eb: {  	s20 =	simm.s32 $0x100;
	[sflag:s29] =	ssyncadd.s32 $0xFFFFFF80  }
0x3ec: {  	[tilespmem:s28], [sflag:$0x1] =	stream.indirect.gather [hbm4b:s5+s31], $0x80, s20, s31, $0xb8;
	[tilespmem:$0x1D780] =	vst v63  }
0x3ed: {  	_ =	swait.ge [sflag:s10], $0x4000  }
0x3ee: {  	[sflag:s10] =	ssyncset.done $0x0  }
0x3ef: {  	s1 =	simm.s32 $0x880;
	[sflag:s10] =	ssyncadd.s32 $0xFFFFC000  }
0x3f0: {  	[spmem:s2] =	stream.indirect.scatter.add.f32 [tilespmem:s0], [sflag:$0x3], $0x80, s1, s31, $0xb8;
	[tilespmem:$0x1D780] =	vst v63  }
0x3f1: {  	_ =	swait.ge [sflag:s29], $0x4000  }
0x3f2: {  	[sflag:s29] =	ssyncset.done $0x0  }
0x3f3: {  	[sflag:s29] =	ssyncadd.s32 $0xFFFFC000  }
0x3f4: {  	[spmem:s3] =	stream.indirect.scatter.add.f32 [tilespmem:s8], [sflag:$0x3], $0x1, s1, s31, $0xb8;
	[tilespmem:$0x1D780] =	vst v63  }
0x3f5: {  	_ =	swait.ge [sflag:s29], $0x80  }
0x3f6: {  	[sflag:s29] =	ssyncset.done $0x0  }
0x3f7: {  	s30 =	simm.s32 $0x180;
	[sflag:s29] =	ssyncadd.s32 $0xFFFFFF80  }
0x3f8: {  	[tilespmem:s0], [sflag:$0x2] =	stream.indirect.gather [hbm4b:s5+s31], $0x80, s30, s31, $0xb8;
	[tilespmem:$0x1D780] =	vst v63  }
0x3f9: {  	_ =	swait.ge [sflag:s7], $0x4000  }
0x3fa: {  	[sflag:s7] =	ssyncset.done $0x0  }
0x3fb: {  	s11 =	simm.s32 $0x900;
	[sflag:s7] =	ssyncadd.s32 $0xFFFFC000  }
0x3fc: {  	[spmem:s2] =	stream.indirect.scatter.add.f32 [tilespmem:s28], [sflag:$0x3], $0x80, s11, s31, $0xb8;
	[tilespmem:$0x1D780] =	vst v63  }
0x3fd: {  	_ =	swait.ge [sflag:s29], $0x4000  }
0x3fe: {  	[sflag:s29] =	ssyncset.done $0x0  }
0x3ff: {  	[sflag:s29] =	ssyncadd.s32 $0xFFFFC000  }
0x400: {  	[spmem:s3] =	stream.indirect.scatter.add.f32 [tilespmem:s8], [sflag:$0x3], $0x1, s11, s31, $0xb8;
	[tilespmem:$0x1D780] =	vst v63  }
0x401: {  	_ =	swait.ge [sflag:s29], $0x80  }
0x402: {  	[sflag:s29] =	ssyncset.done $0x0  }
0x403: {  	s11 =	simm.s32 $0x200;
	[sflag:s29] =	ssyncadd.s32 $0xFFFFFF80  }
0x404: {  	[tilespmem:s28], [sflag:$0x1] =	stream.indirect.gather [hbm4b:s5+s31], $0x80, s11, s31, $0xb8;
	[tilespmem:$0x1D780] =	vst v63  }
0x405: {  	_ =	swait.ge [sflag:s10], $0x4000  }
0x406: {  	[sflag:s10] =	ssyncset.done $0x0  }
0x407: {  	s14 =	simm.s32 $0x980;
	[sflag:s10] =	ssyncadd.s32 $0xFFFFC000  }
0x408: {  	[spmem:s2] =	stream.indirect.scatter.add.f32 [tilespmem:s0], [sflag:$0x3], $0x80, s14, s31, $0xb8;
	[tilespmem:$0x1D780] =	vst v63  }
0x409: {  	_ =	swait.ge [sflag:s29], $0x4000  }
0x40a: {  	[sflag:s29] =	ssyncset.done $0x0  }
0x40b: {  	[sflag:s29] =	ssyncadd.s32 $0xFFFFC000  }
0x40c: {  	[spmem:s3] =	stream.indirect.scatter.add.f32 [tilespmem:s8], [sflag:$0x3], $0x1, s14, s31, $0xb8;
	[tilespmem:$0x1D780] =	vst v63  }
0x40d: {  	_ =	swait.ge [sflag:s29], $0x80  }
0x40e: {  	[sflag:s29] =	ssyncset.done $0x0  }
0x40f: {  	s20 =	simm.s32 $0x280;
	[sflag:s29] =	ssyncadd.s32 $0xFFFFFF80  }
0x410: {  	[tilespmem:s0], [sflag:$0x2] =	stream.indirect.gather [hbm4b:s5+s31], $0x80, s20, s31, $0xb8;
	[tilespmem:$0x1D780] =	vst v63  }
0x411: {  	_ =	swait.ge [sflag:s7], $0x4000  }
0x412: {  	[sflag:s7] =	ssyncset.done $0x0  }
0x413: {  	s16 =	simm.s32 $0xA00;
	[sflag:s7] =	ssyncadd.s32 $0xFFFFC000  }
0x414: {  	[spmem:s2] =	stream.indirect.scatter.add.f32 [tilespmem:s28], [sflag:$0x3], $0x80, s16, s31, $0xb8;
	[tilespmem:$0x1D780] =	vst v63  }
0x415: {  	_ =	swait.ge [sflag:s29], $0x4000  }
0x416: {  	[sflag:s29] =	ssyncset.done $0x0  }
0x417: {  	[sflag:s29] =	ssyncadd.s32 $0xFFFFC000  }
0x418: {  	[spmem:s3] =	stream.indirect.scatter.add.f32 [tilespmem:s8], [sflag:$0x3], $0x1, s16, s31, $0xb8;
	[tilespmem:$0x1D780] =	vst v63  }
0x419: {  	_ =	swait.ge [sflag:s29], $0x80  }
0x41a: {  	[sflag:s29] =	ssyncset.done $0x0  }
0x41b: {  	s21 =	simm.s32 $0x300;
	[sflag:s29] =	ssyncadd.s32 $0xFFFFFF80  }
0x41c: {  	[tilespmem:s28], [sflag:$0x1] =	stream.indirect.gather [hbm4b:s5+s31], $0x80, s21, s31, $0xb8;
	[tilespmem:$0x1D780] =	vst v63  }
0x41d: {  	_ =	swait.ge [sflag:s10], $0x4000  }
0x41e: {  	[sflag:s10] =	ssyncset.done $0x0  }
0x41f: {  	s22 =	simm.s32 $0xA80;
	[sflag:s10] =	ssyncadd.s32 $0xFFFFC000  }
0x420: {  	[spmem:s2] =	stream.indirect.scatter.add.f32 [tilespmem:s0], [sflag:$0x3], $0x80, s22, s31, $0xb8;
	[tilespmem:$0x1D780] =	vst v63  }
0x421: {  	_ =	swait.ge [sflag:s29], $0x4000  }
0x422: {  	[sflag:s29] =	ssyncset.done $0x0  }
0x423: {  	[sflag:s29] =	ssyncadd.s32 $0xFFFFC000  }
0x424: {  	[spmem:s3] =	stream.indirect.scatter.add.f32 [tilespmem:s8], [sflag:$0x3], $0x1, s22, s31, $0xb8;
	[tilespmem:$0x1D780] =	vst v63  }
0x425: {  	_ =	swait.ge [sflag:s29], $0x80  }
0x426: {  	[sflag:s29] =	ssyncset.done $0x0  }
0x427: {  	s22 =	simm.s32 $0x380;
	[sflag:s29] =	ssyncadd.s32 $0xFFFFFF80  }
0x428: {  	[tilespmem:s0], [sflag:$0x2] =	stream.indirect.gather [hbm4b:s5+s31], $0x80, s22, s31, $0xb8;
	[tilespmem:$0x1D780] =	vst v63  }
0x429: {  	_ =	swait.ge [sflag:s7], $0x4000  }
0x42a: {  	[sflag:s7] =	ssyncset.done $0x0  }
0x42b: {  	s23 =	simm.s32 $0xB00;
	[sflag:s7] =	ssyncadd.s32 $0xFFFFC000  }
0x42c: {  	[spmem:s2] =	stream.indirect.scatter.add.f32 [tilespmem:s28], [sflag:$0x3], $0x80, s23, s31, $0xb8;
	[tilespmem:$0x1D780] =	vst v63  }
0x42d: {  	_ =	swait.ge [sflag:s29], $0x4000  }
0x42e: {  	[sflag:s29] =	ssyncset.done $0x0  }
0x42f: {  	[sflag:s29] =	ssyncadd.s32 $0xFFFFC000  }
0x430: {  	[spmem:s3] =	stream.indirect.scatter.add.f32 [tilespmem:s8], [sflag:$0x3], $0x1, s23, s31, $0xb8;
	[tilespmem:$0x1D780] =	vst v63  }
0x431: {  	_ =	swait.ge [sflag:s29], $0x80  }
0x432: {  	[sflag:s29] =	ssyncset.done $0x0  }
0x433: {  	s18 =	simm.s32 $0x400;
	[sflag:s29] =	ssyncadd.s32 $0xFFFFFF80  }
0x434: {  	[tilespmem:s28], [sflag:$0x1] =	stream.indirect.gather [hbm4b:s5+s31], $0x80, s18, s31, $0xb8;
	[tilespmem:$0x1D780] =	vst v63  }
0x435: {  	_ =	swait.ge [sflag:s10], $0x4000  }
0x436: {  	[sflag:s10] =	ssyncset.done $0x0  }
0x437: {  	s25 =	simm.s32 $0xB80;
	[sflag:s10] =	ssyncadd.s32 $0xFFFFC000  }
0x438: {  	[spmem:s2] =	stream.indirect.scatter.add.f32 [tilespmem:s0], [sflag:$0x3], $0x80, s25, s31, $0xb8;
	[tilespmem:$0x1D780] =	vst v63  }
0x439: {  	_ =	swait.ge [sflag:s29], $0x4000  }
0x43a: {  	[sflag:s29] =	ssyncset.done $0x0  }
0x43b: {  	[sflag:s29] =	ssyncadd.s32 $0xFFFFC000  }
0x43c: {  	[spmem:s3] =	stream.indirect.scatter.add.f32 [tilespmem:s8], [sflag:$0x3], $0x1, s25, s31, $0xb8;
	[tilespmem:$0x1D780] =	vst v63  }
0x43d: {  	_ =	swait.ge [sflag:s29], $0x80  }
0x43e: {  	[sflag:s29] =	ssyncset.done $0x0  }
0x43f: {  	s25 =	simm.s32 $0x480;
	[sflag:s29] =	ssyncadd.s32 $0xFFFFFF80  }
0x440: {  	[tilespmem:s0], [sflag:$0x2] =	stream.indirect.gather [hbm4b:s5+s31], $0x80, s25, s31, $0xb8;
	[tilespmem:$0x1D780] =	vst v63  }
0x441: {  	_ =	swait.ge [sflag:s7], $0x4000  }
0x442: {  	[sflag:s7] =	ssyncset.done $0x0  }
0x443: {  	s17 =	simm.s32 $0xC00;
	[sflag:s7] =	ssyncadd.s32 $0xFFFFC000  }
0x444: {  	[spmem:s2] =	stream.indirect.scatter.add.f32 [tilespmem:s28], [sflag:$0x3], $0x80, s17, s31, $0xb8;
	[tilespmem:$0x1D780] =	vst v63  }
0x445: {  	_ =	swait.ge [sflag:s29], $0x4000  }
0x446: {  	[sflag:s29] =	ssyncset.done $0x0  }
0x447: {  	[sflag:s29] =	ssyncadd.s32 $0xFFFFC000  }
0x448: {  	[spmem:s3] =	stream.indirect.scatter.add.f32 [tilespmem:s8], [sflag:$0x3], $0x1, s17, s31, $0xb8;
	[tilespmem:$0x1D780] =	vst v63  }
0x449: {  	_ =	swait.ge [sflag:s29], $0x80  }
0x44a: {  	[sflag:s29] =	ssyncset.done $0x0  }
0x44b: {  	s30 =	simm.s32 $0x500;
	[sflag:s29] =	ssyncadd.s32 $0xFFFFFF80  }
0x44c: {  	[tilespmem:s28], [sflag:$0x1] =	stream.indirect.gather [hbm4b:s5+s31], $0x80, s30, s31, $0xb8;
	[tilespmem:$0x1D780] =	vst v63  }
0x44d: {  	_ =	swait.ge [sflag:s10], $0x4000  }
0x44e: {  	[sflag:s10] =	ssyncset.done $0x0  }
0x44f: {  	s19 =	simm.s32 $0xC80;
	[sflag:s10] =	ssyncadd.s32 $0xFFFFC000  }
0x450: {  	[spmem:s2] =	stream.indirect.scatter.add.f32 [tilespmem:s0], [sflag:$0x3], $0x80, s19, s31, $0xb8;
	[tilespmem:$0x1D780] =	vst v63  }
0x451: {  	_ =	swait.ge [sflag:s29], $0x4000  }
0x452: {  	[sflag:s29] =	ssyncset.done $0x0  }
0x453: {  	[sflag:s29] =	ssyncadd.s32 $0xFFFFC000  }
0x454: {  	[spmem:s3] =	stream.indirect.scatter.add.f32 [tilespmem:s8], [sflag:$0x3], $0x1, s19, s31, $0xb8;
	[tilespmem:$0x1D780] =	vst v63  }
0x455: {  	_ =	swait.ge [sflag:s29], $0x80  }
0x456: {  	[sflag:s29] =	ssyncset.done $0x0  }
0x457: {  	s6 =	simm.s32 $0x580;
	[sflag:s29] =	ssyncadd.s32 $0xFFFFFF80  }
0x458: {  	[tilespmem:s0], [sflag:$0x2] =	stream.indirect.gather [hbm4b:s5+s31], $0x80, s6, s31, $0xb8;
	[tilespmem:$0x1D780] =	vst v63  }
0x459: {  	_ =	swait.ge [sflag:s7], $0x4000  }
0x45a: {  	[sflag:s7] =	ssyncset.done $0x0  }
0x45b: {  	s12 =	simm.s32 $0xD00;
	[sflag:s7] =	ssyncadd.s32 $0xFFFFC000  }
0x45c: {  	[spmem:s2] =	stream.indirect.scatter.add.f32 [tilespmem:s28], [sflag:$0x3], $0x80, s12, s31, $0xb8;
	[tilespmem:$0x1D780] =	vst v63  }
0x45d: {  	_ =	swait.ge [sflag:s29], $0x4000  }
0x45e: {  	[sflag:s29] =	ssyncset.done $0x0  }
0x45f: {  	[sflag:s29] =	ssyncadd.s32 $0xFFFFC000  }
0x460: {  	[spmem:s3] =	stream.indirect.scatter.add.f32 [tilespmem:s8], [sflag:$0x3], $0x1, s12, s31, $0xb8;
	[tilespmem:$0x1D780] =	vst v63  }
0x461: {  	_ =	swait.ge [sflag:s29], $0x80  }
0x462: {  	[sflag:s29] =	ssyncset.done $0x0  }
0x463: {  	s11 =	simm.s32 $0x600;
	[sflag:s29] =	ssyncadd.s32 $0xFFFFFF80  }
0x464: {  	[tilespmem:s28], [sflag:$0x1] =	stream.indirect.gather [hbm4b:s5+s31], $0x80, s11, s31, $0xb8;
	[tilespmem:$0x1D780] =	vst v63  }
0x465: {  	_ =	swait.ge [sflag:s10], $0x4000  }
0x466: {  	[sflag:s10] =	ssyncset.done $0x0  }
0x467: {  	s15 =	simm.s32 $0xD80;
	[sflag:s10] =	ssyncadd.s32 $0xFFFFC000  }
0x468: {  	[spmem:s2] =	stream.indirect.scatter.add.f32 [tilespmem:s0], [sflag:$0x3], $0x80, s15, s31, $0xb8;
	[tilespmem:$0x1D780] =	vst v63  }
0x469: {  	_ =	swait.ge [sflag:s29], $0x4000  }
0x46a: {  	[sflag:s29] =	ssyncset.done $0x0  }
0x46b: {  	[sflag:s29] =	ssyncadd.s32 $0xFFFFC000  }
0x46c: {  	[spmem:s3] =	stream.indirect.scatter.add.f32 [tilespmem:s8], [sflag:$0x3], $0x1, s15, s31, $0xb8;
	[tilespmem:$0x1D780] =	vst v63  }
0x46d: {  	_ =	swait.ge [sflag:s29], $0x80  }
0x46e: {  	[sflag:s29] =	ssyncset.done $0x0  }
0x46f: {  	s12 =	simm.s32 $0x680;
	[sflag:s29] =	ssyncadd.s32 $0xFFFFFF80  }
0x470: {  	[tilespmem:s0], [sflag:$0x2] =	stream.indirect.gather [hbm4b:s5+s31], $0x80, s12, s31, $0xb8;
	[tilespmem:$0x1D780] =	vst v63  }
0x471: {  	_ =	swait.ge [sflag:s7], $0x4000  }
0x472: {  	[sflag:s7] =	ssyncset.done $0x0  }
0x473: {  	s24 =	simm.s32 $0xE00;
	[sflag:s7] =	ssyncadd.s32 $0xFFFFC000  }
0x474: {  	[spmem:s2] =	stream.indirect.scatter.add.f32 [tilespmem:s28], [sflag:$0x3], $0x80, s24, s31, $0xb8;
	[tilespmem:$0x1D780] =	vst v63  }
0x475: {  	_ =	swait.ge [sflag:s29], $0x4000  }
0x476: {  	[sflag:s29] =	ssyncset.done $0x0  }
0x477: {  	[sflag:s29] =	ssyncadd.s32 $0xFFFFC000  }
0x478: {  	[spmem:s3] =	stream.indirect.scatter.add.f32 [tilespmem:s8], [sflag:$0x3], $0x1, s24, s31, $0xb8;
	[tilespmem:$0x1D780] =	vst v63  }
0x479: {  	_ =	swait.ge [sflag:s29], $0x80  }
0x47a: {  	[sflag:s29] =	ssyncset.done $0x0  }
0x47b: {  	s14 =	simm.s32 $0x700;
	[sflag:s29] =	ssyncadd.s32 $0xFFFFFF80  }
0x47c: {  	[tilespmem:s28], [sflag:$0x1] =	stream.indirect.gather [hbm4b:s5+s31], $0x80, s14, s31, $0xb8;
	[tilespmem:$0x1D780] =	vst v63  }
0x47d: {  	_ =	swait.ge [sflag:s10], $0x4000  }
0x47e: {  	[sflag:s10] =	ssyncset.done $0x0  }
0x47f: {  	s26 =	simm.s32 $0xE80;
	[sflag:s10] =	ssyncadd.s32 $0xFFFFC000  }
0x480: {  	[spmem:s2] =	stream.indirect.scatter.add.f32 [tilespmem:s0], [sflag:$0x3], $0x80, s26, s31, $0xb8;
	[tilespmem:$0x1D780] =	vst v63  }
0x481: {  	_ =	swait.ge [sflag:s29], $0x4000  }
0x482: {  	[sflag:s29] =	ssyncset.done $0x0  }
0x483: {  	[sflag:s29] =	ssyncadd.s32 $0xFFFFC000  }
0x484: {  	[spmem:s3] =	stream.indirect.scatter.add.f32 [tilespmem:s8], [sflag:$0x3], $0x1, s26, s31, $0xb8;
	[tilespmem:$0x1D780] =	vst v63  }
0x485: {  	_ =	swait.ge [sflag:s29], $0x80  }
0x486: {  	[sflag:s29] =	ssyncset.done $0x0  }
0x487: {  	s15 =	simm.s32 $0x780;
	[sflag:s29] =	ssyncadd.s32 $0xFFFFFF80  }
0x488: {  	[tilespmem:s0], [sflag:$0x2] =	stream.indirect.gather [hbm4b:s5+s31], $0x80, s15, s31, $0xb8;
	[tilespmem:$0x1D780] =	vst v63  }
0x489: {  	_ =	swait.ge [sflag:s7], $0x4000  }
0x48a: {  	[sflag:s7] =	ssyncset.done $0x0  }
0x48b: {  	s9 =	simm.s32 $0xF00;
	[sflag:s7] =	ssyncadd.s32 $0xFFFFC000  }
0x48c: {  	[spmem:s2] =	stream.indirect.scatter.add.f32 [tilespmem:s28], [sflag:$0x3], $0x80, s9, s31, $0xb8;
	[tilespmem:$0x1D780] =	vst v63  }
0x48d: {  	_ =	swait.ge [sflag:s29], $0x4000  }
0x48e: {  	[sflag:s29] =	ssyncset.done $0x0  }
0x48f: {  	[sflag:s29] =	ssyncadd.s32 $0xFFFFC000  }
0x490: {  	[spmem:s3] =	stream.indirect.scatter.add.f32 [tilespmem:s8], [sflag:$0x3], $0x1, s9, s31, $0xb8;
	[tilespmem:$0x1D780] =	vst v63  }
0x491: {  	_ =	swait.ge [sflag:s29], $0x80  }
0x492: {  	[sflag:s29] =	ssyncset.done $0x0  }
0x493: {  	[sflag:s29] =	ssyncadd.s32 $0xFFFFFF80  }
0x494: {  	_ =	swait.ge [sflag:s10], $0x4000  }
0x495: {  	[sflag:s10] =	ssyncset.done $0x0  }
0x496: {  	s13 =	simm.s32 $0xF80;
	[sflag:s10] =	ssyncadd.s32 $0xFFFFC000  }
0x497: {  	[spmem:s2] =	stream.indirect.scatter.add.f32 [tilespmem:s0], [sflag:$0x3], $0x80, s13, s31, $0xb8;
	[tilespmem:$0x1D780] =	vst v63  }
0x498: {  	_ =	swait.ge [sflag:s29], $0x4000  }
0x499: {  	[sflag:s29] =	ssyncset.done $0x0  }
0x49a: {  	[sflag:s29] =	ssyncadd.s32 $0xFFFFC000  }
0x49b: {  	[spmem:s3] =	stream.indirect.scatter.add.f32 [tilespmem:s8], [sflag:$0x3], $0x1, s13, s31, $0xb8;
	[tilespmem:$0x1D780] =	vst v63  }
0x49c: {  	_ =	swait.ge [sflag:s29], $0x80  }
0x49d: {  	[sflag:s29] =	ssyncset.done $0x0  }
0x49e: {  	[sflag:s29] =	ssyncadd.s32 $0xFFFFFF80  }
0x49f: {  	s16 =	stileid.u32;
	[bflag:$0x0] =	sbarrier.arrive $0xFFFF  }
0x4a0: {  	s21 =	sshll.u32 s16, $0x6;
	s17 =	rddreg [dreg:$0x5]  }
0x4a1: {  	s21 =	sor.u32 $0x1C03, s21;
	s19 =	rddreg [dreg:$0x16];
	s18 =	sshrl.u32 s17, $0x3  }
0x4a2: {  	[hbm:s19], [sflag:s21] =	dma.local [spmem:s18], $0x2800  }
0x4a3: {  	s25 =	simm.s32 $0x10;
	_ =	swait.ge [sflag:s29], $0x2800  }
0x4a4: {  	s24 =	simm.s32 $0x20;
	[sflag:s29] =	ssyncset.done $0x0;
	s20 =	rddreg [dreg:$0x13]  }
0x4a5: {  	s23 =	rddreg [dreg:$0x17];
	[sflag:s29] =	ssyncadd.s32 $0xFFFFD800;
	s22 =	sshrl.u32 s20, $0x3  }
0x4a6: {  	[hbm:s23@s24], [sflag:s21] =	dma.strided [spmem:s22@s25], $0x50, s7, $0x10   }
0x4a7: {  	_ =	swait.ge [sflag:s29], $0x50  }
0x4a8: {  	s26 =	rddreg [dreg:$0x1a]  }
0x4a9: {  	s30 =	rddreg [dreg:$0x18];
	s6 =	sadd.s32 $0x1, s26  }
0x4aa: {  	p0 =	sne.s32 s6, s30  }
.Ltmp1:
0x4ab: {  	_ = 	snop;
	(pc) =	sbr.rel @p0 .LBB2_1-.Ltmp1, $3  }
0x4ac: {  	_ =	sdelay $0x1  }
0x4ad: {  	[sflag:s29] =	ssyncset.done $0x0  }
0x4ae: {  	[sflag:s29] =	ssyncadd.s32 $0xFFFFFFB0  }
0x4af: {  	_ =	sfence.sel $0x180000  }
0x4b0: {  	[bflag:$0x0] =	sbarrier.arrive $0xFFFF  }
0x4b1: {  	_ =	strace $0x90000047  }
0x4b2: {  	s0 =	stileid.u32;
	[bflag:$0x2] =	sbarrier.arrive $0xFFFF  }
0x4b3: {  	p0 =	sne.s32 s0, $0x0;
	s0 =	rddreg [dreg:$0x4]  }
0x4b4: {  	s0 =	sadd.s32 @!p0 $0x100000, s0  }
0x4b5: {  	[sflag:s0] =	ssyncadd.tile.s32 @!p0 $0x1;
	_ =	shalt  }
.Lfunc_end2:
_tile_overlayer_lowered:
.L_overlay_start_2:
0x4b6: {  	(tag) =	ssettag $0x2  }
0x4b7: {  	s0 =	rddreg [dreg:$0x0];
	s2 =	stileid.u32  }
0x4b8: {  	s1 =	rddreg [dreg:$0x1];
	p0 =	sne.s32 s2, $0x0  }
0x4b9: {  	s3 =	rddreg [dreg:$0x2];
	[bflag:$0x3] =	sbarrier.arrive $0xFFFF;
	s2 =	simm.s32 @!p0 $0x1C03  }
0x4ba: {  	[timem:s3], [sflag:s2] =	dma.local @!p0 [hbm:s0], s1  }
0x4bb: {  	s0 =	simm.s32 @!p0 $0x3  }
0x4bc: {  	_ =	swait.ge @!p0 [sflag:s0], s1  }
0x4bd: {  	s1 =	ssub.s32 @!p0 $0x0, s1;
	[sflag:s0] =	ssyncset.done @!p0 $0x0  }
0x4be: {  	[sflag:s0] =	ssyncadd.s32 @!p0 s1  }
0x4bf: {  	[bflag:$0x3] =	sbarrier.arrive $0xFFFF  }
0x4c0: {  	_ =	shalt  }

// kernel: kernel.9.cloned.1.call-start
scs
__scs_entry_jumppad:
0x0: {  	(pc) =	sbr.rel $0x88, $3  }
0x1: {  	(tag) =	ssettag $0x0;
	lr =	simm.s32 $0x1  }
0x2: {  	[smem:$0x3F90] =	sst lr;
	_ =	strace $0xD0000000  }
0x3: {  	_ = 	snop  }
0x4: {  	_ = 	snop  }
0x5: {  	_ = 	snop  }
0x6: {  	_ = 	snop  }
0x7: {  	_ = 	snop  }
__scs_overlays_trampoline_lowered:
0x8: {  	[smem:$0x3F9F] =	sst s0  }
0x9: {  	[smem:$0x3FA0] =	sst s1  }
0xa: {  	[smem:$0x3FA1] =	sst s2  }
0xb: {  	[smem:$0x3FA2] =	sst s3  }
0xc: {  	[smem:$0x3FA3] =	sst s4  }
0xd: {  	[smem:$0x3FA4] =	sst s5  }
0xe: {  	[smem:$0x3FA5] =	sst s6  }
0xf: {  	[smem:$0x3FA6] =	sst s7  }
0x10: {  	[smem:$0x3FA7] =	sst s8  }
0x11: {  	[smem:$0x3FA8] =	sst s9;
	s0 =	simm.s32 @!p0 $0x0  }
0x12: {  	s1 =	sld [smem:$0x3F8E];
	s0 =	simm.s32 @p0 $0x1  }
0x13: {  	[smem:$0x3FA9] =	sst s0;
	s0 =	simm.s32 @!p1 $0x0  }
0x14: {  	s2 =	sld [smem:$0x3F8D];
	s0 =	simm.s32 @p1 $0x1  }
0x15: {  	[smem:$0x3FAA] =	sst s0;
	s0 =	simm.s32 @!p2 $0x0  }
0x16: {  	s3 =	sld [smem:$0x3FDB];
	s0 =	simm.s32 @p2 $0x1  }
0x17: {  	s4 =	simm.s32 $0x1BF5;
	[smem:$0x3FAC] =	sst s0  }
0x18: {  	s0 =	sld [smem:$0x3F8F];
	_ =	swait.ge [sflag:s4], $0x0  }
0x19: {  	s7 =	sld [smem:$0x3F90]  }
0x1a: {  	s8 =	sadd.s32 $0xFFFFE003, lr  }
0x1b: {  	s9 =	sadd.s32 $0xFFFFFEF7, lr;
	s5 =	simm.s32 $0xFFFFFFFF;
	p2 =	slt.u32 s8, $0xFFFFF086  }
0x1c: {  	p1 =	slt.u32 s9, $0xF7A;
	s5 =	simm.s32 @!p2 $0x0  }
0x1d: {  	s5 =	simm.s32 @p1 $0x1;
	p0 =	seq.s32 s7, s2  }
0x1e: {  	s7 =	smul.u32 @!p0 $0xF7A, s2;
	p2 =	seq.s32 @!p0 s5, $0x0  }
0x1f: {  	s9 =	smul.u32 $0xF7A, s1;
	s8 =	simm.s32 @!p0 $0x1BF5;
	p2 =	por !p2, p0  }
0x20: {  	[sflag:s8] =	ssyncset.s32 @!p0 $0xFFFFF086;
	s6 =	sadd.s32 @!p0 s3, s7;
	s7 =	simm.s32 @!p0 $0x108  }
0x21: {  	s3 =	sadd.s32 s3, s9;
	s6 =	sadd.s32 @!p0 $0x88, s6;
	s7 =	simm.s32 @p2 $0x1082  }
0x22: {  	[simem:s7], [sflag:s8] =	dma.local @!p0 [hbm:s6], $0xF7A  }
0x23: {  	s9 =	sor.u32 $0xD0000000, s2;
	s6 =	simm.s32 $0x108;
	_ =	swait.ge @!p0 [sflag:s8], $0x0  }
0x24: {  	s3 =	sadd.s32 $0x88, s3;
	s6 =	simm.s32 @!p1 $0x1082;
	[sflag:s4] =	ssyncset.s32 $0xFFFFF086  }
0x25: {  	[simem:s6], [sflag:s4] =	dma.local [hbm:s3], $0xF7A  }
0x26: {  	[smem:$0x3F90] =	sst s1;
	(tag) =	ssettag s2;
	_ =	strace s9  }
0x27: {  	s1 =	sld [smem:$0x3FA0]  }
0x28: {  	s2 =	sld [smem:$0x3FA1]  }
0x29: {  	s4 =	sld [smem:$0x3FA3]  }
0x2a: {  	p0 =	seq.s32 s5, $0x0;
	s5 =	sld [smem:$0x3FA4]  }
0x2b: {  	s6 =	sld [smem:$0x3FA5]  }
0x2c: {  	s7 =	sld [smem:$0x3FA6]  }
0x2d: {  	s3 =	simm.s32 $0x108;
	s8 =	sld [smem:$0x3FA7]  }
0x2e: {  	s3 =	simm.s32 @!p0 $0x1082;
	s9 =	sld [smem:$0x3FA8]  }
0x2f: {  	lr =	sadd.s32 s0, s3;
	s0 =	sld [smem:$0x3F9F]  }
0x30: {  	s3 =	sld [smem:$0x3FA2]  }
0x31: {  	[smem:$0x3FAB] =	sst s10  }
0x32: {  	s10 =	sld [smem:$0x3FA9];
	_ =	sdelay $0x3  }
0x33: {  	p0 =	seq.s32 s10, $0x1;
	s10 =	sld [smem:$0x3FAB];
	_ =	sdelay $0x3  }
0x34: {  	[smem:$0x3FAB] =	sst s10  }
0x35: {  	s10 =	sld [smem:$0x3FAA];
	_ =	sdelay $0x3  }
0x36: {  	p1 =	seq.s32 s10, $0x1;
	s10 =	sld [smem:$0x3FAB];
	_ =	sdelay $0x3  }
0x37: {  	[smem:$0x3FAB] =	sst s10  }
0x38: {  	s10 =	sld [smem:$0x3FAC]  }
0x39: {  	_ = 	snop;
	(pc) =	sbr.ind lr, $3  }
0x3a: {  	_ = 	snop  }
0x3b: {  	_ = 	snop  }
0x3c: {  	p2 =	seq.s32 s10, $0x1;
	s10 =	sld [smem:$0x3FAB]  }
0x3d: {  	_ =	shalt  }
0x3e: {  	_ =	shalt  }
0x3f: {  	_ =	shalt  }
0x40: {  	_ =	shalt  }
0x41: {  	_ =	shalt  }
0x42: {  	_ =	shalt  }
0x43: {  	_ =	shalt  }
0x44: {  	_ =	shalt  }
0x45: {  	_ =	shalt  }
0x46: {  	_ =	shalt  }
0x47: {  	_ =	shalt  }
0x48: {  	_ =	shalt  }
0x49: {  	_ =	shalt  }
0x4a: {  	_ =	shalt  }
0x4b: {  	_ =	shalt  }
0x4c: {  	_ =	shalt  }
0x4d: {  	_ =	shalt  }
0x4e: {  	_ =	shalt  }
0x4f: {  	_ =	shalt  }
0x50: {  	_ =	shalt  }
0x51: {  	_ =	shalt  }
0x52: {  	_ =	shalt  }
0x53: {  	_ =	shalt  }
0x54: {  	_ =	shalt  }
0x55: {  	_ =	shalt  }
0x56: {  	_ =	shalt  }
0x57: {  	_ =	shalt  }
0x58: {  	_ =	shalt  }
0x59: {  	_ =	shalt  }
0x5a: {  	_ =	shalt  }
0x5b: {  	_ =	shalt  }
0x5c: {  	_ =	shalt  }
0x5d: {  	_ =	shalt  }
0x5e: {  	_ =	shalt  }
0x5f: {  	_ =	shalt  }
0x60: {  	_ =	shalt  }
0x61: {  	_ =	shalt  }
0x62: {  	_ =	shalt  }
0x63: {  	_ =	shalt  }
0x64: {  	_ =	shalt  }
0x65: {  	_ =	shalt  }
0x66: {  	_ =	shalt  }
0x67: {  	_ =	shalt  }
0x68: {  	_ =	shalt  }
0x69: {  	_ =	shalt  }
0x6a: {  	_ =	shalt  }
0x6b: {  	_ =	shalt  }
0x6c: {  	_ =	shalt  }
0x6d: {  	_ =	shalt  }
0x6e: {  	_ =	shalt  }
0x6f: {  	_ =	shalt  }
0x70: {  	_ =	shalt  }
0x71: {  	_ =	shalt  }
0x72: {  	_ =	shalt  }
0x73: {  	_ =	shalt  }
0x74: {  	_ =	shalt  }
0x75: {  	_ =	shalt  }
0x76: {  	_ =	shalt  }
0x77: {  	_ =	shalt  }
0x78: {  	_ =	shalt  }
0x79: {  	_ =	shalt  }
0x7a: {  	_ =	shalt  }
0x7b: {  	_ =	shalt  }
0x7c: {  	_ =	shalt  }
0x7d: {  	_ =	shalt  }
0x7e: {  	_ =	shalt  }
0x7f: {  	_ =	shalt  }
0x80: {  	_ =	shalt  }
0x81: {  	_ =	shalt  }
0x82: {  	_ =	shalt  }
0x83: {  	_ =	shalt  }
0x84: {  	_ =	shalt  }
0x85: {  	_ =	shalt  }
0x86: {  	_ =	shalt  }
0x87: {  	_ =	shalt  }
.Lfunc_end0:
.L_simem_size_0:
called_computation.1_lowered:
.L_overlay_start_0:
0x88: {  	s2 =	sld [smem:$0x3FD9]  }
0x89: {  	s3 =	sld [smem:$0x3FFE];
	_ =	sdelay $0x1  }
0x8a: {  	s1 =	srdreg.scid  }
0x8b: {  	s0 =	sand.u32 $0x1, s1  }
0x8c: {  	s17 =	sshll.u32 s0, $0xA;
	s2 =	sadd.s32 s3, s2  }
0x8d: {  	s2 =	sadd.s32 s2, s17  }
0x8e: {  	[smem:$0x3FB7] =	sst s2  }
0x8f: {  	_ = 	snop  }
0x90: {  	s2 =	sld [smem:$0x3FD0];
	(tm) =	ssettm $0x1  }
0x91: {  	s18 =	sld [smem:$0x3FFB];
	_ =	sdelay $0x3  }
0x92: {  	_ =	strace s18  }
0x93: {  	s3 =	sld [smem:$0x3FFC];
	_ =	sdelay $0x3  }
0x94: {  	_ =	strace s3  }
0x95: {  	s3 =	sld [smem:$0x3FFD];
	_ =	sdelay $0x3  }
0x96: {  	_ =	strace s3  }
0x97: {  	_ =	strace $0x8FFFFFFF  }
0x98: {  	s19 =	sld [smem:$0x3FDB];
	_ =	sdelay $0x1  }
0x99: {  	s4 =	simm.s32 $_scs_section_size  }
0x9a: {  	s5 =	simm.s32 $_size__tile_overlayer_lowered;
	s6 =	simm.s32 $_tile_overlayer_lowered  }
0x9b: {  	s22 =	simm.s32 $0x1BFF;
	s21 =	sshll.u32 s6, $0x1;
	s3 =	sadd.s32 s4, s19  }
0x9c: {  	s7 =	simm.s32 $0x0;
	s20 =	sshll.u32 s5, $0x1;
	s5 =	sadd.s32 s21, s3  }
0x9d: {  	[timem:s7], [sflag:s22] =	dma.local [hbm:s5], s20  }
0x9e: {  	_ =	swait.ge [sflag:s22], s20  }
0x9f: {  	s4 =	ssub.s32 $0x0, s20;
	[sflag:s22] =	ssyncset.done $0x0  }
0xa0: {  	[sflag:s22] =	ssyncadd.s32 s4;
	_ =	sdelay $0x1  }
0xa1: {  	s23 =	simm.s32 $0x1B8B  }
0xa2: {  	_ =	swait.ge [sflag:s23], $0x1  }
0xa3: {  	[sflag:s23] =	ssyncset.done $0x0  }
0xa4: {  	s25 =	simm.s32 $0x1B8E;
	s24 =	sld [smem:$0x3FFE];
	[sflag:s23] =	ssyncadd.s32 $0xFFFFFFFF  }
0xa5: {  	s26 =	simm.s32 $execute0_lowered;
	[smem:$0x3FD2] =	sst s25  }
0xa6: {  	s5 =	sshll.u32 s26, $0x1;
	_ =	strace $0x80000049;
	[dreg:$0x1] =	wrdreg $0xFFFFFFFF  }
0xa7: {  	s28 =	simm.s32 $_size_execute0_lowered;
	s3 =	sadd.s32 s3, s5;
	[dreg:$0x0] =	wrdreg $0x0  }
0xa8: {  	s5 =	sshll.u32 s28, $0x1;
	[dreg:$0x2] =	wrdreg s3  }
0xa9: {  	[dreg:$0x3] =	wrdreg s5  }
0xaa: {  	[dreg:$0x4] =	wrdreg $0xC0  }
0xab: {  	_ =	task [dreg:s7], $0x5FFFF  }
0xac: {  	[dreg:$0x1] =	wrdreg $0xFFFFFFFF  }
0xad: {  	[dreg:$0x0] =	wrdreg $0x60  }
0xae: {  	[dreg:$0x2] =	wrdreg s24  }
0xaf: {  	[dreg:$0x3] =	wrdreg s2  }
0xb0: {  	[dreg:$0x4] =	wrdreg $0x90000  }
0xb1: {  	[dreg:$0x5] =	wrdreg $0x9  }
0xb2: {  	_ =	task.clear_ibuf [dreg:s7], $0x6FFFF;
	_ =	strace $0x90000049  }
0xb3: {  	s29 =	simm.s32 $0x9;
	_ =	strace $0x8000004B  }
0xb4: {  	_ =	swait.ge [sflag:s29], $0x1  }
0xb5: {  	[sflag:s29] =	ssyncadd.s32 $0xFFFFFFFF  }
0xb6: {  	_ =	strace $0x9000004B  }
0xb7: {  	_ =	sfence  }
0xb8: {  	s30 =	sld [smem:$0x0];
	_ =	sdelay $0x2  }
0xb9: {  	s31 =	sshll.u32 s1, $0xD;
	s1 =	sshrl.u32 s1, $0x2  }
0xba: {  	s3 =	sand.u32 $0x4000, s31;
	s1 =	sadd.s32 s1, s30  }
0xbb: {  	s0 =	sor.u32 s3, s0;
	s1 =	sshll.u32 s1, $0x11  }
0xbc: {  	s0 =	sor.u32 s1, s0  }
0xbd: {  	s0 =	sadd.s32 $0x8F2B, s0  }
0xbe: {  	[sflag:s0] =	ssyncadd.remote.s32 $0x1  }
0xbf: {  	_ =	sfence.sel $0xFFFF  }
0xc0: {  	[dreg:$0x0] =	wrdreg $0xFFFFFFFF;
	(pc) =	sbr.abs _section_cstart, $3  }
0xc1: {  	[dreg:$0x1] =	wrdreg $0xFFFFFFFF  }
0xc2: {  	_ =	task.clear_ibuf [dreg:s7], $0x2FFFF;
	_ =	strace $0x9FFFFFFF  }
0xc3: {  	(tm) =	ssettm $0x7FFFFFFF  }
tec
execute0_lowered:
.L_overlay_start_1:
0x0: {  	(tag) =	ssettag $0x1  }
0x1: {  	s0 =	rddreg [dreg:$0x0];
	s9 =	stileid.u32  }
0x2: {  	s3 =	srdreg.scid;
	s7 =	smul.u32 $0x14000, s9  }
0x3: {  	s2 =	rddreg [dreg:$0x1];
	s3 =	sand.u32 $0x1, s3;
	s13 =	smul.u32 $0x50000, s9  }
0x4: {  	s1 =	rddreg [dreg:$0x2];
	s6 =	simm.s32 $0x0;
	s5 =	smul.u32 $0x140000, s3  }
0x5: {  	s28 =	simm.s32 $0x1;
	[smem:$0x7FF] =	sst s6;
	s10 =	ssub.s32 $0x2, s3  }
0x6: {  	s14 =	sshrl.u32 s10, $0x1;
	s5 =	sadd.s32 s7, s5;
	s7 =	sshrl.u32 s13, $0x2  }
0x7: {  	s9 =	sshll.u32 s9, $0x1;
	s15 =	ssub.s32 s10, s14;
	s7 =	sadd.s32 s7, s1  }
0x8: {  	_ =	strace $0x8000004A;
	s31 =	smax.u32 s15, $0x1;
	[dreg:$0x4] =	wrdreg s7  }
0x9: {  	s3 =	sor.u32 s3, s9;
	s16 =	sadd.s32 $0x4000, s7;
	[dreg:$0x14] =	wrdreg s31  }
0xa: {  	s3 =	smul.u32 $0x2800, s3;
	s17 =	sadd.s32 $0x8000, s7;
	[dreg:$0x5] =	wrdreg s16  }
0xb: {  	s8 =	sadd.s32 $0x2AC00, s0;
	s18 =	sadd.s32 $0xC000, s7;
	[dreg:$0x6] =	wrdreg s17  }
0xc: {  	s3 =	sshrl.u32 s3, $0x3;
	s7 =	sadd.s32 $0x10000, s7;
	[dreg:$0x7] =	wrdreg s18  }
0xd: {  	s30 =	simm.s32 $0x2;
	s19 =	sadd.s32 s8, s3;
	[dreg:$0x8] =	wrdreg s7  }
0xe: {  	s20 =	sadd.s32 $0x100, s3;
	s21 =	sadd.s32 s2, s3;
	[dreg:$0x9] =	wrdreg s19  }
0xf: {  	s4 =	sadd.s32 $0x2600, s0;
	[dreg:$0xa] =	wrdreg s21;
	s22 =	sadd.s32 s8, s20  }
0x10: {  	s23 =	sadd.s32 $0x200, s3;
	s7 =	sadd.s32 s2, s20;
	[dreg:$0xb] =	wrdreg s22  }
0x11: {  	s5 =	sshrl.u32 s5, $0x3;
	s24 =	sadd.s32 s8, s23;
	[dreg:$0xc] =	wrdreg s7  }
0x12: {  	s25 =	sadd.s32 $0x300, s3;
	s9 =	sadd.s32 s2, s23;
	[dreg:$0xd] =	wrdreg s24  }
0x13: {  	s3 =	sadd.s32 $0x400, s3;
	s26 =	sadd.s32 s8, s25;
	[dreg:$0xe] =	wrdreg s9  }
0x14: {  	s0 =	sadd.s32 s5, s0;
	s29 =	sadd.s32 s8, s3;
	[dreg:$0xf] =	wrdreg s26  }
0x15: {  	s10 =	simm.s32 $0x0;
	s0 =	sadd.s32 $0x34C00, s0;
	[dreg:$0x11] =	wrdreg s29  }
0x16: {  	s23 =	simm.s32 $0x3;
	s7 =	sadd.s32 s2, s25;
	[dreg:$0x13] =	wrdreg s0  }
0x17: {  	s2 =	sadd.s32 s2, s3;
	s22 =	simm.s32 $0x1000;
	[dreg:$0x10] =	wrdreg s7  }
0x18: {  	v0 =	vimm.f32 $0.0e+00;
	s25 =	simm.s32 $0x80;
	s26 =	simm.s32 $0x5000;
	[dreg:$0x12] =	wrdreg s2  }
.LBB2_1:
0x19: {  	s11 =	simm.s32 $0x0;
	s12 =	simm.s32 $0x200  }
.LBB2_2:
0x1a: {  	p0 =	sne.s32 s12, $0xFE00;
	[tilespmem:s11+$0x1070] =	vst v0  }
0x1b: {  	[tilespmem:s11+$0x1000] =	vst v0  }
0x1c: {  	[tilespmem:s11+$0x1010] =	vst v0  }
.Ltmp0:
0x1d: {  	[tilespmem:s11+$0x1020] =	vst v0;
	(pc) =	sbr.rel @p0 .LBB2_2-.Ltmp0, $4  }
0x1e: {  	[tilespmem:s11+$0x1030] =	vst v0  }
0x1f: {  	[tilespmem:s11+$0x1040] =	vst v0  }
0x20: {  	[tilespmem:s11+$0x1050] =	vst v0  }
0x21: {  	[tilespmem:s11+$0x1060] =	vst v0;
	s11 =	sshra.s32 s12, $0x2;
	s12 =	sadd.s32 $0x200, s12  }
0x22: {  	[tilespmem:s11+$0x1070] =	vst v0  }
0x23: {  	[tilespmem:s11+$0x1000] =	vst v0  }
0x24: {  	[tilespmem:s11+$0x1010] =	vst v0  }
0x25: {  	[tilespmem:s11+$0x1020] =	vst v0  }
0x26: {  	[tilespmem:s11+$0x1030] =	vst v0  }
0x27: {  	[tilespmem:s11+$0x1040] =	vst v0  }
0x28: {  	[tilespmem:s11+$0x1050] =	vst v0  }
0x29: {  	[tilespmem:s11+$0x1060] =	vst v0;
	s0 =	rddreg [dreg:$0x4]  }
0x2a: {  	[spmem:s0] =	stream.linear.scatter [tilespmem:s22], [sflag:$0x3], $0x4000, $0x38;
	[tilespmem:$0x1D000] =	vst v63  }
0x2b: {  	_ =	swait.ge [sflag:s23], $0x4000  }
0x2c: {  	[sflag:s23] =	ssyncset.done $0x0  }
0x2d: {  	s15 =	rddreg [dreg:$0x5];
	[sflag:s23] =	ssyncadd.s32 $0xFFFFC000  }
0x2e: {  	[spmem:s15] =	stream.linear.scatter [tilespmem:s22], [sflag:$0x3], $0x4000, $0x38;
	[tilespmem:$0x1D000] =	vst v63  }
0x2f: {  	_ =	swait.ge [sflag:s23], $0x4000  }
0x30: {  	[sflag:s23] =	ssyncset.done $0x0  }
0x31: {  	s16 =	rddreg [dreg:$0x6];
	[sflag:s23] =	ssyncadd.s32 $0xFFFFC000  }
0x32: {  	[spmem:s16] =	stream.linear.scatter [tilespmem:s22], [sflag:$0x3], $0x4000, $0x38;
	[tilespmem:$0x1D000] =	vst v63  }
0x33: {  	_ =	swait.ge [sflag:s23], $0x4000  }
0x34: {  	[sflag:s23] =	ssyncset.done $0x0  }
0x35: {  	s17 =	rddreg [dreg:$0x7];
	[sflag:s23] =	ssyncadd.s32 $0xFFFFC000  }
0x36: {  	[spmem:s17] =	stream.linear.scatter [tilespmem:s22], [sflag:$0x3], $0x4000, $0x38;
	[tilespmem:$0x1D000] =	vst v63  }
0x37: {  	_ =	swait.ge [sflag:s23], $0x4000  }
0x38: {  	[sflag:s23] =	ssyncset.done $0x0  }
0x39: {  	s18 =	rddreg [dreg:$0x8];
	[sflag:s23] =	ssyncadd.s32 $0xFFFFC000  }
0x3a: {  	[spmem:s18] =	stream.linear.scatter [tilespmem:s22], [sflag:$0x3], $0x4000, $0x38;
	[tilespmem:$0x1D000] =	vst v63  }
0x3b: {  	_ =	swait.ge [sflag:s23], $0x4000  }
0x3c: {  	[sflag:s23] =	ssyncset.done $0x0  }
0x3d: {  	[sflag:s23] =	ssyncadd.s32 $0xFFFFC000  }
0x3e: {  	[bflag:$0x0] =	sbarrier.arrive $0xFFFF  }
0x3f: {  	s19 =	rddreg [dreg:$0x9]  }
0x40: {  	[tilespmem:s6], [sflag:$0x3] =	stream.linear.gather [hbm4b:s19+s6], $0x800, $0x38;
	[tilespmem:$0x1D000] =	vst v63  }
0x41: {  	_ =	swait.ge [sflag:s23], $0x800  }
0x42: {  	[sflag:s23] =	ssyncset.done $0x0  }
0x43: {  	s2 =	simm.s32 $0x800;
	s20 =	rddreg [dreg:$0xa];
	[sflag:s23] =	ssyncadd.s32 $0xFFFFF800  }
0x44: {  	[tilespmem:s2], [sflag:$0x3] =	stream.linear.gather [hbm4b:s20+s6], $0x800, $0x38;
	[tilespmem:$0x1D000] =	vst v63  }
0x45: {  	_ =	swait.ge [sflag:s23], $0x800  }
0x46: {  	[sflag:s23] =	ssyncset.done $0x0  }
0x47: {  	[sflag:s23] =	ssyncadd.s32 $0xFFFFF800  }
0x48: {  	[tilespmem:s22], [sflag:$0x1] =	stream.indirect.gather [hbm4b:s4+s25], $0x80, s6, s25, $0xb8;
	[tilespmem:$0x1D000] =	vst v63  }
0x49: {  	_ = 	snop  }
0x4a: {  	[tilespmem:s26], [sflag:$0x2] =	stream.indirect.gather [hbm4b:s4+s25], $0x80, s25, s25, $0xb8;
	[tilespmem:$0x1D000] =	vst v63  }
0x4b: {  	_ =	swait.ge [sflag:s28], $0x4000  }
0x4c: {  	[sflag:s28] =	ssyncset.done $0x0  }
0x4d: {  	[sflag:s28] =	ssyncadd.s32 $0xFFFFC000  }
0x4e: {  	[spmem:s1] =	stream.indirect.scatter.add.f32 [tilespmem:s22], [sflag:$0x3], $0x80, s2, s25, $0xb8;
	[tilespmem:$0x1D000] =	vst v63  }
0x4f: {  	_ =	swait.ge [sflag:s23], $0x4000  }
0x50: {  	[sflag:s23] =	ssyncset.done $0x0  }
0x51: {  	s21 =	simm.s32 $0x100;
	[sflag:s23] =	ssyncadd.s32 $0xFFFFC000  }
0x52: {  	[tilespmem:s22], [sflag:$0x1] =	stream.indirect.gather [hbm4b:s4+s25], $0x80, s21, s25, $0xb8;
	[tilespmem:$0x1D000] =	vst v63  }
0x53: {  	_ =	swait.ge [sflag:s30], $0x4000  }
0x54: {  	[sflag:s30] =	ssyncset.done $0x0  }
0x55: {  	s24 =	simm.s32 $0x880;
	[sflag:s30] =	ssyncadd.s32 $0xFFFFC000  }
0x56: {  	[spmem:s1] =	stream.indirect.scatter.add.f32 [tilespmem:s26], [sflag:$0x3], $0x80, s24, s25, $0xb8;
	[tilespmem:$0x1D000] =	vst v63  }
0x57: {  	_ =	swait.ge [sflag:s23], $0x4000  }
0x58: {  	[sflag:s23] =	ssyncset.done $0x0  }
0x59: {  	s29 =	simm.s32 $0x180;
	[sflag:s23] =	ssyncadd.s32 $0xFFFFC000  }
0x5a: {  	[tilespmem:s26], [sflag:$0x2] =	stream.indirect.gather [hbm4b:s4+s25], $0x80, s29, s25, $0xb8;
	[tilespmem:$0x1D000] =	vst v63  }
0x5b: {  	_ =	swait.ge [sflag:s28], $0x4000  }
0x5c: {  	[sflag:s28] =	ssyncset.done $0x0  }
0x5d: {  	s31 =	simm.s32 $0x900;
	[sflag:s28] =	ssyncadd.s32 $0xFFFFC000  }
0x5e: {  	[spmem:s1] =	stream.indirect.scatter.add.f32 [tilespmem:s22], [sflag:$0x3], $0x80, s31, s25, $0xb8;
	[tilespmem:$0x1D000] =	vst v63  }
0x5f: {  	_ =	swait.ge [sflag:s23], $0x4000  }
0x60: {  	[sflag:s23] =	ssyncset.done $0x0  }
0x61: {  	s3 =	simm.s32 $0x200;
	[sflag:s23] =	ssyncadd.s32 $0xFFFFC000  }
0x62: {  	[tilespmem:s22], [sflag:$0x1] =	stream.indirect.gather [hbm4b:s4+s25], $0x80, s3, s25, $0xb8;
	[tilespmem:$0x1D000] =	vst v63  }
0x63: {  	_ =	swait.ge [sflag:s30], $0x4000  }
0x64: {  	[sflag:s30] =	ssyncset.done $0x0  }
0x65: {  	s5 =	simm.s32 $0x980;
	[sflag:s30] =	ssyncadd.s32 $0xFFFFC000  }
0x66: {  	[spmem:s1] =	stream.indirect.scatter.add.f32 [tilespmem:s26], [sflag:$0x3], $0x80, s5, s25, $0xb8;
	[tilespmem:$0x1D000] =	vst v63  }
0x67: {  	_ =	swait.ge [sflag:s23], $0x4000  }
0x68: {  	[sflag:s23] =	ssyncset.done $0x0  }
0x69: {  	s7 =	simm.s32 $0x280;
	[sflag:s23] =	ssyncadd.s32 $0xFFFFC000  }
0x6a: {  	[tilespmem:s26], [sflag:$0x2] =	stream.indirect.gather [hbm4b:s4+s25], $0x80, s7, s25, $0xb8;
	[tilespmem:$0x1D000] =	vst v63  }
0x6b: {  	_ =	swait.ge [sflag:s28], $0x4000  }
0x6c: {  	[sflag:s28] =	ssyncset.done $0x0  }
0x6d: {  	s8 =	simm.s32 $0xA00;
	[sflag:s28] =	ssyncadd.s32 $0xFFFFC000  }
0x6e: {  	[spmem:s1] =	stream.indirect.scatter.add.f32 [tilespmem:s22], [sflag:$0x3], $0x80, s8, s25, $0xb8;
	[tilespmem:$0x1D000] =	vst v63  }
0x6f: {  	_ =	swait.ge [sflag:s23], $0x4000  }
0x70: {  	[sflag:s23] =	ssyncset.done $0x0  }
0x71: {  	s9 =	simm.s32 $0x300;
	[sflag:s23] =	ssyncadd.s32 $0xFFFFC000  }
0x72: {  	[tilespmem:s22], [sflag:$0x1] =	stream.indirect.gather [hbm4b:s4+s25], $0x80, s9, s25, $0xb8;
	[tilespmem:$0x1D000] =	vst v63  }
0x73: {  	_ =	swait.ge [sflag:s30], $0x4000  }
0x74: {  	[sflag:s30] =	ssyncset.done $0x0  }
0x75: {  	s11 =	simm.s32 $0xA80;
	[sflag:s30] =	ssyncadd.s32 $0xFFFFC000  }
0x76: {  	[spmem:s1] =	stream.indirect.scatter.add.f32 [tilespmem:s26], [sflag:$0x3], $0x80, s11, s25, $0xb8;
	[tilespmem:$0x1D000] =	vst v63  }
0x77: {  	_ =	swait.ge [sflag:s23], $0x4000  }
0x78: {  	[sflag:s23] =	ssyncset.done $0x0  }
0x79: {  	s12 =	simm.s32 $0x380;
	[sflag:s23] =	ssyncadd.s32 $0xFFFFC000  }
0x7a: {  	[tilespmem:s26], [sflag:$0x2] =	stream.indirect.gather [hbm4b:s4+s25], $0x80, s12, s25, $0xb8;
	[tilespmem:$0x1D000] =	vst v63  }
0x7b: {  	_ =	swait.ge [sflag:s28], $0x4000  }
0x7c: {  	[sflag:s28] =	ssyncset.done $0x0  }
0x7d: {  	s13 =	simm.s32 $0xB00;
	[sflag:s28] =	ssyncadd.s32 $0xFFFFC000  }
0x7e: {  	[spmem:s1] =	stream.indirect.scatter.add.f32 [tilespmem:s22], [sflag:$0x3], $0x80, s13, s25, $0xb8;
	[tilespmem:$0x1D000] =	vst v63  }
0x7f: {  	_ =	swait.ge [sflag:s23], $0x4000  }
0x80: {  	[sflag:s23] =	ssyncset.done $0x0  }
0x81: {  	s14 =	simm.s32 $0x400;
	[sflag:s23] =	ssyncadd.s32 $0xFFFFC000  }
0x82: {  	[tilespmem:s22], [sflag:$0x1] =	stream.indirect.gather [hbm4b:s4+s25], $0x80, s14, s25, $0xb8;
	[tilespmem:$0x1D000] =	vst v63  }
0x83: {  	_ =	swait.ge [sflag:s30], $0x4000  }
0x84: {  	[sflag:s30] =	ssyncset.done $0x0  }
0x85: {  	s20 =	simm.s32 $0xB80;
	[sflag:s30] =	ssyncadd.s32 $0xFFFFC000  }
0x86: {  	[spmem:s1] =	stream.indirect.scatter.add.f32 [tilespmem:s26], [sflag:$0x3], $0x80, s20, s25, $0xb8;
	[tilespmem:$0x1D000] =	vst v63  }
0x87: {  	_ =	swait.ge [sflag:s23], $0x4000  }
0x88: {  	[sflag:s23] =	ssyncset.done $0x0  }
0x89: {  	s21 =	simm.s32 $0x480;
	[sflag:s23] =	ssyncadd.s32 $0xFFFFC000  }
0x8a: {  	[tilespmem:s26], [sflag:$0x2] =	stream.indirect.gather [hbm4b:s4+s25], $0x80, s21, s25, $0xb8;
	[tilespmem:$0x1D000] =	vst v63  }
0x8b: {  	_ =	swait.ge [sflag:s28], $0x4000  }
0x8c: {  	[sflag:s28] =	ssyncset.done $0x0  }
0x8d: {  	s29 =	simm.s32 $0xC00;
	[sflag:s28] =	ssyncadd.s32 $0xFFFFC000  }
0x8e: {  	[spmem:s1] =	stream.indirect.scatter.add.f32 [tilespmem:s22], [sflag:$0x3], $0x80, s29, s25, $0xb8;
	[tilespmem:$0x1D000] =	vst v63  }
0x8f: {  	_ =	swait.ge [sflag:s23], $0x4000  }
0x90: {  	[sflag:s23] =	ssyncset.done $0x0  }
0x91: {  	s31 =	simm.s32 $0x500;
	[sflag:s23] =	ssyncadd.s32 $0xFFFFC000  }
0x92: {  	[tilespmem:s22], [sflag:$0x1] =	stream.indirect.gather [hbm4b:s4+s25], $0x80, s31, s25, $0xb8;
	[tilespmem:$0x1D000] =	vst v63  }
0x93: {  	_ =	swait.ge [sflag:s30], $0x4000  }
0x94: {  	[sflag:s30] =	ssyncset.done $0x0  }
0x95: {  	s3 =	simm.s32 $0xC80;
	[sflag:s30] =	ssyncadd.s32 $0xFFFFC000  }
0x96: {  	[spmem:s1] =	stream.indirect.scatter.add.f32 [tilespmem:s26], [sflag:$0x3], $0x80, s3, s25, $0xb8;
	[tilespmem:$0x1D000] =	vst v63  }
0x97: {  	_ =	swait.ge [sflag:s23], $0x4000  }
0x98: {  	[sflag:s23] =	ssyncset.done $0x0  }
0x99: {  	s5 =	simm.s32 $0x580;
	[sflag:s23] =	ssyncadd.s32 $0xFFFFC000  }
0x9a: {  	[tilespmem:s26], [sflag:$0x2] =	stream.indirect.gather [hbm4b:s4+s25], $0x80, s5, s25, $0xb8;
	[tilespmem:$0x1D000] =	vst v63  }
0x9b: {  	_ =	swait.ge [sflag:s28], $0x4000  }
0x9c: {  	[sflag:s28] =	ssyncset.done $0x0  }
0x9d: {  	s7 =	simm.s32 $0xD00;
	[sflag:s28] =	ssyncadd.s32 $0xFFFFC000  }
0x9e: {  	[spmem:s1] =	stream.indirect.scatter.add.f32 [tilespmem:s22], [sflag:$0x3], $0x80, s7, s25, $0xb8;
	[tilespmem:$0x1D000] =	vst v63  }
0x9f: {  	_ =	swait.ge [sflag:s23], $0x4000  }
0xa0: {  	[sflag:s23] =	ssyncset.done $0x0  }
0xa1: {  	s8 =	simm.s32 $0x600;
	[sflag:s23] =	ssyncadd.s32 $0xFFFFC000  }
0xa2: {  	[tilespmem:s22], [sflag:$0x1] =	stream.indirect.gather [hbm4b:s4+s25], $0x80, s8, s25, $0xb8;
	[tilespmem:$0x1D000] =	vst v63  }
0xa3: {  	_ =	swait.ge [sflag:s30], $0x4000  }
0xa4: {  	[sflag:s30] =	ssyncset.done $0x0  }
0xa5: {  	s9 =	simm.s32 $0xD80;
	[sflag:s30] =	ssyncadd.s32 $0xFFFFC000  }
0xa6: {  	[spmem:s1] =	stream.indirect.scatter.add.f32 [tilespmem:s26], [sflag:$0x3], $0x80, s9, s25, $0xb8;
	[tilespmem:$0x1D000] =	vst v63  }
0xa7: {  	_ =	swait.ge [sflag:s23], $0x4000  }
0xa8: {  	[sflag:s23] =	ssyncset.done $0x0  }
0xa9: {  	s12 =	simm.s32 $0x680;
	[sflag:s23] =	ssyncadd.s32 $0xFFFFC000  }
0xaa: {  	[tilespmem:s26], [sflag:$0x2] =	stream.indirect.gather [hbm4b:s4+s25], $0x80, s12, s25, $0xb8;
	[tilespmem:$0x1D000] =	vst v63  }
0xab: {  	_ =	swait.ge [sflag:s28], $0x4000  }
0xac: {  	[sflag:s28] =	ssyncset.done $0x0  }
0xad: {  	s13 =	simm.s32 $0xE00;
	[sflag:s28] =	ssyncadd.s32 $0xFFFFC000  }
0xae: {  	[spmem:s1] =	stream.indirect.scatter.add.f32 [tilespmem:s22], [sflag:$0x3], $0x80, s13, s25, $0xb8;
	[tilespmem:$0x1D000] =	vst v63  }
0xaf: {  	_ =	swait.ge [sflag:s23], $0x4000  }
0xb0: {  	[sflag:s23] =	ssyncset.done $0x0  }
0xb1: {  	s14 =	simm.s32 $0x700;
	[sflag:s23] =	ssyncadd.s32 $0xFFFFC000  }
0xb2: {  	[tilespmem:s22], [sflag:$0x1] =	stream.indirect.gather [hbm4b:s4+s25], $0x80, s14, s25, $0xb8;
	[tilespmem:$0x1D000] =	vst v63  }
0xb3: {  	_ =	swait.ge [sflag:s30], $0x4000  }
0xb4: {  	[sflag:s30] =	ssyncset.done $0x0  }
0xb5: {  	s21 =	simm.s32 $0xE80;
	[sflag:s30] =	ssyncadd.s32 $0xFFFFC000  }
0xb6: {  	[spmem:s1] =	stream.indirect.scatter.add.f32 [tilespmem:s26], [sflag:$0x3], $0x80, s21, s25, $0xb8;
	[tilespmem:$0x1D000] =	vst v63  }
0xb7: {  	_ =	swait.ge [sflag:s23], $0x4000  }
0xb8: {  	[sflag:s23] =	ssyncset.done $0x0  }
0xb9: {  	s29 =	simm.s32 $0x780;
	[sflag:s23] =	ssyncadd.s32 $0xFFFFC000  }
0xba: {  	[tilespmem:s26], [sflag:$0x2] =	stream.indirect.gather [hbm4b:s4+s25], $0x80, s29, s25, $0xb8;
	[tilespmem:$0x1D000] =	vst v63  }
0xbb: {  	_ =	swait.ge [sflag:s28], $0x4000  }
0xbc: {  	[sflag:s28] =	ssyncset.done $0x0  }
0xbd: {  	s31 =	simm.s32 $0xF00;
	[sflag:s28] =	ssyncadd.s32 $0xFFFFC000  }
0xbe: {  	[spmem:s1] =	stream.indirect.scatter.add.f32 [tilespmem:s22], [sflag:$0x3], $0x80, s31, s25, $0xb8;
	[tilespmem:$0x1D000] =	vst v63  }
0xbf: {  	_ =	swait.ge [sflag:s23], $0x4000  }
0xc0: {  	[sflag:s23] =	ssyncset.done $0x0  }
0xc1: {  	[sflag:s23] =	ssyncadd.s32 $0xFFFFC000  }
0xc2: {  	_ =	swait.ge [sflag:s30], $0x4000  }
0xc3: {  	[sflag:s30] =	ssyncset.done $0x0  }
0xc4: {  	s0 =	simm.s32 $0xF80;
	[sflag:s30] =	ssyncadd.s32 $0xFFFFC000  }
0xc5: {  	[spmem:s1] =	stream.indirect.scatter.add.f32 [tilespmem:s26], [sflag:$0x3], $0x80, s0, s25, $0xb8;
	[tilespmem:$0x1D000] =	vst v63  }
0xc6: {  	_ =	swait.ge [sflag:s23], $0x4000  }
0xc7: {  	[sflag:s23] =	ssyncset.done $0x0  }
0xc8: {  	s3 =	rddreg [dreg:$0xb];
	[sflag:s23] =	ssyncadd.s32 $0xFFFFC000  }
0xc9: {  	[tilespmem:s6], [sflag:$0x3] =	stream.linear.gather [hbm4b:s3+s6], $0x800, $0x38;
	[tilespmem:$0x1D000] =	vst v63  }
0xca: {  	_ =	swait.ge [sflag:s23], $0x800  }
0xcb: {  	[sflag:s23] =	ssyncset.done $0x0  }
0xcc: {  	s5 =	rddreg [dreg:$0xc];
	[sflag:s23] =	ssyncadd.s32 $0xFFFFF800  }
0xcd: {  	[tilespmem:s2], [sflag:$0x3] =	stream.linear.gather [hbm4b:s5+s6], $0x800, $0x38;
	[tilespmem:$0x1D000] =	vst v63  }
0xce: {  	_ =	swait.ge [sflag:s23], $0x800  }
0xcf: {  	[sflag:s23] =	ssyncset.done $0x0  }
0xd0: {  	[sflag:s23] =	ssyncadd.s32 $0xFFFFF800  }
0xd1: {  	[tilespmem:s22], [sflag:$0x1] =	stream.indirect.gather [hbm4b:s4+s25], $0x80, s6, s25, $0xb8;
	[tilespmem:$0x1D000] =	vst v63  }
0xd2: {  	_ = 	snop  }
0xd3: {  	[tilespmem:s26], [sflag:$0x2] =	stream.indirect.gather [hbm4b:s4+s25], $0x80, s25, s25, $0xb8;
	[tilespmem:$0x1D000] =	vst v63  }
0xd4: {  	_ =	swait.ge [sflag:s28], $0x4000  }
0xd5: {  	[sflag:s28] =	ssyncset.done $0x0  }
0xd6: {  	[sflag:s28] =	ssyncadd.s32 $0xFFFFC000  }
0xd7: {  	[spmem:s1] =	stream.indirect.scatter.add.f32 [tilespmem:s22], [sflag:$0x3], $0x80, s2, s25, $0xb8;
	[tilespmem:$0x1D000] =	vst v63  }
0xd8: {  	_ =	swait.ge [sflag:s23], $0x4000  }
0xd9: {  	[sflag:s23] =	ssyncset.done $0x0  }
0xda: {  	s16 =	simm.s32 $0x100;
	[sflag:s23] =	ssyncadd.s32 $0xFFFFC000  }
0xdb: {  	[tilespmem:s22], [sflag:$0x1] =	stream.indirect.gather [hbm4b:s4+s25], $0x80, s16, s25, $0xb8;
	[tilespmem:$0x1D000] =	vst v63  }
0xdc: {  	_ =	swait.ge [sflag:s30], $0x4000  }
0xdd: {  	[sflag:s30] =	ssyncset.done $0x0  }
0xde: {  	s17 =	simm.s32 $0x880;
	[sflag:s30] =	ssyncadd.s32 $0xFFFFC000  }
0xdf: {  	[spmem:s1] =	stream.indirect.scatter.add.f32 [tilespmem:s26], [sflag:$0x3], $0x80, s17, s25, $0xb8;
	[tilespmem:$0x1D000] =	vst v63  }
0xe0: {  	_ =	swait.ge [sflag:s23], $0x4000  }
0xe1: {  	[sflag:s23] =	ssyncset.done $0x0  }
0xe2: {  	s18 =	simm.s32 $0x180;
	[sflag:s23] =	ssyncadd.s32 $0xFFFFC000  }
0xe3: {  	[tilespmem:s26], [sflag:$0x2] =	stream.indirect.gather [hbm4b:s4+s25], $0x80, s18, s25, $0xb8;
	[tilespmem:$0x1D000] =	vst v63  }
0xe4: {  	_ =	swait.ge [sflag:s28], $0x4000  }
0xe5: {  	[sflag:s28] =	ssyncset.done $0x0  }
0xe6: {  	s19 =	simm.s32 $0x900;
	[sflag:s28] =	ssyncadd.s32 $0xFFFFC000  }
0xe7: {  	[spmem:s1] =	stream.indirect.scatter.add.f32 [tilespmem:s22], [sflag:$0x3], $0x80, s19, s25, $0xb8;
	[tilespmem:$0x1D000] =	vst v63  }
0xe8: {  	_ =	swait.ge [sflag:s23], $0x4000  }
0xe9: {  	[sflag:s23] =	ssyncset.done $0x0  }
0xea: {  	s24 =	simm.s32 $0x200;
	[sflag:s23] =	ssyncadd.s32 $0xFFFFC000  }
0xeb: {  	[tilespmem:s22], [sflag:$0x1] =	stream.indirect.gather [hbm4b:s4+s25], $0x80, s24, s25, $0xb8;
	[tilespmem:$0x1D000] =	vst v63  }
0xec: {  	_ =	swait.ge [sflag:s30], $0x4000  }
0xed: {  	[sflag:s30] =	ssyncset.done $0x0  }
0xee: {  	s21 =	simm.s32 $0x980;
	[sflag:s30] =	ssyncadd.s32 $0xFFFFC000  }
0xef: {  	[spmem:s1] =	stream.indirect.scatter.add.f32 [tilespmem:s26], [sflag:$0x3], $0x80, s21, s25, $0xb8;
	[tilespmem:$0x1D000] =	vst v63  }
0xf0: {  	_ =	swait.ge [sflag:s23], $0x4000  }
0xf1: {  	[sflag:s23] =	ssyncset.done $0x0  }
0xf2: {  	s29 =	simm.s32 $0x280;
	[sflag:s23] =	ssyncadd.s32 $0xFFFFC000  }
0xf3: {  	[tilespmem:s26], [sflag:$0x2] =	stream.indirect.gather [hbm4b:s4+s25], $0x80, s29, s25, $0xb8;
	[tilespmem:$0x1D000] =	vst v63  }
0xf4: {  	_ =	swait.ge [sflag:s28], $0x4000  }
0xf5: {  	[sflag:s28] =	ssyncset.done $0x0  }
0xf6: {  	s31 =	simm.s32 $0xA00;
	[sflag:s28] =	ssyncadd.s32 $0xFFFFC000  }
0xf7: {  	[spmem:s1] =	stream.indirect.scatter.add.f32 [tilespmem:s22], [sflag:$0x3], $0x80, s31, s25, $0xb8;
	[tilespmem:$0x1D000] =	vst v63  }
0xf8: {  	_ =	swait.ge [sflag:s23], $0x4000  }
0xf9: {  	[sflag:s23] =	ssyncset.done $0x0  }
0xfa: {  	s0 =	simm.s32 $0x300;
	[sflag:s23] =	ssyncadd.s32 $0xFFFFC000  }
0xfb: {  	[tilespmem:s22], [sflag:$0x1] =	stream.indirect.gather [hbm4b:s4+s25], $0x80, s0, s25, $0xb8;
	[tilespmem:$0x1D000] =	vst v63  }
0xfc: {  	_ =	swait.ge [sflag:s30], $0x4000  }
0xfd: {  	[sflag:s30] =	ssyncset.done $0x0  }
0xfe: {  	s15 =	simm.s32 $0xA80;
	[sflag:s30] =	ssyncadd.s32 $0xFFFFC000  }
0xff: {  	[spmem:s1] =	stream.indirect.scatter.add.f32 [tilespmem:s26], [sflag:$0x3], $0x80, s15, s25, $0xb8;
	[tilespmem:$0x1D000] =	vst v63  }
0x100: {  	_ =	swait.ge [sflag:s23], $0x4000  }
0x101: {  	[sflag:s23] =	ssyncset.done $0x0  }
0x102: {  	s3 =	simm.s32 $0x380;
	[sflag:s23] =	ssyncadd.s32 $0xFFFFC000  }
0x103: {  	[tilespmem:s26], [sflag:$0x2] =	stream.indirect.gather [hbm4b:s4+s25], $0x80, s3, s25, $0xb8;
	[tilespmem:$0x1D000] =	vst v63  }
0x104: {  	_ =	swait.ge [sflag:s28], $0x4000  }
0x105: {  	[sflag:s28] =	ssyncset.done $0x0  }
0x106: {  	s5 =	simm.s32 $0xB00;
	[sflag:s28] =	ssyncadd.s32 $0xFFFFC000  }
0x107: {  	[spmem:s1] =	stream.indirect.scatter.add.f32 [tilespmem:s22], [sflag:$0x3], $0x80, s5, s25, $0xb8;
	[tilespmem:$0x1D000] =	vst v63  }
0x108: {  	_ =	swait.ge [sflag:s23], $0x4000  }
0x109: {  	[sflag:s23] =	ssyncset.done $0x0  }
0x10a: {  	s24 =	simm.s32 $0x400;
	[sflag:s23] =	ssyncadd.s32 $0xFFFFC000  }
0x10b: {  	[tilespmem:s22], [sflag:$0x1] =	stream.indirect.gather [hbm4b:s4+s25], $0x80, s24, s25, $0xb8;
	[tilespmem:$0x1D000] =	vst v63  }
0x10c: {  	_ =	swait.ge [sflag:s30], $0x4000  }
0x10d: {  	[sflag:s30] =	ssyncset.done $0x0  }
0x10e: {  	s15 =	simm.s32 $0xB80;
	[sflag:s30] =	ssyncadd.s32 $0xFFFFC000  }
0x10f: {  	[spmem:s1] =	stream.indirect.scatter.add.f32 [tilespmem:s26], [sflag:$0x3], $0x80, s15, s25, $0xb8;
	[tilespmem:$0x1D000] =	vst v63  }
0x110: {  	_ =	swait.ge [sflag:s23], $0x4000  }
0x111: {  	[sflag:s23] =	ssyncset.done $0x0  }
0x112: {  	s16 =	simm.s32 $0x480;
	[sflag:s23] =	ssyncadd.s32 $0xFFFFC000  }
0x113: {  	[tilespmem:s26], [sflag:$0x2] =	stream.indirect.gather [hbm4b:s4+s25], $0x80, s16, s25, $0xb8;
	[tilespmem:$0x1D000] =	vst v63  }
0x114: {  	_ =	swait.ge [sflag:s28], $0x4000  }
0x115: {  	[sflag:s28] =	ssyncset.done $0x0  }
0x116: {  	s17 =	simm.s32 $0xC00;
	[sflag:s28] =	ssyncadd.s32 $0xFFFFC000  }
0x117: {  	[spmem:s1] =	stream.indirect.scatter.add.f32 [tilespmem:s22], [sflag:$0x3], $0x80, s17, s25, $0xb8;
	[tilespmem:$0x1D000] =	vst v63  }
0x118: {  	_ =	swait.ge [sflag:s23], $0x4000  }
0x119: {  	[sflag:s23] =	ssyncset.done $0x0  }
0x11a: {  	s18 =	simm.s32 $0x500;
	[sflag:s23] =	ssyncadd.s32 $0xFFFFC000  }
0x11b: {  	[tilespmem:s22], [sflag:$0x1] =	stream.indirect.gather [hbm4b:s4+s25], $0x80, s18, s25, $0xb8;
	[tilespmem:$0x1D000] =	vst v63  }
0x11c: {  	_ =	swait.ge [sflag:s30], $0x4000  }
0x11d: {  	[sflag:s30] =	ssyncset.done $0x0  }
0x11e: {  	s19 =	simm.s32 $0xC80;
	[sflag:s30] =	ssyncadd.s32 $0xFFFFC000  }
0x11f: {  	[spmem:s1] =	stream.indirect.scatter.add.f32 [tilespmem:s26], [sflag:$0x3], $0x80, s19, s25, $0xb8;
	[tilespmem:$0x1D000] =	vst v63  }
0x120: {  	_ =	swait.ge [sflag:s23], $0x4000  }
0x121: {  	[sflag:s23] =	ssyncset.done $0x0  }
0x122: {  	s20 =	simm.s32 $0x580;
	[sflag:s23] =	ssyncadd.s32 $0xFFFFC000  }
0x123: {  	[tilespmem:s26], [sflag:$0x2] =	stream.indirect.gather [hbm4b:s4+s25], $0x80, s20, s25, $0xb8;
	[tilespmem:$0x1D000] =	vst v63  }
0x124: {  	_ =	swait.ge [sflag:s28], $0x4000  }
0x125: {  	[sflag:s28] =	ssyncset.done $0x0  }
0x126: {  	s20 =	simm.s32 $0xD00;
	[sflag:s28] =	ssyncadd.s32 $0xFFFFC000  }
0x127: {  	[spmem:s1] =	stream.indirect.scatter.add.f32 [tilespmem:s22], [sflag:$0x3], $0x80, s20, s25, $0xb8;
	[tilespmem:$0x1D000] =	vst v63  }
0x128: {  	_ =	swait.ge [sflag:s23], $0x4000  }
0x129: {  	[sflag:s23] =	ssyncset.done $0x0  }
0x12a: {  	s11 =	simm.s32 $0x600;
	[sflag:s23] =	ssyncadd.s32 $0xFFFFC000  }
0x12b: {  	[tilespmem:s22], [sflag:$0x1] =	stream.indirect.gather [hbm4b:s4+s25], $0x80, s11, s25, $0xb8;
	[tilespmem:$0x1D000] =	vst v63  }
0x12c: {  	_ =	swait.ge [sflag:s30], $0x4000  }
0x12d: {  	[sflag:s30] =	ssyncset.done $0x0  }
0x12e: {  	s11 =	simm.s32 $0xD80;
	[sflag:s30] =	ssyncadd.s32 $0xFFFFC000  }
0x12f: {  	[spmem:s1] =	stream.indirect.scatter.add.f32 [tilespmem:s26], [sflag:$0x3], $0x80, s11, s25, $0xb8;
	[tilespmem:$0x1D000] =	vst v63  }
0x130: {  	_ =	swait.ge [sflag:s23], $0x4000  }
0x131: {  	[sflag:s23] =	ssyncset.done $0x0  }
0x132: {  	s11 =	simm.s32 $0x680;
	[sflag:s23] =	ssyncadd.s32 $0xFFFFC000  }
0x133: {  	[tilespmem:s26], [sflag:$0x2] =	stream.indirect.gather [hbm4b:s4+s25], $0x80, s11, s25, $0xb8;
	[tilespmem:$0x1D000] =	vst v63  }
0x134: {  	_ =	swait.ge [sflag:s28], $0x4000  }
0x135: {  	[sflag:s28] =	ssyncset.done $0x0  }
0x136: {  	s7 =	simm.s32 $0xE00;
	[sflag:s28] =	ssyncadd.s32 $0xFFFFC000  }
0x137: {  	[spmem:s1] =	stream.indirect.scatter.add.f32 [tilespmem:s22], [sflag:$0x3], $0x80, s7, s25, $0xb8;
	[tilespmem:$0x1D000] =	vst v63  }
0x138: {  	_ =	swait.ge [sflag:s23], $0x4000  }
0x139: {  	[sflag:s23] =	ssyncset.done $0x0  }
0x13a: {  	s8 =	simm.s32 $0x700;
	[sflag:s23] =	ssyncadd.s32 $0xFFFFC000  }
0x13b: {  	[tilespmem:s22], [sflag:$0x1] =	stream.indirect.gather [hbm4b:s4+s25], $0x80, s8, s25, $0xb8;
	[tilespmem:$0x1D000] =	vst v63  }
0x13c: {  	_ =	swait.ge [sflag:s30], $0x4000  }
0x13d: {  	[sflag:s30] =	ssyncset.done $0x0  }
0x13e: {  	s9 =	simm.s32 $0xE80;
	[sflag:s30] =	ssyncadd.s32 $0xFFFFC000  }
0x13f: {  	[spmem:s1] =	stream.indirect.scatter.add.f32 [tilespmem:s26], [sflag:$0x3], $0x80, s9, s25, $0xb8;
	[tilespmem:$0x1D000] =	vst v63  }
0x140: {  	_ =	swait.ge [sflag:s23], $0x4000  }
0x141: {  	[sflag:s23] =	ssyncset.done $0x0  }
0x142: {  	s12 =	simm.s32 $0x780;
	[sflag:s23] =	ssyncadd.s32 $0xFFFFC000  }
0x143: {  	[tilespmem:s26], [sflag:$0x2] =	stream.indirect.gather [hbm4b:s4+s25], $0x80, s12, s25, $0xb8;
	[tilespmem:$0x1D000] =	vst v63  }
0x144: {  	_ =	swait.ge [sflag:s28], $0x4000  }
0x145: {  	[sflag:s28] =	ssyncset.done $0x0  }
0x146: {  	s13 =	simm.s32 $0xF00;
	[sflag:s28] =	ssyncadd.s32 $0xFFFFC000  }
0x147: {  	[spmem:s1] =	stream.indirect.scatter.add.f32 [tilespmem:s22], [sflag:$0x3], $0x80, s13, s25, $0xb8;
	[tilespmem:$0x1D000] =	vst v63  }
0x148: {  	_ =	swait.ge [sflag:s23], $0x4000  }
0x149: {  	[sflag:s23] =	ssyncset.done $0x0  }
0x14a: {  	[sflag:s23] =	ssyncadd.s32 $0xFFFFC000  }
0x14b: {  	_ =	swait.ge [sflag:s30], $0x4000  }
0x14c: {  	[sflag:s30] =	ssyncset.done $0x0  }
0x14d: {  	s14 =	simm.s32 $0xF80;
	[sflag:s30] =	ssyncadd.s32 $0xFFFFC000  }
0x14e: {  	[spmem:s1] =	stream.indirect.scatter.add.f32 [tilespmem:s26], [sflag:$0x3], $0x80, s14, s25, $0xb8;
	[tilespmem:$0x1D000] =	vst v63  }
0x14f: {  	_ =	swait.ge [sflag:s23], $0x4000  }
0x150: {  	[sflag:s23] =	ssyncset.done $0x0  }
0x151: {  	s11 =	rddreg [dreg:$0xd];
	[sflag:s23] =	ssyncadd.s32 $0xFFFFC000  }
0x152: {  	[tilespmem:s6], [sflag:$0x3] =	stream.linear.gather [hbm4b:s11+s6], $0x800, $0x38;
	[tilespmem:$0x1D000] =	vst v63  }
0x153: {  	_ =	swait.ge [sflag:s23], $0x800  }
0x154: {  	[sflag:s23] =	ssyncset.done $0x0  }
0x155: {  	s11 =	rddreg [dreg:$0xe];
	[sflag:s23] =	ssyncadd.s32 $0xFFFFF800  }
0x156: {  	[tilespmem:s2], [sflag:$0x3] =	stream.linear.gather [hbm4b:s11+s6], $0x800, $0x38;
	[tilespmem:$0x1D000] =	vst v63  }
0x157: {  	_ =	swait.ge [sflag:s23], $0x800  }
0x158: {  	[sflag:s23] =	ssyncset.done $0x0  }
0x159: {  	[sflag:s23] =	ssyncadd.s32 $0xFFFFF800  }
0x15a: {  	[tilespmem:s22], [sflag:$0x1] =	stream.indirect.gather [hbm4b:s4+s25], $0x80, s6, s25, $0xb8;
	[tilespmem:$0x1D000] =	vst v63  }
0x15b: {  	_ = 	snop  }
0x15c: {  	[tilespmem:s26], [sflag:$0x2] =	stream.indirect.gather [hbm4b:s4+s25], $0x80, s25, s25, $0xb8;
	[tilespmem:$0x1D000] =	vst v63  }
0x15d: {  	_ =	swait.ge [sflag:s28], $0x4000  }
0x15e: {  	[sflag:s28] =	ssyncset.done $0x0  }
0x15f: {  	[sflag:s28] =	ssyncadd.s32 $0xFFFFC000  }
0x160: {  	[spmem:s1] =	stream.indirect.scatter.add.f32 [tilespmem:s22], [sflag:$0x3], $0x80, s2, s25, $0xb8;
	[tilespmem:$0x1D000] =	vst v63  }
0x161: {  	_ =	swait.ge [sflag:s23], $0x4000  }
0x162: {  	[sflag:s23] =	ssyncset.done $0x0  }
0x163: {  	s11 =	simm.s32 $0x100;
	[sflag:s23] =	ssyncadd.s32 $0xFFFFC000  }
0x164: {  	[tilespmem:s22], [sflag:$0x1] =	stream.indirect.gather [hbm4b:s4+s25], $0x80, s11, s25, $0xb8;
	[tilespmem:$0x1D000] =	vst v63  }
0x165: {  	_ =	swait.ge [sflag:s30], $0x4000  }
0x166: {  	[sflag:s30] =	ssyncset.done $0x0  }
0x167: {  	s11 =	simm.s32 $0x880;
	[sflag:s30] =	ssyncadd.s32 $0xFFFFC000  }
0x168: {  	[spmem:s1] =	stream.indirect.scatter.add.f32 [tilespmem:s26], [sflag:$0x3], $0x80, s11, s25, $0xb8;
	[tilespmem:$0x1D000] =	vst v63  }
0x169: {  	_ =	swait.ge [sflag:s23], $0x4000  }
0x16a: {  	[sflag:s23] =	ssyncset.done $0x0  }
0x16b: {  	s11 =	simm.s32 $0x180;
	[sflag:s23] =	ssyncadd.s32 $0xFFFFC000  }
0x16c: {  	[tilespmem:s26], [sflag:$0x2] =	stream.indirect.gather [hbm4b:s4+s25], $0x80, s11, s25, $0xb8;
	[tilespmem:$0x1D000] =	vst v63  }
0x16d: {  	_ =	swait.ge [sflag:s28], $0x4000  }
0x16e: {  	[sflag:s28] =	ssyncset.done $0x0  }
0x16f: {  	s11 =	simm.s32 $0x900;
	[sflag:s28] =	ssyncadd.s32 $0xFFFFC000  }
0x170: {  	[spmem:s1] =	stream.indirect.scatter.add.f32 [tilespmem:s22], [sflag:$0x3], $0x80, s11, s25, $0xb8;
	[tilespmem:$0x1D000] =	vst v63  }
0x171: {  	_ =	swait.ge [sflag:s23], $0x4000  }
0x172: {  	[sflag:s23] =	ssyncset.done $0x0  }
0x173: {  	s11 =	simm.s32 $0x200;
	[sflag:s23] =	ssyncadd.s32 $0xFFFFC000  }
0x174: {  	[tilespmem:s22], [sflag:$0x1] =	stream.indirect.gather [hbm4b:s4+s25], $0x80, s11, s25, $0xb8;
	[tilespmem:$0x1D000] =	vst v63  }
0x175: {  	_ =	swait.ge [sflag:s30], $0x4000  }
0x176: {  	[sflag:s30] =	ssyncset.done $0x0  }
0x177: {  	[sflag:s30] =	ssyncadd.s32 $0xFFFFC000  }
0x178: {  	[spmem:s1] =	stream.indirect.scatter.add.f32 [tilespmem:s26], [sflag:$0x3], $0x80, s21, s25, $0xb8;
	[tilespmem:$0x1D000] =	vst v63  }
0x179: {  	_ =	swait.ge [sflag:s23], $0x4000  }
0x17a: {  	[sflag:s23] =	ssyncset.done $0x0  }
0x17b: {  	[sflag:s23] =	ssyncadd.s32 $0xFFFFC000  }
0x17c: {  	[tilespmem:s26], [sflag:$0x2] =	stream.indirect.gather [hbm4b:s4+s25], $0x80, s29, s25, $0xb8;
	[tilespmem:$0x1D000] =	vst v63  }
0x17d: {  	_ =	swait.ge [sflag:s28], $0x4000  }
0x17e: {  	[sflag:s28] =	ssyncset.done $0x0  }
0x17f: {  	[sflag:s28] =	ssyncadd.s32 $0xFFFFC000  }
0x180: {  	[spmem:s1] =	stream.indirect.scatter.add.f32 [tilespmem:s22], [sflag:$0x3], $0x80, s31, s25, $0xb8;
	[tilespmem:$0x1D000] =	vst v63  }
0x181: {  	_ =	swait.ge [sflag:s23], $0x4000  }
0x182: {  	[sflag:s23] =	ssyncset.done $0x0  }
0x183: {  	[sflag:s23] =	ssyncadd.s32 $0xFFFFC000  }
0x184: {  	[tilespmem:s22], [sflag:$0x1] =	stream.indirect.gather [hbm4b:s4+s25], $0x80, s0, s25, $0xb8;
	[tilespmem:$0x1D000] =	vst v63  }
0x185: {  	_ =	swait.ge [sflag:s30], $0x4000  }
0x186: {  	[sflag:s30] =	ssyncset.done $0x0  }
0x187: {  	s11 =	simm.s32 $0xA80;
	[sflag:s30] =	ssyncadd.s32 $0xFFFFC000  }
0x188: {  	[spmem:s1] =	stream.indirect.scatter.add.f32 [tilespmem:s26], [sflag:$0x3], $0x80, s11, s25, $0xb8;
	[tilespmem:$0x1D000] =	vst v63  }
0x189: {  	_ =	swait.ge [sflag:s23], $0x4000  }
0x18a: {  	[sflag:s23] =	ssyncset.done $0x0  }
0x18b: {  	[sflag:s23] =	ssyncadd.s32 $0xFFFFC000  }
0x18c: {  	[tilespmem:s26], [sflag:$0x2] =	stream.indirect.gather [hbm4b:s4+s25], $0x80, s3, s25, $0xb8;
	[tilespmem:$0x1D000] =	vst v63  }
0x18d: {  	_ =	swait.ge [sflag:s28], $0x4000  }
0x18e: {  	[sflag:s28] =	ssyncset.done $0x0  }
0x18f: {  	[sflag:s28] =	ssyncadd.s32 $0xFFFFC000  }
0x190: {  	[spmem:s1] =	stream.indirect.scatter.add.f32 [tilespmem:s22], [sflag:$0x3], $0x80, s5, s25, $0xb8;
	[tilespmem:$0x1D000] =	vst v63  }
0x191: {  	_ =	swait.ge [sflag:s23], $0x4000  }
0x192: {  	[sflag:s23] =	ssyncset.done $0x0  }
0x193: {  	[sflag:s23] =	ssyncadd.s32 $0xFFFFC000  }
0x194: {  	[tilespmem:s22], [sflag:$0x1] =	stream.indirect.gather [hbm4b:s4+s25], $0x80, s24, s25, $0xb8;
	[tilespmem:$0x1D000] =	vst v63  }
0x195: {  	_ =	swait.ge [sflag:s30], $0x4000  }
0x196: {  	[sflag:s30] =	ssyncset.done $0x0  }
0x197: {  	[sflag:s30] =	ssyncadd.s32 $0xFFFFC000  }
0x198: {  	[spmem:s1] =	stream.indirect.scatter.add.f32 [tilespmem:s26], [sflag:$0x3], $0x80, s15, s25, $0xb8;
	[tilespmem:$0x1D000] =	vst v63  }
0x199: {  	_ =	swait.ge [sflag:s23], $0x4000  }
0x19a: {  	[sflag:s23] =	ssyncset.done $0x0  }
0x19b: {  	[sflag:s23] =	ssyncadd.s32 $0xFFFFC000  }
0x19c: {  	[tilespmem:s26], [sflag:$0x2] =	stream.indirect.gather [hbm4b:s4+s25], $0x80, s16, s25, $0xb8;
	[tilespmem:$0x1D000] =	vst v63  }
0x19d: {  	_ =	swait.ge [sflag:s28], $0x4000  }
0x19e: {  	[sflag:s28] =	ssyncset.done $0x0  }
0x19f: {  	[sflag:s28] =	ssyncadd.s32 $0xFFFFC000  }
0x1a0: {  	[spmem:s1] =	stream.indirect.scatter.add.f32 [tilespmem:s22], [sflag:$0x3], $0x80, s17, s25, $0xb8;
	[tilespmem:$0x1D000] =	vst v63  }
0x1a1: {  	_ =	swait.ge [sflag:s23], $0x4000  }
0x1a2: {  	[sflag:s23] =	ssyncset.done $0x0  }
0x1a3: {  	[sflag:s23] =	ssyncadd.s32 $0xFFFFC000  }
0x1a4: {  	[tilespmem:s22], [sflag:$0x1] =	stream.indirect.gather [hbm4b:s4+s25], $0x80, s18, s25, $0xb8;
	[tilespmem:$0x1D000] =	vst v63  }
0x1a5: {  	_ =	swait.ge [sflag:s30], $0x4000  }
0x1a6: {  	[sflag:s30] =	ssyncset.done $0x0  }
0x1a7: {  	[sflag:s30] =	ssyncadd.s32 $0xFFFFC000  }
0x1a8: {  	[spmem:s1] =	stream.indirect.scatter.add.f32 [tilespmem:s26], [sflag:$0x3], $0x80, s19, s25, $0xb8;
	[tilespmem:$0x1D000] =	vst v63  }
0x1a9: {  	_ =	swait.ge [sflag:s23], $0x4000  }
0x1aa: {  	[sflag:s23] =	ssyncset.done $0x0  }
0x1ab: {  	s15 =	simm.s32 $0x580;
	[sflag:s23] =	ssyncadd.s32 $0xFFFFC000  }
0x1ac: {  	[tilespmem:s26], [sflag:$0x2] =	stream.indirect.gather [hbm4b:s4+s25], $0x80, s15, s25, $0xb8;
	[tilespmem:$0x1D000] =	vst v63  }
0x1ad: {  	_ =	swait.ge [sflag:s28], $0x4000  }
0x1ae: {  	[sflag:s28] =	ssyncset.done $0x0  }
0x1af: {  	s20 =	simm.s32 $0xD00;
	[sflag:s28] =	ssyncadd.s32 $0xFFFFC000  }
0x1b0: {  	[spmem:s1] =	stream.indirect.scatter.add.f32 [tilespmem:s22], [sflag:$0x3], $0x80, s20, s25, $0xb8;
	[tilespmem:$0x1D000] =	vst v63  }
0x1b1: {  	_ =	swait.ge [sflag:s23], $0x4000  }
0x1b2: {  	[sflag:s23] =	ssyncset.done $0x0  }
0x1b3: {  	s20 =	simm.s32 $0x600;
	[sflag:s23] =	ssyncadd.s32 $0xFFFFC000  }
0x1b4: {  	[tilespmem:s22], [sflag:$0x1] =	stream.indirect.gather [hbm4b:s4+s25], $0x80, s20, s25, $0xb8;
	[tilespmem:$0x1D000] =	vst v63  }
0x1b5: {  	_ =	swait.ge [sflag:s30], $0x4000  }
0x1b6: {  	[sflag:s30] =	ssyncset.done $0x0  }
0x1b7: {  	s24 =	simm.s32 $0xD80;
	[sflag:s30] =	ssyncadd.s32 $0xFFFFC000  }
0x1b8: {  	[spmem:s1] =	stream.indirect.scatter.add.f32 [tilespmem:s26], [sflag:$0x3], $0x80, s24, s25, $0xb8;
	[tilespmem:$0x1D000] =	vst v63  }
0x1b9: {  	_ =	swait.ge [sflag:s23], $0x4000  }
0x1ba: {  	[sflag:s23] =	ssyncset.done $0x0  }
0x1bb: {  	s5 =	simm.s32 $0x680;
	[sflag:s23] =	ssyncadd.s32 $0xFFFFC000  }
0x1bc: {  	[tilespmem:s26], [sflag:$0x2] =	stream.indirect.gather [hbm4b:s4+s25], $0x80, s5, s25, $0xb8;
	[tilespmem:$0x1D000] =	vst v63  }
0x1bd: {  	_ =	swait.ge [sflag:s28], $0x4000  }
0x1be: {  	[sflag:s28] =	ssyncset.done $0x0  }
0x1bf: {  	s7 =	simm.s32 $0xE00;
	[sflag:s28] =	ssyncadd.s32 $0xFFFFC000  }
0x1c0: {  	[spmem:s1] =	stream.indirect.scatter.add.f32 [tilespmem:s22], [sflag:$0x3], $0x80, s7, s25, $0xb8;
	[tilespmem:$0x1D000] =	vst v63  }
0x1c1: {  	_ =	swait.ge [sflag:s23], $0x4000  }
0x1c2: {  	[sflag:s23] =	ssyncset.done $0x0  }
0x1c3: {  	s8 =	simm.s32 $0x700;
	[sflag:s23] =	ssyncadd.s32 $0xFFFFC000  }
0x1c4: {  	[tilespmem:s22], [sflag:$0x1] =	stream.indirect.gather [hbm4b:s4+s25], $0x80, s8, s25, $0xb8;
	[tilespmem:$0x1D000] =	vst v63  }
0x1c5: {  	_ =	swait.ge [sflag:s30], $0x4000  }
0x1c6: {  	[sflag:s30] =	ssyncset.done $0x0  }
0x1c7: {  	s9 =	simm.s32 $0xE80;
	[sflag:s30] =	ssyncadd.s32 $0xFFFFC000  }
0x1c8: {  	[spmem:s1] =	stream.indirect.scatter.add.f32 [tilespmem:s26], [sflag:$0x3], $0x80, s9, s25, $0xb8;
	[tilespmem:$0x1D000] =	vst v63  }
0x1c9: {  	_ =	swait.ge [sflag:s23], $0x4000  }
0x1ca: {  	[sflag:s23] =	ssyncset.done $0x0  }
0x1cb: {  	s12 =	simm.s32 $0x780;
	[sflag:s23] =	ssyncadd.s32 $0xFFFFC000  }
0x1cc: {  	[tilespmem:s26], [sflag:$0x2] =	stream.indirect.gather [hbm4b:s4+s25], $0x80, s12, s25, $0xb8;
	[tilespmem:$0x1D000] =	vst v63  }
0x1cd: {  	_ =	swait.ge [sflag:s28], $0x4000  }
0x1ce: {  	[sflag:s28] =	ssyncset.done $0x0  }
0x1cf: {  	s13 =	simm.s32 $0xF00;
	[sflag:s28] =	ssyncadd.s32 $0xFFFFC000  }
0x1d0: {  	[spmem:s1] =	stream.indirect.scatter.add.f32 [tilespmem:s22], [sflag:$0x3], $0x80, s13, s25, $0xb8;
	[tilespmem:$0x1D000] =	vst v63  }
0x1d1: {  	_ =	swait.ge [sflag:s23], $0x4000  }
0x1d2: {  	[sflag:s23] =	ssyncset.done $0x0  }
0x1d3: {  	[sflag:s23] =	ssyncadd.s32 $0xFFFFC000  }
0x1d4: {  	_ =	swait.ge [sflag:s30], $0x4000  }
0x1d5: {  	[sflag:s30] =	ssyncset.done $0x0  }
0x1d6: {  	s14 =	simm.s32 $0xF80;
	[sflag:s30] =	ssyncadd.s32 $0xFFFFC000  }
0x1d7: {  	[spmem:s1] =	stream.indirect.scatter.add.f32 [tilespmem:s26], [sflag:$0x3], $0x80, s14, s25, $0xb8;
	[tilespmem:$0x1D000] =	vst v63  }
0x1d8: {  	_ =	swait.ge [sflag:s23], $0x4000  }
0x1d9: {  	[sflag:s23] =	ssyncset.done $0x0  }
0x1da: {  	s8 =	rddreg [dreg:$0xf];
	[sflag:s23] =	ssyncadd.s32 $0xFFFFC000  }
0x1db: {  	[tilespmem:s6], [sflag:$0x3] =	stream.linear.gather [hbm4b:s8+s6], $0x800, $0x38;
	[tilespmem:$0x1D000] =	vst v63  }
0x1dc: {  	_ =	swait.ge [sflag:s23], $0x800  }
0x1dd: {  	[sflag:s23] =	ssyncset.done $0x0  }
0x1de: {  	s9 =	rddreg [dreg:$0x10];
	[sflag:s23] =	ssyncadd.s32 $0xFFFFF800  }
0x1df: {  	[tilespmem:s2], [sflag:$0x3] =	stream.linear.gather [hbm4b:s9+s6], $0x800, $0x38;
	[tilespmem:$0x1D000] =	vst v63  }
0x1e0: {  	_ =	swait.ge [sflag:s23], $0x800  }
0x1e1: {  	[sflag:s23] =	ssyncset.done $0x0  }
0x1e2: {  	[sflag:s23] =	ssyncadd.s32 $0xFFFFF800  }
0x1e3: {  	[tilespmem:s22], [sflag:$0x1] =	stream.indirect.gather [hbm4b:s4+s25], $0x80, s6, s25, $0xb8;
	[tilespmem:$0x1D000] =	vst v63  }
0x1e4: {  	_ = 	snop  }
0x1e5: {  	[tilespmem:s26], [sflag:$0x2] =	stream.indirect.gather [hbm4b:s4+s25], $0x80, s25, s25, $0xb8;
	[tilespmem:$0x1D000] =	vst v63  }
0x1e6: {  	_ =	swait.ge [sflag:s28], $0x4000  }
0x1e7: {  	[sflag:s28] =	ssyncset.done $0x0  }
0x1e8: {  	[sflag:s28] =	ssyncadd.s32 $0xFFFFC000  }
0x1e9: {  	[spmem:s1] =	stream.indirect.scatter.add.f32 [tilespmem:s22], [sflag:$0x3], $0x80, s2, s25, $0xb8;
	[tilespmem:$0x1D000] =	vst v63  }
0x1ea: {  	_ =	swait.ge [sflag:s23], $0x4000  }
0x1eb: {  	[sflag:s23] =	ssyncset.done $0x0  }
0x1ec: {  	s12 =	simm.s32 $0x100;
	[sflag:s23] =	ssyncadd.s32 $0xFFFFC000  }
0x1ed: {  	[tilespmem:s22], [sflag:$0x1] =	stream.indirect.gather [hbm4b:s4+s25], $0x80, s12, s25, $0xb8;
	[tilespmem:$0x1D000] =	vst v63  }
0x1ee: {  	_ =	swait.ge [sflag:s30], $0x4000  }
0x1ef: {  	[sflag:s30] =	ssyncset.done $0x0  }
0x1f0: {  	s13 =	simm.s32 $0x880;
	[sflag:s30] =	ssyncadd.s32 $0xFFFFC000  }
0x1f1: {  	[spmem:s1] =	stream.indirect.scatter.add.f32 [tilespmem:s26], [sflag:$0x3], $0x80, s13, s25, $0xb8;
	[tilespmem:$0x1D000] =	vst v63  }
0x1f2: {  	_ =	swait.ge [sflag:s23], $0x4000  }
0x1f3: {  	[sflag:s23] =	ssyncset.done $0x0  }
0x1f4: {  	s14 =	simm.s32 $0x180;
	[sflag:s23] =	ssyncadd.s32 $0xFFFFC000  }
0x1f5: {  	[tilespmem:s26], [sflag:$0x2] =	stream.indirect.gather [hbm4b:s4+s25], $0x80, s14, s25, $0xb8;
	[tilespmem:$0x1D000] =	vst v63  }
0x1f6: {  	_ =	swait.ge [sflag:s28], $0x4000  }
0x1f7: {  	[sflag:s28] =	ssyncset.done $0x0  }
0x1f8: {  	s5 =	simm.s32 $0x900;
	[sflag:s28] =	ssyncadd.s32 $0xFFFFC000  }
0x1f9: {  	[spmem:s1] =	stream.indirect.scatter.add.f32 [tilespmem:s22], [sflag:$0x3], $0x80, s5, s25, $0xb8;
	[tilespmem:$0x1D000] =	vst v63  }
0x1fa: {  	_ =	swait.ge [sflag:s23], $0x4000  }
0x1fb: {  	[sflag:s23] =	ssyncset.done $0x0  }
0x1fc: {  	s7 =	simm.s32 $0x200;
	[sflag:s23] =	ssyncadd.s32 $0xFFFFC000  }
0x1fd: {  	[tilespmem:s22], [sflag:$0x1] =	stream.indirect.gather [hbm4b:s4+s25], $0x80, s7, s25, $0xb8;
	[tilespmem:$0x1D000] =	vst v63  }
0x1fe: {  	_ =	swait.ge [sflag:s30], $0x4000  }
0x1ff: {  	[sflag:s30] =	ssyncset.done $0x0  }
0x200: {  	s21 =	simm.s32 $0x980;
	[sflag:s30] =	ssyncadd.s32 $0xFFFFC000  }
0x201: {  	[spmem:s1] =	stream.indirect.scatter.add.f32 [tilespmem:s26], [sflag:$0x3], $0x80, s21, s25, $0xb8;
	[tilespmem:$0x1D000] =	vst v63  }
0x202: {  	_ =	swait.ge [sflag:s23], $0x4000  }
0x203: {  	[sflag:s23] =	ssyncset.done $0x0  }
0x204: {  	s29 =	simm.s32 $0x280;
	[sflag:s23] =	ssyncadd.s32 $0xFFFFC000  }
0x205: {  	[tilespmem:s26], [sflag:$0x2] =	stream.indirect.gather [hbm4b:s4+s25], $0x80, s29, s25, $0xb8;
	[tilespmem:$0x1D000] =	vst v63  }
0x206: {  	_ =	swait.ge [sflag:s28], $0x4000  }
0x207: {  	[sflag:s28] =	ssyncset.done $0x0  }
0x208: {  	s31 =	simm.s32 $0xA00;
	[sflag:s28] =	ssyncadd.s32 $0xFFFFC000  }
0x209: {  	[spmem:s1] =	stream.indirect.scatter.add.f32 [tilespmem:s22], [sflag:$0x3], $0x80, s31, s25, $0xb8;
	[tilespmem:$0x1D000] =	vst v63  }
0x20a: {  	_ =	swait.ge [sflag:s23], $0x4000  }
0x20b: {  	[sflag:s23] =	ssyncset.done $0x0  }
0x20c: {  	s8 =	simm.s32 $0x300;
	[sflag:s23] =	ssyncadd.s32 $0xFFFFC000  }
0x20d: {  	[tilespmem:s22], [sflag:$0x1] =	stream.indirect.gather [hbm4b:s4+s25], $0x80, s8, s25, $0xb8;
	[tilespmem:$0x1D000] =	vst v63  }
0x20e: {  	_ =	swait.ge [sflag:s30], $0x4000  }
0x20f: {  	[sflag:s30] =	ssyncset.done $0x0  }
0x210: {  	s9 =	simm.s32 $0xA80;
	[sflag:s30] =	ssyncadd.s32 $0xFFFFC000  }
0x211: {  	[spmem:s1] =	stream.indirect.scatter.add.f32 [tilespmem:s26], [sflag:$0x3], $0x80, s9, s25, $0xb8;
	[tilespmem:$0x1D000] =	vst v63  }
0x212: {  	_ =	swait.ge [sflag:s23], $0x4000  }
0x213: {  	[sflag:s23] =	ssyncset.done $0x0  }
0x214: {  	s11 =	simm.s32 $0x380;
	[sflag:s23] =	ssyncadd.s32 $0xFFFFC000  }
0x215: {  	[tilespmem:s26], [sflag:$0x2] =	stream.indirect.gather [hbm4b:s4+s25], $0x80, s11, s25, $0xb8;
	[tilespmem:$0x1D000] =	vst v63  }
0x216: {  	_ =	swait.ge [sflag:s28], $0x4000  }
0x217: {  	[sflag:s28] =	ssyncset.done $0x0  }
0x218: {  	s12 =	simm.s32 $0xB00;
	[sflag:s28] =	ssyncadd.s32 $0xFFFFC000  }
0x219: {  	[spmem:s1] =	stream.indirect.scatter.add.f32 [tilespmem:s22], [sflag:$0x3], $0x80, s12, s25, $0xb8;
	[tilespmem:$0x1D000] =	vst v63  }
0x21a: {  	_ =	swait.ge [sflag:s23], $0x4000  }
0x21b: {  	[sflag:s23] =	ssyncset.done $0x0  }
0x21c: {  	s0 =	simm.s32 $0x400;
	[sflag:s23] =	ssyncadd.s32 $0xFFFFC000  }
0x21d: {  	[tilespmem:s22], [sflag:$0x1] =	stream.indirect.gather [hbm4b:s4+s25], $0x80, s0, s25, $0xb8;
	[tilespmem:$0x1D000] =	vst v63  }
0x21e: {  	_ =	swait.ge [sflag:s30], $0x4000  }
0x21f: {  	[sflag:s30] =	ssyncset.done $0x0  }
0x220: {  	s13 =	simm.s32 $0xB80;
	[sflag:s30] =	ssyncadd.s32 $0xFFFFC000  }
0x221: {  	[spmem:s1] =	stream.indirect.scatter.add.f32 [tilespmem:s26], [sflag:$0x3], $0x80, s13, s25, $0xb8;
	[tilespmem:$0x1D000] =	vst v63  }
0x222: {  	_ =	swait.ge [sflag:s23], $0x4000  }
0x223: {  	[sflag:s23] =	ssyncset.done $0x0  }
0x224: {  	s16 =	simm.s32 $0x480;
	[sflag:s23] =	ssyncadd.s32 $0xFFFFC000  }
0x225: {  	[tilespmem:s26], [sflag:$0x2] =	stream.indirect.gather [hbm4b:s4+s25], $0x80, s16, s25, $0xb8;
	[tilespmem:$0x1D000] =	vst v63  }
0x226: {  	_ =	swait.ge [sflag:s28], $0x4000  }
0x227: {  	[sflag:s28] =	ssyncset.done $0x0  }
0x228: {  	s17 =	simm.s32 $0xC00;
	[sflag:s28] =	ssyncadd.s32 $0xFFFFC000  }
0x229: {  	[spmem:s1] =	stream.indirect.scatter.add.f32 [tilespmem:s22], [sflag:$0x3], $0x80, s17, s25, $0xb8;
	[tilespmem:$0x1D000] =	vst v63  }
0x22a: {  	_ =	swait.ge [sflag:s23], $0x4000  }
0x22b: {  	[sflag:s23] =	ssyncset.done $0x0  }
0x22c: {  	s18 =	simm.s32 $0x500;
	[sflag:s23] =	ssyncadd.s32 $0xFFFFC000  }
0x22d: {  	[tilespmem:s22], [sflag:$0x1] =	stream.indirect.gather [hbm4b:s4+s25], $0x80, s18, s25, $0xb8;
	[tilespmem:$0x1D000] =	vst v63  }
0x22e: {  	_ =	swait.ge [sflag:s30], $0x4000  }
0x22f: {  	[sflag:s30] =	ssyncset.done $0x0  }
0x230: {  	s19 =	simm.s32 $0xC80;
	[sflag:s30] =	ssyncadd.s32 $0xFFFFC000  }
0x231: {  	[spmem:s1] =	stream.indirect.scatter.add.f32 [tilespmem:s26], [sflag:$0x3], $0x80, s19, s25, $0xb8;
	[tilespmem:$0x1D000] =	vst v63  }
0x232: {  	_ =	swait.ge [sflag:s23], $0x4000  }
0x233: {  	[sflag:s23] =	ssyncset.done $0x0  }
0x234: {  	s19 =	simm.s32 $0x580;
	[sflag:s23] =	ssyncadd.s32 $0xFFFFC000  }
0x235: {  	[tilespmem:s26], [sflag:$0x2] =	stream.indirect.gather [hbm4b:s4+s25], $0x80, s19, s25, $0xb8;
	[tilespmem:$0x1D000] =	vst v63  }
0x236: {  	_ =	swait.ge [sflag:s28], $0x4000  }
0x237: {  	[sflag:s28] =	ssyncset.done $0x0  }
0x238: {  	s15 =	simm.s32 $0xD00;
	[sflag:s28] =	ssyncadd.s32 $0xFFFFC000  }
0x239: {  	[spmem:s1] =	stream.indirect.scatter.add.f32 [tilespmem:s22], [sflag:$0x3], $0x80, s15, s25, $0xb8;
	[tilespmem:$0x1D000] =	vst v63  }
0x23a: {  	_ =	swait.ge [sflag:s23], $0x4000  }
0x23b: {  	[sflag:s23] =	ssyncset.done $0x0  }
0x23c: {  	s20 =	simm.s32 $0x600;
	[sflag:s23] =	ssyncadd.s32 $0xFFFFC000  }
0x23d: {  	[tilespmem:s22], [sflag:$0x1] =	stream.indirect.gather [hbm4b:s4+s25], $0x80, s20, s25, $0xb8;
	[tilespmem:$0x1D000] =	vst v63  }
0x23e: {  	_ =	swait.ge [sflag:s30], $0x4000  }
0x23f: {  	[sflag:s30] =	ssyncset.done $0x0  }
0x240: {  	s24 =	simm.s32 $0xD80;
	[sflag:s30] =	ssyncadd.s32 $0xFFFFC000  }
0x241: {  	[spmem:s1] =	stream.indirect.scatter.add.f32 [tilespmem:s26], [sflag:$0x3], $0x80, s24, s25, $0xb8;
	[tilespmem:$0x1D000] =	vst v63  }
0x242: {  	_ =	swait.ge [sflag:s23], $0x4000  }
0x243: {  	[sflag:s23] =	ssyncset.done $0x0  }
0x244: {  	s20 =	simm.s32 $0x680;
	[sflag:s23] =	ssyncadd.s32 $0xFFFFC000  }
0x245: {  	[tilespmem:s26], [sflag:$0x2] =	stream.indirect.gather [hbm4b:s4+s25], $0x80, s20, s25, $0xb8;
	[tilespmem:$0x1D000] =	vst v63  }
0x246: {  	_ =	swait.ge [sflag:s28], $0x4000  }
0x247: {  	[sflag:s28] =	ssyncset.done $0x0  }
0x248: {  	s24 =	simm.s32 $0xE00;
	[sflag:s28] =	ssyncadd.s32 $0xFFFFC000  }
0x249: {  	[spmem:s1] =	stream.indirect.scatter.add.f32 [tilespmem:s22], [sflag:$0x3], $0x80, s24, s25, $0xb8;
	[tilespmem:$0x1D000] =	vst v63  }
0x24a: {  	_ =	swait.ge [sflag:s23], $0x4000  }
0x24b: {  	[sflag:s23] =	ssyncset.done $0x0  }
0x24c: {  	s12 =	simm.s32 $0x700;
	[sflag:s23] =	ssyncadd.s32 $0xFFFFC000  }
0x24d: {  	[tilespmem:s22], [sflag:$0x1] =	stream.indirect.gather [hbm4b:s4+s25], $0x80, s12, s25, $0xb8;
	[tilespmem:$0x1D000] =	vst v63  }
0x24e: {  	_ =	swait.ge [sflag:s30], $0x4000  }
0x24f: {  	[sflag:s30] =	ssyncset.done $0x0  }
0x250: {  	s13 =	simm.s32 $0xE80;
	[sflag:s30] =	ssyncadd.s32 $0xFFFFC000  }
0x251: {  	[spmem:s1] =	stream.indirect.scatter.add.f32 [tilespmem:s26], [sflag:$0x3], $0x80, s13, s25, $0xb8;
	[tilespmem:$0x1D000] =	vst v63  }
0x252: {  	_ =	swait.ge [sflag:s23], $0x4000  }
0x253: {  	[sflag:s23] =	ssyncset.done $0x0  }
0x254: {  	s11 =	simm.s32 $0x780;
	[sflag:s23] =	ssyncadd.s32 $0xFFFFC000  }
0x255: {  	[tilespmem:s26], [sflag:$0x2] =	stream.indirect.gather [hbm4b:s4+s25], $0x80, s11, s25, $0xb8;
	[tilespmem:$0x1D000] =	vst v63  }
0x256: {  	_ =	swait.ge [sflag:s28], $0x4000  }
0x257: {  	[sflag:s28] =	ssyncset.done $0x0  }
0x258: {  	s11 =	simm.s32 $0xF00;
	[sflag:s28] =	ssyncadd.s32 $0xFFFFC000  }
0x259: {  	[spmem:s1] =	stream.indirect.scatter.add.f32 [tilespmem:s22], [sflag:$0x3], $0x80, s11, s25, $0xb8;
	[tilespmem:$0x1D000] =	vst v63  }
0x25a: {  	_ =	swait.ge [sflag:s23], $0x4000  }
0x25b: {  	[sflag:s23] =	ssyncset.done $0x0  }
0x25c: {  	[sflag:s23] =	ssyncadd.s32 $0xFFFFC000  }
0x25d: {  	_ =	swait.ge [sflag:s30], $0x4000  }
0x25e: {  	[sflag:s30] =	ssyncset.done $0x0  }
0x25f: {  	s11 =	simm.s32 $0xF80;
	[sflag:s30] =	ssyncadd.s32 $0xFFFFC000  }
0x260: {  	[spmem:s1] =	stream.indirect.scatter.add.f32 [tilespmem:s26], [sflag:$0x3], $0x80, s11, s25, $0xb8;
	[tilespmem:$0x1D000] =	vst v63  }
0x261: {  	_ =	swait.ge [sflag:s23], $0x4000  }
0x262: {  	[sflag:s23] =	ssyncset.done $0x0  }
0x263: {  	s11 =	rddreg [dreg:$0x11];
	[sflag:s23] =	ssyncadd.s32 $0xFFFFC000  }
0x264: {  	[tilespmem:s6], [sflag:$0x3] =	stream.linear.gather [hbm4b:s11+s6], $0x800, $0x38;
	[tilespmem:$0x1D000] =	vst v63  }
0x265: {  	_ =	swait.ge [sflag:s23], $0x800  }
0x266: {  	[sflag:s23] =	ssyncset.done $0x0  }
0x267: {  	s11 =	rddreg [dreg:$0x12];
	[sflag:s23] =	ssyncadd.s32 $0xFFFFF800  }
0x268: {  	[tilespmem:s2], [sflag:$0x3] =	stream.linear.gather [hbm4b:s11+s6], $0x800, $0x38;
	[tilespmem:$0x1D000] =	vst v63  }
0x269: {  	_ =	swait.ge [sflag:s23], $0x800  }
0x26a: {  	[sflag:s23] =	ssyncset.done $0x0  }
0x26b: {  	[sflag:s23] =	ssyncadd.s32 $0xFFFFF800  }
0x26c: {  	[tilespmem:s22], [sflag:$0x1] =	stream.indirect.gather [hbm4b:s4+s25], $0x80, s6, s25, $0xb8;
	[tilespmem:$0x1D000] =	vst v63  }
0x26d: {  	_ = 	snop  }
0x26e: {  	[tilespmem:s26], [sflag:$0x2] =	stream.indirect.gather [hbm4b:s4+s25], $0x80, s25, s25, $0xb8;
	[tilespmem:$0x1D000] =	vst v63  }
0x26f: {  	_ =	swait.ge [sflag:s28], $0x4000  }
0x270: {  	[sflag:s28] =	ssyncset.done $0x0  }
0x271: {  	[sflag:s28] =	ssyncadd.s32 $0xFFFFC000  }
0x272: {  	[spmem:s1] =	stream.indirect.scatter.add.f32 [tilespmem:s22], [sflag:$0x3], $0x80, s2, s25, $0xb8;
	[tilespmem:$0x1D000] =	vst v63  }
0x273: {  	_ =	swait.ge [sflag:s23], $0x4000  }
0x274: {  	[sflag:s23] =	ssyncset.done $0x0  }
0x275: {  	s11 =	simm.s32 $0x100;
	[sflag:s23] =	ssyncadd.s32 $0xFFFFC000  }
0x276: {  	[tilespmem:s22], [sflag:$0x1] =	stream.indirect.gather [hbm4b:s4+s25], $0x80, s11, s25, $0xb8;
	[tilespmem:$0x1D000] =	vst v63  }
0x277: {  	_ =	swait.ge [sflag:s30], $0x4000  }
0x278: {  	[sflag:s30] =	ssyncset.done $0x0  }
0x279: {  	s11 =	simm.s32 $0x880;
	[sflag:s30] =	ssyncadd.s32 $0xFFFFC000  }
0x27a: {  	[spmem:s1] =	stream.indirect.scatter.add.f32 [tilespmem:s26], [sflag:$0x3], $0x80, s11, s25, $0xb8;
	[tilespmem:$0x1D000] =	vst v63  }
0x27b: {  	_ =	swait.ge [sflag:s23], $0x4000  }
0x27c: {  	[sflag:s23] =	ssyncset.done $0x0  }
0x27d: {  	s11 =	simm.s32 $0x180;
	[sflag:s23] =	ssyncadd.s32 $0xFFFFC000  }
0x27e: {  	[tilespmem:s26], [sflag:$0x2] =	stream.indirect.gather [hbm4b:s4+s25], $0x80, s11, s25, $0xb8;
	[tilespmem:$0x1D000] =	vst v63  }
0x27f: {  	_ =	swait.ge [sflag:s28], $0x4000  }
0x280: {  	[sflag:s28] =	ssyncset.done $0x0  }
0x281: {  	s11 =	simm.s32 $0x900;
	[sflag:s28] =	ssyncadd.s32 $0xFFFFC000  }
0x282: {  	[spmem:s1] =	stream.indirect.scatter.add.f32 [tilespmem:s22], [sflag:$0x3], $0x80, s11, s25, $0xb8;
	[tilespmem:$0x1D000] =	vst v63  }
0x283: {  	_ =	swait.ge [sflag:s23], $0x4000  }
0x284: {  	[sflag:s23] =	ssyncset.done $0x0  }
0x285: {  	s11 =	simm.s32 $0x200;
	[sflag:s23] =	ssyncadd.s32 $0xFFFFC000  }
0x286: {  	[tilespmem:s22], [sflag:$0x1] =	stream.indirect.gather [hbm4b:s4+s25], $0x80, s11, s25, $0xb8;
	[tilespmem:$0x1D000] =	vst v63  }
0x287: {  	_ =	swait.ge [sflag:s30], $0x4000  }
0x288: {  	[sflag:s30] =	ssyncset.done $0x0  }
0x289: {  	s3 =	simm.s32 $0x980;
	[sflag:s30] =	ssyncadd.s32 $0xFFFFC000  }
0x28a: {  	[spmem:s1] =	stream.indirect.scatter.add.f32 [tilespmem:s26], [sflag:$0x3], $0x80, s3, s25, $0xb8;
	[tilespmem:$0x1D000] =	vst v63  }
0x28b: {  	_ =	swait.ge [sflag:s23], $0x4000  }
0x28c: {  	[sflag:s23] =	ssyncset.done $0x0  }
0x28d: {  	s21 =	simm.s32 $0x280;
	[sflag:s23] =	ssyncadd.s32 $0xFFFFC000  }
0x28e: {  	[tilespmem:s26], [sflag:$0x2] =	stream.indirect.gather [hbm4b:s4+s25], $0x80, s21, s25, $0xb8;
	[tilespmem:$0x1D000] =	vst v63  }
0x28f: {  	_ =	swait.ge [sflag:s28], $0x4000  }
0x290: {  	[sflag:s28] =	ssyncset.done $0x0  }
0x291: {  	s29 =	simm.s32 $0xA00;
	[sflag:s28] =	ssyncadd.s32 $0xFFFFC000  }
0x292: {  	[spmem:s1] =	stream.indirect.scatter.add.f32 [tilespmem:s22], [sflag:$0x3], $0x80, s29, s25, $0xb8;
	[tilespmem:$0x1D000] =	vst v63  }
0x293: {  	_ =	swait.ge [sflag:s23], $0x4000  }
0x294: {  	[sflag:s23] =	ssyncset.done $0x0  }
0x295: {  	s31 =	simm.s32 $0x300;
	[sflag:s23] =	ssyncadd.s32 $0xFFFFC000  }
0x296: {  	[tilespmem:s22], [sflag:$0x1] =	stream.indirect.gather [hbm4b:s4+s25], $0x80, s31, s25, $0xb8;
	[tilespmem:$0x1D000] =	vst v63  }
0x297: {  	_ =	swait.ge [sflag:s30], $0x4000  }
0x298: {  	[sflag:s30] =	ssyncset.done $0x0  }
0x299: {  	s11 =	simm.s32 $0xA80;
	[sflag:s30] =	ssyncadd.s32 $0xFFFFC000  }
0x29a: {  	[spmem:s1] =	stream.indirect.scatter.add.f32 [tilespmem:s26], [sflag:$0x3], $0x80, s11, s25, $0xb8;
	[tilespmem:$0x1D000] =	vst v63  }
0x29b: {  	_ =	swait.ge [sflag:s23], $0x4000  }
0x29c: {  	[sflag:s23] =	ssyncset.done $0x0  }
0x29d: {  	s5 =	simm.s32 $0x380;
	[sflag:s23] =	ssyncadd.s32 $0xFFFFC000  }
0x29e: {  	[tilespmem:s26], [sflag:$0x2] =	stream.indirect.gather [hbm4b:s4+s25], $0x80, s5, s25, $0xb8;
	[tilespmem:$0x1D000] =	vst v63  }
0x29f: {  	_ =	swait.ge [sflag:s28], $0x4000  }
0x2a0: {  	[sflag:s28] =	ssyncset.done $0x0  }
0x2a1: {  	s7 =	simm.s32 $0xB00;
	[sflag:s28] =	ssyncadd.s32 $0xFFFFC000  }
0x2a2: {  	[spmem:s1] =	stream.indirect.scatter.add.f32 [tilespmem:s22], [sflag:$0x3], $0x80, s7, s25, $0xb8;
	[tilespmem:$0x1D000] =	vst v63  }
0x2a3: {  	_ =	swait.ge [sflag:s23], $0x4000  }
0x2a4: {  	[sflag:s23] =	ssyncset.done $0x0  }
0x2a5: {  	s14 =	simm.s32 $0x400;
	[sflag:s23] =	ssyncadd.s32 $0xFFFFC000  }
0x2a6: {  	[tilespmem:s22], [sflag:$0x1] =	stream.indirect.gather [hbm4b:s4+s25], $0x80, s14, s25, $0xb8;
	[tilespmem:$0x1D000] =	vst v63  }
0x2a7: {  	_ =	swait.ge [sflag:s30], $0x4000  }
0x2a8: {  	[sflag:s30] =	ssyncset.done $0x0  }
0x2a9: {  	s9 =	simm.s32 $0xB80;
	[sflag:s30] =	ssyncadd.s32 $0xFFFFC000  }
0x2aa: {  	[spmem:s1] =	stream.indirect.scatter.add.f32 [tilespmem:s26], [sflag:$0x3], $0x80, s9, s25, $0xb8;
	[tilespmem:$0x1D000] =	vst v63  }
0x2ab: {  	_ =	swait.ge [sflag:s23], $0x4000  }
0x2ac: {  	[sflag:s23] =	ssyncset.done $0x0  }
0x2ad: {  	s8 =	simm.s32 $0x480;
	[sflag:s23] =	ssyncadd.s32 $0xFFFFC000  }
0x2ae: {  	[tilespmem:s26], [sflag:$0x2] =	stream.indirect.gather [hbm4b:s4+s25], $0x80, s8, s25, $0xb8;
	[tilespmem:$0x1D000] =	vst v63  }
0x2af: {  	_ =	swait.ge [sflag:s28], $0x4000  }
0x2b0: {  	[sflag:s28] =	ssyncset.done $0x0  }
0x2b1: {  	s16 =	simm.s32 $0xC00;
	[sflag:s28] =	ssyncadd.s32 $0xFFFFC000  }
0x2b2: {  	[spmem:s1] =	stream.indirect.scatter.add.f32 [tilespmem:s22], [sflag:$0x3], $0x80, s16, s25, $0xb8;
	[tilespmem:$0x1D000] =	vst v63  }
0x2b3: {  	_ =	swait.ge [sflag:s23], $0x4000  }
0x2b4: {  	[sflag:s23] =	ssyncset.done $0x0  }
0x2b5: {  	s17 =	simm.s32 $0x500;
	[sflag:s23] =	ssyncadd.s32 $0xFFFFC000  }
0x2b6: {  	[tilespmem:s22], [sflag:$0x1] =	stream.indirect.gather [hbm4b:s4+s25], $0x80, s17, s25, $0xb8;
	[tilespmem:$0x1D000] =	vst v63  }
0x2b7: {  	_ =	swait.ge [sflag:s30], $0x4000  }
0x2b8: {  	[sflag:s30] =	ssyncset.done $0x0  }
0x2b9: {  	s18 =	simm.s32 $0xC80;
	[sflag:s30] =	ssyncadd.s32 $0xFFFFC000  }
0x2ba: {  	[spmem:s1] =	stream.indirect.scatter.add.f32 [tilespmem:s26], [sflag:$0x3], $0x80, s18, s25, $0xb8;
	[tilespmem:$0x1D000] =	vst v63  }
0x2bb: {  	_ =	swait.ge [sflag:s23], $0x4000  }
0x2bc: {  	[sflag:s23] =	ssyncset.done $0x0  }
0x2bd: {  	s16 =	simm.s32 $0x580;
	[sflag:s23] =	ssyncadd.s32 $0xFFFFC000  }
0x2be: {  	[tilespmem:s26], [sflag:$0x2] =	stream.indirect.gather [hbm4b:s4+s25], $0x80, s16, s25, $0xb8;
	[tilespmem:$0x1D000] =	vst v63  }
0x2bf: {  	_ =	swait.ge [sflag:s28], $0x4000  }
0x2c0: {  	[sflag:s28] =	ssyncset.done $0x0  }
0x2c1: {  	s0 =	simm.s32 $0xD00;
	[sflag:s28] =	ssyncadd.s32 $0xFFFFC000  }
0x2c2: {  	[spmem:s1] =	stream.indirect.scatter.add.f32 [tilespmem:s22], [sflag:$0x3], $0x80, s0, s25, $0xb8;
	[tilespmem:$0x1D000] =	vst v63  }
0x2c3: {  	_ =	swait.ge [sflag:s23], $0x4000  }
0x2c4: {  	[sflag:s23] =	ssyncset.done $0x0  }
0x2c5: {  	s15 =	simm.s32 $0x600;
	[sflag:s23] =	ssyncadd.s32 $0xFFFFC000  }
0x2c6: {  	[tilespmem:s22], [sflag:$0x1] =	stream.indirect.gather [hbm4b:s4+s25], $0x80, s15, s25, $0xb8;
	[tilespmem:$0x1D000] =	vst v63  }
0x2c7: {  	_ =	swait.ge [sflag:s30], $0x4000  }
0x2c8: {  	[sflag:s30] =	ssyncset.done $0x0  }
0x2c9: {  	s19 =	simm.s32 $0xD80;
	[sflag:s30] =	ssyncadd.s32 $0xFFFFC000  }
0x2ca: {  	[spmem:s1] =	stream.indirect.scatter.add.f32 [tilespmem:s26], [sflag:$0x3], $0x80, s19, s25, $0xb8;
	[tilespmem:$0x1D000] =	vst v63  }
0x2cb: {  	_ =	swait.ge [sflag:s23], $0x4000  }
0x2cc: {  	[sflag:s23] =	ssyncset.done $0x0  }
0x2cd: {  	s20 =	simm.s32 $0x680;
	[sflag:s23] =	ssyncadd.s32 $0xFFFFC000  }
0x2ce: {  	[tilespmem:s26], [sflag:$0x2] =	stream.indirect.gather [hbm4b:s4+s25], $0x80, s20, s25, $0xb8;
	[tilespmem:$0x1D000] =	vst v63  }
0x2cf: {  	_ =	swait.ge [sflag:s28], $0x4000  }
0x2d0: {  	[sflag:s28] =	ssyncset.done $0x0  }
0x2d1: {  	s24 =	simm.s32 $0xE00;
	[sflag:s28] =	ssyncadd.s32 $0xFFFFC000  }
0x2d2: {  	[spmem:s1] =	stream.indirect.scatter.add.f32 [tilespmem:s22], [sflag:$0x3], $0x80, s24, s25, $0xb8;
	[tilespmem:$0x1D000] =	vst v63  }
0x2d3: {  	_ =	swait.ge [sflag:s23], $0x4000  }
0x2d4: {  	[sflag:s23] =	ssyncset.done $0x0  }
0x2d5: {  	s12 =	simm.s32 $0x700;
	[sflag:s23] =	ssyncadd.s32 $0xFFFFC000  }
0x2d6: {  	[tilespmem:s22], [sflag:$0x1] =	stream.indirect.gather [hbm4b:s4+s25], $0x80, s12, s25, $0xb8;
	[tilespmem:$0x1D000] =	vst v63  }
0x2d7: {  	_ =	swait.ge [sflag:s30], $0x4000  }
0x2d8: {  	[sflag:s30] =	ssyncset.done $0x0  }
0x2d9: {  	s13 =	simm.s32 $0xE80;
	[sflag:s30] =	ssyncadd.s32 $0xFFFFC000  }
0x2da: {  	[spmem:s1] =	stream.indirect.scatter.add.f32 [tilespmem:s26], [sflag:$0x3], $0x80, s13, s25, $0xb8;
	[tilespmem:$0x1D000] =	vst v63  }
0x2db: {  	_ =	swait.ge [sflag:s23], $0x4000  }
0x2dc: {  	[sflag:s23] =	ssyncset.done $0x0  }
0x2dd: {  	s17 =	simm.s32 $0x780;
	[sflag:s23] =	ssyncadd.s32 $0xFFFFC000  }
0x2de: {  	[tilespmem:s26], [sflag:$0x2] =	stream.indirect.gather [hbm4b:s4+s25], $0x80, s17, s25, $0xb8;
	[tilespmem:$0x1D000] =	vst v63  }
0x2df: {  	_ =	swait.ge [sflag:s28], $0x4000  }
0x2e0: {  	[sflag:s28] =	ssyncset.done $0x0  }
0x2e1: {  	s18 =	simm.s32 $0xF00;
	[sflag:s28] =	ssyncadd.s32 $0xFFFFC000  }
0x2e2: {  	[spmem:s1] =	stream.indirect.scatter.add.f32 [tilespmem:s22], [sflag:$0x3], $0x80, s18, s25, $0xb8;
	[tilespmem:$0x1D000] =	vst v63  }
0x2e3: {  	_ =	swait.ge [sflag:s23], $0x4000  }
0x2e4: {  	[sflag:s23] =	ssyncset.done $0x0  }
0x2e5: {  	[sflag:s23] =	ssyncadd.s32 $0xFFFFC000  }
0x2e6: {  	_ =	swait.ge [sflag:s30], $0x4000  }
0x2e7: {  	[sflag:s30] =	ssyncset.done $0x0  }
0x2e8: {  	s19 =	simm.s32 $0xF80;
	[sflag:s30] =	ssyncadd.s32 $0xFFFFC000  }
0x2e9: {  	[spmem:s1] =	stream.indirect.scatter.add.f32 [tilespmem:s26], [sflag:$0x3], $0x80, s19, s25, $0xb8;
	[tilespmem:$0x1D000] =	vst v63  }
0x2ea: {  	_ =	swait.ge [sflag:s23], $0x4000  }
0x2eb: {  	[sflag:s23] =	ssyncset.done $0x0  }
0x2ec: {  	[sflag:s23] =	ssyncadd.s32 $0xFFFFC000  }
0x2ed: {  	s20 =	stileid.u32;
	[bflag:$0x0] =	sbarrier.arrive $0xFFFF  }
0x2ee: {  	s11 =	sshll.u32 s20, $0x6;
	s21 =	rddreg [dreg:$0x4]  }
0x2ef: {  	s11 =	sor.u32 $0x1C03, s11;
	s29 =	rddreg [dreg:$0x13];
	s24 =	sshrl.u32 s21, $0x3  }
0x2f0: {  	[hbm:s29], [sflag:s11] =	dma.local [spmem:s24], $0x2800  }
0x2f1: {  	_ =	swait.ge [sflag:s23], $0x2800  }
0x2f2: {  	s10 =	sadd.s32 $0x1, s10;
	s31 =	rddreg [dreg:$0x14]  }
0x2f3: {  	p0 =	sne.s32 s10, s31  }
.Ltmp1:
0x2f4: {  	_ = 	snop;
	(pc) =	sbr.rel @p0 .LBB2_1-.Ltmp1, $3  }
0x2f5: {  	_ =	sdelay $0x1  }
0x2f6: {  	[sflag:s23] =	ssyncset.done $0x0  }
0x2f7: {  	[sflag:s23] =	ssyncadd.s32 $0xFFFFD800  }
0x2f8: {  	_ =	sfence.sel $0x180000  }
0x2f9: {  	[bflag:$0x0] =	sbarrier.arrive $0xFFFF  }
0x2fa: {  	_ =	strace $0x9000004A  }
0x2fb: {  	s0 =	stileid.u32;
	[bflag:$0x2] =	sbarrier.arrive $0xFFFF  }
0x2fc: {  	p0 =	sne.s32 s0, $0x0;
	s0 =	rddreg [dreg:$0x3]  }
0x2fd: {  	s0 =	sadd.s32 @!p0 $0x100000, s0  }
0x2fe: {  	[sflag:s0] =	ssyncadd.tile.s32 @!p0 $0x1;
	_ =	shalt  }
.Lfunc_end2:
_tile_overlayer_lowered:
.L_overlay_start_2:
0x2ff: {  	(tag) =	ssettag $0x2  }
0x300: {  	s0 =	rddreg [dreg:$0x0];
	s2 =	stileid.u32  }
0x301: {  	s1 =	rddreg [dreg:$0x1];
	p0 =	sne.s32 s2, $0x0  }
0x302: {  	s3 =	rddreg [dreg:$0x2];
	[bflag:$0x3] =	sbarrier.arrive $0xFFFF;
	s2 =	simm.s32 @!p0 $0x1C03  }
0x303: {  	[timem:s3], [sflag:s2] =	dma.local @!p0 [hbm:s0], s1  }
0x304: {  	s0 =	simm.s32 @!p0 $0x3  }
0x305: {  	_ =	swait.ge @!p0 [sflag:s0], s1  }
0x306: {  	s1 =	ssub.s32 @!p0 $0x0, s1;
	[sflag:s0] =	ssyncset.done @!p0 $0x0  }
0x307: {  	[sflag:s0] =	ssyncadd.s32 @!p0 s1  }
0x308: {  	[bflag:$0x3] =	sbarrier.arrive $0xFFFF  }
0x309: {  	_ =	shalt  }

</sc_bundles>
